<compile_context>
chip_gen: v7x
topology: tpu7x:2x2x1
jax: 0.10.2.dev20260603
libtpu: 0.0.44.dev20260713+nightly
codegen_flags: <defaults>
</compile_context>

<pallas_src>
import functools
import jax
import jax.numpy as jnp
from jax import lax
from jax.experimental import pallas as pl
from jax.experimental.pallas import tpu as pltpu
from jax.experimental.pallas import tpu_sc as plsc

_NUM_CORES = 2
_NUM_SUBCORES = 16
_NW = _NUM_CORES * _NUM_SUBCORES
_LANES = 16

_D = 64
_SCALE = 8.0
_BB = 128


def _make_gather(n_t: int, n_b: int):
    assert n_b == _NW * _BB
    mesh = plsc.VectorSubcoreMesh(core_axis_name="c", subcore_axis_name="s")

    @functools.partial(
        pl.kernel,
        out_type=jax.ShapeDtypeStruct((n_t, _D // 8, n_b // _BB, 8, _BB),
                                      jnp.float32),
        mesh=mesh,
        scratch_types=[
            pltpu.VMEM((_BB,), jnp.int32),
            pltpu.VMEM((_BB,), jnp.int32),
            pltpu.VMEM((_BB, _D), jnp.float32),
            pltpu.VMEM((_BB, _D), jnp.float32),
            pltpu.VMEM((_D // 8, 8, _BB), jnp.float32),
            pltpu.VMEM((_D // 8, 8, _BB), jnp.float32),
            pltpu.SemaphoreType.DMA,
            pltpu.SemaphoreType.DMA,
            pltpu.SemaphoreType.DMA,
            pltpu.SemaphoreType.DMA,
        ],
        compiler_params=pltpu.CompilerParams(use_tc_tiling_on_sc=False,
                                             needs_layout_passes=False),
    )
    def gather_scale(ids_hbm, table_hbm, out_hbm,
                     idx0, idx1, rows0, rows1, trows0, trows1,
                     sem0, sem1, wsem0, wsem1):
        wid = lax.axis_index("s") * _NUM_CORES + lax.axis_index("c")

        def fetch(t, idx_v, rows_v, sem):
            pltpu.sync_copy(ids_hbm.at[t, wid], idx_v)
            pltpu.make_async_copy(table_hbm.at[idx_v], rows_v, sem).start()

        def out_copies(trows, t, wsem):
            return [
                pltpu.make_async_copy(trows.at[a], out_hbm.at[t, a, wid],
                                      wsem)
                for a in range(_D // 8)
            ]

        def process_block(rows_v, t, trows, wsem):
            @pl.when(t >= 2)
            def _():
                for c in out_copies(trows, t, wsem):
                    c.wait()

            iota = lax.iota(jnp.int32, _LANES)
            row_vecs = tuple(iota + _LANES * j
                             for j in range(_BB // _LANES))

            @plsc.parallel_loop(0, _LANES, unroll=4)
            def k_body(k):
                rot = lax.rem(iota + k, _LANES)
                a_base = rot >> 3
                r_vec = rot & 7
                for m in range(_D // _LANES):
                    col = rot + (_LANES * m)
                    a_vec = a_base + 2 * m
                    for j in range(_BB // _LANES):
                        v = plsc.load_gather(rows_v, [row_vecs[j], col])
                        plsc.store_scatter(trows, [a_vec, r_vec, row_vecs[j]],
                                           v * _SCALE)

            for c in out_copies(trows, t, wsem):
                c.start()

        fetch(0, idx0, rows0, sem0)

        def t_body(k, _):
            t0 = 2 * k
            fetch(t0 + 1, idx1, rows1, sem1)
            pltpu.make_async_copy(table_hbm.at[idx0], rows0, sem0).wait()
            process_block(rows0, t0, trows0, wsem0)

            @pl.when(t0 + 2 < n_t)
            def _():
                fetch(t0 + 2, idx0, rows0, sem0)
            pltpu.make_async_copy(table_hbm.at[idx1], rows1, sem1).wait()
            process_block(rows1, t0 + 1, trows1, wsem1)
            return 0

        lax.fori_loop(0, n_t // 2, t_body, 0)
        for c in out_copies(trows0, n_t - 2, wsem0):
            c.wait()
        for c in out_copies(trows1, n_t - 1, wsem1):
            c.wait()

    return gather_scale


def kernel(input_ids, table):
    b, t = input_ids.shape
    ids3 = input_ids.T.reshape(t, b // _BB, _BB).astype(jnp.int32)
    out_phys = _make_gather(t, b)(ids3, table)
    out = out_phys.transpose(2, 4, 0, 1, 3).reshape(b, t, _D)
    return out

# --- scband reference (transcript-rebuilt; emitter-appended) ---
"""Pipeline reference for scband-bart-scaled-word-embedding-51316269253060 (READ-ONLY COPY).

The authoritative reference and input builder live on the scoring server;
editing this copy changes nothing except your own understanding.
"""

import jax, jax.numpy as jnp
import numpy as np
import math

VOCAB = 1000000
EMBED_DIM = 64
EMBED_SCALE = math.sqrt(EMBED_DIM)

def setup_inputs(seed: int = 0) -> dict:
    key = jax.random.key(seed)
    k1, k2 = jax.random.split(key)
    input_ids = jax.random.randint(k1, (4096, 200), 0, VOCAB, dtype=jnp.int64 if jax.config.jax_enable_x64 else jnp.int32)
    table = jax.random.normal(k2, (VOCAB, EMBED_DIM), dtype=jnp.float32) * 0.02
    return {"input_ids": input_ids, "table": table}

def reference(input_ids, table):
    # BartScaledWordEmbedding.forward: embed(input_ids) * sqrt(embed_dim)
    emb = jnp.take(table, input_ids, axis=0)
    return emb * EMBED_SCALE

if __name__ == "__main__":
    import jax
    _d = setup_inputs()
    print(jax.jit(kernel)(*tuple(_d.values())))

</pallas_src>

<mosaic_0001>
#map = affine_map<(d0, d1) -> (0, 0, 0)>
#map1 = affine_map<(d0, d1) -> (0, 0)>
#map2 = affine_map<(d0, d1) -> (0, 0, 0, 0, 0)>
module attributes {stable_mosaic.version = 14 : i64} {
  func.func @gather_scale(%arg0: i32, %arg1: i32, %arg2: memref<200x32x128xi32, #tpu.memory_space<hbm>>, %arg3: memref<1000000x64xf32, #tpu.memory_space<hbm>>, %arg4: memref<200x8x32x8x128xf32, #tpu.memory_space<hbm>>, %arg5: memref<128xi32, #tpu.memory_space<vmem>>, %arg6: memref<128xi32, #tpu.memory_space<vmem>>, %arg7: memref<128x64xf32, #tpu.memory_space<vmem>>, %arg8: memref<128x64xf32, #tpu.memory_space<vmem>>, %arg9: memref<8x8x128xf32, #tpu.memory_space<vmem>>, %arg10: memref<8x8x128xf32, #tpu.memory_space<vmem>>, %arg11: memref<!tpu.dma_semaphore, #tpu.memory_space<semaphore_mem>>, %arg12: memref<!tpu.dma_semaphore, #tpu.memory_space<semaphore_mem>>, %arg13: memref<!tpu.dma_semaphore, #tpu.memory_space<semaphore_mem>>, %arg14: memref<!tpu.dma_semaphore, #tpu.memory_space<semaphore_mem>>) attributes {dimension_semantics = [#tpu.dimension_semantics<core_parallel>, #tpu.dimension_semantics<subcore_parallel>], iteration_bounds = array<i64: 2, 16>, scalar_prefetch = 0 : i64, scratch_operands = 10 : i64, tpu.core_type = #tpu.core_type<sc_vector_subcore>, window_params = [{transform_indices = #map}, {transform_indices = #map1}, {transform_indices = #map2}]} {
    %mul3A = arith.constant 2 : i32
    %mul3A_0 = arith.muli %arg1, %mul3A : i32
    %add3A = arith.addi %mul3A_0, %arg0 : i32
    %run_scoped3A = arith.constant 0 : i32
    "tpu.region"() ({
      %run_scoped3A_312 = tpu.sem_alloc : memref<!tpu.dma_semaphore, #tpu.memory_space<semaphore_mem>>
      %dma_start3A_313 = arith.constant 0 : i32
      %dma_start3A_314 = tpu.memref_slice %arg2[%run_scoped3A, %add3A, %dma_start3A_313] : memref<200x32x128xi32, #tpu.memory_space<hbm>> -> memref<1x1x128xi32, #tpu.memory_space<hbm>>
      %dma_start3A_315 = tpu.memref_squeeze %dma_start3A_314 : memref<1x1x128xi32, #tpu.memory_space<hbm>> -> memref<128xi32, #tpu.memory_space<hbm>>
      %dma_start3A_316 = arith.constant 0 : i32
      %dma_start3A_317 = tpu.memref_slice %arg2[%run_scoped3A, %add3A, %dma_start3A_316] : memref<200x32x128xi32, #tpu.memory_space<hbm>> -> memref<1x1x128xi32, #tpu.memory_space<hbm>>
      %dma_start3A_318 = tpu.memref_squeeze %dma_start3A_317 : memref<1x1x128xi32, #tpu.memory_space<hbm>> -> memref<128xi32, #tpu.memory_space<hbm>>
      tpu.enqueue_dma source(%dma_start3A_318 : memref<128xi32, #tpu.memory_space<hbm>>) target(%arg5 : memref<128xi32, #tpu.memory_space<vmem>>) target_semaphore(%run_scoped3A_312 : memref<!tpu.dma_semaphore, #tpu.memory_space<semaphore_mem>>)
      %dma_wait3A_319 = arith.constant 0 : i32
      %dma_wait3A_320 = tpu.memref_slice %arg2[%run_scoped3A, %add3A, %dma_wait3A_319] : memref<200x32x128xi32, #tpu.memory_space<hbm>> -> memref<1x1x128xi32, #tpu.memory_space<hbm>>
      %dma_wait3A_321 = tpu.memref_squeeze %dma_wait3A_320 : memref<1x1x128xi32, #tpu.memory_space<hbm>> -> memref<128xi32, #tpu.memory_space<hbm>>
      %dma_wait3A_322 = arith.constant 0 : i32
      %dma_wait3A_323 = tpu.memref_slice %arg2[%run_scoped3A, %add3A, %dma_wait3A_322] : memref<200x32x128xi32, #tpu.memory_space<hbm>> -> memref<1x1x128xi32, #tpu.memory_space<hbm>>
      %dma_wait3A_324 = tpu.memref_squeeze %dma_wait3A_323 : memref<1x1x128xi32, #tpu.memory_space<hbm>> -> memref<128xi32, #tpu.memory_space<hbm>>
      tpu.wait_dma2 semaphore(%run_scoped3A_312 : memref<!tpu.dma_semaphore, #tpu.memory_space<semaphore_mem>>) src(%dma_wait3A_324 : memref<128xi32, #tpu.memory_space<hbm>>) dst(%arg5 : memref<128xi32, #tpu.memory_space<vmem>>)
      tpu.yield
    }) : () -> ()
    %dma_start3A = arith.constant 0 : i32
    %dma_start3A_1 = arith.constant 0 : i32
    %dma_start3A_2 = tpu.memref_slice %arg3[%dma_start3A, %dma_start3A_1] : memref<1000000x64xf32, #tpu.memory_space<hbm>> -> memref<1000000x64xf32, #tpu.memory_space<hbm>>
    tpu.enqueue_indirect_dma source(%dma_start3A_2 : memref<1000000x64xf32, #tpu.memory_space<hbm>>) target(%arg7 : memref<128x64xf32, #tpu.memory_space<vmem>>) offsets(%arg5 : memref<128xi32, #tpu.memory_space<vmem>>) semaphore(%arg11 : memref<!tpu.dma_semaphore, #tpu.memory_space<semaphore_mem>>)
    %scan3A = arith.constant 0 : i32
    %scan3A_3 = arith.constant 0 : i32
    %scan3A_4 = arith.constant 100 : i32
    %scan3A_5 = arith.addi %scan3A_3, %scan3A_4 : i32
    %scan3A_6 = arith.constant 1 : i32
    %scan3A_7 = scf.for %scan3A_312 = %scan3A_3 to %scan3A_5 step %scan3A_6 iter_args(%scan3A_313 = %scan3A) -> (i32)  : i32 {
      %mul3A_314 = arith.constant 2 : i32
      %mul3A_315 = arith.muli %mul3A_314, %scan3A_312 : i32
      %add3A_316 = arith.constant 1 : i32
      %add3A_317 = arith.addi %mul3A_315, %add3A_316 : i32
      "tpu.region"() ({
        %run_scoped3A_685 = tpu.sem_alloc : memref<!tpu.dma_semaphore, #tpu.memory_space<semaphore_mem>>
        %dma_start3A_686 = arith.constant 0 : i32
        %dma_start3A_687 = tpu.memref_slice %arg2[%add3A_317, %add3A, %dma_start3A_686] : memref<200x32x128xi32, #tpu.memory_space<hbm>> -> memref<1x1x128xi32, #tpu.memory_space<hbm>>
        %dma_start3A_688 = tpu.memref_squeeze %dma_start3A_687 : memref<1x1x128xi32, #tpu.memory_space<hbm>> -> memref<128xi32, #tpu.memory_space<hbm>>
        %dma_start3A_689 = arith.constant 0 : i32
        %dma_start3A_690 = tpu.memref_slice %arg2[%add3A_317, %add3A, %dma_start3A_689] : memref<200x32x128xi32, #tpu.memory_space<hbm>> -> memref<1x1x128xi32, #tpu.memory_space<hbm>>
        %dma_start3A_691 = tpu.memref_squeeze %dma_start3A_690 : memref<1x1x128xi32, #tpu.memory_space<hbm>> -> memref<128xi32, #tpu.memory_space<hbm>>
        tpu.enqueue_dma source(%dma_start3A_691 : memref<128xi32, #tpu.memory_space<hbm>>) target(%arg6 : memref<128xi32, #tpu.memory_space<vmem>>) target_semaphore(%run_scoped3A_685 : memref<!tpu.dma_semaphore, #tpu.memory_space<semaphore_mem>>)
        %dma_wait3A_692 = arith.constant 0 : i32
        %dma_wait3A_693 = tpu.memref_slice %arg2[%add3A_317, %add3A, %dma_wait3A_692] : memref<200x32x128xi32, #tpu.memory_space<hbm>> -> memref<1x1x128xi32, #tpu.memory_space<hbm>>
        %dma_wait3A_694 = tpu.memref_squeeze %dma_wait3A_693 : memref<1x1x128xi32, #tpu.memory_space<hbm>> -> memref<128xi32, #tpu.memory_space<hbm>>
        %dma_wait3A_695 = arith.constant 0 : i32
        %dma_wait3A_696 = tpu.memref_slice %arg2[%add3A_317, %add3A, %dma_wait3A_695] : memref<200x32x128xi32, #tpu.memory_space<hbm>> -> memref<1x1x128xi32, #tpu.memory_space<hbm>>
        %dma_wait3A_697 = tpu.memref_squeeze %dma_wait3A_696 : memref<1x1x128xi32, #tpu.memory_space<hbm>> -> memref<128xi32, #tpu.memory_space<hbm>>
        tpu.wait_dma2 semaphore(%run_scoped3A_685 : memref<!tpu.dma_semaphore, #tpu.memory_space<semaphore_mem>>) src(%dma_wait3A_697 : memref<128xi32, #tpu.memory_space<hbm>>) dst(%arg6 : memref<128xi32, #tpu.memory_space<vmem>>)
        tpu.yield
      }) : () -> ()
      %dma_start3A_318 = arith.constant 0 : i32
      %dma_start3A_319 = arith.constant 0 : i32
      %dma_start3A_320 = tpu.memref_slice %arg3[%dma_start3A_318, %dma_start3A_319] : memref<1000000x64xf32, #tpu.memory_space<hbm>> -> memref<1000000x64xf32, #tpu.memory_space<hbm>>
      tpu.enqueue_indirect_dma source(%dma_start3A_320 : memref<1000000x64xf32, #tpu.memory_space<hbm>>) target(%arg8 : memref<128x64xf32, #tpu.memory_space<vmem>>) offsets(%arg6 : memref<128xi32, #tpu.memory_space<vmem>>) semaphore(%arg12 : memref<!tpu.dma_semaphore, #tpu.memory_space<semaphore_mem>>)
      %dma_wait3A_321 = arith.constant 0 : i32
      %dma_wait3A_322 = arith.constant 0 : i32
      %dma_wait3A_323 = tpu.memref_slice %arg3[%dma_wait3A_321, %dma_wait3A_322] : memref<1000000x64xf32, #tpu.memory_space<hbm>> -> memref<1000000x64xf32, #tpu.memory_space<hbm>>
      tpu.wait_indirect_dma semaphore(%arg11 : memref<!tpu.dma_semaphore, #tpu.memory_space<semaphore_mem>>) src(%dma_wait3A_323 : memref<1000000x64xf32, #tpu.memory_space<hbm>>) dst(%arg7 : memref<128x64xf32, #tpu.memory_space<vmem>>)
      %ge3A = arith.constant 2 : i32
      %ge3A_324 = arith.cmpi sge, %mul3A_315, %ge3A : i32
      %convert_element_type3A = arith.extui %ge3A_324 : i1 to i32
      %cond3A = arith.constant 0 : i32
      %cond3A_325 = arith.cmpi ne, %convert_element_type3A, %cond3A : i32
      scf.if %cond3A_325 {
        %dma_wait3A_685 = arith.constant 0 : i32
        %dma_wait3A_686 = arith.constant 0 : i32
        %dma_wait3A_687 = arith.constant 0 : i32
        %dma_wait3A_688 = arith.constant 0 : i32
        %dma_wait3A_689 = tpu.memref_slice %arg9[%dma_wait3A_685, %dma_wait3A_687, %dma_wait3A_688] : memref<8x8x128xf32, #tpu.memory_space<vmem>> -> memref<1x8x128xf32, #tpu.memory_space<vmem>>
        %dma_wait3A_690 = tpu.memref_squeeze %dma_wait3A_689 : memref<1x8x128xf32, #tpu.memory_space<vmem>> -> memref<8x128xf32, #tpu.memory_space<vmem>>
        %dma_wait3A_691 = arith.constant 0 : i32
        %dma_wait3A_692 = arith.constant 0 : i32
        %dma_wait3A_693 = tpu.memref_slice %arg4[%mul3A_315, %dma_wait3A_686, %add3A, %dma_wait3A_691, %dma_wait3A_692] : memref<200x8x32x8x128xf32, #tpu.memory_space<hbm>> -> memref<1x1x1x8x128xf32, #tpu.memory_space<hbm>>
        %dma_wait3A_694 = tpu.memref_squeeze %dma_wait3A_693 : memref<1x1x1x8x128xf32, #tpu.memory_space<hbm>> -> memref<8x128xf32, #tpu.memory_space<hbm>>
        %dma_wait3A_695 = arith.constant 0 : i32
        %dma_wait3A_696 = arith.constant 0 : i32
        %dma_wait3A_697 = tpu.memref_slice %arg4[%mul3A_315, %dma_wait3A_686, %add3A, %dma_wait3A_695, %dma_wait3A_696] : memref<200x8x32x8x128xf32, #tpu.memory_space<hbm>> -> memref<1x1x1x8x128xf32, #tpu.memory_space<hbm>>
        %dma_wait3A_698 = tpu.memref_squeeze %dma_wait3A_697 : memref<1x1x1x8x128xf32, #tpu.memory_space<hbm>> -> memref<8x128xf32, #tpu.memory_space<hbm>>
        %dma_wait3A_699 = arith.constant 0 : i32
        %dma_wait3A_700 = arith.constant 0 : i32
        %dma_wait3A_701 = tpu.memref_slice %arg9[%dma_wait3A_685, %dma_wait3A_699, %dma_wait3A_700] : memref<8x8x128xf32, #tpu.memory_space<vmem>> -> memref<1x8x128xf32, #tpu.memory_space<vmem>>
        %dma_wait3A_702 = tpu.memref_squeeze %dma_wait3A_701 : memref<1x8x128xf32, #tpu.memory_space<vmem>> -> memref<8x128xf32, #tpu.memory_space<vmem>>
        tpu.wait_dma2 semaphore(%arg13 : memref<!tpu.dma_semaphore, #tpu.memory_space<semaphore_mem>>) src(%dma_wait3A_702 : memref<8x128xf32, #tpu.memory_space<vmem>>) dst(%dma_wait3A_698 : memref<8x128xf32, #tpu.memory_space<hbm>>)
        %dma_wait3A_703 = arith.constant 1 : i32
        %dma_wait3A_704 = arith.constant 1 : i32
        %dma_wait3A_705 = arith.constant 0 : i32
        %dma_wait3A_706 = arith.constant 0 : i32
        %dma_wait3A_707 = tpu.memref_slice %arg9[%dma_wait3A_703, %dma_wait3A_705, %dma_wait3A_706] : memref<8x8x128xf32, #tpu.memory_space<vmem>> -> memref<1x8x128xf32, #tpu.memory_space<vmem>>
        %dma_wait3A_708 = tpu.memref_squeeze %dma_wait3A_707 : memref<1x8x128xf32, #tpu.memory_space<vmem>> -> memref<8x128xf32, #tpu.memory_space<vmem>>
        %dma_wait3A_709 = arith.constant 0 : i32
        %dma_wait3A_710 = arith.constant 0 : i32
        %dma_wait3A_711 = tpu.memref_slice %arg4[%mul3A_315, %dma_wait3A_704, %add3A, %dma_wait3A_709, %dma_wait3A_710] : memref<200x8x32x8x128xf32, #tpu.memory_space<hbm>> -> memref<1x1x1x8x128xf32, #tpu.memory_space<hbm>>
        %dma_wait3A_712 = tpu.memref_squeeze %dma_wait3A_711 : memref<1x1x1x8x128xf32, #tpu.memory_space<hbm>> -> memref<8x128xf32, #tpu.memory_space<hbm>>
        %dma_wait3A_713 = arith.constant 0 : i32
        %dma_wait3A_714 = arith.constant 0 : i32
        %dma_wait3A_715 = tpu.memref_slice %arg4[%mul3A_315, %dma_wait3A_704, %add3A, %dma_wait3A_713, %dma_wait3A_714] : memref<200x8x32x8x128xf32, #tpu.memory_space<hbm>> -> memref<1x1x1x8x128xf32, #tpu.memory_space<hbm>>
        %dma_wait3A_716 = tpu.memref_squeeze %dma_wait3A_715 : memref<1x1x1x8x128xf32, #tpu.memory_space<hbm>> -> memref<8x128xf32, #tpu.memory_space<hbm>>
        %dma_wait3A_717 = arith.constant 0 : i32
        %dma_wait3A_718 = arith.constant 0 : i32
        %dma_wait3A_719 = tpu.memref_slice %arg9[%dma_wait3A_703, %dma_wait3A_717, %dma_wait3A_718] : memref<8x8x128xf32, #tpu.memory_space<vmem>> -> memref<1x8x128xf32, #tpu.memory_space<vmem>>
        %dma_wait3A_720 = tpu.memref_squeeze %dma_wait3A_719 : memref<1x8x128xf32, #tpu.memory_space<vmem>> -> memref<8x128xf32, #tpu.memory_space<vmem>>
        tpu.wait_dma2 semaphore(%arg13 : memref<!tpu.dma_semaphore, #tpu.memory_space<semaphore_mem>>) src(%dma_wait3A_720 : memref<8x128xf32, #tpu.memory_space<vmem>>) dst(%dma_wait3A_716 : memref<8x128xf32, #tpu.memory_space<hbm>>)
        %dma_wait3A_721 = arith.constant 2 : i32
        %dma_wait3A_722 = arith.constant 2 : i32
        %dma_wait3A_723 = arith.constant 0 : i32
        %dma_wait3A_724 = arith.constant 0 : i32
        %dma_wait3A_725 = tpu.memref_slice %arg9[%dma_wait3A_721, %dma_wait3A_723, %dma_wait3A_724] : memref<8x8x128xf32, #tpu.memory_space<vmem>> -> memref<1x8x128xf32, #tpu.memory_space<vmem>>
        %dma_wait3A_726 = tpu.memref_squeeze %dma_wait3A_725 : memref<1x8x128xf32, #tpu.memory_space<vmem>> -> memref<8x128xf32, #tpu.memory_space<vmem>>
        %dma_wait3A_727 = arith.constant 0 : i32
        %dma_wait3A_728 = arith.constant 0 : i32
        %dma_wait3A_729 = tpu.memref_slice %arg4[%mul3A_315, %dma_wait3A_722, %add3A, %dma_wait3A_727, %dma_wait3A_728] : memref<200x8x32x8x128xf32, #tpu.memory_space<hbm>> -> memref<1x1x1x8x128xf32, #tpu.memory_space<hbm>>
        %dma_wait3A_730 = tpu.memref_squeeze %dma_wait3A_729 : memref<1x1x1x8x128xf32, #tpu.memory_space<hbm>> -> memref<8x128xf32, #tpu.memory_space<hbm>>
        %dma_wait3A_731 = arith.constant 0 : i32
        %dma_wait3A_732 = arith.constant 0 : i32
        %dma_wait3A_733 = tpu.memref_slice %arg4[%mul3A_315, %dma_wait3A_722, %add3A, %dma_wait3A_731, %dma_wait3A_732] : memref<200x8x32x8x128xf32, #tpu.memory_space<hbm>> -> memref<1x1x1x8x128xf32, #tpu.memory_space<hbm>>
        %dma_wait3A_734 = tpu.memref_squeeze %dma_wait3A_733 : memref<1x1x1x8x128xf32, #tpu.memory_space<hbm>> -> memref<8x128xf32, #tpu.memory_space<hbm>>
        %dma_wait3A_735 = arith.constant 0 : i32
        %dma_wait3A_736 = arith.constant 0 : i32
        %dma_wait3A_737 = tpu.memref_slice %arg9[%dma_wait3A_721, %dma_wait3A_735, %dma_wait3A_736] : memref<8x8x128xf32, #tpu.memory_space<vmem>> -> memref<1x8x128xf32, #tpu.memory_space<vmem>>
        %dma_wait3A_738 = tpu.memref_squeeze %dma_wait3A_737 : memref<1x8x128xf32, #tpu.memory_space<vmem>> -> memref<8x128xf32, #tpu.memory_space<vmem>>
        tpu.wait_dma2 semaphore(%arg13 : memref<!tpu.dma_semaphore, #tpu.memory_space<semaphore_mem>>) src(%dma_wait3A_738 : memref<8x128xf32, #tpu.memory_space<vmem>>) dst(%dma_wait3A_734 : memref<8x128xf32, #tpu.memory_space<hbm>>)
        %dma_wait3A_739 = arith.constant 3 : i32
        %dma_wait3A_740 = arith.constant 3 : i32
        %dma_wait3A_741 = arith.constant 0 : i32
        %dma_wait3A_742 = arith.constant 0 : i32
        %dma_wait3A_743 = tpu.memref_slice %arg9[%dma_wait3A_739, %dma_wait3A_741, %dma_wait3A_742] : memref<8x8x128xf32, #tpu.memory_space<vmem>> -> memref<1x8x128xf32, #tpu.memory_space<vmem>>
        %dma_wait3A_744 = tpu.memref_squeeze %dma_wait3A_743 : memref<1x8x128xf32, #tpu.memory_space<vmem>> -> memref<8x128xf32, #tpu.memory_space<vmem>>
        %dma_wait3A_745 = arith.constant 0 : i32
        %dma_wait3A_746 = arith.constant 0 : i32
        %dma_wait3A_747 = tpu.memref_slice %arg4[%mul3A_315, %dma_wait3A_740, %add3A, %dma_wait3A_745, %dma_wait3A_746] : memref<200x8x32x8x128xf32, #tpu.memory_space<hbm>> -> memref<1x1x1x8x128xf32, #tpu.memory_space<hbm>>
        %dma_wait3A_748 = tpu.memref_squeeze %dma_wait3A_747 : memref<1x1x1x8x128xf32, #tpu.memory_space<hbm>> -> memref<8x128xf32, #tpu.memory_space<hbm>>
        %dma_wait3A_749 = arith.constant 0 : i32
        %dma_wait3A_750 = arith.constant 0 : i32
        %dma_wait3A_751 = tpu.memref_slice %arg4[%mul3A_315, %dma_wait3A_740, %add3A, %dma_wait3A_749, %dma_wait3A_750] : memref<200x8x32x8x128xf32, #tpu.memory_space<hbm>> -> memref<1x1x1x8x128xf32, #tpu.memory_space<hbm>>
        %dma_wait3A_752 = tpu.memref_squeeze %dma_wait3A_751 : memref<1x1x1x8x128xf32, #tpu.memory_space<hbm>> -> memref<8x128xf32, #tpu.memory_space<hbm>>
        %dma_wait3A_753 = arith.constant 0 : i32
        %dma_wait3A_754 = arith.constant 0 : i32
        %dma_wait3A_755 = tpu.memref_slice %arg9[%dma_wait3A_739, %dma_wait3A_753, %dma_wait3A_754] : memref<8x8x128xf32, #tpu.memory_space<vmem>> -> memref<1x8x128xf32, #tpu.memory_space<vmem>>
        %dma_wait3A_756 = tpu.memref_squeeze %dma_wait3A_755 : memref<1x8x128xf32, #tpu.memory_space<vmem>> -> memref<8x128xf32, #tpu.memory_space<vmem>>
        tpu.wait_dma2 semaphore(%arg13 : memref<!tpu.dma_semaphore, #tpu.memory_space<semaphore_mem>>) src(%dma_wait3A_756 : memref<8x128xf32, #tpu.memory_space<vmem>>) dst(%dma_wait3A_752 : memref<8x128xf32, #tpu.memory_space<hbm>>)
        %dma_wait3A_757 = arith.constant 4 : i32
        %dma_wait3A_758 = arith.constant 4 : i32
        %dma_wait3A_759 = arith.constant 0 : i32
        %dma_wait3A_760 = arith.constant 0 : i32
        %dma_wait3A_761 = tpu.memref_slice %arg9[%dma_wait3A_757, %dma_wait3A_759, %dma_wait3A_760] : memref<8x8x128xf32, #tpu.memory_space<vmem>> -> memref<1x8x128xf32, #tpu.memory_space<vmem>>
        %dma_wait3A_762 = tpu.memref_squeeze %dma_wait3A_761 : memref<1x8x128xf32, #tpu.memory_space<vmem>> -> memref<8x128xf32, #tpu.memory_space<vmem>>
        %dma_wait3A_763 = arith.constant 0 : i32
        %dma_wait3A_764 = arith.constant 0 : i32
        %dma_wait3A_765 = tpu.memref_slice %arg4[%mul3A_315, %dma_wait3A_758, %add3A, %dma_wait3A_763, %dma_wait3A_764] : memref<200x8x32x8x128xf32, #tpu.memory_space<hbm>> -> memref<1x1x1x8x128xf32, #tpu.memory_space<hbm>>
        %dma_wait3A_766 = tpu.memref_squeeze %dma_wait3A_765 : memref<1x1x1x8x128xf32, #tpu.memory_space<hbm>> -> memref<8x128xf32, #tpu.memory_space<hbm>>
        %dma_wait3A_767 = arith.constant 0 : i32
        %dma_wait3A_768 = arith.constant 0 : i32
        %dma_wait3A_769 = tpu.memref_slice %arg4[%mul3A_315, %dma_wait3A_758, %add3A, %dma_wait3A_767, %dma_wait3A_768] : memref<200x8x32x8x128xf32, #tpu.memory_space<hbm>> -> memref<1x1x1x8x128xf32, #tpu.memory_space<hbm>>
        %dma_wait3A_770 = tpu.memref_squeeze %dma_wait3A_769 : memref<1x1x1x8x128xf32, #tpu.memory_space<hbm>> -> memref<8x128xf32, #tpu.memory_space<hbm>>
        %dma_wait3A_771 = arith.constant 0 : i32
        %dma_wait3A_772 = arith.constant 0 : i32
        %dma_wait3A_773 = tpu.memref_slice %arg9[%dma_wait3A_757, %dma_wait3A_771, %dma_wait3A_772] : memref<8x8x128xf32, #tpu.memory_space<vmem>> -> memref<1x8x128xf32, #tpu.memory_space<vmem>>
        %dma_wait3A_774 = tpu.memref_squeeze %dma_wait3A_773 : memref<1x8x128xf32, #tpu.memory_space<vmem>> -> memref<8x128xf32, #tpu.memory_space<vmem>>
        tpu.wait_dma2 semaphore(%arg13 : memref<!tpu.dma_semaphore, #tpu.memory_space<semaphore_mem>>) src(%dma_wait3A_774 : memref<8x128xf32, #tpu.memory_space<vmem>>) dst(%dma_wait3A_770 : memref<8x128xf32, #tpu.memory_space<hbm>>)
        %dma_wait3A_775 = arith.constant 5 : i32
        %dma_wait3A_776 = arith.constant 5 : i32
        %dma_wait3A_777 = arith.constant 0 : i32
        %dma_wait3A_778 = arith.constant 0 : i32
        %dma_wait3A_779 = tpu.memref_slice %arg9[%dma_wait3A_775, %dma_wait3A_777, %dma_wait3A_778] : memref<8x8x128xf32, #tpu.memory_space<vmem>> -> memref<1x8x128xf32, #tpu.memory_space<vmem>>
        %dma_wait3A_780 = tpu.memref_squeeze %dma_wait3A_779 : memref<1x8x128xf32, #tpu.memory_space<vmem>> -> memref<8x128xf32, #tpu.memory_space<vmem>>
        %dma_wait3A_781 = arith.constant 0 : i32
        %dma_wait3A_782 = arith.constant 0 : i32
        %dma_wait3A_783 = tpu.memref_slice %arg4[%mul3A_315, %dma_wait3A_776, %add3A, %dma_wait3A_781, %dma_wait3A_782] : memref<200x8x32x8x128xf32, #tpu.memory_space<hbm>> -> memref<1x1x1x8x128xf32, #tpu.memory_space<hbm>>
        %dma_wait3A_784 = tpu.memref_squeeze %dma_wait3A_783 : memref<1x1x1x8x128xf32, #tpu.memory_space<hbm>> -> memref<8x128xf32, #tpu.memory_space<hbm>>
        %dma_wait3A_785 = arith.constant 0 : i32
        %dma_wait3A_786 = arith.constant 0 : i32
        %dma_wait3A_787 = tpu.memref_slice %arg4[%mul3A_315, %dma_wait3A_776, %add3A, %dma_wait3A_785, %dma_wait3A_786] : memref<200x8x32x8x128xf32, #tpu.memory_space<hbm>> -> memref<1x1x1x8x128xf32, #tpu.memory_space<hbm>>
        %dma_wait3A_788 = tpu.memref_squeeze %dma_wait3A_787 : memref<1x1x1x8x128xf32, #tpu.memory_space<hbm>> -> memref<8x128xf32, #tpu.memory_space<hbm>>
        %dma_wait3A_789 = arith.constant 0 : i32
        %dma_wait3A_790 = arith.constant 0 : i32
        %dma_wait3A_791 = tpu.memref_slice %arg9[%dma_wait3A_775, %dma_wait3A_789, %dma_wait3A_790] : memref<8x8x128xf32, #tpu.memory_space<vmem>> -> memref<1x8x128xf32, #tpu.memory_space<vmem>>
        %dma_wait3A_792 = tpu.memref_squeeze %dma_wait3A_791 : memref<1x8x128xf32, #tpu.memory_space<vmem>> -> memref<8x128xf32, #tpu.memory_space<vmem>>
        tpu.wait_dma2 semaphore(%arg13 : memref<!tpu.dma_semaphore, #tpu.memory_space<semaphore_mem>>) src(%dma_wait3A_792 : memref<8x128xf32, #tpu.memory_space<vmem>>) dst(%dma_wait3A_788 : memref<8x128xf32, #tpu.memory_space<hbm>>)
        %dma_wait3A_793 = arith.constant 6 : i32
        %dma_wait3A_794 = arith.constant 6 : i32
        %dma_wait3A_795 = arith.constant 0 : i32
        %dma_wait3A_796 = arith.constant 0 : i32
        %dma_wait3A_797 = tpu.memref_slice %arg9[%dma_wait3A_793, %dma_wait3A_795, %dma_wait3A_796] : memref<8x8x128xf32, #tpu.memory_space<vmem>> -> memref<1x8x128xf32, #tpu.memory_space<vmem>>
        %dma_wait3A_798 = tpu.memref_squeeze %dma_wait3A_797 : memref<1x8x128xf32, #tpu.memory_space<vmem>> -> memref<8x128xf32, #tpu.memory_space<vmem>>
        %dma_wait3A_799 = arith.constant 0 : i32
        %dma_wait3A_800 = arith.constant 0 : i32
        %dma_wait3A_801 = tpu.memref_slice %arg4[%mul3A_315, %dma_wait3A_794, %add3A, %dma_wait3A_799, %dma_wait3A_800] : memref<200x8x32x8x128xf32, #tpu.memory_space<hbm>> -> memref<1x1x1x8x128xf32, #tpu.memory_space<hbm>>
        %dma_wait3A_802 = tpu.memref_squeeze %dma_wait3A_801 : memref<1x1x1x8x128xf32, #tpu.memory_space<hbm>> -> memref<8x128xf32, #tpu.memory_space<hbm>>
        %dma_wait3A_803 = arith.constant 0 : i32
        %dma_wait3A_804 = arith.constant 0 : i32
        %dma_wait3A_805 = tpu.memref_slice %arg4[%mul3A_315, %dma_wait3A_794, %add3A, %dma_wait3A_803, %dma_wait3A_804] : memref<200x8x32x8x128xf32, #tpu.memory_space<hbm>> -> memref<1x1x1x8x128xf32, #tpu.memory_space<hbm>>
        %dma_wait3A_806 = tpu.memref_squeeze %dma_wait3A_805 : memref<1x1x1x8x128xf32, #tpu.memory_space<hbm>> -> memref<8x128xf32, #tpu.memory_space<hbm>>
        %dma_wait3A_807 = arith.constant 0 : i32
        %dma_wait3A_808 = arith.constant 0 : i32
        %dma_wait3A_809 = tpu.memref_slice %arg9[%dma_wait3A_793, %dma_wait3A_807, %dma_wait3A_808] : memref<8x8x128xf32, #tpu.memory_space<vmem>> -> memref<1x8x128xf32, #tpu.memory_space<vmem>>
        %dma_wait3A_810 = tpu.memref_squeeze %dma_wait3A_809 : memref<1x8x128xf32, #tpu.memory_space<vmem>> -> memref<8x128xf32, #tpu.memory_space<vmem>>
        tpu.wait_dma2 semaphore(%arg13 : memref<!tpu.dma_semaphore, #tpu.memory_space<semaphore_mem>>) src(%dma_wait3A_810 : memref<8x128xf32, #tpu.memory_space<vmem>>) dst(%dma_wait3A_806 : memref<8x128xf32, #tpu.memory_space<hbm>>)
        %dma_wait3A_811 = arith.constant 7 : i32
        %dma_wait3A_812 = arith.constant 7 : i32
        %dma_wait3A_813 = arith.constant 0 : i32
        %dma_wait3A_814 = arith.constant 0 : i32
        %dma_wait3A_815 = tpu.memref_slice %arg9[%dma_wait3A_811, %dma_wait3A_813, %dma_wait3A_814] : memref<8x8x128xf32, #tpu.memory_space<vmem>> -> memref<1x8x128xf32, #tpu.memory_space<vmem>>
        %dma_wait3A_816 = tpu.memref_squeeze %dma_wait3A_815 : memref<1x8x128xf32, #tpu.memory_space<vmem>> -> memref<8x128xf32, #tpu.memory_space<vmem>>
        %dma_wait3A_817 = arith.constant 0 : i32
        %dma_wait3A_818 = arith.constant 0 : i32
        %dma_wait3A_819 = tpu.memref_slice %arg4[%mul3A_315, %dma_wait3A_812, %add3A, %dma_wait3A_817, %dma_wait3A_818] : memref<200x8x32x8x128xf32, #tpu.memory_space<hbm>> -> memref<1x1x1x8x128xf32, #tpu.memory_space<hbm>>
        %dma_wait3A_820 = tpu.memref_squeeze %dma_wait3A_819 : memref<1x1x1x8x128xf32, #tpu.memory_space<hbm>> -> memref<8x128xf32, #tpu.memory_space<hbm>>
        %dma_wait3A_821 = arith.constant 0 : i32
        %dma_wait3A_822 = arith.constant 0 : i32
        %dma_wait3A_823 = tpu.memref_slice %arg4[%mul3A_315, %dma_wait3A_812, %add3A, %dma_wait3A_821, %dma_wait3A_822] : memref<200x8x32x8x128xf32, #tpu.memory_space<hbm>> -> memref<1x1x1x8x128xf32, #tpu.memory_space<hbm>>
        %dma_wait3A_824 = tpu.memref_squeeze %dma_wait3A_823 : memref<1x1x1x8x128xf32, #tpu.memory_space<hbm>> -> memref<8x128xf32, #tpu.memory_space<hbm>>
        %dma_wait3A_825 = arith.constant 0 : i32
        %dma_wait3A_826 = arith.constant 0 : i32
        %dma_wait3A_827 = tpu.memref_slice %arg9[%dma_wait3A_811, %dma_wait3A_825, %dma_wait3A_826] : memref<8x8x128xf32, #tpu.memory_space<vmem>> -> memref<1x8x128xf32, #tpu.memory_space<vmem>>
        %dma_wait3A_828 = tpu.memref_squeeze %dma_wait3A_827 : memref<1x8x128xf32, #tpu.memory_space<vmem>> -> memref<8x128xf32, #tpu.memory_space<vmem>>
        tpu.wait_dma2 semaphore(%arg13 : memref<!tpu.dma_semaphore, #tpu.memory_space<semaphore_mem>>) src(%dma_wait3A_828 : memref<8x128xf32, #tpu.memory_space<vmem>>) dst(%dma_wait3A_824 : memref<8x128xf32, #tpu.memory_space<hbm>>)
      } else {
      }
      %iota3A = tpu.iota {dimensions = array<i32: 0>} : vector<16xi32>
      %add3A_326 = arith.constant 0 : i32
      %add3A_327 = vector.broadcast %add3A_326 : i32 to vector<16xi32>
      %add3A_328 = arith.addi %iota3A, %add3A_327 : vector<16xi32>
      %add3A_329 = arith.constant 16 : i32
      %add3A_330 = vector.broadcast %add3A_329 : i32 to vector<16xi32>
      %add3A_331 = arith.addi %iota3A, %add3A_330 : vector<16xi32>
      %add3A_332 = arith.constant 32 : i32
      %add3A_333 = vector.broadcast %add3A_332 : i32 to vector<16xi32>
      %add3A_334 = arith.addi %iota3A, %add3A_333 : vector<16xi32>
      %add3A_335 = arith.constant 48 : i32
      %add3A_336 = vector.broadcast %add3A_335 : i32 to vector<16xi32>
      %add3A_337 = arith.addi %iota3A, %add3A_336 : vector<16xi32>
      %add3A_338 = arith.constant 64 : i32
      %add3A_339 = vector.broadcast %add3A_338 : i32 to vector<16xi32>
      %add3A_340 = arith.addi %iota3A, %add3A_339 : vector<16xi32>
      %add3A_341 = arith.constant 80 : i32
      %add3A_342 = vector.broadcast %add3A_341 : i32 to vector<16xi32>
      %add3A_343 = arith.addi %iota3A, %add3A_342 : vector<16xi32>
      %add3A_344 = arith.constant 96 : i32
      %add3A_345 = vector.broadcast %add3A_344 : i32 to vector<16xi32>
      %add3A_346 = arith.addi %iota3A, %add3A_345 : vector<16xi32>
      %add3A_347 = arith.constant 112 : i32
      %add3A_348 = vector.broadcast %add3A_347 : i32 to vector<16xi32>
      %add3A_349 = arith.addi %iota3A, %add3A_348 : vector<16xi32>
      %parallel_loop3A = arith.constant 0 : i32
      %parallel_loop3A_350 = arith.constant 16 : i32
      %parallel_loop3A_351 = arith.constant 1 : i32
      scf.for %parallel_loop3A_685 = %parallel_loop3A to %parallel_loop3A_350 step %parallel_loop3A_351  : i32 {
        %parallel_loop3A_686 = vector.broadcast %parallel_loop3A_685 : i32 to vector<16xi32>
        %parallel_loop3A_687 = arith.addi %iota3A, %parallel_loop3A_686 : vector<16xi32>
        %parallel_loop3A_688 = arith.constant 16 : i32
        %parallel_loop3A_689 = vector.broadcast %parallel_loop3A_688 : i32 to vector<16xi32>
        %parallel_loop3A_690 = arith.remsi %parallel_loop3A_687, %parallel_loop3A_689 : vector<16xi32>
        %parallel_loop3A_691 = arith.constant 3 : i32
        %parallel_loop3A_692 = vector.broadcast %parallel_loop3A_691 : i32 to vector<16xi32>
        %parallel_loop3A_693 = arith.shrsi %parallel_loop3A_690, %parallel_loop3A_692 : vector<16xi32>
        %parallel_loop3A_694 = arith.constant 7 : i32
        %parallel_loop3A_695 = vector.broadcast %parallel_loop3A_694 : i32 to vector<16xi32>
        %parallel_loop3A_696 = arith.andi %parallel_loop3A_690, %parallel_loop3A_695 : vector<16xi32>
        %parallel_loop3A_697 = arith.constant 0 : i32
        %parallel_loop3A_698 = vector.broadcast %parallel_loop3A_697 : i32 to vector<16xi32>
        %parallel_loop3A_699 = arith.addi %parallel_loop3A_690, %parallel_loop3A_698 : vector<16xi32>
        %parallel_loop3A_700 = arith.constant 0 : i32
        %parallel_loop3A_701 = vector.broadcast %parallel_loop3A_700 : i32 to vector<16xi32>
        %parallel_loop3A_702 = arith.addi %parallel_loop3A_693, %parallel_loop3A_701 : vector<16xi32>
        %parallel_loop3A_703 = tpu.vector_load_idx %arg7[%add3A_328, %parallel_loop3A_699] : memref<128x64xf32, #tpu.memory_space<vmem>>[vector<16xi32>, vector<16xi32>], vector<16xf32>,
        %parallel_loop3A_704 = arith.constant 8.000000e+00 : f32
        %parallel_loop3A_705 = vector.broadcast %parallel_loop3A_704 : f32 to vector<16xf32>
        %parallel_loop3A_706 = arith.mulf %parallel_loop3A_703, %parallel_loop3A_705 : vector<16xf32>
        tpu.vector_store_idx %arg9[%parallel_loop3A_702, %parallel_loop3A_696, %add3A_328], %parallel_loop3A_706 : memref<8x8x128xf32, #tpu.memory_space<vmem>>[vector<16xi32>, vector<16xi32>, vector<16xi32>], vector<16xf32>,
        %parallel_loop3A_707 = tpu.vector_load_idx %arg7[%add3A_331, %parallel_loop3A_699] : memref<128x64xf32, #tpu.memory_space<vmem>>[vector<16xi32>, vector<16xi32>], vector<16xf32>,
        %parallel_loop3A_708 = arith.constant 8.000000e+00 : f32
        %parallel_loop3A_709 = vector.broadcast %parallel_loop3A_708 : f32 to vector<16xf32>
        %parallel_loop3A_710 = arith.mulf %parallel_loop3A_707, %parallel_loop3A_709 : vector<16xf32>
        tpu.vector_store_idx %arg9[%parallel_loop3A_702, %parallel_loop3A_696, %add3A_331], %parallel_loop3A_710 : memref<8x8x128xf32, #tpu.memory_space<vmem>>[vector<16xi32>, vector<16xi32>, vector<16xi32>], vector<16xf32>,
        %parallel_loop3A_711 = tpu.vector_load_idx %arg7[%add3A_334, %parallel_loop3A_699] : memref<128x64xf32, #tpu.memory_space<vmem>>[vector<16xi32>, vector<16xi32>], vector<16xf32>,
        %parallel_loop3A_712 = arith.constant 8.000000e+00 : f32
        %parallel_loop3A_713 = vector.broadcast %parallel_loop3A_712 : f32 to vector<16xf32>
        %parallel_loop3A_714 = arith.mulf %parallel_loop3A_711, %parallel_loop3A_713 : vector<16xf32>
        tpu.vector_store_idx %arg9[%parallel_loop3A_702, %parallel_loop3A_696, %add3A_334], %parallel_loop3A_714 : memref<8x8x128xf32, #tpu.memory_space<vmem>>[vector<16xi32>, vector<16xi32>, vector<16xi32>], vector<16xf32>,
        %parallel_loop3A_715 = tpu.vector_load_idx %arg7[%add3A_337, %parallel_loop3A_699] : memref<128x64xf32, #tpu.memory_space<vmem>>[vector<16xi32>, vector<16xi32>], vector<16xf32>,
        %parallel_loop3A_716 = arith.constant 8.000000e+00 : f32
        %parallel_loop3A_717 = vector.broadcast %parallel_loop3A_716 : f32 to vector<16xf32>
        %parallel_loop3A_718 = arith.mulf %parallel_loop3A_715, %parallel_loop3A_717 : vector<16xf32>
        tpu.vector_store_idx %arg9[%parallel_loop3A_702, %parallel_loop3A_696, %add3A_337], %parallel_loop3A_718 : memref<8x8x128xf32, #tpu.memory_space<vmem>>[vector<16xi32>, vector<16xi32>, vector<16xi32>], vector<16xf32>,
        %parallel_loop3A_719 = tpu.vector_load_idx %arg7[%add3A_340, %parallel_loop3A_699] : memref<128x64xf32, #tpu.memory_space<vmem>>[vector<16xi32>, vector<16xi32>], vector<16xf32>,
        %parallel_loop3A_720 = arith.constant 8.000000e+00 : f32
        %parallel_loop3A_721 = vector.broadcast %parallel_loop3A_720 : f32 to vector<16xf32>
        %parallel_loop3A_722 = arith.mulf %parallel_loop3A_719, %parallel_loop3A_721 : vector<16xf32>
        tpu.vector_store_idx %arg9[%parallel_loop3A_702, %parallel_loop3A_696, %add3A_340], %parallel_loop3A_722 : memref<8x8x128xf32, #tpu.memory_space<vmem>>[vector<16xi32>, vector<16xi32>, vector<16xi32>], vector<16xf32>,
        %parallel_loop3A_723 = tpu.vector_load_idx %arg7[%add3A_343, %parallel_loop3A_699] : memref<128x64xf32, #tpu.memory_space<vmem>>[vector<16xi32>, vector<16xi32>], vector<16xf32>,
        %parallel_loop3A_724 = arith.constant 8.000000e+00 : f32
        %parallel_loop3A_725 = vector.broadcast %parallel_loop3A_724 : f32 to vector<16xf32>
        %parallel_loop3A_726 = arith.mulf %parallel_loop3A_723, %parallel_loop3A_725 : vector<16xf32>
        tpu.vector_store_idx %arg9[%parallel_loop3A_702, %parallel_loop3A_696, %add3A_343], %parallel_loop3A_726 : memref<8x8x128xf32, #tpu.memory_space<vmem>>[vector<16xi32>, vector<16xi32>, vector<16xi32>], vector<16xf32>,
        %parallel_loop3A_727 = tpu.vector_load_idx %arg7[%add3A_346, %parallel_loop3A_699] : memref<128x64xf32, #tpu.memory_space<vmem>>[vector<16xi32>, vector<16xi32>], vector<16xf32>,
        %parallel_loop3A_728 = arith.constant 8.000000e+00 : f32
        %parallel_loop3A_729 = vector.broadcast %parallel_loop3A_728 : f32 to vector<16xf32>
        %parallel_loop3A_730 = arith.mulf %parallel_loop3A_727, %parallel_loop3A_729 : vector<16xf32>
        tpu.vector_store_idx %arg9[%parallel_loop3A_702, %parallel_loop3A_696, %add3A_346], %parallel_loop3A_730 : memref<8x8x128xf32, #tpu.memory_space<vmem>>[vector<16xi32>, vector<16xi32>, vector<16xi32>], vector<16xf32>,
        %parallel_loop3A_731 = tpu.vector_load_idx %arg7[%add3A_349, %parallel_loop3A_699] : memref<128x64xf32, #tpu.memory_space<vmem>>[vector<16xi32>, vector<16xi32>], vector<16xf32>,
        %parallel_loop3A_732 = arith.constant 8.000000e+00 : f32
        %parallel_loop3A_733 = vector.broadcast %parallel_loop3A_732 : f32 to vector<16xf32>
        %parallel_loop3A_734 = arith.mulf %parallel_loop3A_731, %parallel_loop3A_733 : vector<16xf32>
        tpu.vector_store_idx %arg9[%parallel_loop3A_702, %parallel_loop3A_696, %add3A_349], %parallel_loop3A_734 : memref<8x8x128xf32, #tpu.memory_space<vmem>>[vector<16xi32>, vector<16xi32>, vector<16xi32>], vector<16xf32>,
        %parallel_loop3A_735 = arith.constant 16 : i32
        %parallel_loop3A_736 = vector.broadcast %parallel_loop3A_735 : i32 to vector<16xi32>
        %parallel_loop3A_737 = arith.addi %parallel_loop3A_690, %parallel_loop3A_736 : vector<16xi32>
        %parallel_loop3A_738 = arith.constant 2 : i32
        %parallel_loop3A_739 = vector.broadcast %parallel_loop3A_738 : i32 to vector<16xi32>
        %parallel_loop3A_740 = arith.addi %parallel_loop3A_693, %parallel_loop3A_739 : vector<16xi32>
        %parallel_loop3A_741 = tpu.vector_load_idx %arg7[%add3A_328, %parallel_loop3A_737] : memref<128x64xf32, #tpu.memory_space<vmem>>[vector<16xi32>, vector<16xi32>], vector<16xf32>,
        %parallel_loop3A_742 = arith.constant 8.000000e+00 : f32
        %parallel_loop3A_743 = vector.broadcast %parallel_loop3A_742 : f32 to vector<16xf32>
        %parallel_loop3A_744 = arith.mulf %parallel_loop3A_741, %parallel_loop3A_743 : vector<16xf32>
        tpu.vector_store_idx %arg9[%parallel_loop3A_740, %parallel_loop3A_696, %add3A_328], %parallel_loop3A_744 : memref<8x8x128xf32, #tpu.memory_space<vmem>>[vector<16xi32>, vector<16xi32>, vector<16xi32>], vector<16xf32>,
        %parallel_loop3A_745 = tpu.vector_load_idx %arg7[%add3A_331, %parallel_loop3A_737] : memref<128x64xf32, #tpu.memory_space<vmem>>[vector<16xi32>, vector<16xi32>], vector<16xf32>,
        %parallel_loop3A_746 = arith.constant 8.000000e+00 : f32
        %parallel_loop3A_747 = vector.broadcast %parallel_loop3A_746 : f32 to vector<16xf32>
        %parallel_loop3A_748 = arith.mulf %parallel_loop3A_745, %parallel_loop3A_747 : vector<16xf32>
        tpu.vector_store_idx %arg9[%parallel_loop3A_740, %parallel_loop3A_696, %add3A_331], %parallel_loop3A_748 : memref<8x8x128xf32, #tpu.memory_space<vmem>>[vector<16xi32>, vector<16xi32>, vector<16xi32>], vector<16xf32>,
        %parallel_loop3A_749 = tpu.vector_load_idx %arg7[%add3A_334, %parallel_loop3A_737] : memref<128x64xf32, #tpu.memory_space<vmem>>[vector<16xi32>, vector<16xi32>], vector<16xf32>,
        %parallel_loop3A_750 = arith.constant 8.000000e+00 : f32
        %parallel_loop3A_751 = vector.broadcast %parallel_loop3A_750 : f32 to vector<16xf32>
        %parallel_loop3A_752 = arith.mulf %parallel_loop3A_749, %parallel_loop3A_751 : vector<16xf32>
        tpu.vector_store_idx %arg9[%parallel_loop3A_740, %parallel_loop3A_696, %add3A_334], %parallel_loop3A_752 : memref<8x8x128xf32, #tpu.memory_space<vmem>>[vector<16xi32>, vector<16xi32>, vector<16xi32>], vector<16xf32>,
        %parallel_loop3A_753 = tpu.vector_load_idx %arg7[%add3A_337, %parallel_loop3A_737] : memref<128x64xf32, #tpu.memory_space<vmem>>[vector<16xi32>, vector<16xi32>], vector<16xf32>,
        %parallel_loop3A_754 = arith.constant 8.000000e+00 : f32
        %parallel_loop3A_755 = vector.broadcast %parallel_loop3A_754 : f32 to vector<16xf32>
        %parallel_loop3A_756 = arith.mulf %parallel_loop3A_753, %parallel_loop3A_755 : vector<16xf32>
        tpu.vector_store_idx %arg9[%parallel_loop3A_740, %parallel_loop3A_696, %add3A_337], %parallel_loop3A_756 : memref<8x8x128xf32, #tpu.memory_space<vmem>>[vector<16xi32>, vector<16xi32>, vector<16xi32>], vector<16xf32>,
        %parallel_loop3A_757 = tpu.vector_load_idx %arg7[%add3A_340, %parallel_loop3A_737] : memref<128x64xf32, #tpu.memory_space<vmem>>[vector<16xi32>, vector<16xi32>], vector<16xf32>,
        %parallel_loop3A_758 = arith.constant 8.000000e+00 : f32
        %parallel_loop3A_759 = vector.broadcast %parallel_loop3A_758 : f32 to vector<16xf32>
        %parallel_loop3A_760 = arith.mulf %parallel_loop3A_757, %parallel_loop3A_759 : vector<16xf32>
        tpu.vector_store_idx %arg9[%parallel_loop3A_740, %parallel_loop3A_696, %add3A_340], %parallel_loop3A_760 : memref<8x8x128xf32, #tpu.memory_space<vmem>>[vector<16xi32>, vector<16xi32>, vector<16xi32>], vector<16xf32>,
        %parallel_loop3A_761 = tpu.vector_load_idx %arg7[%add3A_343, %parallel_loop3A_737] : memref<128x64xf32, #tpu.memory_space<vmem>>[vector<16xi32>, vector<16xi32>], vector<16xf32>,
        %parallel_loop3A_762 = arith.constant 8.000000e+00 : f32
        %parallel_loop3A_763 = vector.broadcast %parallel_loop3A_762 : f32 to vector<16xf32>
        %parallel_loop3A_764 = arith.mulf %parallel_loop3A_761, %parallel_loop3A_763 : vector<16xf32>
        tpu.vector_store_idx %arg9[%parallel_loop3A_740, %parallel_loop3A_696, %add3A_343], %parallel_loop3A_764 : memref<8x8x128xf32, #tpu.memory_space<vmem>>[vector<16xi32>, vector<16xi32>, vector<16xi32>], vector<16xf32>,
        %parallel_loop3A_765 = tpu.vector_load_idx %arg7[%add3A_346, %parallel_loop3A_737] : memref<128x64xf32, #tpu.memory_space<vmem>>[vector<16xi32>, vector<16xi32>], vector<16xf32>,
        %parallel_loop3A_766 = arith.constant 8.000000e+00 : f32
        %parallel_loop3A_767 = vector.broadcast %parallel_loop3A_766 : f32 to vector<16xf32>
        %parallel_loop3A_768 = arith.mulf %parallel_loop3A_765, %parallel_loop3A_767 : vector<16xf32>
        tpu.vector_store_idx %arg9[%parallel_loop3A_740, %parallel_loop3A_696, %add3A_346], %parallel_loop3A_768 : memref<8x8x128xf32, #tpu.memory_space<vmem>>[vector<16xi32>, vector<16xi32>, vector<16xi32>], vector<16xf32>,
        %parallel_loop3A_769 = tpu.vector_load_idx %arg7[%add3A_349, %parallel_loop3A_737] : memref<128x64xf32, #tpu.memory_space<vmem>>[vector<16xi32>, vector<16xi32>], vector<16xf32>,
        %parallel_loop3A_770 = arith.constant 8.000000e+00 : f32
        %parallel_loop3A_771 = vector.broadcast %parallel_loop3A_770 : f32 to vector<16xf32>
        %parallel_loop3A_772 = arith.mulf %parallel_loop3A_769, %parallel_loop3A_771 : vector<16xf32>
        tpu.vector_store_idx %arg9[%parallel_loop3A_740, %parallel_loop3A_696, %add3A_349], %parallel_loop3A_772 : memref<8x8x128xf32, #tpu.memory_space<vmem>>[vector<16xi32>, vector<16xi32>, vector<16xi32>], vector<16xf32>,
        %parallel_loop3A_773 = arith.constant 32 : i32
        %parallel_loop3A_774 = vector.broadcast %parallel_loop3A_773 : i32 to vector<16xi32>
        %parallel_loop3A_775 = arith.addi %parallel_loop3A_690, %parallel_loop3A_774 : vector<16xi32>
        %parallel_loop3A_776 = arith.constant 4 : i32
        %parallel_loop3A_777 = vector.broadcast %parallel_loop3A_776 : i32 to vector<16xi32>
        %parallel_loop3A_778 = arith.addi %parallel_loop3A_693, %parallel_loop3A_777 : vector<16xi32>
        %parallel_loop3A_779 = tpu.vector_load_idx %arg7[%add3A_328, %parallel_loop3A_775] : memref<128x64xf32, #tpu.memory_space<vmem>>[vector<16xi32>, vector<16xi32>], vector<16xf32>,
        %parallel_loop3A_780 = arith.constant 8.000000e+00 : f32
        %parallel_loop3A_781 = vector.broadcast %parallel_loop3A_780 : f32 to vector<16xf32>
        %parallel_loop3A_782 = arith.mulf %parallel_loop3A_779, %parallel_loop3A_781 : vector<16xf32>
        tpu.vector_store_idx %arg9[%parallel_loop3A_778, %parallel_loop3A_696, %add3A_328], %parallel_loop3A_782 : memref<8x8x128xf32, #tpu.memory_space<vmem>>[vector<16xi32>, vector<16xi32>, vector<16xi32>], vector<16xf32>,
        %parallel_loop3A_783 = tpu.vector_load_idx %arg7[%add3A_331, %parallel_loop3A_775] : memref<128x64xf32, #tpu.memory_space<vmem>>[vector<16xi32>, vector<16xi32>], vector<16xf32>,
        %parallel_loop3A_784 = arith.constant 8.000000e+00 : f32
        %parallel_loop3A_785 = vector.broadcast %parallel_loop3A_784 : f32 to vector<16xf32>
        %parallel_loop3A_786 = arith.mulf %parallel_loop3A_783, %parallel_loop3A_785 : vector<16xf32>
        tpu.vector_store_idx %arg9[%parallel_loop3A_778, %parallel_loop3A_696, %add3A_331], %parallel_loop3A_786 : memref<8x8x128xf32, #tpu.memory_space<vmem>>[vector<16xi32>, vector<16xi32>, vector<16xi32>], vector<16xf32>,
        %parallel_loop3A_787 = tpu.vector_load_idx %arg7[%add3A_334, %parallel_loop3A_775] : memref<128x64xf32, #tpu.memory_space<vmem>>[vector<16xi32>, vector<16xi32>], vector<16xf32>,
        %parallel_loop3A_788 = arith.constant 8.000000e+00 : f32
        %parallel_loop3A_789 = vector.broadcast %parallel_loop3A_788 : f32 to vector<16xf32>
        %parallel_loop3A_790 = arith.mulf %parallel_loop3A_787, %parallel_loop3A_789 : vector<16xf32>
        tpu.vector_store_idx %arg9[%parallel_loop3A_778, %parallel_loop3A_696, %add3A_334], %parallel_loop3A_790 : memref<8x8x128xf32, #tpu.memory_space<vmem>>[vector<16xi32>, vector<16xi32>, vector<16xi32>], vector<16xf32>,
        %parallel_loop3A_791 = tpu.vector_load_idx %arg7[%add3A_337, %parallel_loop3A_775] : memref<128x64xf32, #tpu.memory_space<vmem>>[vector<16xi32>, vector<16xi32>], vector<16xf32>,
        %parallel_loop3A_792 = arith.constant 8.000000e+00 : f32
        %parallel_loop3A_793 = vector.broadcast %parallel_loop3A_792 : f32 to vector<16xf32>
        %parallel_loop3A_794 = arith.mulf %parallel_loop3A_791, %parallel_loop3A_793 : vector<16xf32>
        tpu.vector_store_idx %arg9[%parallel_loop3A_778, %parallel_loop3A_696, %add3A_337], %parallel_loop3A_794 : memref<8x8x128xf32, #tpu.memory_space<vmem>>[vector<16xi32>, vector<16xi32>, vector<16xi32>], vector<16xf32>,
        %parallel_loop3A_795 = tpu.vector_load_idx %arg7[%add3A_340, %parallel_loop3A_775] : memref<128x64xf32, #tpu.memory_space<vmem>>[vector<16xi32>, vector<16xi32>], vector<16xf32>,
        %parallel_loop3A_796 = arith.constant 8.000000e+00 : f32
        %parallel_loop3A_797 = vector.broadcast %parallel_loop3A_796 : f32 to vector<16xf32>
        %parallel_loop3A_798 = arith.mulf %parallel_loop3A_795, %parallel_loop3A_797 : vector<16xf32>
        tpu.vector_store_idx %arg9[%parallel_loop3A_778, %parallel_loop3A_696, %add3A_340], %parallel_loop3A_798 : memref<8x8x128xf32, #tpu.memory_space<vmem>>[vector<16xi32>, vector<16xi32>, vector<16xi32>], vector<16xf32>,
        %parallel_loop3A_799 = tpu.vector_load_idx %arg7[%add3A_343, %parallel_loop3A_775] : memref<128x64xf32, #tpu.memory_space<vmem>>[vector<16xi32>, vector<16xi32>], vector<16xf32>,
        %parallel_loop3A_800 = arith.constant 8.000000e+00 : f32
        %parallel_loop3A_801 = vector.broadcast %parallel_loop3A_800 : f32 to vector<16xf32>
        %parallel_loop3A_802 = arith.mulf %parallel_loop3A_799, %parallel_loop3A_801 : vector<16xf32>
        tpu.vector_store_idx %arg9[%parallel_loop3A_778, %parallel_loop3A_696, %add3A_343], %parallel_loop3A_802 : memref<8x8x128xf32, #tpu.memory_space<vmem>>[vector<16xi32>, vector<16xi32>, vector<16xi32>], vector<16xf32>,
        %parallel_loop3A_803 = tpu.vector_load_idx %arg7[%add3A_346, %parallel_loop3A_775] : memref<128x64xf32, #tpu.memory_space<vmem>>[vector<16xi32>, vector<16xi32>], vector<16xf32>,
        %parallel_loop3A_804 = arith.constant 8.000000e+00 : f32
        %parallel_loop3A_805 = vector.broadcast %parallel_loop3A_804 : f32 to vector<16xf32>
        %parallel_loop3A_806 = arith.mulf %parallel_loop3A_803, %parallel_loop3A_805 : vector<16xf32>
        tpu.vector_store_idx %arg9[%parallel_loop3A_778, %parallel_loop3A_696, %add3A_346], %parallel_loop3A_806 : memref<8x8x128xf32, #tpu.memory_space<vmem>>[vector<16xi32>, vector<16xi32>, vector<16xi32>], vector<16xf32>,
        %parallel_loop3A_807 = tpu.vector_load_idx %arg7[%add3A_349, %parallel_loop3A_775] : memref<128x64xf32, #tpu.memory_space<vmem>>[vector<16xi32>, vector<16xi32>], vector<16xf32>,
        %parallel_loop3A_808 = arith.constant 8.000000e+00 : f32
        %parallel_loop3A_809 = vector.broadcast %parallel_loop3A_808 : f32 to vector<16xf32>
        %parallel_loop3A_810 = arith.mulf %parallel_loop3A_807, %parallel_loop3A_809 : vector<16xf32>
        tpu.vector_store_idx %arg9[%parallel_loop3A_778, %parallel_loop3A_696, %add3A_349], %parallel_loop3A_810 : memref<8x8x128xf32, #tpu.memory_space<vmem>>[vector<16xi32>, vector<16xi32>, vector<16xi32>], vector<16xf32>,
        %parallel_loop3A_811 = arith.constant 48 : i32
        %parallel_loop3A_812 = vector.broadcast %parallel_loop3A_811 : i32 to vector<16xi32>
        %parallel_loop3A_813 = arith.addi %parallel_loop3A_690, %parallel_loop3A_812 : vector<16xi32>
        %parallel_loop3A_814 = arith.constant 6 : i32
        %parallel_loop3A_815 = vector.broadcast %parallel_loop3A_814 : i32 to vector<16xi32>
        %parallel_loop3A_816 = arith.addi %parallel_loop3A_693, %parallel_loop3A_815 : vector<16xi32>
        %parallel_loop3A_817 = tpu.vector_load_idx %arg7[%add3A_328, %parallel_loop3A_813] : memref<128x64xf32, #tpu.memory_space<vmem>>[vector<16xi32>, vector<16xi32>], vector<16xf32>,
        %parallel_loop3A_818 = arith.constant 8.000000e+00 : f32
        %parallel_loop3A_819 = vector.broadcast %parallel_loop3A_818 : f32 to vector<16xf32>
        %parallel_loop3A_820 = arith.mulf %parallel_loop3A_817, %parallel_loop3A_819 : vector<16xf32>
        tpu.vector_store_idx %arg9[%parallel_loop3A_816, %parallel_loop3A_696, %add3A_328], %parallel_loop3A_820 : memref<8x8x128xf32, #tpu.memory_space<vmem>>[vector<16xi32>, vector<16xi32>, vector<16xi32>], vector<16xf32>,
        %parallel_loop3A_821 = tpu.vector_load_idx %arg7[%add3A_331, %parallel_loop3A_813] : memref<128x64xf32, #tpu.memory_space<vmem>>[vector<16xi32>, vector<16xi32>], vector<16xf32>,
        %parallel_loop3A_822 = arith.constant 8.000000e+00 : f32
        %parallel_loop3A_823 = vector.broadcast %parallel_loop3A_822 : f32 to vector<16xf32>
        %parallel_loop3A_824 = arith.mulf %parallel_loop3A_821, %parallel_loop3A_823 : vector<16xf32>
        tpu.vector_store_idx %arg9[%parallel_loop3A_816, %parallel_loop3A_696, %add3A_331], %parallel_loop3A_824 : memref<8x8x128xf32, #tpu.memory_space<vmem>>[vector<16xi32>, vector<16xi32>, vector<16xi32>], vector<16xf32>,
        %parallel_loop3A_825 = tpu.vector_load_idx %arg7[%add3A_334, %parallel_loop3A_813] : memref<128x64xf32, #tpu.memory_space<vmem>>[vector<16xi32>, vector<16xi32>], vector<16xf32>,
        %parallel_loop3A_826 = arith.constant 8.000000e+00 : f32
        %parallel_loop3A_827 = vector.broadcast %parallel_loop3A_826 : f32 to vector<16xf32>
        %parallel_loop3A_828 = arith.mulf %parallel_loop3A_825, %parallel_loop3A_827 : vector<16xf32>
        tpu.vector_store_idx %arg9[%parallel_loop3A_816, %parallel_loop3A_696, %add3A_334], %parallel_loop3A_828 : memref<8x8x128xf32, #tpu.memory_space<vmem>>[vector<16xi32>, vector<16xi32>, vector<16xi32>], vector<16xf32>,
        %parallel_loop3A_829 = tpu.vector_load_idx %arg7[%add3A_337, %parallel_loop3A_813] : memref<128x64xf32, #tpu.memory_space<vmem>>[vector<16xi32>, vector<16xi32>], vector<16xf32>,
        %parallel_loop3A_830 = arith.constant 8.000000e+00 : f32
        %parallel_loop3A_831 = vector.broadcast %parallel_loop3A_830 : f32 to vector<16xf32>
        %parallel_loop3A_832 = arith.mulf %parallel_loop3A_829, %parallel_loop3A_831 : vector<16xf32>
        tpu.vector_store_idx %arg9[%parallel_loop3A_816, %parallel_loop3A_696, %add3A_337], %parallel_loop3A_832 : memref<8x8x128xf32, #tpu.memory_space<vmem>>[vector<16xi32>, vector<16xi32>, vector<16xi32>], vector<16xf32>,
        %parallel_loop3A_833 = tpu.vector_load_idx %arg7[%add3A_340, %parallel_loop3A_813] : memref<128x64xf32, #tpu.memory_space<vmem>>[vector<16xi32>, vector<16xi32>], vector<16xf32>,
        %parallel_loop3A_834 = arith.constant 8.000000e+00 : f32
        %parallel_loop3A_835 = vector.broadcast %parallel_loop3A_834 : f32 to vector<16xf32>
        %parallel_loop3A_836 = arith.mulf %parallel_loop3A_833, %parallel_loop3A_835 : vector<16xf32>
        tpu.vector_store_idx %arg9[%parallel_loop3A_816, %parallel_loop3A_696, %add3A_340], %parallel_loop3A_836 : memref<8x8x128xf32, #tpu.memory_space<vmem>>[vector<16xi32>, vector<16xi32>, vector<16xi32>], vector<16xf32>,
        %parallel_loop3A_837 = tpu.vector_load_idx %arg7[%add3A_343, %parallel_loop3A_813] : memref<128x64xf32, #tpu.memory_space<vmem>>[vector<16xi32>, vector<16xi32>], vector<16xf32>,
        %parallel_loop3A_838 = arith.constant 8.000000e+00 : f32
        %parallel_loop3A_839 = vector.broadcast %parallel_loop3A_838 : f32 to vector<16xf32>
        %parallel_loop3A_840 = arith.mulf %parallel_loop3A_837, %parallel_loop3A_839 : vector<16xf32>
        tpu.vector_store_idx %arg9[%parallel_loop3A_816, %parallel_loop3A_696, %add3A_343], %parallel_loop3A_840 : memref<8x8x128xf32, #tpu.memory_space<vmem>>[vector<16xi32>, vector<16xi32>, vector<16xi32>], vector<16xf32>,
        %parallel_loop3A_841 = tpu.vector_load_idx %arg7[%add3A_346, %parallel_loop3A_813] : memref<128x64xf32, #tpu.memory_space<vmem>>[vector<16xi32>, vector<16xi32>], vector<16xf32>,
        %parallel_loop3A_842 = arith.constant 8.000000e+00 : f32
        %parallel_loop3A_843 = vector.broadcast %parallel_loop3A_842 : f32 to vector<16xf32>
        %parallel_loop3A_844 = arith.mulf %parallel_loop3A_841, %parallel_loop3A_843 : vector<16xf32>
        tpu.vector_store_idx %arg9[%parallel_loop3A_816, %parallel_loop3A_696, %add3A_346], %parallel_loop3A_844 : memref<8x8x128xf32, #tpu.memory_space<vmem>>[vector<16xi32>, vector<16xi32>, vector<16xi32>], vector<16xf32>,
        %parallel_loop3A_845 = tpu.vector_load_idx %arg7[%add3A_349, %parallel_loop3A_813] : memref<128x64xf32, #tpu.memory_space<vmem>>[vector<16xi32>, vector<16xi32>], vector<16xf32>,
        %parallel_loop3A_846 = arith.constant 8.000000e+00 : f32
        %parallel_loop3A_847 = vector.broadcast %parallel_loop3A_846 : f32 to vector<16xf32>
        %parallel_loop3A_848 = arith.mulf %parallel_loop3A_845, %parallel_loop3A_847 : vector<16xf32>
        tpu.vector_store_idx %arg9[%parallel_loop3A_816, %parallel_loop3A_696, %add3A_349], %parallel_loop3A_848 : memref<8x8x128xf32, #tpu.memory_space<vmem>>[vector<16xi32>, vector<16xi32>, vector<16xi32>], vector<16xf32>,
      } {sc.loop_unroll_factor = 4 : i64, sc.parallel_access}
      %dma_start3A_352 = arith.constant 0 : i32
      %dma_start3A_353 = arith.constant 0 : i32
      %dma_start3A_354 = arith.constant 0 : i32
      %dma_start3A_355 = arith.constant 0 : i32
      %dma_start3A_356 = tpu.memref_slice %arg9[%dma_start3A_352, %dma_start3A_354, %dma_start3A_355] : memref<8x8x128xf32, #tpu.memory_space<vmem>> -> memref<1x8x128xf32, #tpu.memory_space<vmem>>
      %dma_start3A_357 = tpu.memref_squeeze %dma_start3A_356 : memref<1x8x128xf32, #tpu.memory_space<vmem>> -> memref<8x128xf32, #tpu.memory_space<vmem>>
      %dma_start3A_358 = arith.constant 0 : i32
      %dma_start3A_359 = arith.constant 0 : i32
      %dma_start3A_360 = tpu.memref_slice %arg4[%mul3A_315, %dma_start3A_353, %add3A, %dma_start3A_358, %dma_start3A_359] : memref<200x8x32x8x128xf32, #tpu.memory_space<hbm>> -> memref<1x1x1x8x128xf32, #tpu.memory_space<hbm>>
      %dma_start3A_361 = tpu.memref_squeeze %dma_start3A_360 : memref<1x1x1x8x128xf32, #tpu.memory_space<hbm>> -> memref<8x128xf32, #tpu.memory_space<hbm>>
      %dma_start3A_362 = arith.constant 0 : i32
      %dma_start3A_363 = arith.constant 0 : i32
      %dma_start3A_364 = tpu.memref_slice %arg4[%mul3A_315, %dma_start3A_353, %add3A, %dma_start3A_362, %dma_start3A_363] : memref<200x8x32x8x128xf32, #tpu.memory_space<hbm>> -> memref<1x1x1x8x128xf32, #tpu.memory_space<hbm>>
      %dma_start3A_365 = tpu.memref_squeeze %dma_start3A_364 : memref<1x1x1x8x128xf32, #tpu.memory_space<hbm>> -> memref<8x128xf32, #tpu.memory_space<hbm>>
      %dma_start3A_366 = arith.constant 0 : i32
      %dma_start3A_367 = arith.constant 0 : i32
      %dma_start3A_368 = tpu.memref_slice %arg9[%dma_start3A_352, %dma_start3A_366, %dma_start3A_367] : memref<8x8x128xf32, #tpu.memory_space<vmem>> -> memref<1x8x128xf32, #tpu.memory_space<vmem>>
      %dma_start3A_369 = tpu.memref_squeeze %dma_start3A_368 : memref<1x8x128xf32, #tpu.memory_space<vmem>> -> memref<8x128xf32, #tpu.memory_space<vmem>>
      tpu.enqueue_dma source(%dma_start3A_369 : memref<8x128xf32, #tpu.memory_space<vmem>>) target(%dma_start3A_365 : memref<8x128xf32, #tpu.memory_space<hbm>>) target_semaphore(%arg13 : memref<!tpu.dma_semaphore, #tpu.memory_space<semaphore_mem>>)
      %dma_start3A_370 = arith.constant 1 : i32
      %dma_start3A_371 = arith.constant 1 : i32
      %dma_start3A_372 = arith.constant 0 : i32
      %dma_start3A_373 = arith.constant 0 : i32
      %dma_start3A_374 = tpu.memref_slice %arg9[%dma_start3A_370, %dma_start3A_372, %dma_start3A_373] : memref<8x8x128xf32, #tpu.memory_space<vmem>> -> memref<1x8x128xf32, #tpu.memory_space<vmem>>
      %dma_start3A_375 = tpu.memref_squeeze %dma_start3A_374 : memref<1x8x128xf32, #tpu.memory_space<vmem>> -> memref<8x128xf32, #tpu.memory_space<vmem>>
      %dma_start3A_376 = arith.constant 0 : i32
      %dma_start3A_377 = arith.constant 0 : i32
      %dma_start3A_378 = tpu.memref_slice %arg4[%mul3A_315, %dma_start3A_371, %add3A, %dma_start3A_376, %dma_start3A_377] : memref<200x8x32x8x128xf32, #tpu.memory_space<hbm>> -> memref<1x1x1x8x128xf32, #tpu.memory_space<hbm>>
      %dma_start3A_379 = tpu.memref_squeeze %dma_start3A_378 : memref<1x1x1x8x128xf32, #tpu.memory_space<hbm>> -> memref<8x128xf32, #tpu.memory_space<hbm>>
      %dma_start3A_380 = arith.constant 0 : i32
      %dma_start3A_381 = arith.constant 0 : i32
      %dma_start3A_382 = tpu.memref_slice %arg4[%mul3A_315, %dma_start3A_371, %add3A, %dma_start3A_380, %dma_start3A_381] : memref<200x8x32x8x128xf32, #tpu.memory_space<hbm>> -> memref<1x1x1x8x128xf32, #tpu.memory_space<hbm>>
      %dma_start3A_383 = tpu.memref_squeeze %dma_start3A_382 : memref<1x1x1x8x128xf32, #tpu.memory_space<hbm>> -> memref<8x128xf32, #tpu.memory_space<hbm>>
      %dma_start3A_384 = arith.constant 0 : i32
      %dma_start3A_385 = arith.constant 0 : i32
      %dma_start3A_386 = tpu.memref_slice %arg9[%dma_start3A_370, %dma_start3A_384, %dma_start3A_385] : memref<8x8x128xf32, #tpu.memory_space<vmem>> -> memref<1x8x128xf32, #tpu.memory_space<vmem>>
      %dma_start3A_387 = tpu.memref_squeeze %dma_start3A_386 : memref<1x8x128xf32, #tpu.memory_space<vmem>> -> memref<8x128xf32, #tpu.memory_space<vmem>>
      tpu.enqueue_dma source(%dma_start3A_387 : memref<8x128xf32, #tpu.memory_space<vmem>>) target(%dma_start3A_383 : memref<8x128xf32, #tpu.memory_space<hbm>>) target_semaphore(%arg13 : memref<!tpu.dma_semaphore, #tpu.memory_space<semaphore_mem>>)
      %dma_start3A_388 = arith.constant 2 : i32
      %dma_start3A_389 = arith.constant 2 : i32
      %dma_start3A_390 = arith.constant 0 : i32
      %dma_start3A_391 = arith.constant 0 : i32
      %dma_start3A_392 = tpu.memref_slice %arg9[%dma_start3A_388, %dma_start3A_390, %dma_start3A_391] : memref<8x8x128xf32, #tpu.memory_space<vmem>> -> memref<1x8x128xf32, #tpu.memory_space<vmem>>
      %dma_start3A_393 = tpu.memref_squeeze %dma_start3A_392 : memref<1x8x128xf32, #tpu.memory_space<vmem>> -> memref<8x128xf32, #tpu.memory_space<vmem>>
      %dma_start3A_394 = arith.constant 0 : i32
      %dma_start3A_395 = arith.constant 0 : i32
      %dma_start3A_396 = tpu.memref_slice %arg4[%mul3A_315, %dma_start3A_389, %add3A, %dma_start3A_394, %dma_start3A_395] : memref<200x8x32x8x128xf32, #tpu.memory_space<hbm>> -> memref<1x1x1x8x128xf32, #tpu.memory_space<hbm>>
      %dma_start3A_397 = tpu.memref_squeeze %dma_start3A_396 : memref<1x1x1x8x128xf32, #tpu.memory_space<hbm>> -> memref<8x128xf32, #tpu.memory_space<hbm>>
      %dma_start3A_398 = arith.constant 0 : i32
      %dma_start3A_399 = arith.constant 0 : i32
      %dma_start3A_400 = tpu.memref_slice %arg4[%mul3A_315, %dma_start3A_389, %add3A, %dma_start3A_398, %dma_start3A_399] : memref<200x8x32x8x128xf32, #tpu.memory_space<hbm>> -> memref<1x1x1x8x128xf32, #tpu.memory_space<hbm>>
      %dma_start3A_401 = tpu.memref_squeeze %dma_start3A_400 : memref<1x1x1x8x128xf32, #tpu.memory_space<hbm>> -> memref<8x128xf32, #tpu.memory_space<hbm>>
      %dma_start3A_402 = arith.constant 0 : i32
      %dma_start3A_403 = arith.constant 0 : i32
      %dma_start3A_404 = tpu.memref_slice %arg9[%dma_start3A_388, %dma_start3A_402, %dma_start3A_403] : memref<8x8x128xf32, #tpu.memory_space<vmem>> -> memref<1x8x128xf32, #tpu.memory_space<vmem>>
      %dma_start3A_405 = tpu.memref_squeeze %dma_start3A_404 : memref<1x8x128xf32, #tpu.memory_space<vmem>> -> memref<8x128xf32, #tpu.memory_space<vmem>>
      tpu.enqueue_dma source(%dma_start3A_405 : memref<8x128xf32, #tpu.memory_space<vmem>>) target(%dma_start3A_401 : memref<8x128xf32, #tpu.memory_space<hbm>>) target_semaphore(%arg13 : memref<!tpu.dma_semaphore, #tpu.memory_space<semaphore_mem>>)
      %dma_start3A_406 = arith.constant 3 : i32
      %dma_start3A_407 = arith.constant 3 : i32
      %dma_start3A_408 = arith.constant 0 : i32
      %dma_start3A_409 = arith.constant 0 : i32
      %dma_start3A_410 = tpu.memref_slice %arg9[%dma_start3A_406, %dma_start3A_408, %dma_start3A_409] : memref<8x8x128xf32, #tpu.memory_space<vmem>> -> memref<1x8x128xf32, #tpu.memory_space<vmem>>
      %dma_start3A_411 = tpu.memref_squeeze %dma_start3A_410 : memref<1x8x128xf32, #tpu.memory_space<vmem>> -> memref<8x128xf32, #tpu.memory_space<vmem>>
      %dma_start3A_412 = arith.constant 0 : i32
      %dma_start3A_413 = arith.constant 0 : i32
      %dma_start3A_414 = tpu.memref_slice %arg4[%mul3A_315, %dma_start3A_407, %add3A, %dma_start3A_412, %dma_start3A_413] : memref<200x8x32x8x128xf32, #tpu.memory_space<hbm>> -> memref<1x1x1x8x128xf32, #tpu.memory_space<hbm>>
      %dma_start3A_415 = tpu.memref_squeeze %dma_start3A_414 : memref<1x1x1x8x128xf32, #tpu.memory_space<hbm>> -> memref<8x128xf32, #tpu.memory_space<hbm>>
      %dma_start3A_416 = arith.constant 0 : i32
      %dma_start3A_417 = arith.constant 0 : i32
      %dma_start3A_418 = tpu.memref_slice %arg4[%mul3A_315, %dma_start3A_407, %add3A, %dma_start3A_416, %dma_start3A_417] : memref<200x8x32x8x128xf32, #tpu.memory_space<hbm>> -> memref<1x1x1x8x128xf32, #tpu.memory_space<hbm>>
      %dma_start3A_419 = tpu.memref_squeeze %dma_start3A_418 : memref<1x1x1x8x128xf32, #tpu.memory_space<hbm>> -> memref<8x128xf32, #tpu.memory_space<hbm>>
      %dma_start3A_420 = arith.constant 0 : i32
      %dma_start3A_421 = arith.constant 0 : i32
      %dma_start3A_422 = tpu.memref_slice %arg9[%dma_start3A_406, %dma_start3A_420, %dma_start3A_421] : memref<8x8x128xf32, #tpu.memory_space<vmem>> -> memref<1x8x128xf32, #tpu.memory_space<vmem>>
      %dma_start3A_423 = tpu.memref_squeeze %dma_start3A_422 : memref<1x8x128xf32, #tpu.memory_space<vmem>> -> memref<8x128xf32, #tpu.memory_space<vmem>>
      tpu.enqueue_dma source(%dma_start3A_423 : memref<8x128xf32, #tpu.memory_space<vmem>>) target(%dma_start3A_419 : memref<8x128xf32, #tpu.memory_space<hbm>>) target_semaphore(%arg13 : memref<!tpu.dma_semaphore, #tpu.memory_space<semaphore_mem>>)
      %dma_start3A_424 = arith.constant 4 : i32
      %dma_start3A_425 = arith.constant 4 : i32
      %dma_start3A_426 = arith.constant 0 : i32
      %dma_start3A_427 = arith.constant 0 : i32
      %dma_start3A_428 = tpu.memref_slice %arg9[%dma_start3A_424, %dma_start3A_426, %dma_start3A_427] : memref<8x8x128xf32, #tpu.memory_space<vmem>> -> memref<1x8x128xf32, #tpu.memory_space<vmem>>
      %dma_start3A_429 = tpu.memref_squeeze %dma_start3A_428 : memref<1x8x128xf32, #tpu.memory_space<vmem>> -> memref<8x128xf32, #tpu.memory_space<vmem>>
      %dma_start3A_430 = arith.constant 0 : i32
      %dma_start3A_431 = arith.constant 0 : i32
      %dma_start3A_432 = tpu.memref_slice %arg4[%mul3A_315, %dma_start3A_425, %add3A, %dma_start3A_430, %dma_start3A_431] : memref<200x8x32x8x128xf32, #tpu.memory_space<hbm>> -> memref<1x1x1x8x128xf32, #tpu.memory_space<hbm>>
      %dma_start3A_433 = tpu.memref_squeeze %dma_start3A_432 : memref<1x1x1x8x128xf32, #tpu.memory_space<hbm>> -> memref<8x128xf32, #tpu.memory_space<hbm>>
      %dma_start3A_434 = arith.constant 0 : i32
      %dma_start3A_435 = arith.constant 0 : i32
      %dma_start3A_436 = tpu.memref_slice %arg4[%mul3A_315, %dma_start3A_425, %add3A, %dma_start3A_434, %dma_start3A_435] : memref<200x8x32x8x128xf32, #tpu.memory_space<hbm>> -> memref<1x1x1x8x128xf32, #tpu.memory_space<hbm>>
      %dma_start3A_437 = tpu.memref_squeeze %dma_start3A_436 : memref<1x1x1x8x128xf32, #tpu.memory_space<hbm>> -> memref<8x128xf32, #tpu.memory_space<hbm>>
      %dma_start3A_438 = arith.constant 0 : i32
      %dma_start3A_439 = arith.constant 0 : i32
      %dma_start3A_440 = tpu.memref_slice %arg9[%dma_start3A_424, %dma_start3A_438, %dma_start3A_439] : memref<8x8x128xf32, #tpu.memory_space<vmem>> -> memref<1x8x128xf32, #tpu.memory_space<vmem>>
      %dma_start3A_441 = tpu.memref_squeeze %dma_start3A_440 : memref<1x8x128xf32, #tpu.memory_space<vmem>> -> memref<8x128xf32, #tpu.memory_space<vmem>>
      tpu.enqueue_dma source(%dma_start3A_441 : memref<8x128xf32, #tpu.memory_space<vmem>>) target(%dma_start3A_437 : memref<8x128xf32, #tpu.memory_space<hbm>>) target_semaphore(%arg13 : memref<!tpu.dma_semaphore, #tpu.memory_space<semaphore_mem>>)
      %dma_start3A_442 = arith.constant 5 : i32
      %dma_start3A_443 = arith.constant 5 : i32
      %dma_start3A_444 = arith.constant 0 : i32
      %dma_start3A_445 = arith.constant 0 : i32
      %dma_start3A_446 = tpu.memref_slice %arg9[%dma_start3A_442, %dma_start3A_444, %dma_start3A_445] : memref<8x8x128xf32, #tpu.memory_space<vmem>> -> memref<1x8x128xf32, #tpu.memory_space<vmem>>
      %dma_start3A_447 = tpu.memref_squeeze %dma_start3A_446 : memref<1x8x128xf32, #tpu.memory_space<vmem>> -> memref<8x128xf32, #tpu.memory_space<vmem>>
      %dma_start3A_448 = arith.constant 0 : i32
      %dma_start3A_449 = arith.constant 0 : i32
      %dma_start3A_450 = tpu.memref_slice %arg4[%mul3A_315, %dma_start3A_443, %add3A, %dma_start3A_448, %dma_start3A_449] : memref<200x8x32x8x128xf32, #tpu.memory_space<hbm>> -> memref<1x1x1x8x128xf32, #tpu.memory_space<hbm>>
      %dma_start3A_451 = tpu.memref_squeeze %dma_start3A_450 : memref<1x1x1x8x128xf32, #tpu.memory_space<hbm>> -> memref<8x128xf32, #tpu.memory_space<hbm>>
      %dma_start3A_452 = arith.constant 0 : i32
      %dma_start3A_453 = arith.constant 0 : i32
      %dma_start3A_454 = tpu.memref_slice %arg4[%mul3A_315, %dma_start3A_443, %add3A, %dma_start3A_452, %dma_start3A_453] : memref<200x8x32x8x128xf32, #tpu.memory_space<hbm>> -> memref<1x1x1x8x128xf32, #tpu.memory_space<hbm>>
      %dma_start3A_455 = tpu.memref_squeeze %dma_start3A_454 : memref<1x1x1x8x128xf32, #tpu.memory_space<hbm>> -> memref<8x128xf32, #tpu.memory_space<hbm>>
      %dma_start3A_456 = arith.constant 0 : i32
      %dma_start3A_457 = arith.constant 0 : i32
      %dma_start3A_458 = tpu.memref_slice %arg9[%dma_start3A_442, %dma_start3A_456, %dma_start3A_457] : memref<8x8x128xf32, #tpu.memory_space<vmem>> -> memref<1x8x128xf32, #tpu.memory_space<vmem>>
      %dma_start3A_459 = tpu.memref_squeeze %dma_start3A_458 : memref<1x8x128xf32, #tpu.memory_space<vmem>> -> memref<8x128xf32, #tpu.memory_space<vmem>>
      tpu.enqueue_dma source(%dma_start3A_459 : memref<8x128xf32, #tpu.memory_space<vmem>>) target(%dma_start3A_455 : memref<8x128xf32, #tpu.memory_space<hbm>>) target_semaphore(%arg13 : memref<!tpu.dma_semaphore, #tpu.memory_space<semaphore_mem>>)
      %dma_start3A_460 = arith.constant 6 : i32
      %dma_start3A_461 = arith.constant 6 : i32
      %dma_start3A_462 = arith.constant 0 : i32
      %dma_start3A_463 = arith.constant 0 : i32
      %dma_start3A_464 = tpu.memref_slice %arg9[%dma_start3A_460, %dma_start3A_462, %dma_start3A_463] : memref<8x8x128xf32, #tpu.memory_space<vmem>> -> memref<1x8x128xf32, #tpu.memory_space<vmem>>
      %dma_start3A_465 = tpu.memref_squeeze %dma_start3A_464 : memref<1x8x128xf32, #tpu.memory_space<vmem>> -> memref<8x128xf32, #tpu.memory_space<vmem>>
      %dma_start3A_466 = arith.constant 0 : i32
      %dma_start3A_467 = arith.constant 0 : i32
      %dma_start3A_468 = tpu.memref_slice %arg4[%mul3A_315, %dma_start3A_461, %add3A, %dma_start3A_466, %dma_start3A_467] : memref<200x8x32x8x128xf32, #tpu.memory_space<hbm>> -> memref<1x1x1x8x128xf32, #tpu.memory_space<hbm>>
      %dma_start3A_469 = tpu.memref_squeeze %dma_start3A_468 : memref<1x1x1x8x128xf32, #tpu.memory_space<hbm>> -> memref<8x128xf32, #tpu.memory_space<hbm>>
      %dma_start3A_470 = arith.constant 0 : i32
      %dma_start3A_471 = arith.constant 0 : i32
      %dma_start3A_472 = tpu.memref_slice %arg4[%mul3A_315, %dma_start3A_461, %add3A, %dma_start3A_470, %dma_start3A_471] : memref<200x8x32x8x128xf32, #tpu.memory_space<hbm>> -> memref<1x1x1x8x128xf32, #tpu.memory_space<hbm>>
      %dma_start3A_473 = tpu.memref_squeeze %dma_start3A_472 : memref<1x1x1x8x128xf32, #tpu.memory_space<hbm>> -> memref<8x128xf32, #tpu.memory_space<hbm>>
      %dma_start3A_474 = arith.constant 0 : i32
      %dma_start3A_475 = arith.constant 0 : i32
      %dma_start3A_476 = tpu.memref_slice %arg9[%dma_start3A_460, %dma_start3A_474, %dma_start3A_475] : memref<8x8x128xf32, #tpu.memory_space<vmem>> -> memref<1x8x128xf32, #tpu.memory_space<vmem>>
      %dma_start3A_477 = tpu.memref_squeeze %dma_start3A_476 : memref<1x8x128xf32, #tpu.memory_space<vmem>> -> memref<8x128xf32, #tpu.memory_space<vmem>>
      tpu.enqueue_dma source(%dma_start3A_477 : memref<8x128xf32, #tpu.memory_space<vmem>>) target(%dma_start3A_473 : memref<8x128xf32, #tpu.memory_space<hbm>>) target_semaphore(%arg13 : memref<!tpu.dma_semaphore, #tpu.memory_space<semaphore_mem>>)
      %dma_start3A_478 = arith.constant 7 : i32
      %dma_start3A_479 = arith.constant 7 : i32
      %dma_start3A_480 = arith.constant 0 : i32
      %dma_start3A_481 = arith.constant 0 : i32
      %dma_start3A_482 = tpu.memref_slice %arg9[%dma_start3A_478, %dma_start3A_480, %dma_start3A_481] : memref<8x8x128xf32, #tpu.memory_space<vmem>> -> memref<1x8x128xf32, #tpu.memory_space<vmem>>
      %dma_start3A_483 = tpu.memref_squeeze %dma_start3A_482 : memref<1x8x128xf32, #tpu.memory_space<vmem>> -> memref<8x128xf32, #tpu.memory_space<vmem>>
      %dma_start3A_484 = arith.constant 0 : i32
      %dma_start3A_485 = arith.constant 0 : i32
      %dma_start3A_486 = tpu.memref_slice %arg4[%mul3A_315, %dma_start3A_479, %add3A, %dma_start3A_484, %dma_start3A_485] : memref<200x8x32x8x128xf32, #tpu.memory_space<hbm>> -> memref<1x1x1x8x128xf32, #tpu.memory_space<hbm>>
      %dma_start3A_487 = tpu.memref_squeeze %dma_start3A_486 : memref<1x1x1x8x128xf32, #tpu.memory_space<hbm>> -> memref<8x128xf32, #tpu.memory_space<hbm>>
      %dma_start3A_488 = arith.constant 0 : i32
      %dma_start3A_489 = arith.constant 0 : i32
      %dma_start3A_490 = tpu.memref_slice %arg4[%mul3A_315, %dma_start3A_479, %add3A, %dma_start3A_488, %dma_start3A_489] : memref<200x8x32x8x128xf32, #tpu.memory_space<hbm>> -> memref<1x1x1x8x128xf32, #tpu.memory_space<hbm>>
      %dma_start3A_491 = tpu.memref_squeeze %dma_start3A_490 : memref<1x1x1x8x128xf32, #tpu.memory_space<hbm>> -> memref<8x128xf32, #tpu.memory_space<hbm>>
      %dma_start3A_492 = arith.constant 0 : i32
      %dma_start3A_493 = arith.constant 0 : i32
      %dma_start3A_494 = tpu.memref_slice %arg9[%dma_start3A_478, %dma_start3A_492, %dma_start3A_493] : memref<8x8x128xf32, #tpu.memory_space<vmem>> -> memref<1x8x128xf32, #tpu.memory_space<vmem>>
      %dma_start3A_495 = tpu.memref_squeeze %dma_start3A_494 : memref<1x8x128xf32, #tpu.memory_space<vmem>> -> memref<8x128xf32, #tpu.memory_space<vmem>>
      tpu.enqueue_dma source(%dma_start3A_495 : memref<8x128xf32, #tpu.memory_space<vmem>>) target(%dma_start3A_491 : memref<8x128xf32, #tpu.memory_space<hbm>>) target_semaphore(%arg13 : memref<!tpu.dma_semaphore, #tpu.memory_space<semaphore_mem>>)
      %add3A_496 = arith.constant 2 : i32
      %add3A_497 = arith.addi %mul3A_315, %add3A_496 : i32
      %lt3A = arith.constant 200 : i32
      %lt3A_498 = arith.cmpi slt, %add3A_497, %lt3A : i32
      %convert_element_type3A_499 = arith.extui %lt3A_498 : i1 to i32
      %cond3A_500 = arith.constant 0 : i32
      %cond3A_501 = arith.cmpi ne, %convert_element_type3A_499, %cond3A_500 : i32
      scf.if %cond3A_501 {
        %add3A_685 = arith.constant 2 : i32
        %add3A_686 = arith.addi %mul3A_315, %add3A_685 : i32
        "tpu.region"() ({
          %run_scoped3A_690 = tpu.sem_alloc : memref<!tpu.dma_semaphore, #tpu.memory_space<semaphore_mem>>
          %dma_start3A_691 = arith.constant 0 : i32
          %dma_start3A_692 = tpu.memref_slice %arg2[%add3A_686, %add3A, %dma_start3A_691] : memref<200x32x128xi32, #tpu.memory_space<hbm>> -> memref<1x1x128xi32, #tpu.memory_space<hbm>>
          %dma_start3A_693 = tpu.memref_squeeze %dma_start3A_692 : memref<1x1x128xi32, #tpu.memory_space<hbm>> -> memref<128xi32, #tpu.memory_space<hbm>>
          %dma_start3A_694 = arith.constant 0 : i32
          %dma_start3A_695 = tpu.memref_slice %arg2[%add3A_686, %add3A, %dma_start3A_694] : memref<200x32x128xi32, #tpu.memory_space<hbm>> -> memref<1x1x128xi32, #tpu.memory_space<hbm>>
          %dma_start3A_696 = tpu.memref_squeeze %dma_start3A_695 : memref<1x1x128xi32, #tpu.memory_space<hbm>> -> memref<128xi32, #tpu.memory_space<hbm>>
          tpu.enqueue_dma source(%dma_start3A_696 : memref<128xi32, #tpu.memory_space<hbm>>) target(%arg5 : memref<128xi32, #tpu.memory_space<vmem>>) target_semaphore(%run_scoped3A_690 : memref<!tpu.dma_semaphore, #tpu.memory_space<semaphore_mem>>)
          %dma_wait3A_697 = arith.constant 0 : i32
          %dma_wait3A_698 = tpu.memref_slice %arg2[%add3A_686, %add3A, %dma_wait3A_697] : memref<200x32x128xi32, #tpu.memory_space<hbm>> -> memref<1x1x128xi32, #tpu.memory_space<hbm>>
          %dma_wait3A_699 = tpu.memref_squeeze %dma_wait3A_698 : memref<1x1x128xi32, #tpu.memory_space<hbm>> -> memref<128xi32, #tpu.memory_space<hbm>>
          %dma_wait3A_700 = arith.constant 0 : i32
          %dma_wait3A_701 = tpu.memref_slice %arg2[%add3A_686, %add3A, %dma_wait3A_700] : memref<200x32x128xi32, #tpu.memory_space<hbm>> -> memref<1x1x128xi32, #tpu.memory_space<hbm>>
          %dma_wait3A_702 = tpu.memref_squeeze %dma_wait3A_701 : memref<1x1x128xi32, #tpu.memory_space<hbm>> -> memref<128xi32, #tpu.memory_space<hbm>>
          tpu.wait_dma2 semaphore(%run_scoped3A_690 : memref<!tpu.dma_semaphore, #tpu.memory_space<semaphore_mem>>) src(%dma_wait3A_702 : memref<128xi32, #tpu.memory_space<hbm>>) dst(%arg5 : memref<128xi32, #tpu.memory_space<vmem>>)
          tpu.yield
        }) : () -> ()
        %dma_start3A_687 = arith.constant 0 : i32
        %dma_start3A_688 = arith.constant 0 : i32
        %dma_start3A_689 = tpu.memref_slice %arg3[%dma_start3A_687, %dma_start3A_688] : memref<1000000x64xf32, #tpu.memory_space<hbm>> -> memref<1000000x64xf32, #tpu.memory_space<hbm>>
        tpu.enqueue_indirect_dma source(%dma_start3A_689 : memref<1000000x64xf32, #tpu.memory_space<hbm>>) target(%arg7 : memref<128x64xf32, #tpu.memory_space<vmem>>) offsets(%arg5 : memref<128xi32, #tpu.memory_space<vmem>>) semaphore(%arg11 : memref<!tpu.dma_semaphore, #tpu.memory_space<semaphore_mem>>)
      } else {
      }
      %dma_wait3A_502 = arith.constant 0 : i32
      %dma_wait3A_503 = arith.constant 0 : i32
      %dma_wait3A_504 = tpu.memref_slice %arg3[%dma_wait3A_502, %dma_wait3A_503] : memref<1000000x64xf32, #tpu.memory_space<hbm>> -> memref<1000000x64xf32, #tpu.memory_space<hbm>>
      tpu.wait_indirect_dma semaphore(%arg12 : memref<!tpu.dma_semaphore, #tpu.memory_space<semaphore_mem>>) src(%dma_wait3A_504 : memref<1000000x64xf32, #tpu.memory_space<hbm>>) dst(%arg8 : memref<128x64xf32, #tpu.memory_space<vmem>>)
      %add3A_505 = arith.constant 1 : i32
      %add3A_506 = arith.addi %mul3A_315, %add3A_505 : i32
      %ge3A_507 = arith.constant 2 : i32
      %ge3A_508 = arith.cmpi sge, %add3A_506, %ge3A_507 : i32
      %convert_element_type3A_509 = arith.extui %ge3A_508 : i1 to i32
      %cond3A_510 = arith.constant 0 : i32
      %cond3A_511 = arith.cmpi ne, %convert_element_type3A_509, %cond3A_510 : i32
      scf.if %cond3A_511 {
        %dma_wait3A_685 = arith.constant 0 : i32
        %dma_wait3A_686 = arith.constant 0 : i32
        %dma_wait3A_687 = arith.constant 0 : i32
        %dma_wait3A_688 = arith.constant 0 : i32
        %dma_wait3A_689 = tpu.memref_slice %arg10[%dma_wait3A_685, %dma_wait3A_687, %dma_wait3A_688] : memref<8x8x128xf32, #tpu.memory_space<vmem>> -> memref<1x8x128xf32, #tpu.memory_space<vmem>>
        %dma_wait3A_690 = tpu.memref_squeeze %dma_wait3A_689 : memref<1x8x128xf32, #tpu.memory_space<vmem>> -> memref<8x128xf32, #tpu.memory_space<vmem>>
        %dma_wait3A_691 = arith.constant 0 : i32
        %dma_wait3A_692 = arith.constant 0 : i32
        %dma_wait3A_693 = tpu.memref_slice %arg4[%add3A_506, %dma_wait3A_686, %add3A, %dma_wait3A_691, %dma_wait3A_692] : memref<200x8x32x8x128xf32, #tpu.memory_space<hbm>> -> memref<1x1x1x8x128xf32, #tpu.memory_space<hbm>>
        %dma_wait3A_694 = tpu.memref_squeeze %dma_wait3A_693 : memref<1x1x1x8x128xf32, #tpu.memory_space<hbm>> -> memref<8x128xf32, #tpu.memory_space<hbm>>
        %dma_wait3A_695 = arith.constant 0 : i32
        %dma_wait3A_696 = arith.constant 0 : i32
        %dma_wait3A_697 = tpu.memref_slice %arg4[%add3A_506, %dma_wait3A_686, %add3A, %dma_wait3A_695, %dma_wait3A_696] : memref<200x8x32x8x128xf32, #tpu.memory_space<hbm>> -> memref<1x1x1x8x128xf32, #tpu.memory_space<hbm>>
        %dma_wait3A_698 = tpu.memref_squeeze %dma_wait3A_697 : memref<1x1x1x8x128xf32, #tpu.memory_space<hbm>> -> memref<8x128xf32, #tpu.memory_space<hbm>>
        %dma_wait3A_699 = arith.constant 0 : i32
        %dma_wait3A_700 = arith.constant 0 : i32
        %dma_wait3A_701 = tpu.memref_slice %arg10[%dma_wait3A_685, %dma_wait3A_699, %dma_wait3A_700] : memref<8x8x128xf32, #tpu.memory_space<vmem>> -> memref<1x8x128xf32, #tpu.memory_space<vmem>>
        %dma_wait3A_702 = tpu.memref_squeeze %dma_wait3A_701 : memref<1x8x128xf32, #tpu.memory_space<vmem>> -> memref<8x128xf32, #tpu.memory_space<vmem>>
        tpu.wait_dma2 semaphore(%arg14 : memref<!tpu.dma_semaphore, #tpu.memory_space<semaphore_mem>>) src(%dma_wait3A_702 : memref<8x128xf32, #tpu.memory_space<vmem>>) dst(%dma_wait3A_698 : memref<8x128xf32, #tpu.memory_space<hbm>>)
        %dma_wait3A_703 = arith.constant 1 : i32
        %dma_wait3A_704 = arith.constant 1 : i32
        %dma_wait3A_705 = arith.constant 0 : i32
        %dma_wait3A_706 = arith.constant 0 : i32
        %dma_wait3A_707 = tpu.memref_slice %arg10[%dma_wait3A_703, %dma_wait3A_705, %dma_wait3A_706] : memref<8x8x128xf32, #tpu.memory_space<vmem>> -> memref<1x8x128xf32, #tpu.memory_space<vmem>>
        %dma_wait3A_708 = tpu.memref_squeeze %dma_wait3A_707 : memref<1x8x128xf32, #tpu.memory_space<vmem>> -> memref<8x128xf32, #tpu.memory_space<vmem>>
        %dma_wait3A_709 = arith.constant 0 : i32
        %dma_wait3A_710 = arith.constant 0 : i32
        %dma_wait3A_711 = tpu.memref_slice %arg4[%add3A_506, %dma_wait3A_704, %add3A, %dma_wait3A_709, %dma_wait3A_710] : memref<200x8x32x8x128xf32, #tpu.memory_space<hbm>> -> memref<1x1x1x8x128xf32, #tpu.memory_space<hbm>>
        %dma_wait3A_712 = tpu.memref_squeeze %dma_wait3A_711 : memref<1x1x1x8x128xf32, #tpu.memory_space<hbm>> -> memref<8x128xf32, #tpu.memory_space<hbm>>
        %dma_wait3A_713 = arith.constant 0 : i32
        %dma_wait3A_714 = arith.constant 0 : i32
        %dma_wait3A_715 = tpu.memref_slice %arg4[%add3A_506, %dma_wait3A_704, %add3A, %dma_wait3A_713, %dma_wait3A_714] : memref<200x8x32x8x128xf32, #tpu.memory_space<hbm>> -> memref<1x1x1x8x128xf32, #tpu.memory_space<hbm>>
        %dma_wait3A_716 = tpu.memref_squeeze %dma_wait3A_715 : memref<1x1x1x8x128xf32, #tpu.memory_space<hbm>> -> memref<8x128xf32, #tpu.memory_space<hbm>>
        %dma_wait3A_717 = arith.constant 0 : i32
        %dma_wait3A_718 = arith.constant 0 : i32
        %dma_wait3A_719 = tpu.memref_slice %arg10[%dma_wait3A_703, %dma_wait3A_717, %dma_wait3A_718] : memref<8x8x128xf32, #tpu.memory_space<vmem>> -> memref<1x8x128xf32, #tpu.memory_space<vmem>>
        %dma_wait3A_720 = tpu.memref_squeeze %dma_wait3A_719 : memref<1x8x128xf32, #tpu.memory_space<vmem>> -> memref<8x128xf32, #tpu.memory_space<vmem>>
        tpu.wait_dma2 semaphore(%arg14 : memref<!tpu.dma_semaphore, #tpu.memory_space<semaphore_mem>>) src(%dma_wait3A_720 : memref<8x128xf32, #tpu.memory_space<vmem>>) dst(%dma_wait3A_716 : memref<8x128xf32, #tpu.memory_space<hbm>>)
        %dma_wait3A_721 = arith.constant 2 : i32
        %dma_wait3A_722 = arith.constant 2 : i32
        %dma_wait3A_723 = arith.constant 0 : i32
        %dma_wait3A_724 = arith.constant 0 : i32
        %dma_wait3A_725 = tpu.memref_slice %arg10[%dma_wait3A_721, %dma_wait3A_723, %dma_wait3A_724] : memref<8x8x128xf32, #tpu.memory_space<vmem>> -> memref<1x8x128xf32, #tpu.memory_space<vmem>>
        %dma_wait3A_726 = tpu.memref_squeeze %dma_wait3A_725 : memref<1x8x128xf32, #tpu.memory_space<vmem>> -> memref<8x128xf32, #tpu.memory_space<vmem>>
        %dma_wait3A_727 = arith.constant 0 : i32
        %dma_wait3A_728 = arith.constant 0 : i32
        %dma_wait3A_729 = tpu.memref_slice %arg4[%add3A_506, %dma_wait3A_722, %add3A, %dma_wait3A_727, %dma_wait3A_728] : memref<200x8x32x8x128xf32, #tpu.memory_space<hbm>> -> memref<1x1x1x8x128xf32, #tpu.memory_space<hbm>>
        %dma_wait3A_730 = tpu.memref_squeeze %dma_wait3A_729 : memref<1x1x1x8x128xf32, #tpu.memory_space<hbm>> -> memref<8x128xf32, #tpu.memory_space<hbm>>
        %dma_wait3A_731 = arith.constant 0 : i32
        %dma_wait3A_732 = arith.constant 0 : i32
        %dma_wait3A_733 = tpu.memref_slice %arg4[%add3A_506, %dma_wait3A_722, %add3A, %dma_wait3A_731, %dma_wait3A_732] : memref<200x8x32x8x128xf32, #tpu.memory_space<hbm>> -> memref<1x1x1x8x128xf32, #tpu.memory_space<hbm>>
        %dma_wait3A_734 = tpu.memref_squeeze %dma_wait3A_733 : memref<1x1x1x8x128xf32, #tpu.memory_space<hbm>> -> memref<8x128xf32, #tpu.memory_space<hbm>>
        %dma_wait3A_735 = arith.constant 0 : i32
        %dma_wait3A_736 = arith.constant 0 : i32
        %dma_wait3A_737 = tpu.memref_slice %arg10[%dma_wait3A_721, %dma_wait3A_735, %dma_wait3A_736] : memref<8x8x128xf32, #tpu.memory_space<vmem>> -> memref<1x8x128xf32, #tpu.memory_space<vmem>>
        %dma_wait3A_738 = tpu.memref_squeeze %dma_wait3A_737 : memref<1x8x128xf32, #tpu.memory_space<vmem>> -> memref<8x128xf32, #tpu.memory_space<vmem>>
        tpu.wait_dma2 semaphore(%arg14 : memref<!tpu.dma_semaphore, #tpu.memory_space<semaphore_mem>>) src(%dma_wait3A_738 : memref<8x128xf32, #tpu.memory_space<vmem>>) dst(%dma_wait3A_734 : memref<8x128xf32, #tpu.memory_space<hbm>>)
        %dma_wait3A_739 = arith.constant 3 : i32
        %dma_wait3A_740 = arith.constant 3 : i32
        %dma_wait3A_741 = arith.constant 0 : i32
        %dma_wait3A_742 = arith.constant 0 : i32
        %dma_wait3A_743 = tpu.memref_slice %arg10[%dma_wait3A_739, %dma_wait3A_741, %dma_wait3A_742] : memref<8x8x128xf32, #tpu.memory_space<vmem>> -> memref<1x8x128xf32, #tpu.memory_space<vmem>>
        %dma_wait3A_744 = tpu.memref_squeeze %dma_wait3A_743 : memref<1x8x128xf32, #tpu.memory_space<vmem>> -> memref<8x128xf32, #tpu.memory_space<vmem>>
        %dma_wait3A_745 = arith.constant 0 : i32
        %dma_wait3A_746 = arith.constant 0 : i32
        %dma_wait3A_747 = tpu.memref_slice %arg4[%add3A_506, %dma_wait3A_740, %add3A, %dma_wait3A_745, %dma_wait3A_746] : memref<200x8x32x8x128xf32, #tpu.memory_space<hbm>> -> memref<1x1x1x8x128xf32, #tpu.memory_space<hbm>>
        %dma_wait3A_748 = tpu.memref_squeeze %dma_wait3A_747 : memref<1x1x1x8x128xf32, #tpu.memory_space<hbm>> -> memref<8x128xf32, #tpu.memory_space<hbm>>
        %dma_wait3A_749 = arith.constant 0 : i32
        %dma_wait3A_750 = arith.constant 0 : i32
        %dma_wait3A_751 = tpu.memref_slice %arg4[%add3A_506, %dma_wait3A_740, %add3A, %dma_wait3A_749, %dma_wait3A_750] : memref<200x8x32x8x128xf32, #tpu.memory_space<hbm>> -> memref<1x1x1x8x128xf32, #tpu.memory_space<hbm>>
        %dma_wait3A_752 = tpu.memref_squeeze %dma_wait3A_751 : memref<1x1x1x8x128xf32, #tpu.memory_space<hbm>> -> memref<8x128xf32, #tpu.memory_space<hbm>>
        %dma_wait3A_753 = arith.constant 0 : i32
        %dma_wait3A_754 = arith.constant 0 : i32
        %dma_wait3A_755 = tpu.memref_slice %arg10[%dma_wait3A_739, %dma_wait3A_753, %dma_wait3A_754] : memref<8x8x128xf32, #tpu.memory_space<vmem>> -> memref<1x8x128xf32, #tpu.memory_space<vmem>>
        %dma_wait3A_756 = tpu.memref_squeeze %dma_wait3A_755 : memref<1x8x128xf32, #tpu.memory_space<vmem>> -> memref<8x128xf32, #tpu.memory_space<vmem>>
        tpu.wait_dma2 semaphore(%arg14 : memref<!tpu.dma_semaphore, #tpu.memory_space<semaphore_mem>>) src(%dma_wait3A_756 : memref<8x128xf32, #tpu.memory_space<vmem>>) dst(%dma_wait3A_752 : memref<8x128xf32, #tpu.memory_space<hbm>>)
        %dma_wait3A_757 = arith.constant 4 : i32
        %dma_wait3A_758 = arith.constant 4 : i32
        %dma_wait3A_759 = arith.constant 0 : i32
        %dma_wait3A_760 = arith.constant 0 : i32
        %dma_wait3A_761 = tpu.memref_slice %arg10[%dma_wait3A_757, %dma_wait3A_759, %dma_wait3A_760] : memref<8x8x128xf32, #tpu.memory_space<vmem>> -> memref<1x8x128xf32, #tpu.memory_space<vmem>>
        %dma_wait3A_762 = tpu.memref_squeeze %dma_wait3A_761 : memref<1x8x128xf32, #tpu.memory_space<vmem>> -> memref<8x128xf32, #tpu.memory_space<vmem>>
        %dma_wait3A_763 = arith.constant 0 : i32
        %dma_wait3A_764 = arith.constant 0 : i32
        %dma_wait3A_765 = tpu.memref_slice %arg4[%add3A_506, %dma_wait3A_758, %add3A, %dma_wait3A_763, %dma_wait3A_764] : memref<200x8x32x8x128xf32, #tpu.memory_space<hbm>> -> memref<1x1x1x8x128xf32, #tpu.memory_space<hbm>>
        %dma_wait3A_766 = tpu.memref_squeeze %dma_wait3A_765 : memref<1x1x1x8x128xf32, #tpu.memory_space<hbm>> -> memref<8x128xf32, #tpu.memory_space<hbm>>
        %dma_wait3A_767 = arith.constant 0 : i32
        %dma_wait3A_768 = arith.constant 0 : i32
        %dma_wait3A_769 = tpu.memref_slice %arg4[%add3A_506, %dma_wait3A_758, %add3A, %dma_wait3A_767, %dma_wait3A_768] : memref<200x8x32x8x128xf32, #tpu.memory_space<hbm>> -> memref<1x1x1x8x128xf32, #tpu.memory_space<hbm>>
        %dma_wait3A_770 = tpu.memref_squeeze %dma_wait3A_769 : memref<1x1x1x8x128xf32, #tpu.memory_space<hbm>> -> memref<8x128xf32, #tpu.memory_space<hbm>>
        %dma_wait3A_771 = arith.constant 0 : i32
        %dma_wait3A_772 = arith.constant 0 : i32
        %dma_wait3A_773 = tpu.memref_slice %arg10[%dma_wait3A_757, %dma_wait3A_771, %dma_wait3A_772] : memref<8x8x128xf32, #tpu.memory_space<vmem>> -> memref<1x8x128xf32, #tpu.memory_space<vmem>>
        %dma_wait3A_774 = tpu.memref_squeeze %dma_wait3A_773 : memref<1x8x128xf32, #tpu.memory_space<vmem>> -> memref<8x128xf32, #tpu.memory_space<vmem>>
        tpu.wait_dma2 semaphore(%arg14 : memref<!tpu.dma_semaphore, #tpu.memory_space<semaphore_mem>>) src(%dma_wait3A_774 : memref<8x128xf32, #tpu.memory_space<vmem>>) dst(%dma_wait3A_770 : memref<8x128xf32, #tpu.memory_space<hbm>>)
        %dma_wait3A_775 = arith.constant 5 : i32
        %dma_wait3A_776 = arith.constant 5 : i32
        %dma_wait3A_777 = arith.constant 0 : i32
        %dma_wait3A_778 = arith.constant 0 : i32
        %dma_wait3A_779 = tpu.memref_slice %arg10[%dma_wait3A_775, %dma_wait3A_777, %dma_wait3A_778] : memref<8x8x128xf32, #tpu.memory_space<vmem>> -> memref<1x8x128xf32, #tpu.memory_space<vmem>>
        %dma_wait3A_780 = tpu.memref_squeeze %dma_wait3A_779 : memref<1x8x128xf32, #tpu.memory_space<vmem>> -> memref<8x128xf32, #tpu.memory_space<vmem>>
        %dma_wait3A_781 = arith.constant 0 : i32
        %dma_wait3A_782 = arith.constant 0 : i32
        %dma_wait3A_783 = tpu.memref_slice %arg4[%add3A_506, %dma_wait3A_776, %add3A, %dma_wait3A_781, %dma_wait3A_782] : memref<200x8x32x8x128xf32, #tpu.memory_space<hbm>> -> memref<1x1x1x8x128xf32, #tpu.memory_space<hbm>>
        %dma_wait3A_784 = tpu.memref_squeeze %dma_wait3A_783 : memref<1x1x1x8x128xf32, #tpu.memory_space<hbm>> -> memref<8x128xf32, #tpu.memory_space<hbm>>
        %dma_wait3A_785 = arith.constant 0 : i32
        %dma_wait3A_786 = arith.constant 0 : i32
        %dma_wait3A_787 = tpu.memref_slice %arg4[%add3A_506, %dma_wait3A_776, %add3A, %dma_wait3A_785, %dma_wait3A_786] : memref<200x8x32x8x128xf32, #tpu.memory_space<hbm>> -> memref<1x1x1x8x128xf32, #tpu.memory_space<hbm>>
        %dma_wait3A_788 = tpu.memref_squeeze %dma_wait3A_787 : memref<1x1x1x8x128xf32, #tpu.memory_space<hbm>> -> memref<8x128xf32, #tpu.memory_space<hbm>>
        %dma_wait3A_789 = arith.constant 0 : i32
        %dma_wait3A_790 = arith.constant 0 : i32
        %dma_wait3A_791 = tpu.memref_slice %arg10[%dma_wait3A_775, %dma_wait3A_789, %dma_wait3A_790] : memref<8x8x128xf32, #tpu.memory_space<vmem>> -> memref<1x8x128xf32, #tpu.memory_space<vmem>>
        %dma_wait3A_792 = tpu.memref_squeeze %dma_wait3A_791 : memref<1x8x128xf32, #tpu.memory_space<vmem>> -> memref<8x128xf32, #tpu.memory_space<vmem>>
        tpu.wait_dma2 semaphore(%arg14 : memref<!tpu.dma_semaphore, #tpu.memory_space<semaphore_mem>>) src(%dma_wait3A_792 : memref<8x128xf32, #tpu.memory_space<vmem>>) dst(%dma_wait3A_788 : memref<8x128xf32, #tpu.memory_space<hbm>>)
        %dma_wait3A_793 = arith.constant 6 : i32
        %dma_wait3A_794 = arith.constant 6 : i32
        %dma_wait3A_795 = arith.constant 0 : i32
        %dma_wait3A_796 = arith.constant 0 : i32
        %dma_wait3A_797 = tpu.memref_slice %arg10[%dma_wait3A_793, %dma_wait3A_795, %dma_wait3A_796] : memref<8x8x128xf32, #tpu.memory_space<vmem>> -> memref<1x8x128xf32, #tpu.memory_space<vmem>>
        %dma_wait3A_798 = tpu.memref_squeeze %dma_wait3A_797 : memref<1x8x128xf32, #tpu.memory_space<vmem>> -> memref<8x128xf32, #tpu.memory_space<vmem>>
        %dma_wait3A_799 = arith.constant 0 : i32
        %dma_wait3A_800 = arith.constant 0 : i32
        %dma_wait3A_801 = tpu.memref_slice %arg4[%add3A_506, %dma_wait3A_794, %add3A, %dma_wait3A_799, %dma_wait3A_800] : memref<200x8x32x8x128xf32, #tpu.memory_space<hbm>> -> memref<1x1x1x8x128xf32, #tpu.memory_space<hbm>>
        %dma_wait3A_802 = tpu.memref_squeeze %dma_wait3A_801 : memref<1x1x1x8x128xf32, #tpu.memory_space<hbm>> -> memref<8x128xf32, #tpu.memory_space<hbm>>
        %dma_wait3A_803 = arith.constant 0 : i32
        %dma_wait3A_804 = arith.constant 0 : i32
        %dma_wait3A_805 = tpu.memref_slice %arg4[%add3A_506, %dma_wait3A_794, %add3A, %dma_wait3A_803, %dma_wait3A_804] : memref<200x8x32x8x128xf32, #tpu.memory_space<hbm>> -> memref<1x1x1x8x128xf32, #tpu.memory_space<hbm>>
        %dma_wait3A_806 = tpu.memref_squeeze %dma_wait3A_805 : memref<1x1x1x8x128xf32, #tpu.memory_space<hbm>> -> memref<8x128xf32, #tpu.memory_space<hbm>>
        %dma_wait3A_807 = arith.constant 0 : i32
        %dma_wait3A_808 = arith.constant 0 : i32
        %dma_wait3A_809 = tpu.memref_slice %arg10[%dma_wait3A_793, %dma_wait3A_807, %dma_wait3A_808] : memref<8x8x128xf32, #tpu.memory_space<vmem>> -> memref<1x8x128xf32, #tpu.memory_space<vmem>>
        %dma_wait3A_810 = tpu.memref_squeeze %dma_wait3A_809 : memref<1x8x128xf32, #tpu.memory_space<vmem>> -> memref<8x128xf32, #tpu.memory_space<vmem>>
        tpu.wait_dma2 semaphore(%arg14 : memref<!tpu.dma_semaphore, #tpu.memory_space<semaphore_mem>>) src(%dma_wait3A_810 : memref<8x128xf32, #tpu.memory_space<vmem>>) dst(%dma_wait3A_806 : memref<8x128xf32, #tpu.memory_space<hbm>>)
        %dma_wait3A_811 = arith.constant 7 : i32
        %dma_wait3A_812 = arith.constant 7 : i32
        %dma_wait3A_813 = arith.constant 0 : i32
        %dma_wait3A_814 = arith.constant 0 : i32
        %dma_wait3A_815 = tpu.memref_slice %arg10[%dma_wait3A_811, %dma_wait3A_813, %dma_wait3A_814] : memref<8x8x128xf32, #tpu.memory_space<vmem>> -> memref<1x8x128xf32, #tpu.memory_space<vmem>>
        %dma_wait3A_816 = tpu.memref_squeeze %dma_wait3A_815 : memref<1x8x128xf32, #tpu.memory_space<vmem>> -> memref<8x128xf32, #tpu.memory_space<vmem>>
        %dma_wait3A_817 = arith.constant 0 : i32
        %dma_wait3A_818 = arith.constant 0 : i32
        %dma_wait3A_819 = tpu.memref_slice %arg4[%add3A_506, %dma_wait3A_812, %add3A, %dma_wait3A_817, %dma_wait3A_818] : memref<200x8x32x8x128xf32, #tpu.memory_space<hbm>> -> memref<1x1x1x8x128xf32, #tpu.memory_space<hbm>>
        %dma_wait3A_820 = tpu.memref_squeeze %dma_wait3A_819 : memref<1x1x1x8x128xf32, #tpu.memory_space<hbm>> -> memref<8x128xf32, #tpu.memory_space<hbm>>
        %dma_wait3A_821 = arith.constant 0 : i32
        %dma_wait3A_822 = arith.constant 0 : i32
        %dma_wait3A_823 = tpu.memref_slice %arg4[%add3A_506, %dma_wait3A_812, %add3A, %dma_wait3A_821, %dma_wait3A_822] : memref<200x8x32x8x128xf32, #tpu.memory_space<hbm>> -> memref<1x1x1x8x128xf32, #tpu.memory_space<hbm>>
        %dma_wait3A_824 = tpu.memref_squeeze %dma_wait3A_823 : memref<1x1x1x8x128xf32, #tpu.memory_space<hbm>> -> memref<8x128xf32, #tpu.memory_space<hbm>>
        %dma_wait3A_825 = arith.constant 0 : i32
        %dma_wait3A_826 = arith.constant 0 : i32
        %dma_wait3A_827 = tpu.memref_slice %arg10[%dma_wait3A_811, %dma_wait3A_825, %dma_wait3A_826] : memref<8x8x128xf32, #tpu.memory_space<vmem>> -> memref<1x8x128xf32, #tpu.memory_space<vmem>>
        %dma_wait3A_828 = tpu.memref_squeeze %dma_wait3A_827 : memref<1x8x128xf32, #tpu.memory_space<vmem>> -> memref<8x128xf32, #tpu.memory_space<vmem>>
        tpu.wait_dma2 semaphore(%arg14 : memref<!tpu.dma_semaphore, #tpu.memory_space<semaphore_mem>>) src(%dma_wait3A_828 : memref<8x128xf32, #tpu.memory_space<vmem>>) dst(%dma_wait3A_824 : memref<8x128xf32, #tpu.memory_space<hbm>>)
      } else {
      }
      %iota3A_512 = tpu.iota {dimensions = array<i32: 0>} : vector<16xi32>
      %add3A_513 = arith.constant 0 : i32
      %add3A_514 = vector.broadcast %add3A_513 : i32 to vector<16xi32>
      %add3A_515 = arith.addi %iota3A_512, %add3A_514 : vector<16xi32>
      %add3A_516 = arith.constant 16 : i32
      %add3A_517 = vector.broadcast %add3A_516 : i32 to vector<16xi32>
      %add3A_518 = arith.addi %iota3A_512, %add3A_517 : vector<16xi32>
      %add3A_519 = arith.constant 32 : i32
      %add3A_520 = vector.broadcast %add3A_519 : i32 to vector<16xi32>
      %add3A_521 = arith.addi %iota3A_512, %add3A_520 : vector<16xi32>
      %add3A_522 = arith.constant 48 : i32
      %add3A_523 = vector.broadcast %add3A_522 : i32 to vector<16xi32>
      %add3A_524 = arith.addi %iota3A_512, %add3A_523 : vector<16xi32>
      %add3A_525 = arith.constant 64 : i32
      %add3A_526 = vector.broadcast %add3A_525 : i32 to vector<16xi32>
      %add3A_527 = arith.addi %iota3A_512, %add3A_526 : vector<16xi32>
      %add3A_528 = arith.constant 80 : i32
      %add3A_529 = vector.broadcast %add3A_528 : i32 to vector<16xi32>
      %add3A_530 = arith.addi %iota3A_512, %add3A_529 : vector<16xi32>
      %add3A_531 = arith.constant 96 : i32
      %add3A_532 = vector.broadcast %add3A_531 : i32 to vector<16xi32>
      %add3A_533 = arith.addi %iota3A_512, %add3A_532 : vector<16xi32>
      %add3A_534 = arith.constant 112 : i32
      %add3A_535 = vector.broadcast %add3A_534 : i32 to vector<16xi32>
      %add3A_536 = arith.addi %iota3A_512, %add3A_535 : vector<16xi32>
      %parallel_loop3A_537 = arith.constant 0 : i32
      %parallel_loop3A_538 = arith.constant 16 : i32
      %parallel_loop3A_539 = arith.constant 1 : i32
      scf.for %parallel_loop3A_685 = %parallel_loop3A_537 to %parallel_loop3A_538 step %parallel_loop3A_539  : i32 {
        %parallel_loop3A_686 = vector.broadcast %parallel_loop3A_685 : i32 to vector<16xi32>
        %parallel_loop3A_687 = arith.addi %iota3A_512, %parallel_loop3A_686 : vector<16xi32>
        %parallel_loop3A_688 = arith.constant 16 : i32
        %parallel_loop3A_689 = vector.broadcast %parallel_loop3A_688 : i32 to vector<16xi32>
        %parallel_loop3A_690 = arith.remsi %parallel_loop3A_687, %parallel_loop3A_689 : vector<16xi32>
        %parallel_loop3A_691 = arith.constant 3 : i32
        %parallel_loop3A_692 = vector.broadcast %parallel_loop3A_691 : i32 to vector<16xi32>
        %parallel_loop3A_693 = arith.shrsi %parallel_loop3A_690, %parallel_loop3A_692 : vector<16xi32>
        %parallel_loop3A_694 = arith.constant 7 : i32
        %parallel_loop3A_695 = vector.broadcast %parallel_loop3A_694 : i32 to vector<16xi32>
        %parallel_loop3A_696 = arith.andi %parallel_loop3A_690, %parallel_loop3A_695 : vector<16xi32>
        %parallel_loop3A_697 = arith.constant 0 : i32
        %parallel_loop3A_698 = vector.broadcast %parallel_loop3A_697 : i32 to vector<16xi32>
        %parallel_loop3A_699 = arith.addi %parallel_loop3A_690, %parallel_loop3A_698 : vector<16xi32>
        %parallel_loop3A_700 = arith.constant 0 : i32
        %parallel_loop3A_701 = vector.broadcast %parallel_loop3A_700 : i32 to vector<16xi32>
        %parallel_loop3A_702 = arith.addi %parallel_loop3A_693, %parallel_loop3A_701 : vector<16xi32>
        %parallel_loop3A_703 = tpu.vector_load_idx %arg8[%add3A_515, %parallel_loop3A_699] : memref<128x64xf32, #tpu.memory_space<vmem>>[vector<16xi32>, vector<16xi32>], vector<16xf32>,
        %parallel_loop3A_704 = arith.constant 8.000000e+00 : f32
        %parallel_loop3A_705 = vector.broadcast %parallel_loop3A_704 : f32 to vector<16xf32>
        %parallel_loop3A_706 = arith.mulf %parallel_loop3A_703, %parallel_loop3A_705 : vector<16xf32>
        tpu.vector_store_idx %arg10[%parallel_loop3A_702, %parallel_loop3A_696, %add3A_515], %parallel_loop3A_706 : memref<8x8x128xf32, #tpu.memory_space<vmem>>[vector<16xi32>, vector<16xi32>, vector<16xi32>], vector<16xf32>,
        %parallel_loop3A_707 = tpu.vector_load_idx %arg8[%add3A_518, %parallel_loop3A_699] : memref<128x64xf32, #tpu.memory_space<vmem>>[vector<16xi32>, vector<16xi32>], vector<16xf32>,
        %parallel_loop3A_708 = arith.constant 8.000000e+00 : f32
        %parallel_loop3A_709 = vector.broadcast %parallel_loop3A_708 : f32 to vector<16xf32>
        %parallel_loop3A_710 = arith.mulf %parallel_loop3A_707, %parallel_loop3A_709 : vector<16xf32>
        tpu.vector_store_idx %arg10[%parallel_loop3A_702, %parallel_loop3A_696, %add3A_518], %parallel_loop3A_710 : memref<8x8x128xf32, #tpu.memory_space<vmem>>[vector<16xi32>, vector<16xi32>, vector<16xi32>], vector<16xf32>,
        %parallel_loop3A_711 = tpu.vector_load_idx %arg8[%add3A_521, %parallel_loop3A_699] : memref<128x64xf32, #tpu.memory_space<vmem>>[vector<16xi32>, vector<16xi32>], vector<16xf32>,
        %parallel_loop3A_712 = arith.constant 8.000000e+00 : f32
        %parallel_loop3A_713 = vector.broadcast %parallel_loop3A_712 : f32 to vector<16xf32>
        %parallel_loop3A_714 = arith.mulf %parallel_loop3A_711, %parallel_loop3A_713 : vector<16xf32>
        tpu.vector_store_idx %arg10[%parallel_loop3A_702, %parallel_loop3A_696, %add3A_521], %parallel_loop3A_714 : memref<8x8x128xf32, #tpu.memory_space<vmem>>[vector<16xi32>, vector<16xi32>, vector<16xi32>], vector<16xf32>,
        %parallel_loop3A_715 = tpu.vector_load_idx %arg8[%add3A_524, %parallel_loop3A_699] : memref<128x64xf32, #tpu.memory_space<vmem>>[vector<16xi32>, vector<16xi32>], vector<16xf32>,
        %parallel_loop3A_716 = arith.constant 8.000000e+00 : f32
        %parallel_loop3A_717 = vector.broadcast %parallel_loop3A_716 : f32 to vector<16xf32>
        %parallel_loop3A_718 = arith.mulf %parallel_loop3A_715, %parallel_loop3A_717 : vector<16xf32>
        tpu.vector_store_idx %arg10[%parallel_loop3A_702, %parallel_loop3A_696, %add3A_524], %parallel_loop3A_718 : memref<8x8x128xf32, #tpu.memory_space<vmem>>[vector<16xi32>, vector<16xi32>, vector<16xi32>], vector<16xf32>,
        %parallel_loop3A_719 = tpu.vector_load_idx %arg8[%add3A_527, %parallel_loop3A_699] : memref<128x64xf32, #tpu.memory_space<vmem>>[vector<16xi32>, vector<16xi32>], vector<16xf32>,
        %parallel_loop3A_720 = arith.constant 8.000000e+00 : f32
        %parallel_loop3A_721 = vector.broadcast %parallel_loop3A_720 : f32 to vector<16xf32>
        %parallel_loop3A_722 = arith.mulf %parallel_loop3A_719, %parallel_loop3A_721 : vector<16xf32>
        tpu.vector_store_idx %arg10[%parallel_loop3A_702, %parallel_loop3A_696, %add3A_527], %parallel_loop3A_722 : memref<8x8x128xf32, #tpu.memory_space<vmem>>[vector<16xi32>, vector<16xi32>, vector<16xi32>], vector<16xf32>,
        %parallel_loop3A_723 = tpu.vector_load_idx %arg8[%add3A_530, %parallel_loop3A_699] : memref<128x64xf32, #tpu.memory_space<vmem>>[vector<16xi32>, vector<16xi32>], vector<16xf32>,
        %parallel_loop3A_724 = arith.constant 8.000000e+00 : f32
        %parallel_loop3A_725 = vector.broadcast %parallel_loop3A_724 : f32 to vector<16xf32>
        %parallel_loop3A_726 = arith.mulf %parallel_loop3A_723, %parallel_loop3A_725 : vector<16xf32>
        tpu.vector_store_idx %arg10[%parallel_loop3A_702, %parallel_loop3A_696, %add3A_530], %parallel_loop3A_726 : memref<8x8x128xf32, #tpu.memory_space<vmem>>[vector<16xi32>, vector<16xi32>, vector<16xi32>], vector<16xf32>,
        %parallel_loop3A_727 = tpu.vector_load_idx %arg8[%add3A_533, %parallel_loop3A_699] : memref<128x64xf32, #tpu.memory_space<vmem>>[vector<16xi32>, vector<16xi32>], vector<16xf32>,
        %parallel_loop3A_728 = arith.constant 8.000000e+00 : f32
        %parallel_loop3A_729 = vector.broadcast %parallel_loop3A_728 : f32 to vector<16xf32>
        %parallel_loop3A_730 = arith.mulf %parallel_loop3A_727, %parallel_loop3A_729 : vector<16xf32>
        tpu.vector_store_idx %arg10[%parallel_loop3A_702, %parallel_loop3A_696, %add3A_533], %parallel_loop3A_730 : memref<8x8x128xf32, #tpu.memory_space<vmem>>[vector<16xi32>, vector<16xi32>, vector<16xi32>], vector<16xf32>,
        %parallel_loop3A_731 = tpu.vector_load_idx %arg8[%add3A_536, %parallel_loop3A_699] : memref<128x64xf32, #tpu.memory_space<vmem>>[vector<16xi32>, vector<16xi32>], vector<16xf32>,
        %parallel_loop3A_732 = arith.constant 8.000000e+00 : f32
        %parallel_loop3A_733 = vector.broadcast %parallel_loop3A_732 : f32 to vector<16xf32>
        %parallel_loop3A_734 = arith.mulf %parallel_loop3A_731, %parallel_loop3A_733 : vector<16xf32>
        tpu.vector_store_idx %arg10[%parallel_loop3A_702, %parallel_loop3A_696, %add3A_536], %parallel_loop3A_734 : memref<8x8x128xf32, #tpu.memory_space<vmem>>[vector<16xi32>, vector<16xi32>, vector<16xi32>], vector<16xf32>,
        %parallel_loop3A_735 = arith.constant 16 : i32
        %parallel_loop3A_736 = vector.broadcast %parallel_loop3A_735 : i32 to vector<16xi32>
        %parallel_loop3A_737 = arith.addi %parallel_loop3A_690, %parallel_loop3A_736 : vector<16xi32>
        %parallel_loop3A_738 = arith.constant 2 : i32
        %parallel_loop3A_739 = vector.broadcast %parallel_loop3A_738 : i32 to vector<16xi32>
        %parallel_loop3A_740 = arith.addi %parallel_loop3A_693, %parallel_loop3A_739 : vector<16xi32>
        %parallel_loop3A_741 = tpu.vector_load_idx %arg8[%add3A_515, %parallel_loop3A_737] : memref<128x64xf32, #tpu.memory_space<vmem>>[vector<16xi32>, vector<16xi32>], vector<16xf32>,
        %parallel_loop3A_742 = arith.constant 8.000000e+00 : f32
        %parallel_loop3A_743 = vector.broadcast %parallel_loop3A_742 : f32 to vector<16xf32>
        %parallel_loop3A_744 = arith.mulf %parallel_loop3A_741, %parallel_loop3A_743 : vector<16xf32>
        tpu.vector_store_idx %arg10[%parallel_loop3A_740, %parallel_loop3A_696, %add3A_515], %parallel_loop3A_744 : memref<8x8x128xf32, #tpu.memory_space<vmem>>[vector<16xi32>, vector<16xi32>, vector<16xi32>], vector<16xf32>,
        %parallel_loop3A_745 = tpu.vector_load_idx %arg8[%add3A_518, %parallel_loop3A_737] : memref<128x64xf32, #tpu.memory_space<vmem>>[vector<16xi32>, vector<16xi32>], vector<16xf32>,
        %parallel_loop3A_746 = arith.constant 8.000000e+00 : f32
        %parallel_loop3A_747 = vector.broadcast %parallel_loop3A_746 : f32 to vector<16xf32>
        %parallel_loop3A_748 = arith.mulf %parallel_loop3A_745, %parallel_loop3A_747 : vector<16xf32>
        tpu.vector_store_idx %arg10[%parallel_loop3A_740, %parallel_loop3A_696, %add3A_518], %parallel_loop3A_748 : memref<8x8x128xf32, #tpu.memory_space<vmem>>[vector<16xi32>, vector<16xi32>, vector<16xi32>], vector<16xf32>,
        %parallel_loop3A_749 = tpu.vector_load_idx %arg8[%add3A_521, %parallel_loop3A_737] : memref<128x64xf32, #tpu.memory_space<vmem>>[vector<16xi32>, vector<16xi32>], vector<16xf32>,
        %parallel_loop3A_750 = arith.constant 8.000000e+00 : f32
        %parallel_loop3A_751 = vector.broadcast %parallel_loop3A_750 : f32 to vector<16xf32>
        %parallel_loop3A_752 = arith.mulf %parallel_loop3A_749, %parallel_loop3A_751 : vector<16xf32>
        tpu.vector_store_idx %arg10[%parallel_loop3A_740, %parallel_loop3A_696, %add3A_521], %parallel_loop3A_752 : memref<8x8x128xf32, #tpu.memory_space<vmem>>[vector<16xi32>, vector<16xi32>, vector<16xi32>], vector<16xf32>,
        %parallel_loop3A_753 = tpu.vector_load_idx %arg8[%add3A_524, %parallel_loop3A_737] : memref<128x64xf32, #tpu.memory_space<vmem>>[vector<16xi32>, vector<16xi32>], vector<16xf32>,
        %parallel_loop3A_754 = arith.constant 8.000000e+00 : f32
        %parallel_loop3A_755 = vector.broadcast %parallel_loop3A_754 : f32 to vector<16xf32>
        %parallel_loop3A_756 = arith.mulf %parallel_loop3A_753, %parallel_loop3A_755 : vector<16xf32>
        tpu.vector_store_idx %arg10[%parallel_loop3A_740, %parallel_loop3A_696, %add3A_524], %parallel_loop3A_756 : memref<8x8x128xf32, #tpu.memory_space<vmem>>[vector<16xi32>, vector<16xi32>, vector<16xi32>], vector<16xf32>,
        %parallel_loop3A_757 = tpu.vector_load_idx %arg8[%add3A_527, %parallel_loop3A_737] : memref<128x64xf32, #tpu.memory_space<vmem>>[vector<16xi32>, vector<16xi32>], vector<16xf32>,
        %parallel_loop3A_758 = arith.constant 8.000000e+00 : f32
        %parallel_loop3A_759 = vector.broadcast %parallel_loop3A_758 : f32 to vector<16xf32>
        %parallel_loop3A_760 = arith.mulf %parallel_loop3A_757, %parallel_loop3A_759 : vector<16xf32>
        tpu.vector_store_idx %arg10[%parallel_loop3A_740, %parallel_loop3A_696, %add3A_527], %parallel_loop3A_760 : memref<8x8x128xf32, #tpu.memory_space<vmem>>[vector<16xi32>, vector<16xi32>, vector<16xi32>], vector<16xf32>,
        %parallel_loop3A_761 = tpu.vector_load_idx %arg8[%add3A_530, %parallel_loop3A_737] : memref<128x64xf32, #tpu.memory_space<vmem>>[vector<16xi32>, vector<16xi32>], vector<16xf32>,
        %parallel_loop3A_762 = arith.constant 8.000000e+00 : f32
        %parallel_loop3A_763 = vector.broadcast %parallel_loop3A_762 : f32 to vector<16xf32>
        %parallel_loop3A_764 = arith.mulf %parallel_loop3A_761, %parallel_loop3A_763 : vector<16xf32>
        tpu.vector_store_idx %arg10[%parallel_loop3A_740, %parallel_loop3A_696, %add3A_530], %parallel_loop3A_764 : memref<8x8x128xf32, #tpu.memory_space<vmem>>[vector<16xi32>, vector<16xi32>, vector<16xi32>], vector<16xf32>,
        %parallel_loop3A_765 = tpu.vector_load_idx %arg8[%add3A_533, %parallel_loop3A_737] : memref<128x64xf32, #tpu.memory_space<vmem>>[vector<16xi32>, vector<16xi32>], vector<16xf32>,
        %parallel_loop3A_766 = arith.constant 8.000000e+00 : f32
        %parallel_loop3A_767 = vector.broadcast %parallel_loop3A_766 : f32 to vector<16xf32>
        %parallel_loop3A_768 = arith.mulf %parallel_loop3A_765, %parallel_loop3A_767 : vector<16xf32>
        tpu.vector_store_idx %arg10[%parallel_loop3A_740, %parallel_loop3A_696, %add3A_533], %parallel_loop3A_768 : memref<8x8x128xf32, #tpu.memory_space<vmem>>[vector<16xi32>, vector<16xi32>, vector<16xi32>], vector<16xf32>,
        %parallel_loop3A_769 = tpu.vector_load_idx %arg8[%add3A_536, %parallel_loop3A_737] : memref<128x64xf32, #tpu.memory_space<vmem>>[vector<16xi32>, vector<16xi32>], vector<16xf32>,
        %parallel_loop3A_770 = arith.constant 8.000000e+00 : f32
        %parallel_loop3A_771 = vector.broadcast %parallel_loop3A_770 : f32 to vector<16xf32>
        %parallel_loop3A_772 = arith.mulf %parallel_loop3A_769, %parallel_loop3A_771 : vector<16xf32>
        tpu.vector_store_idx %arg10[%parallel_loop3A_740, %parallel_loop3A_696, %add3A_536], %parallel_loop3A_772 : memref<8x8x128xf32, #tpu.memory_space<vmem>>[vector<16xi32>, vector<16xi32>, vector<16xi32>], vector<16xf32>,
        %parallel_loop3A_773 = arith.constant 32 : i32
        %parallel_loop3A_774 = vector.broadcast %parallel_loop3A_773 : i32 to vector<16xi32>
        %parallel_loop3A_775 = arith.addi %parallel_loop3A_690, %parallel_loop3A_774 : vector<16xi32>
        %parallel_loop3A_776 = arith.constant 4 : i32
        %parallel_loop3A_777 = vector.broadcast %parallel_loop3A_776 : i32 to vector<16xi32>
        %parallel_loop3A_778 = arith.addi %parallel_loop3A_693, %parallel_loop3A_777 : vector<16xi32>
        %parallel_loop3A_779 = tpu.vector_load_idx %arg8[%add3A_515, %parallel_loop3A_775] : memref<128x64xf32, #tpu.memory_space<vmem>>[vector<16xi32>, vector<16xi32>], vector<16xf32>,
        %parallel_loop3A_780 = arith.constant 8.000000e+00 : f32
        %parallel_loop3A_781 = vector.broadcast %parallel_loop3A_780 : f32 to vector<16xf32>
        %parallel_loop3A_782 = arith.mulf %parallel_loop3A_779, %parallel_loop3A_781 : vector<16xf32>
        tpu.vector_store_idx %arg10[%parallel_loop3A_778, %parallel_loop3A_696, %add3A_515], %parallel_loop3A_782 : memref<8x8x128xf32, #tpu.memory_space<vmem>>[vector<16xi32>, vector<16xi32>, vector<16xi32>], vector<16xf32>,
        %parallel_loop3A_783 = tpu.vector_load_idx %arg8[%add3A_518, %parallel_loop3A_775] : memref<128x64xf32, #tpu.memory_space<vmem>>[vector<16xi32>, vector<16xi32>], vector<16xf32>,
        %parallel_loop3A_784 = arith.constant 8.000000e+00 : f32
        %parallel_loop3A_785 = vector.broadcast %parallel_loop3A_784 : f32 to vector<16xf32>
        %parallel_loop3A_786 = arith.mulf %parallel_loop3A_783, %parallel_loop3A_785 : vector<16xf32>
        tpu.vector_store_idx %arg10[%parallel_loop3A_778, %parallel_loop3A_696, %add3A_518], %parallel_loop3A_786 : memref<8x8x128xf32, #tpu.memory_space<vmem>>[vector<16xi32>, vector<16xi32>, vector<16xi32>], vector<16xf32>,
        %parallel_loop3A_787 = tpu.vector_load_idx %arg8[%add3A_521, %parallel_loop3A_775] : memref<128x64xf32, #tpu.memory_space<vmem>>[vector<16xi32>, vector<16xi32>], vector<16xf32>,
        %parallel_loop3A_788 = arith.constant 8.000000e+00 : f32
        %parallel_loop3A_789 = vector.broadcast %parallel_loop3A_788 : f32 to vector<16xf32>
        %parallel_loop3A_790 = arith.mulf %parallel_loop3A_787, %parallel_loop3A_789 : vector<16xf32>
        tpu.vector_store_idx %arg10[%parallel_loop3A_778, %parallel_loop3A_696, %add3A_521], %parallel_loop3A_790 : memref<8x8x128xf32, #tpu.memory_space<vmem>>[vector<16xi32>, vector<16xi32>, vector<16xi32>], vector<16xf32>,
        %parallel_loop3A_791 = tpu.vector_load_idx %arg8[%add3A_524, %parallel_loop3A_775] : memref<128x64xf32, #tpu.memory_space<vmem>>[vector<16xi32>, vector<16xi32>], vector<16xf32>,
        %parallel_loop3A_792 = arith.constant 8.000000e+00 : f32
        %parallel_loop3A_793 = vector.broadcast %parallel_loop3A_792 : f32 to vector<16xf32>
        %parallel_loop3A_794 = arith.mulf %parallel_loop3A_791, %parallel_loop3A_793 : vector<16xf32>
        tpu.vector_store_idx %arg10[%parallel_loop3A_778, %parallel_loop3A_696, %add3A_524], %parallel_loop3A_794 : memref<8x8x128xf32, #tpu.memory_space<vmem>>[vector<16xi32>, vector<16xi32>, vector<16xi32>], vector<16xf32>,
        %parallel_loop3A_795 = tpu.vector_load_idx %arg8[%add3A_527, %parallel_loop3A_775] : memref<128x64xf32, #tpu.memory_space<vmem>>[vector<16xi32>, vector<16xi32>], vector<16xf32>,
        %parallel_loop3A_796 = arith.constant 8.000000e+00 : f32
        %parallel_loop3A_797 = vector.broadcast %parallel_loop3A_796 : f32 to vector<16xf32>
        %parallel_loop3A_798 = arith.mulf %parallel_loop3A_795, %parallel_loop3A_797 : vector<16xf32>
        tpu.vector_store_idx %arg10[%parallel_loop3A_778, %parallel_loop3A_696, %add3A_527], %parallel_loop3A_798 : memref<8x8x128xf32, #tpu.memory_space<vmem>>[vector<16xi32>, vector<16xi32>, vector<16xi32>], vector<16xf32>,
        %parallel_loop3A_799 = tpu.vector_load_idx %arg8[%add3A_530, %parallel_loop3A_775] : memref<128x64xf32, #tpu.memory_space<vmem>>[vector<16xi32>, vector<16xi32>], vector<16xf32>,
        %parallel_loop3A_800 = arith.constant 8.000000e+00 : f32
        %parallel_loop3A_801 = vector.broadcast %parallel_loop3A_800 : f32 to vector<16xf32>
        %parallel_loop3A_802 = arith.mulf %parallel_loop3A_799, %parallel_loop3A_801 : vector<16xf32>
        tpu.vector_store_idx %arg10[%parallel_loop3A_778, %parallel_loop3A_696, %add3A_530], %parallel_loop3A_802 : memref<8x8x128xf32, #tpu.memory_space<vmem>>[vector<16xi32>, vector<16xi32>, vector<16xi32>], vector<16xf32>,
        %parallel_loop3A_803 = tpu.vector_load_idx %arg8[%add3A_533, %parallel_loop3A_775] : memref<128x64xf32, #tpu.memory_space<vmem>>[vector<16xi32>, vector<16xi32>], vector<16xf32>,
        %parallel_loop3A_804 = arith.constant 8.000000e+00 : f32
        %parallel_loop3A_805 = vector.broadcast %parallel_loop3A_804 : f32 to vector<16xf32>
        %parallel_loop3A_806 = arith.mulf %parallel_loop3A_803, %parallel_loop3A_805 : vector<16xf32>
        tpu.vector_store_idx %arg10[%parallel_loop3A_778, %parallel_loop3A_696, %add3A_533], %parallel_loop3A_806 : memref<8x8x128xf32, #tpu.memory_space<vmem>>[vector<16xi32>, vector<16xi32>, vector<16xi32>], vector<16xf32>,
        %parallel_loop3A_807 = tpu.vector_load_idx %arg8[%add3A_536, %parallel_loop3A_775] : memref<128x64xf32, #tpu.memory_space<vmem>>[vector<16xi32>, vector<16xi32>], vector<16xf32>,
        %parallel_loop3A_808 = arith.constant 8.000000e+00 : f32
        %parallel_loop3A_809 = vector.broadcast %parallel_loop3A_808 : f32 to vector<16xf32>
        %parallel_loop3A_810 = arith.mulf %parallel_loop3A_807, %parallel_loop3A_809 : vector<16xf32>
        tpu.vector_store_idx %arg10[%parallel_loop3A_778, %parallel_loop3A_696, %add3A_536], %parallel_loop3A_810 : memref<8x8x128xf32, #tpu.memory_space<vmem>>[vector<16xi32>, vector<16xi32>, vector<16xi32>], vector<16xf32>,
        %parallel_loop3A_811 = arith.constant 48 : i32
        %parallel_loop3A_812 = vector.broadcast %parallel_loop3A_811 : i32 to vector<16xi32>
        %parallel_loop3A_813 = arith.addi %parallel_loop3A_690, %parallel_loop3A_812 : vector<16xi32>
        %parallel_loop3A_814 = arith.constant 6 : i32
        %parallel_loop3A_815 = vector.broadcast %parallel_loop3A_814 : i32 to vector<16xi32>
        %parallel_loop3A_816 = arith.addi %parallel_loop3A_693, %parallel_loop3A_815 : vector<16xi32>
        %parallel_loop3A_817 = tpu.vector_load_idx %arg8[%add3A_515, %parallel_loop3A_813] : memref<128x64xf32, #tpu.memory_space<vmem>>[vector<16xi32>, vector<16xi32>], vector<16xf32>,
        %parallel_loop3A_818 = arith.constant 8.000000e+00 : f32
        %parallel_loop3A_819 = vector.broadcast %parallel_loop3A_818 : f32 to vector<16xf32>
        %parallel_loop3A_820 = arith.mulf %parallel_loop3A_817, %parallel_loop3A_819 : vector<16xf32>
        tpu.vector_store_idx %arg10[%parallel_loop3A_816, %parallel_loop3A_696, %add3A_515], %parallel_loop3A_820 : memref<8x8x128xf32, #tpu.memory_space<vmem>>[vector<16xi32>, vector<16xi32>, vector<16xi32>], vector<16xf32>,
        %parallel_loop3A_821 = tpu.vector_load_idx %arg8[%add3A_518, %parallel_loop3A_813] : memref<128x64xf32, #tpu.memory_space<vmem>>[vector<16xi32>, vector<16xi32>], vector<16xf32>,
        %parallel_loop3A_822 = arith.constant 8.000000e+00 : f32
        %parallel_loop3A_823 = vector.broadcast %parallel_loop3A_822 : f32 to vector<16xf32>
        %parallel_loop3A_824 = arith.mulf %parallel_loop3A_821, %parallel_loop3A_823 : vector<16xf32>
        tpu.vector_store_idx %arg10[%parallel_loop3A_816, %parallel_loop3A_696, %add3A_518], %parallel_loop3A_824 : memref<8x8x128xf32, #tpu.memory_space<vmem>>[vector<16xi32>, vector<16xi32>, vector<16xi32>], vector<16xf32>,
        %parallel_loop3A_825 = tpu.vector_load_idx %arg8[%add3A_521, %parallel_loop3A_813] : memref<128x64xf32, #tpu.memory_space<vmem>>[vector<16xi32>, vector<16xi32>], vector<16xf32>,
        %parallel_loop3A_826 = arith.constant 8.000000e+00 : f32
        %parallel_loop3A_827 = vector.broadcast %parallel_loop3A_826 : f32 to vector<16xf32>
        %parallel_loop3A_828 = arith.mulf %parallel_loop3A_825, %parallel_loop3A_827 : vector<16xf32>
        tpu.vector_store_idx %arg10[%parallel_loop3A_816, %parallel_loop3A_696, %add3A_521], %parallel_loop3A_828 : memref<8x8x128xf32, #tpu.memory_space<vmem>>[vector<16xi32>, vector<16xi32>, vector<16xi32>], vector<16xf32>,
        %parallel_loop3A_829 = tpu.vector_load_idx %arg8[%add3A_524, %parallel_loop3A_813] : memref<128x64xf32, #tpu.memory_space<vmem>>[vector<16xi32>, vector<16xi32>], vector<16xf32>,
        %parallel_loop3A_830 = arith.constant 8.000000e+00 : f32
        %parallel_loop3A_831 = vector.broadcast %parallel_loop3A_830 : f32 to vector<16xf32>
        %parallel_loop3A_832 = arith.mulf %parallel_loop3A_829, %parallel_loop3A_831 : vector<16xf32>
        tpu.vector_store_idx %arg10[%parallel_loop3A_816, %parallel_loop3A_696, %add3A_524], %parallel_loop3A_832 : memref<8x8x128xf32, #tpu.memory_space<vmem>>[vector<16xi32>, vector<16xi32>, vector<16xi32>], vector<16xf32>,
        %parallel_loop3A_833 = tpu.vector_load_idx %arg8[%add3A_527, %parallel_loop3A_813] : memref<128x64xf32, #tpu.memory_space<vmem>>[vector<16xi32>, vector<16xi32>], vector<16xf32>,
        %parallel_loop3A_834 = arith.constant 8.000000e+00 : f32
        %parallel_loop3A_835 = vector.broadcast %parallel_loop3A_834 : f32 to vector<16xf32>
        %parallel_loop3A_836 = arith.mulf %parallel_loop3A_833, %parallel_loop3A_835 : vector<16xf32>
        tpu.vector_store_idx %arg10[%parallel_loop3A_816, %parallel_loop3A_696, %add3A_527], %parallel_loop3A_836 : memref<8x8x128xf32, #tpu.memory_space<vmem>>[vector<16xi32>, vector<16xi32>, vector<16xi32>], vector<16xf32>,
        %parallel_loop3A_837 = tpu.vector_load_idx %arg8[%add3A_530, %parallel_loop3A_813] : memref<128x64xf32, #tpu.memory_space<vmem>>[vector<16xi32>, vector<16xi32>], vector<16xf32>,
        %parallel_loop3A_838 = arith.constant 8.000000e+00 : f32
        %parallel_loop3A_839 = vector.broadcast %parallel_loop3A_838 : f32 to vector<16xf32>
        %parallel_loop3A_840 = arith.mulf %parallel_loop3A_837, %parallel_loop3A_839 : vector<16xf32>
        tpu.vector_store_idx %arg10[%parallel_loop3A_816, %parallel_loop3A_696, %add3A_530], %parallel_loop3A_840 : memref<8x8x128xf32, #tpu.memory_space<vmem>>[vector<16xi32>, vector<16xi32>, vector<16xi32>], vector<16xf32>,
        %parallel_loop3A_841 = tpu.vector_load_idx %arg8[%add3A_533, %parallel_loop3A_813] : memref<128x64xf32, #tpu.memory_space<vmem>>[vector<16xi32>, vector<16xi32>], vector<16xf32>,
        %parallel_loop3A_842 = arith.constant 8.000000e+00 : f32
        %parallel_loop3A_843 = vector.broadcast %parallel_loop3A_842 : f32 to vector<16xf32>
        %parallel_loop3A_844 = arith.mulf %parallel_loop3A_841, %parallel_loop3A_843 : vector<16xf32>
        tpu.vector_store_idx %arg10[%parallel_loop3A_816, %parallel_loop3A_696, %add3A_533], %parallel_loop3A_844 : memref<8x8x128xf32, #tpu.memory_space<vmem>>[vector<16xi32>, vector<16xi32>, vector<16xi32>], vector<16xf32>,
        %parallel_loop3A_845 = tpu.vector_load_idx %arg8[%add3A_536, %parallel_loop3A_813] : memref<128x64xf32, #tpu.memory_space<vmem>>[vector<16xi32>, vector<16xi32>], vector<16xf32>,
        %parallel_loop3A_846 = arith.constant 8.000000e+00 : f32
        %parallel_loop3A_847 = vector.broadcast %parallel_loop3A_846 : f32 to vector<16xf32>
        %parallel_loop3A_848 = arith.mulf %parallel_loop3A_845, %parallel_loop3A_847 : vector<16xf32>
        tpu.vector_store_idx %arg10[%parallel_loop3A_816, %parallel_loop3A_696, %add3A_536], %parallel_loop3A_848 : memref<8x8x128xf32, #tpu.memory_space<vmem>>[vector<16xi32>, vector<16xi32>, vector<16xi32>], vector<16xf32>,
      } {sc.loop_unroll_factor = 4 : i64, sc.parallel_access}
      %dma_start3A_540 = arith.constant 0 : i32
      %dma_start3A_541 = arith.constant 0 : i32
      %dma_start3A_542 = arith.constant 0 : i32
      %dma_start3A_543 = arith.constant 0 : i32
      %dma_start3A_544 = tpu.memref_slice %arg10[%dma_start3A_540, %dma_start3A_542, %dma_start3A_543] : memref<8x8x128xf32, #tpu.memory_space<vmem>> -> memref<1x8x128xf32, #tpu.memory_space<vmem>>
      %dma_start3A_545 = tpu.memref_squeeze %dma_start3A_544 : memref<1x8x128xf32, #tpu.memory_space<vmem>> -> memref<8x128xf32, #tpu.memory_space<vmem>>
      %dma_start3A_546 = arith.constant 0 : i32
      %dma_start3A_547 = arith.constant 0 : i32
      %dma_start3A_548 = tpu.memref_slice %arg4[%add3A_506, %dma_start3A_541, %add3A, %dma_start3A_546, %dma_start3A_547] : memref<200x8x32x8x128xf32, #tpu.memory_space<hbm>> -> memref<1x1x1x8x128xf32, #tpu.memory_space<hbm>>
      %dma_start3A_549 = tpu.memref_squeeze %dma_start3A_548 : memref<1x1x1x8x128xf32, #tpu.memory_space<hbm>> -> memref<8x128xf32, #tpu.memory_space<hbm>>
      %dma_start3A_550 = arith.constant 0 : i32
      %dma_start3A_551 = arith.constant 0 : i32
      %dma_start3A_552 = tpu.memref_slice %arg4[%add3A_506, %dma_start3A_541, %add3A, %dma_start3A_550, %dma_start3A_551] : memref<200x8x32x8x128xf32, #tpu.memory_space<hbm>> -> memref<1x1x1x8x128xf32, #tpu.memory_space<hbm>>
      %dma_start3A_553 = tpu.memref_squeeze %dma_start3A_552 : memref<1x1x1x8x128xf32, #tpu.memory_space<hbm>> -> memref<8x128xf32, #tpu.memory_space<hbm>>
      %dma_start3A_554 = arith.constant 0 : i32
      %dma_start3A_555 = arith.constant 0 : i32
      %dma_start3A_556 = tpu.memref_slice %arg10[%dma_start3A_540, %dma_start3A_554, %dma_start3A_555] : memref<8x8x128xf32, #tpu.memory_space<vmem>> -> memref<1x8x128xf32, #tpu.memory_space<vmem>>
      %dma_start3A_557 = tpu.memref_squeeze %dma_start3A_556 : memref<1x8x128xf32, #tpu.memory_space<vmem>> -> memref<8x128xf32, #tpu.memory_space<vmem>>
      tpu.enqueue_dma source(%dma_start3A_557 : memref<8x128xf32, #tpu.memory_space<vmem>>) target(%dma_start3A_553 : memref<8x128xf32, #tpu.memory_space<hbm>>) target_semaphore(%arg14 : memref<!tpu.dma_semaphore, #tpu.memory_space<semaphore_mem>>)
      %dma_start3A_558 = arith.constant 1 : i32
      %dma_start3A_559 = arith.constant 1 : i32
      %dma_start3A_560 = arith.constant 0 : i32
      %dma_start3A_561 = arith.constant 0 : i32
      %dma_start3A_562 = tpu.memref_slice %arg10[%dma_start3A_558, %dma_start3A_560, %dma_start3A_561] : memref<8x8x128xf32, #tpu.memory_space<vmem>> -> memref<1x8x128xf32, #tpu.memory_space<vmem>>
      %dma_start3A_563 = tpu.memref_squeeze %dma_start3A_562 : memref<1x8x128xf32, #tpu.memory_space<vmem>> -> memref<8x128xf32, #tpu.memory_space<vmem>>
      %dma_start3A_564 = arith.constant 0 : i32
      %dma_start3A_565 = arith.constant 0 : i32
      %dma_start3A_566 = tpu.memref_slice %arg4[%add3A_506, %dma_start3A_559, %add3A, %dma_start3A_564, %dma_start3A_565] : memref<200x8x32x8x128xf32, #tpu.memory_space<hbm>> -> memref<1x1x1x8x128xf32, #tpu.memory_space<hbm>>
      %dma_start3A_567 = tpu.memref_squeeze %dma_start3A_566 : memref<1x1x1x8x128xf32, #tpu.memory_space<hbm>> -> memref<8x128xf32, #tpu.memory_space<hbm>>
      %dma_start3A_568 = arith.constant 0 : i32
      %dma_start3A_569 = arith.constant 0 : i32
      %dma_start3A_570 = tpu.memref_slice %arg4[%add3A_506, %dma_start3A_559, %add3A, %dma_start3A_568, %dma_start3A_569] : memref<200x8x32x8x128xf32, #tpu.memory_space<hbm>> -> memref<1x1x1x8x128xf32, #tpu.memory_space<hbm>>
      %dma_start3A_571 = tpu.memref_squeeze %dma_start3A_570 : memref<1x1x1x8x128xf32, #tpu.memory_space<hbm>> -> memref<8x128xf32, #tpu.memory_space<hbm>>
      %dma_start3A_572 = arith.constant 0 : i32
      %dma_start3A_573 = arith.constant 0 : i32
      %dma_start3A_574 = tpu.memref_slice %arg10[%dma_start3A_558, %dma_start3A_572, %dma_start3A_573] : memref<8x8x128xf32, #tpu.memory_space<vmem>> -> memref<1x8x128xf32, #tpu.memory_space<vmem>>
      %dma_start3A_575 = tpu.memref_squeeze %dma_start3A_574 : memref<1x8x128xf32, #tpu.memory_space<vmem>> -> memref<8x128xf32, #tpu.memory_space<vmem>>
      tpu.enqueue_dma source(%dma_start3A_575 : memref<8x128xf32, #tpu.memory_space<vmem>>) target(%dma_start3A_571 : memref<8x128xf32, #tpu.memory_space<hbm>>) target_semaphore(%arg14 : memref<!tpu.dma_semaphore, #tpu.memory_space<semaphore_mem>>)
      %dma_start3A_576 = arith.constant 2 : i32
      %dma_start3A_577 = arith.constant 2 : i32
      %dma_start3A_578 = arith.constant 0 : i32
      %dma_start3A_579 = arith.constant 0 : i32
      %dma_start3A_580 = tpu.memref_slice %arg10[%dma_start3A_576, %dma_start3A_578, %dma_start3A_579] : memref<8x8x128xf32, #tpu.memory_space<vmem>> -> memref<1x8x128xf32, #tpu.memory_space<vmem>>
      %dma_start3A_581 = tpu.memref_squeeze %dma_start3A_580 : memref<1x8x128xf32, #tpu.memory_space<vmem>> -> memref<8x128xf32, #tpu.memory_space<vmem>>
      %dma_start3A_582 = arith.constant 0 : i32
      %dma_start3A_583 = arith.constant 0 : i32
      %dma_start3A_584 = tpu.memref_slice %arg4[%add3A_506, %dma_start3A_577, %add3A, %dma_start3A_582, %dma_start3A_583] : memref<200x8x32x8x128xf32, #tpu.memory_space<hbm>> -> memref<1x1x1x8x128xf32, #tpu.memory_space<hbm>>
      %dma_start3A_585 = tpu.memref_squeeze %dma_start3A_584 : memref<1x1x1x8x128xf32, #tpu.memory_space<hbm>> -> memref<8x128xf32, #tpu.memory_space<hbm>>
      %dma_start3A_586 = arith.constant 0 : i32
      %dma_start3A_587 = arith.constant 0 : i32
      %dma_start3A_588 = tpu.memref_slice %arg4[%add3A_506, %dma_start3A_577, %add3A, %dma_start3A_586, %dma_start3A_587] : memref<200x8x32x8x128xf32, #tpu.memory_space<hbm>> -> memref<1x1x1x8x128xf32, #tpu.memory_space<hbm>>
      %dma_start3A_589 = tpu.memref_squeeze %dma_start3A_588 : memref<1x1x1x8x128xf32, #tpu.memory_space<hbm>> -> memref<8x128xf32, #tpu.memory_space<hbm>>
      %dma_start3A_590 = arith.constant 0 : i32
      %dma_start3A_591 = arith.constant 0 : i32
      %dma_start3A_592 = tpu.memref_slice %arg10[%dma_start3A_576, %dma_start3A_590, %dma_start3A_591] : memref<8x8x128xf32, #tpu.memory_space<vmem>> -> memref<1x8x128xf32, #tpu.memory_space<vmem>>
      %dma_start3A_593 = tpu.memref_squeeze %dma_start3A_592 : memref<1x8x128xf32, #tpu.memory_space<vmem>> -> memref<8x128xf32, #tpu.memory_space<vmem>>
      tpu.enqueue_dma source(%dma_start3A_593 : memref<8x128xf32, #tpu.memory_space<vmem>>) target(%dma_start3A_589 : memref<8x128xf32, #tpu.memory_space<hbm>>) target_semaphore(%arg14 : memref<!tpu.dma_semaphore, #tpu.memory_space<semaphore_mem>>)
      %dma_start3A_594 = arith.constant 3 : i32
      %dma_start3A_595 = arith.constant 3 : i32
      %dma_start3A_596 = arith.constant 0 : i32
      %dma_start3A_597 = arith.constant 0 : i32
      %dma_start3A_598 = tpu.memref_slice %arg10[%dma_start3A_594, %dma_start3A_596, %dma_start3A_597] : memref<8x8x128xf32, #tpu.memory_space<vmem>> -> memref<1x8x128xf32, #tpu.memory_space<vmem>>
      %dma_start3A_599 = tpu.memref_squeeze %dma_start3A_598 : memref<1x8x128xf32, #tpu.memory_space<vmem>> -> memref<8x128xf32, #tpu.memory_space<vmem>>
      %dma_start3A_600 = arith.constant 0 : i32
      %dma_start3A_601 = arith.constant 0 : i32
      %dma_start3A_602 = tpu.memref_slice %arg4[%add3A_506, %dma_start3A_595, %add3A, %dma_start3A_600, %dma_start3A_601] : memref<200x8x32x8x128xf32, #tpu.memory_space<hbm>> -> memref<1x1x1x8x128xf32, #tpu.memory_space<hbm>>
      %dma_start3A_603 = tpu.memref_squeeze %dma_start3A_602 : memref<1x1x1x8x128xf32, #tpu.memory_space<hbm>> -> memref<8x128xf32, #tpu.memory_space<hbm>>
      %dma_start3A_604 = arith.constant 0 : i32
      %dma_start3A_605 = arith.constant 0 : i32
      %dma_start3A_606 = tpu.memref_slice %arg4[%add3A_506, %dma_start3A_595, %add3A, %dma_start3A_604, %dma_start3A_605] : memref<200x8x32x8x128xf32, #tpu.memory_space<hbm>> -> memref<1x1x1x8x128xf32, #tpu.memory_space<hbm>>
      %dma_start3A_607 = tpu.memref_squeeze %dma_start3A_606 : memref<1x1x1x8x128xf32, #tpu.memory_space<hbm>> -> memref<8x128xf32, #tpu.memory_space<hbm>>
      %dma_start3A_608 = arith.constant 0 : i32
      %dma_start3A_609 = arith.constant 0 : i32
      %dma_start3A_610 = tpu.memref_slice %arg10[%dma_start3A_594, %dma_start3A_608, %dma_start3A_609] : memref<8x8x128xf32, #tpu.memory_space<vmem>> -> memref<1x8x128xf32, #tpu.memory_space<vmem>>
      %dma_start3A_611 = tpu.memref_squeeze %dma_start3A_610 : memref<1x8x128xf32, #tpu.memory_space<vmem>> -> memref<8x128xf32, #tpu.memory_space<vmem>>
      tpu.enqueue_dma source(%dma_start3A_611 : memref<8x128xf32, #tpu.memory_space<vmem>>) target(%dma_start3A_607 : memref<8x128xf32, #tpu.memory_space<hbm>>) target_semaphore(%arg14 : memref<!tpu.dma_semaphore, #tpu.memory_space<semaphore_mem>>)
      %dma_start3A_612 = arith.constant 4 : i32
      %dma_start3A_613 = arith.constant 4 : i32
      %dma_start3A_614 = arith.constant 0 : i32
      %dma_start3A_615 = arith.constant 0 : i32
      %dma_start3A_616 = tpu.memref_slice %arg10[%dma_start3A_612, %dma_start3A_614, %dma_start3A_615] : memref<8x8x128xf32, #tpu.memory_space<vmem>> -> memref<1x8x128xf32, #tpu.memory_space<vmem>>
      %dma_start3A_617 = tpu.memref_squeeze %dma_start3A_616 : memref<1x8x128xf32, #tpu.memory_space<vmem>> -> memref<8x128xf32, #tpu.memory_space<vmem>>
      %dma_start3A_618 = arith.constant 0 : i32
      %dma_start3A_619 = arith.constant 0 : i32
      %dma_start3A_620 = tpu.memref_slice %arg4[%add3A_506, %dma_start3A_613, %add3A, %dma_start3A_618, %dma_start3A_619] : memref<200x8x32x8x128xf32, #tpu.memory_space<hbm>> -> memref<1x1x1x8x128xf32, #tpu.memory_space<hbm>>
      %dma_start3A_621 = tpu.memref_squeeze %dma_start3A_620 : memref<1x1x1x8x128xf32, #tpu.memory_space<hbm>> -> memref<8x128xf32, #tpu.memory_space<hbm>>
      %dma_start3A_622 = arith.constant 0 : i32
      %dma_start3A_623 = arith.constant 0 : i32
      %dma_start3A_624 = tpu.memref_slice %arg4[%add3A_506, %dma_start3A_613, %add3A, %dma_start3A_622, %dma_start3A_623] : memref<200x8x32x8x128xf32, #tpu.memory_space<hbm>> -> memref<1x1x1x8x128xf32, #tpu.memory_space<hbm>>
      %dma_start3A_625 = tpu.memref_squeeze %dma_start3A_624 : memref<1x1x1x8x128xf32, #tpu.memory_space<hbm>> -> memref<8x128xf32, #tpu.memory_space<hbm>>
      %dma_start3A_626 = arith.constant 0 : i32
      %dma_start3A_627 = arith.constant 0 : i32
      %dma_start3A_628 = tpu.memref_slice %arg10[%dma_start3A_612, %dma_start3A_626, %dma_start3A_627] : memref<8x8x128xf32, #tpu.memory_space<vmem>> -> memref<1x8x128xf32, #tpu.memory_space<vmem>>
      %dma_start3A_629 = tpu.memref_squeeze %dma_start3A_628 : memref<1x8x128xf32, #tpu.memory_space<vmem>> -> memref<8x128xf32, #tpu.memory_space<vmem>>
      tpu.enqueue_dma source(%dma_start3A_629 : memref<8x128xf32, #tpu.memory_space<vmem>>) target(%dma_start3A_625 : memref<8x128xf32, #tpu.memory_space<hbm>>) target_semaphore(%arg14 : memref<!tpu.dma_semaphore, #tpu.memory_space<semaphore_mem>>)
      %dma_start3A_630 = arith.constant 5 : i32
      %dma_start3A_631 = arith.constant 5 : i32
      %dma_start3A_632 = arith.constant 0 : i32
      %dma_start3A_633 = arith.constant 0 : i32
      %dma_start3A_634 = tpu.memref_slice %arg10[%dma_start3A_630, %dma_start3A_632, %dma_start3A_633] : memref<8x8x128xf32, #tpu.memory_space<vmem>> -> memref<1x8x128xf32, #tpu.memory_space<vmem>>
      %dma_start3A_635 = tpu.memref_squeeze %dma_start3A_634 : memref<1x8x128xf32, #tpu.memory_space<vmem>> -> memref<8x128xf32, #tpu.memory_space<vmem>>
      %dma_start3A_636 = arith.constant 0 : i32
      %dma_start3A_637 = arith.constant 0 : i32
      %dma_start3A_638 = tpu.memref_slice %arg4[%add3A_506, %dma_start3A_631, %add3A, %dma_start3A_636, %dma_start3A_637] : memref<200x8x32x8x128xf32, #tpu.memory_space<hbm>> -> memref<1x1x1x8x128xf32, #tpu.memory_space<hbm>>
      %dma_start3A_639 = tpu.memref_squeeze %dma_start3A_638 : memref<1x1x1x8x128xf32, #tpu.memory_space<hbm>> -> memref<8x128xf32, #tpu.memory_space<hbm>>
      %dma_start3A_640 = arith.constant 0 : i32
      %dma_start3A_641 = arith.constant 0 : i32
      %dma_start3A_642 = tpu.memref_slice %arg4[%add3A_506, %dma_start3A_631, %add3A, %dma_start3A_640, %dma_start3A_641] : memref<200x8x32x8x128xf32, #tpu.memory_space<hbm>> -> memref<1x1x1x8x128xf32, #tpu.memory_space<hbm>>
      %dma_start3A_643 = tpu.memref_squeeze %dma_start3A_642 : memref<1x1x1x8x128xf32, #tpu.memory_space<hbm>> -> memref<8x128xf32, #tpu.memory_space<hbm>>
      %dma_start3A_644 = arith.constant 0 : i32
      %dma_start3A_645 = arith.constant 0 : i32
      %dma_start3A_646 = tpu.memref_slice %arg10[%dma_start3A_630, %dma_start3A_644, %dma_start3A_645] : memref<8x8x128xf32, #tpu.memory_space<vmem>> -> memref<1x8x128xf32, #tpu.memory_space<vmem>>
      %dma_start3A_647 = tpu.memref_squeeze %dma_start3A_646 : memref<1x8x128xf32, #tpu.memory_space<vmem>> -> memref<8x128xf32, #tpu.memory_space<vmem>>
      tpu.enqueue_dma source(%dma_start3A_647 : memref<8x128xf32, #tpu.memory_space<vmem>>) target(%dma_start3A_643 : memref<8x128xf32, #tpu.memory_space<hbm>>) target_semaphore(%arg14 : memref<!tpu.dma_semaphore, #tpu.memory_space<semaphore_mem>>)
      %dma_start3A_648 = arith.constant 6 : i32
      %dma_start3A_649 = arith.constant 6 : i32
      %dma_start3A_650 = arith.constant 0 : i32
      %dma_start3A_651 = arith.constant 0 : i32
      %dma_start3A_652 = tpu.memref_slice %arg10[%dma_start3A_648, %dma_start3A_650, %dma_start3A_651] : memref<8x8x128xf32, #tpu.memory_space<vmem>> -> memref<1x8x128xf32, #tpu.memory_space<vmem>>
      %dma_start3A_653 = tpu.memref_squeeze %dma_start3A_652 : memref<1x8x128xf32, #tpu.memory_space<vmem>> -> memref<8x128xf32, #tpu.memory_space<vmem>>
      %dma_start3A_654 = arith.constant 0 : i32
      %dma_start3A_655 = arith.constant 0 : i32
      %dma_start3A_656 = tpu.memref_slice %arg4[%add3A_506, %dma_start3A_649, %add3A, %dma_start3A_654, %dma_start3A_655] : memref<200x8x32x8x128xf32, #tpu.memory_space<hbm>> -> memref<1x1x1x8x128xf32, #tpu.memory_space<hbm>>
      %dma_start3A_657 = tpu.memref_squeeze %dma_start3A_656 : memref<1x1x1x8x128xf32, #tpu.memory_space<hbm>> -> memref<8x128xf32, #tpu.memory_space<hbm>>
      %dma_start3A_658 = arith.constant 0 : i32
      %dma_start3A_659 = arith.constant 0 : i32
      %dma_start3A_660 = tpu.memref_slice %arg4[%add3A_506, %dma_start3A_649, %add3A, %dma_start3A_658, %dma_start3A_659] : memref<200x8x32x8x128xf32, #tpu.memory_space<hbm>> -> memref<1x1x1x8x128xf32, #tpu.memory_space<hbm>>
      %dma_start3A_661 = tpu.memref_squeeze %dma_start3A_660 : memref<1x1x1x8x128xf32, #tpu.memory_space<hbm>> -> memref<8x128xf32, #tpu.memory_space<hbm>>
      %dma_start3A_662 = arith.constant 0 : i32
      %dma_start3A_663 = arith.constant 0 : i32
      %dma_start3A_664 = tpu.memref_slice %arg10[%dma_start3A_648, %dma_start3A_662, %dma_start3A_663] : memref<8x8x128xf32, #tpu.memory_space<vmem>> -> memref<1x8x128xf32, #tpu.memory_space<vmem>>
      %dma_start3A_665 = tpu.memref_squeeze %dma_start3A_664 : memref<1x8x128xf32, #tpu.memory_space<vmem>> -> memref<8x128xf32, #tpu.memory_space<vmem>>
      tpu.enqueue_dma source(%dma_start3A_665 : memref<8x128xf32, #tpu.memory_space<vmem>>) target(%dma_start3A_661 : memref<8x128xf32, #tpu.memory_space<hbm>>) target_semaphore(%arg14 : memref<!tpu.dma_semaphore, #tpu.memory_space<semaphore_mem>>)
      %dma_start3A_666 = arith.constant 7 : i32
      %dma_start3A_667 = arith.constant 7 : i32
      %dma_start3A_668 = arith.constant 0 : i32
      %dma_start3A_669 = arith.constant 0 : i32
      %dma_start3A_670 = tpu.memref_slice %arg10[%dma_start3A_666, %dma_start3A_668, %dma_start3A_669] : memref<8x8x128xf32, #tpu.memory_space<vmem>> -> memref<1x8x128xf32, #tpu.memory_space<vmem>>
      %dma_start3A_671 = tpu.memref_squeeze %dma_start3A_670 : memref<1x8x128xf32, #tpu.memory_space<vmem>> -> memref<8x128xf32, #tpu.memory_space<vmem>>
      %dma_start3A_672 = arith.constant 0 : i32
      %dma_start3A_673 = arith.constant 0 : i32
      %dma_start3A_674 = tpu.memref_slice %arg4[%add3A_506, %dma_start3A_667, %add3A, %dma_start3A_672, %dma_start3A_673] : memref<200x8x32x8x128xf32, #tpu.memory_space<hbm>> -> memref<1x1x1x8x128xf32, #tpu.memory_space<hbm>>
      %dma_start3A_675 = tpu.memref_squeeze %dma_start3A_674 : memref<1x1x1x8x128xf32, #tpu.memory_space<hbm>> -> memref<8x128xf32, #tpu.memory_space<hbm>>
      %dma_start3A_676 = arith.constant 0 : i32
      %dma_start3A_677 = arith.constant 0 : i32
      %dma_start3A_678 = tpu.memref_slice %arg4[%add3A_506, %dma_start3A_667, %add3A, %dma_start3A_676, %dma_start3A_677] : memref<200x8x32x8x128xf32, #tpu.memory_space<hbm>> -> memref<1x1x1x8x128xf32, #tpu.memory_space<hbm>>
      %dma_start3A_679 = tpu.memref_squeeze %dma_start3A_678 : memref<1x1x1x8x128xf32, #tpu.memory_space<hbm>> -> memref<8x128xf32, #tpu.memory_space<hbm>>
      %dma_start3A_680 = arith.constant 0 : i32
      %dma_start3A_681 = arith.constant 0 : i32
      %dma_start3A_682 = tpu.memref_slice %arg10[%dma_start3A_666, %dma_start3A_680, %dma_start3A_681] : memref<8x8x128xf32, #tpu.memory_space<vmem>> -> memref<1x8x128xf32, #tpu.memory_space<vmem>>
      %dma_start3A_683 = tpu.memref_squeeze %dma_start3A_682 : memref<1x8x128xf32, #tpu.memory_space<vmem>> -> memref<8x128xf32, #tpu.memory_space<vmem>>
      tpu.enqueue_dma source(%dma_start3A_683 : memref<8x128xf32, #tpu.memory_space<vmem>>) target(%dma_start3A_679 : memref<8x128xf32, #tpu.memory_space<hbm>>) target_semaphore(%arg14 : memref<!tpu.dma_semaphore, #tpu.memory_space<semaphore_mem>>)
      %scan3A_684 = arith.constant 0 : i32
      scf.yield %scan3A_684 : i32
    }
    %scan3A_8 = arith.constant 100 : i32
    %dma_wait3A = arith.constant 0 : i32
    %dma_wait3A_9 = arith.constant 198 : i32
    %dma_wait3A_10 = arith.constant 0 : i32
    %dma_wait3A_11 = arith.constant 0 : i32
    %dma_wait3A_12 = arith.constant 0 : i32
    %dma_wait3A_13 = tpu.memref_slice %arg9[%dma_wait3A, %dma_wait3A_11, %dma_wait3A_12] : memref<8x8x128xf32, #tpu.memory_space<vmem>> -> memref<1x8x128xf32, #tpu.memory_space<vmem>>
    %dma_wait3A_14 = tpu.memref_squeeze %dma_wait3A_13 : memref<1x8x128xf32, #tpu.memory_space<vmem>> -> memref<8x128xf32, #tpu.memory_space<vmem>>
    %dma_wait3A_15 = arith.constant 0 : i32
    %dma_wait3A_16 = arith.constant 0 : i32
    %dma_wait3A_17 = tpu.memref_slice %arg4[%dma_wait3A_9, %dma_wait3A_10, %add3A, %dma_wait3A_15, %dma_wait3A_16] : memref<200x8x32x8x128xf32, #tpu.memory_space<hbm>> -> memref<1x1x1x8x128xf32, #tpu.memory_space<hbm>>
    %dma_wait3A_18 = tpu.memref_squeeze %dma_wait3A_17 : memref<1x1x1x8x128xf32, #tpu.memory_space<hbm>> -> memref<8x128xf32, #tpu.memory_space<hbm>>
    %dma_wait3A_19 = arith.constant 0 : i32
    %dma_wait3A_20 = arith.constant 0 : i32
    %dma_wait3A_21 = tpu.memref_slice %arg4[%dma_wait3A_9, %dma_wait3A_10, %add3A, %dma_wait3A_19, %dma_wait3A_20] : memref<200x8x32x8x128xf32, #tpu.memory_space<hbm>> -> memref<1x1x1x8x128xf32, #tpu.memory_space<hbm>>
    %dma_wait3A_22 = tpu.memref_squeeze %dma_wait3A_21 : memref<1x1x1x8x128xf32, #tpu.memory_space<hbm>> -> memref<8x128xf32, #tpu.memory_space<hbm>>
    %dma_wait3A_23 = arith.constant 0 : i32
    %dma_wait3A_24 = arith.constant 0 : i32
    %dma_wait3A_25 = tpu.memref_slice %arg9[%dma_wait3A, %dma_wait3A_23, %dma_wait3A_24] : memref<8x8x128xf32, #tpu.memory_space<vmem>> -> memref<1x8x128xf32, #tpu.memory_space<vmem>>
    %dma_wait3A_26 = tpu.memref_squeeze %dma_wait3A_25 : memref<1x8x128xf32, #tpu.memory_space<vmem>> -> memref<8x128xf32, #tpu.memory_space<vmem>>
    tpu.wait_dma2 semaphore(%arg13 : memref<!tpu.dma_semaphore, #tpu.memory_space<semaphore_mem>>) src(%dma_wait3A_26 : memref<8x128xf32, #tpu.memory_space<vmem>>) dst(%dma_wait3A_22 : memref<8x128xf32, #tpu.memory_space<hbm>>)
    %dma_wait3A_27 = arith.constant 1 : i32
    %dma_wait3A_28 = arith.constant 198 : i32
    %dma_wait3A_29 = arith.constant 1 : i32
    %dma_wait3A_30 = arith.constant 0 : i32
    %dma_wait3A_31 = arith.constant 0 : i32
    %dma_wait3A_32 = tpu.memref_slice %arg9[%dma_wait3A_27, %dma_wait3A_30, %dma_wait3A_31] : memref<8x8x128xf32, #tpu.memory_space<vmem>> -> memref<1x8x128xf32, #tpu.memory_space<vmem>>
    %dma_wait3A_33 = tpu.memref_squeeze %dma_wait3A_32 : memref<1x8x128xf32, #tpu.memory_space<vmem>> -> memref<8x128xf32, #tpu.memory_space<vmem>>
    %dma_wait3A_34 = arith.constant 0 : i32
    %dma_wait3A_35 = arith.constant 0 : i32
    %dma_wait3A_36 = tpu.memref_slice %arg4[%dma_wait3A_28, %dma_wait3A_29, %add3A, %dma_wait3A_34, %dma_wait3A_35] : memref<200x8x32x8x128xf32, #tpu.memory_space<hbm>> -> memref<1x1x1x8x128xf32, #tpu.memory_space<hbm>>
    %dma_wait3A_37 = tpu.memref_squeeze %dma_wait3A_36 : memref<1x1x1x8x128xf32, #tpu.memory_space<hbm>> -> memref<8x128xf32, #tpu.memory_space<hbm>>
    %dma_wait3A_38 = arith.constant 0 : i32
    %dma_wait3A_39 = arith.constant 0 : i32
    %dma_wait3A_40 = tpu.memref_slice %arg4[%dma_wait3A_28, %dma_wait3A_29, %add3A, %dma_wait3A_38, %dma_wait3A_39] : memref<200x8x32x8x128xf32, #tpu.memory_space<hbm>> -> memref<1x1x1x8x128xf32, #tpu.memory_space<hbm>>
    %dma_wait3A_41 = tpu.memref_squeeze %dma_wait3A_40 : memref<1x1x1x8x128xf32, #tpu.memory_space<hbm>> -> memref<8x128xf32, #tpu.memory_space<hbm>>
    %dma_wait3A_42 = arith.constant 0 : i32
    %dma_wait3A_43 = arith.constant 0 : i32
    %dma_wait3A_44 = tpu.memref_slice %arg9[%dma_wait3A_27, %dma_wait3A_42, %dma_wait3A_43] : memref<8x8x128xf32, #tpu.memory_space<vmem>> -> memref<1x8x128xf32, #tpu.memory_space<vmem>>
    %dma_wait3A_45 = tpu.memref_squeeze %dma_wait3A_44 : memref<1x8x128xf32, #tpu.memory_space<vmem>> -> memref<8x128xf32, #tpu.memory_space<vmem>>
    tpu.wait_dma2 semaphore(%arg13 : memref<!tpu.dma_semaphore, #tpu.memory_space<semaphore_mem>>) src(%dma_wait3A_45 : memref<8x128xf32, #tpu.memory_space<vmem>>) dst(%dma_wait3A_41 : memref<8x128xf32, #tpu.memory_space<hbm>>)
    %dma_wait3A_46 = arith.constant 2 : i32
    %dma_wait3A_47 = arith.constant 198 : i32
    %dma_wait3A_48 = arith.constant 2 : i32
    %dma_wait3A_49 = arith.constant 0 : i32
    %dma_wait3A_50 = arith.constant 0 : i32
    %dma_wait3A_51 = tpu.memref_slice %arg9[%dma_wait3A_46, %dma_wait3A_49, %dma_wait3A_50] : memref<8x8x128xf32, #tpu.memory_space<vmem>> -> memref<1x8x128xf32, #tpu.memory_space<vmem>>
    %dma_wait3A_52 = tpu.memref_squeeze %dma_wait3A_51 : memref<1x8x128xf32, #tpu.memory_space<vmem>> -> memref<8x128xf32, #tpu.memory_space<vmem>>
    %dma_wait3A_53 = arith.constant 0 : i32
    %dma_wait3A_54 = arith.constant 0 : i32
    %dma_wait3A_55 = tpu.memref_slice %arg4[%dma_wait3A_47, %dma_wait3A_48, %add3A, %dma_wait3A_53, %dma_wait3A_54] : memref<200x8x32x8x128xf32, #tpu.memory_space<hbm>> -> memref<1x1x1x8x128xf32, #tpu.memory_space<hbm>>
    %dma_wait3A_56 = tpu.memref_squeeze %dma_wait3A_55 : memref<1x1x1x8x128xf32, #tpu.memory_space<hbm>> -> memref<8x128xf32, #tpu.memory_space<hbm>>
    %dma_wait3A_57 = arith.constant 0 : i32
    %dma_wait3A_58 = arith.constant 0 : i32
    %dma_wait3A_59 = tpu.memref_slice %arg4[%dma_wait3A_47, %dma_wait3A_48, %add3A, %dma_wait3A_57, %dma_wait3A_58] : memref<200x8x32x8x128xf32, #tpu.memory_space<hbm>> -> memref<1x1x1x8x128xf32, #tpu.memory_space<hbm>>
    %dma_wait3A_60 = tpu.memref_squeeze %dma_wait3A_59 : memref<1x1x1x8x128xf32, #tpu.memory_space<hbm>> -> memref<8x128xf32, #tpu.memory_space<hbm>>
    %dma_wait3A_61 = arith.constant 0 : i32
    %dma_wait3A_62 = arith.constant 0 : i32
    %dma_wait3A_63 = tpu.memref_slice %arg9[%dma_wait3A_46, %dma_wait3A_61, %dma_wait3A_62] : memref<8x8x128xf32, #tpu.memory_space<vmem>> -> memref<1x8x128xf32, #tpu.memory_space<vmem>>
    %dma_wait3A_64 = tpu.memref_squeeze %dma_wait3A_63 : memref<1x8x128xf32, #tpu.memory_space<vmem>> -> memref<8x128xf32, #tpu.memory_space<vmem>>
    tpu.wait_dma2 semaphore(%arg13 : memref<!tpu.dma_semaphore, #tpu.memory_space<semaphore_mem>>) src(%dma_wait3A_64 : memref<8x128xf32, #tpu.memory_space<vmem>>) dst(%dma_wait3A_60 : memref<8x128xf32, #tpu.memory_space<hbm>>)
    %dma_wait3A_65 = arith.constant 3 : i32
    %dma_wait3A_66 = arith.constant 198 : i32
    %dma_wait3A_67 = arith.constant 3 : i32
    %dma_wait3A_68 = arith.constant 0 : i32
    %dma_wait3A_69 = arith.constant 0 : i32
    %dma_wait3A_70 = tpu.memref_slice %arg9[%dma_wait3A_65, %dma_wait3A_68, %dma_wait3A_69] : memref<8x8x128xf32, #tpu.memory_space<vmem>> -> memref<1x8x128xf32, #tpu.memory_space<vmem>>
    %dma_wait3A_71 = tpu.memref_squeeze %dma_wait3A_70 : memref<1x8x128xf32, #tpu.memory_space<vmem>> -> memref<8x128xf32, #tpu.memory_space<vmem>>
    %dma_wait3A_72 = arith.constant 0 : i32
    %dma_wait3A_73 = arith.constant 0 : i32
    %dma_wait3A_74 = tpu.memref_slice %arg4[%dma_wait3A_66, %dma_wait3A_67, %add3A, %dma_wait3A_72, %dma_wait3A_73] : memref<200x8x32x8x128xf32, #tpu.memory_space<hbm>> -> memref<1x1x1x8x128xf32, #tpu.memory_space<hbm>>
    %dma_wait3A_75 = tpu.memref_squeeze %dma_wait3A_74 : memref<1x1x1x8x128xf32, #tpu.memory_space<hbm>> -> memref<8x128xf32, #tpu.memory_space<hbm>>
    %dma_wait3A_76 = arith.constant 0 : i32
    %dma_wait3A_77 = arith.constant 0 : i32
    %dma_wait3A_78 = tpu.memref_slice %arg4[%dma_wait3A_66, %dma_wait3A_67, %add3A, %dma_wait3A_76, %dma_wait3A_77] : memref<200x8x32x8x128xf32, #tpu.memory_space<hbm>> -> memref<1x1x1x8x128xf32, #tpu.memory_space<hbm>>
    %dma_wait3A_79 = tpu.memref_squeeze %dma_wait3A_78 : memref<1x1x1x8x128xf32, #tpu.memory_space<hbm>> -> memref<8x128xf32, #tpu.memory_space<hbm>>
    %dma_wait3A_80 = arith.constant 0 : i32
    %dma_wait3A_81 = arith.constant 0 : i32
    %dma_wait3A_82 = tpu.memref_slice %arg9[%dma_wait3A_65, %dma_wait3A_80, %dma_wait3A_81] : memref<8x8x128xf32, #tpu.memory_space<vmem>> -> memref<1x8x128xf32, #tpu.memory_space<vmem>>
    %dma_wait3A_83 = tpu.memref_squeeze %dma_wait3A_82 : memref<1x8x128xf32, #tpu.memory_space<vmem>> -> memref<8x128xf32, #tpu.memory_space<vmem>>
    tpu.wait_dma2 semaphore(%arg13 : memref<!tpu.dma_semaphore, #tpu.memory_space<semaphore_mem>>) src(%dma_wait3A_83 : memref<8x128xf32, #tpu.memory_space<vmem>>) dst(%dma_wait3A_79 : memref<8x128xf32, #tpu.memory_space<hbm>>)
    %dma_wait3A_84 = arith.constant 4 : i32
    %dma_wait3A_85 = arith.constant 198 : i32
    %dma_wait3A_86 = arith.constant 4 : i32
    %dma_wait3A_87 = arith.constant 0 : i32
    %dma_wait3A_88 = arith.constant 0 : i32
    %dma_wait3A_89 = tpu.memref_slice %arg9[%dma_wait3A_84, %dma_wait3A_87, %dma_wait3A_88] : memref<8x8x128xf32, #tpu.memory_space<vmem>> -> memref<1x8x128xf32, #tpu.memory_space<vmem>>
    %dma_wait3A_90 = tpu.memref_squeeze %dma_wait3A_89 : memref<1x8x128xf32, #tpu.memory_space<vmem>> -> memref<8x128xf32, #tpu.memory_space<vmem>>
    %dma_wait3A_91 = arith.constant 0 : i32
    %dma_wait3A_92 = arith.constant 0 : i32
    %dma_wait3A_93 = tpu.memref_slice %arg4[%dma_wait3A_85, %dma_wait3A_86, %add3A, %dma_wait3A_91, %dma_wait3A_92] : memref<200x8x32x8x128xf32, #tpu.memory_space<hbm>> -> memref<1x1x1x8x128xf32, #tpu.memory_space<hbm>>
    %dma_wait3A_94 = tpu.memref_squeeze %dma_wait3A_93 : memref<1x1x1x8x128xf32, #tpu.memory_space<hbm>> -> memref<8x128xf32, #tpu.memory_space<hbm>>
    %dma_wait3A_95 = arith.constant 0 : i32
    %dma_wait3A_96 = arith.constant 0 : i32
    %dma_wait3A_97 = tpu.memref_slice %arg4[%dma_wait3A_85, %dma_wait3A_86, %add3A, %dma_wait3A_95, %dma_wait3A_96] : memref<200x8x32x8x128xf32, #tpu.memory_space<hbm>> -> memref<1x1x1x8x128xf32, #tpu.memory_space<hbm>>
    %dma_wait3A_98 = tpu.memref_squeeze %dma_wait3A_97 : memref<1x1x1x8x128xf32, #tpu.memory_space<hbm>> -> memref<8x128xf32, #tpu.memory_space<hbm>>
    %dma_wait3A_99 = arith.constant 0 : i32
    %dma_wait3A_100 = arith.constant 0 : i32
    %dma_wait3A_101 = tpu.memref_slice %arg9[%dma_wait3A_84, %dma_wait3A_99, %dma_wait3A_100] : memref<8x8x128xf32, #tpu.memory_space<vmem>> -> memref<1x8x128xf32, #tpu.memory_space<vmem>>
    %dma_wait3A_102 = tpu.memref_squeeze %dma_wait3A_101 : memref<1x8x128xf32, #tpu.memory_space<vmem>> -> memref<8x128xf32, #tpu.memory_space<vmem>>
    tpu.wait_dma2 semaphore(%arg13 : memref<!tpu.dma_semaphore, #tpu.memory_space<semaphore_mem>>) src(%dma_wait3A_102 : memref<8x128xf32, #tpu.memory_space<vmem>>) dst(%dma_wait3A_98 : memref<8x128xf32, #tpu.memory_space<hbm>>)
    %dma_wait3A_103 = arith.constant 5 : i32
    %dma_wait3A_104 = arith.constant 198 : i32
    %dma_wait3A_105 = arith.constant 5 : i32
    %dma_wait3A_106 = arith.constant 0 : i32
    %dma_wait3A_107 = arith.constant 0 : i32
    %dma_wait3A_108 = tpu.memref_slice %arg9[%dma_wait3A_103, %dma_wait3A_106, %dma_wait3A_107] : memref<8x8x128xf32, #tpu.memory_space<vmem>> -> memref<1x8x128xf32, #tpu.memory_space<vmem>>
    %dma_wait3A_109 = tpu.memref_squeeze %dma_wait3A_108 : memref<1x8x128xf32, #tpu.memory_space<vmem>> -> memref<8x128xf32, #tpu.memory_space<vmem>>
    %dma_wait3A_110 = arith.constant 0 : i32
    %dma_wait3A_111 = arith.constant 0 : i32
    %dma_wait3A_112 = tpu.memref_slice %arg4[%dma_wait3A_104, %dma_wait3A_105, %add3A, %dma_wait3A_110, %dma_wait3A_111] : memref<200x8x32x8x128xf32, #tpu.memory_space<hbm>> -> memref<1x1x1x8x128xf32, #tpu.memory_space<hbm>>
    %dma_wait3A_113 = tpu.memref_squeeze %dma_wait3A_112 : memref<1x1x1x8x128xf32, #tpu.memory_space<hbm>> -> memref<8x128xf32, #tpu.memory_space<hbm>>
    %dma_wait3A_114 = arith.constant 0 : i32
    %dma_wait3A_115 = arith.constant 0 : i32
    %dma_wait3A_116 = tpu.memref_slice %arg4[%dma_wait3A_104, %dma_wait3A_105, %add3A, %dma_wait3A_114, %dma_wait3A_115] : memref<200x8x32x8x128xf32, #tpu.memory_space<hbm>> -> memref<1x1x1x8x128xf32, #tpu.memory_space<hbm>>
    %dma_wait3A_117 = tpu.memref_squeeze %dma_wait3A_116 : memref<1x1x1x8x128xf32, #tpu.memory_space<hbm>> -> memref<8x128xf32, #tpu.memory_space<hbm>>
    %dma_wait3A_118 = arith.constant 0 : i32
    %dma_wait3A_119 = arith.constant 0 : i32
    %dma_wait3A_120 = tpu.memref_slice %arg9[%dma_wait3A_103, %dma_wait3A_118, %dma_wait3A_119] : memref<8x8x128xf32, #tpu.memory_space<vmem>> -> memref<1x8x128xf32, #tpu.memory_space<vmem>>
    %dma_wait3A_121 = tpu.memref_squeeze %dma_wait3A_120 : memref<1x8x128xf32, #tpu.memory_space<vmem>> -> memref<8x128xf32, #tpu.memory_space<vmem>>
    tpu.wait_dma2 semaphore(%arg13 : memref<!tpu.dma_semaphore, #tpu.memory_space<semaphore_mem>>) src(%dma_wait3A_121 : memref<8x128xf32, #tpu.memory_space<vmem>>) dst(%dma_wait3A_117 : memref<8x128xf32, #tpu.memory_space<hbm>>)
    %dma_wait3A_122 = arith.constant 6 : i32
    %dma_wait3A_123 = arith.constant 198 : i32
    %dma_wait3A_124 = arith.constant 6 : i32
    %dma_wait3A_125 = arith.constant 0 : i32
    %dma_wait3A_126 = arith.constant 0 : i32
    %dma_wait3A_127 = tpu.memref_slice %arg9[%dma_wait3A_122, %dma_wait3A_125, %dma_wait3A_126] : memref<8x8x128xf32, #tpu.memory_space<vmem>> -> memref<1x8x128xf32, #tpu.memory_space<vmem>>
    %dma_wait3A_128 = tpu.memref_squeeze %dma_wait3A_127 : memref<1x8x128xf32, #tpu.memory_space<vmem>> -> memref<8x128xf32, #tpu.memory_space<vmem>>
    %dma_wait3A_129 = arith.constant 0 : i32
    %dma_wait3A_130 = arith.constant 0 : i32
    %dma_wait3A_131 = tpu.memref_slice %arg4[%dma_wait3A_123, %dma_wait3A_124, %add3A, %dma_wait3A_129, %dma_wait3A_130] : memref<200x8x32x8x128xf32, #tpu.memory_space<hbm>> -> memref<1x1x1x8x128xf32, #tpu.memory_space<hbm>>
    %dma_wait3A_132 = tpu.memref_squeeze %dma_wait3A_131 : memref<1x1x1x8x128xf32, #tpu.memory_space<hbm>> -> memref<8x128xf32, #tpu.memory_space<hbm>>
    %dma_wait3A_133 = arith.constant 0 : i32
    %dma_wait3A_134 = arith.constant 0 : i32
    %dma_wait3A_135 = tpu.memref_slice %arg4[%dma_wait3A_123, %dma_wait3A_124, %add3A, %dma_wait3A_133, %dma_wait3A_134] : memref<200x8x32x8x128xf32, #tpu.memory_space<hbm>> -> memref<1x1x1x8x128xf32, #tpu.memory_space<hbm>>
    %dma_wait3A_136 = tpu.memref_squeeze %dma_wait3A_135 : memref<1x1x1x8x128xf32, #tpu.memory_space<hbm>> -> memref<8x128xf32, #tpu.memory_space<hbm>>
    %dma_wait3A_137 = arith.constant 0 : i32
    %dma_wait3A_138 = arith.constant 0 : i32
    %dma_wait3A_139 = tpu.memref_slice %arg9[%dma_wait3A_122, %dma_wait3A_137, %dma_wait3A_138] : memref<8x8x128xf32, #tpu.memory_space<vmem>> -> memref<1x8x128xf32, #tpu.memory_space<vmem>>
    %dma_wait3A_140 = tpu.memref_squeeze %dma_wait3A_139 : memref<1x8x128xf32, #tpu.memory_space<vmem>> -> memref<8x128xf32, #tpu.memory_space<vmem>>
    tpu.wait_dma2 semaphore(%arg13 : memref<!tpu.dma_semaphore, #tpu.memory_space<semaphore_mem>>) src(%dma_wait3A_140 : memref<8x128xf32, #tpu.memory_space<vmem>>) dst(%dma_wait3A_136 : memref<8x128xf32, #tpu.memory_space<hbm>>)
    %dma_wait3A_141 = arith.constant 7 : i32
    %dma_wait3A_142 = arith.constant 198 : i32
    %dma_wait3A_143 = arith.constant 7 : i32
    %dma_wait3A_144 = arith.constant 0 : i32
    %dma_wait3A_145 = arith.constant 0 : i32
    %dma_wait3A_146 = tpu.memref_slice %arg9[%dma_wait3A_141, %dma_wait3A_144, %dma_wait3A_145] : memref<8x8x128xf32, #tpu.memory_space<vmem>> -> memref<1x8x128xf32, #tpu.memory_space<vmem>>
    %dma_wait3A_147 = tpu.memref_squeeze %dma_wait3A_146 : memref<1x8x128xf32, #tpu.memory_space<vmem>> -> memref<8x128xf32, #tpu.memory_space<vmem>>
    %dma_wait3A_148 = arith.constant 0 : i32
    %dma_wait3A_149 = arith.constant 0 : i32
    %dma_wait3A_150 = tpu.memref_slice %arg4[%dma_wait3A_142, %dma_wait3A_143, %add3A, %dma_wait3A_148, %dma_wait3A_149] : memref<200x8x32x8x128xf32, #tpu.memory_space<hbm>> -> memref<1x1x1x8x128xf32, #tpu.memory_space<hbm>>
    %dma_wait3A_151 = tpu.memref_squeeze %dma_wait3A_150 : memref<1x1x1x8x128xf32, #tpu.memory_space<hbm>> -> memref<8x128xf32, #tpu.memory_space<hbm>>
    %dma_wait3A_152 = arith.constant 0 : i32
    %dma_wait3A_153 = arith.constant 0 : i32
    %dma_wait3A_154 = tpu.memref_slice %arg4[%dma_wait3A_142, %dma_wait3A_143, %add3A, %dma_wait3A_152, %dma_wait3A_153] : memref<200x8x32x8x128xf32, #tpu.memory_space<hbm>> -> memref<1x1x1x8x128xf32, #tpu.memory_space<hbm>>
    %dma_wait3A_155 = tpu.memref_squeeze %dma_wait3A_154 : memref<1x1x1x8x128xf32, #tpu.memory_space<hbm>> -> memref<8x128xf32, #tpu.memory_space<hbm>>
    %dma_wait3A_156 = arith.constant 0 : i32
    %dma_wait3A_157 = arith.constant 0 : i32
    %dma_wait3A_158 = tpu.memref_slice %arg9[%dma_wait3A_141, %dma_wait3A_156, %dma_wait3A_157] : memref<8x8x128xf32, #tpu.memory_space<vmem>> -> memref<1x8x128xf32, #tpu.memory_space<vmem>>
    %dma_wait3A_159 = tpu.memref_squeeze %dma_wait3A_158 : memref<1x8x128xf32, #tpu.memory_space<vmem>> -> memref<8x128xf32, #tpu.memory_space<vmem>>
    tpu.wait_dma2 semaphore(%arg13 : memref<!tpu.dma_semaphore, #tpu.memory_space<semaphore_mem>>) src(%dma_wait3A_159 : memref<8x128xf32, #tpu.memory_space<vmem>>) dst(%dma_wait3A_155 : memref<8x128xf32, #tpu.memory_space<hbm>>)
    %dma_wait3A_160 = arith.constant 0 : i32
    %dma_wait3A_161 = arith.constant 199 : i32
    %dma_wait3A_162 = arith.constant 0 : i32
    %dma_wait3A_163 = arith.constant 0 : i32
    %dma_wait3A_164 = arith.constant 0 : i32
    %dma_wait3A_165 = tpu.memref_slice %arg10[%dma_wait3A_160, %dma_wait3A_163, %dma_wait3A_164] : memref<8x8x128xf32, #tpu.memory_space<vmem>> -> memref<1x8x128xf32, #tpu.memory_space<vmem>>
    %dma_wait3A_166 = tpu.memref_squeeze %dma_wait3A_165 : memref<1x8x128xf32, #tpu.memory_space<vmem>> -> memref<8x128xf32, #tpu.memory_space<vmem>>
    %dma_wait3A_167 = arith.constant 0 : i32
    %dma_wait3A_168 = arith.constant 0 : i32
    %dma_wait3A_169 = tpu.memref_slice %arg4[%dma_wait3A_161, %dma_wait3A_162, %add3A, %dma_wait3A_167, %dma_wait3A_168] : memref<200x8x32x8x128xf32, #tpu.memory_space<hbm>> -> memref<1x1x1x8x128xf32, #tpu.memory_space<hbm>>
    %dma_wait3A_170 = tpu.memref_squeeze %dma_wait3A_169 : memref<1x1x1x8x128xf32, #tpu.memory_space<hbm>> -> memref<8x128xf32, #tpu.memory_space<hbm>>
    %dma_wait3A_171 = arith.constant 0 : i32
    %dma_wait3A_172 = arith.constant 0 : i32
    %dma_wait3A_173 = tpu.memref_slice %arg4[%dma_wait3A_161, %dma_wait3A_162, %add3A, %dma_wait3A_171, %dma_wait3A_172] : memref<200x8x32x8x128xf32, #tpu.memory_space<hbm>> -> memref<1x1x1x8x128xf32, #tpu.memory_space<hbm>>
    %dma_wait3A_174 = tpu.memref_squeeze %dma_wait3A_173 : memref<1x1x1x8x128xf32, #tpu.memory_space<hbm>> -> memref<8x128xf32, #tpu.memory_space<hbm>>
    %dma_wait3A_175 = arith.constant 0 : i32
    %dma_wait3A_176 = arith.constant 0 : i32
    %dma_wait3A_177 = tpu.memref_slice %arg10[%dma_wait3A_160, %dma_wait3A_175, %dma_wait3A_176] : memref<8x8x128xf32, #tpu.memory_space<vmem>> -> memref<1x8x128xf32, #tpu.memory_space<vmem>>
    %dma_wait3A_178 = tpu.memref_squeeze %dma_wait3A_177 : memref<1x8x128xf32, #tpu.memory_space<vmem>> -> memref<8x128xf32, #tpu.memory_space<vmem>>
    tpu.wait_dma2 semaphore(%arg14 : memref<!tpu.dma_semaphore, #tpu.memory_space<semaphore_mem>>) src(%dma_wait3A_178 : memref<8x128xf32, #tpu.memory_space<vmem>>) dst(%dma_wait3A_174 : memref<8x128xf32, #tpu.memory_space<hbm>>)
    %dma_wait3A_179 = arith.constant 1 : i32
    %dma_wait3A_180 = arith.constant 199 : i32
    %dma_wait3A_181 = arith.constant 1 : i32
    %dma_wait3A_182 = arith.constant 0 : i32
    %dma_wait3A_183 = arith.constant 0 : i32
    %dma_wait3A_184 = tpu.memref_slice %arg10[%dma_wait3A_179, %dma_wait3A_182, %dma_wait3A_183] : memref<8x8x128xf32, #tpu.memory_space<vmem>> -> memref<1x8x128xf32, #tpu.memory_space<vmem>>
    %dma_wait3A_185 = tpu.memref_squeeze %dma_wait3A_184 : memref<1x8x128xf32, #tpu.memory_space<vmem>> -> memref<8x128xf32, #tpu.memory_space<vmem>>
    %dma_wait3A_186 = arith.constant 0 : i32
    %dma_wait3A_187 = arith.constant 0 : i32
    %dma_wait3A_188 = tpu.memref_slice %arg4[%dma_wait3A_180, %dma_wait3A_181, %add3A, %dma_wait3A_186, %dma_wait3A_187] : memref<200x8x32x8x128xf32, #tpu.memory_space<hbm>> -> memref<1x1x1x8x128xf32, #tpu.memory_space<hbm>>
    %dma_wait3A_189 = tpu.memref_squeeze %dma_wait3A_188 : memref<1x1x1x8x128xf32, #tpu.memory_space<hbm>> -> memref<8x128xf32, #tpu.memory_space<hbm>>
    %dma_wait3A_190 = arith.constant 0 : i32
    %dma_wait3A_191 = arith.constant 0 : i32
    %dma_wait3A_192 = tpu.memref_slice %arg4[%dma_wait3A_180, %dma_wait3A_181, %add3A, %dma_wait3A_190, %dma_wait3A_191] : memref<200x8x32x8x128xf32, #tpu.memory_space<hbm>> -> memref<1x1x1x8x128xf32, #tpu.memory_space<hbm>>
    %dma_wait3A_193 = tpu.memref_squeeze %dma_wait3A_192 : memref<1x1x1x8x128xf32, #tpu.memory_space<hbm>> -> memref<8x128xf32, #tpu.memory_space<hbm>>
    %dma_wait3A_194 = arith.constant 0 : i32
    %dma_wait3A_195 = arith.constant 0 : i32
    %dma_wait3A_196 = tpu.memref_slice %arg10[%dma_wait3A_179, %dma_wait3A_194, %dma_wait3A_195] : memref<8x8x128xf32, #tpu.memory_space<vmem>> -> memref<1x8x128xf32, #tpu.memory_space<vmem>>
    %dma_wait3A_197 = tpu.memref_squeeze %dma_wait3A_196 : memref<1x8x128xf32, #tpu.memory_space<vmem>> -> memref<8x128xf32, #tpu.memory_space<vmem>>
    tpu.wait_dma2 semaphore(%arg14 : memref<!tpu.dma_semaphore, #tpu.memory_space<semaphore_mem>>) src(%dma_wait3A_197 : memref<8x128xf32, #tpu.memory_space<vmem>>) dst(%dma_wait3A_193 : memref<8x128xf32, #tpu.memory_space<hbm>>)
    %dma_wait3A_198 = arith.constant 2 : i32
    %dma_wait3A_199 = arith.constant 199 : i32
    %dma_wait3A_200 = arith.constant 2 : i32
    %dma_wait3A_201 = arith.constant 0 : i32
    %dma_wait3A_202 = arith.constant 0 : i32
    %dma_wait3A_203 = tpu.memref_slice %arg10[%dma_wait3A_198, %dma_wait3A_201, %dma_wait3A_202] : memref<8x8x128xf32, #tpu.memory_space<vmem>> -> memref<1x8x128xf32, #tpu.memory_space<vmem>>
    %dma_wait3A_204 = tpu.memref_squeeze %dma_wait3A_203 : memref<1x8x128xf32, #tpu.memory_space<vmem>> -> memref<8x128xf32, #tpu.memory_space<vmem>>
    %dma_wait3A_205 = arith.constant 0 : i32
    %dma_wait3A_206 = arith.constant 0 : i32
    %dma_wait3A_207 = tpu.memref_slice %arg4[%dma_wait3A_199, %dma_wait3A_200, %add3A, %dma_wait3A_205, %dma_wait3A_206] : memref<200x8x32x8x128xf32, #tpu.memory_space<hbm>> -> memref<1x1x1x8x128xf32, #tpu.memory_space<hbm>>
    %dma_wait3A_208 = tpu.memref_squeeze %dma_wait3A_207 : memref<1x1x1x8x128xf32, #tpu.memory_space<hbm>> -> memref<8x128xf32, #tpu.memory_space<hbm>>
    %dma_wait3A_209 = arith.constant 0 : i32
    %dma_wait3A_210 = arith.constant 0 : i32
    %dma_wait3A_211 = tpu.memref_slice %arg4[%dma_wait3A_199, %dma_wait3A_200, %add3A, %dma_wait3A_209, %dma_wait3A_210] : memref<200x8x32x8x128xf32, #tpu.memory_space<hbm>> -> memref<1x1x1x8x128xf32, #tpu.memory_space<hbm>>
    %dma_wait3A_212 = tpu.memref_squeeze %dma_wait3A_211 : memref<1x1x1x8x128xf32, #tpu.memory_space<hbm>> -> memref<8x128xf32, #tpu.memory_space<hbm>>
    %dma_wait3A_213 = arith.constant 0 : i32
    %dma_wait3A_214 = arith.constant 0 : i32
    %dma_wait3A_215 = tpu.memref_slice %arg10[%dma_wait3A_198, %dma_wait3A_213, %dma_wait3A_214] : memref<8x8x128xf32, #tpu.memory_space<vmem>> -> memref<1x8x128xf32, #tpu.memory_space<vmem>>
    %dma_wait3A_216 = tpu.memref_squeeze %dma_wait3A_215 : memref<1x8x128xf32, #tpu.memory_space<vmem>> -> memref<8x128xf32, #tpu.memory_space<vmem>>
    tpu.wait_dma2 semaphore(%arg14 : memref<!tpu.dma_semaphore, #tpu.memory_space<semaphore_mem>>) src(%dma_wait3A_216 : memref<8x128xf32, #tpu.memory_space<vmem>>) dst(%dma_wait3A_212 : memref<8x128xf32, #tpu.memory_space<hbm>>)
    %dma_wait3A_217 = arith.constant 3 : i32
    %dma_wait3A_218 = arith.constant 199 : i32
    %dma_wait3A_219 = arith.constant 3 : i32
    %dma_wait3A_220 = arith.constant 0 : i32
    %dma_wait3A_221 = arith.constant 0 : i32
    %dma_wait3A_222 = tpu.memref_slice %arg10[%dma_wait3A_217, %dma_wait3A_220, %dma_wait3A_221] : memref<8x8x128xf32, #tpu.memory_space<vmem>> -> memref<1x8x128xf32, #tpu.memory_space<vmem>>
    %dma_wait3A_223 = tpu.memref_squeeze %dma_wait3A_222 : memref<1x8x128xf32, #tpu.memory_space<vmem>> -> memref<8x128xf32, #tpu.memory_space<vmem>>
    %dma_wait3A_224 = arith.constant 0 : i32
    %dma_wait3A_225 = arith.constant 0 : i32
    %dma_wait3A_226 = tpu.memref_slice %arg4[%dma_wait3A_218, %dma_wait3A_219, %add3A, %dma_wait3A_224, %dma_wait3A_225] : memref<200x8x32x8x128xf32, #tpu.memory_space<hbm>> -> memref<1x1x1x8x128xf32, #tpu.memory_space<hbm>>
    %dma_wait3A_227 = tpu.memref_squeeze %dma_wait3A_226 : memref<1x1x1x8x128xf32, #tpu.memory_space<hbm>> -> memref<8x128xf32, #tpu.memory_space<hbm>>
    %dma_wait3A_228 = arith.constant 0 : i32
    %dma_wait3A_229 = arith.constant 0 : i32
    %dma_wait3A_230 = tpu.memref_slice %arg4[%dma_wait3A_218, %dma_wait3A_219, %add3A, %dma_wait3A_228, %dma_wait3A_229] : memref<200x8x32x8x128xf32, #tpu.memory_space<hbm>> -> memref<1x1x1x8x128xf32, #tpu.memory_space<hbm>>
    %dma_wait3A_231 = tpu.memref_squeeze %dma_wait3A_230 : memref<1x1x1x8x128xf32, #tpu.memory_space<hbm>> -> memref<8x128xf32, #tpu.memory_space<hbm>>
    %dma_wait3A_232 = arith.constant 0 : i32
    %dma_wait3A_233 = arith.constant 0 : i32
    %dma_wait3A_234 = tpu.memref_slice %arg10[%dma_wait3A_217, %dma_wait3A_232, %dma_wait3A_233] : memref<8x8x128xf32, #tpu.memory_space<vmem>> -> memref<1x8x128xf32, #tpu.memory_space<vmem>>
    %dma_wait3A_235 = tpu.memref_squeeze %dma_wait3A_234 : memref<1x8x128xf32, #tpu.memory_space<vmem>> -> memref<8x128xf32, #tpu.memory_space<vmem>>
    tpu.wait_dma2 semaphore(%arg14 : memref<!tpu.dma_semaphore, #tpu.memory_space<semaphore_mem>>) src(%dma_wait3A_235 : memref<8x128xf32, #tpu.memory_space<vmem>>) dst(%dma_wait3A_231 : memref<8x128xf32, #tpu.memory_space<hbm>>)
    %dma_wait3A_236 = arith.constant 4 : i32
    %dma_wait3A_237 = arith.constant 199 : i32
    %dma_wait3A_238 = arith.constant 4 : i32
    %dma_wait3A_239 = arith.constant 0 : i32
    %dma_wait3A_240 = arith.constant 0 : i32
    %dma_wait3A_241 = tpu.memref_slice %arg10[%dma_wait3A_236, %dma_wait3A_239, %dma_wait3A_240] : memref<8x8x128xf32, #tpu.memory_space<vmem>> -> memref<1x8x128xf32, #tpu.memory_space<vmem>>
    %dma_wait3A_242 = tpu.memref_squeeze %dma_wait3A_241 : memref<1x8x128xf32, #tpu.memory_space<vmem>> -> memref<8x128xf32, #tpu.memory_space<vmem>>
    %dma_wait3A_243 = arith.constant 0 : i32
    %dma_wait3A_244 = arith.constant 0 : i32
    %dma_wait3A_245 = tpu.memref_slice %arg4[%dma_wait3A_237, %dma_wait3A_238, %add3A, %dma_wait3A_243, %dma_wait3A_244] : memref<200x8x32x8x128xf32, #tpu.memory_space<hbm>> -> memref<1x1x1x8x128xf32, #tpu.memory_space<hbm>>
    %dma_wait3A_246 = tpu.memref_squeeze %dma_wait3A_245 : memref<1x1x1x8x128xf32, #tpu.memory_space<hbm>> -> memref<8x128xf32, #tpu.memory_space<hbm>>
    %dma_wait3A_247 = arith.constant 0 : i32
    %dma_wait3A_248 = arith.constant 0 : i32
    %dma_wait3A_249 = tpu.memref_slice %arg4[%dma_wait3A_237, %dma_wait3A_238, %add3A, %dma_wait3A_247, %dma_wait3A_248] : memref<200x8x32x8x128xf32, #tpu.memory_space<hbm>> -> memref<1x1x1x8x128xf32, #tpu.memory_space<hbm>>
    %dma_wait3A_250 = tpu.memref_squeeze %dma_wait3A_249 : memref<1x1x1x8x128xf32, #tpu.memory_space<hbm>> -> memref<8x128xf32, #tpu.memory_space<hbm>>
    %dma_wait3A_251 = arith.constant 0 : i32
    %dma_wait3A_252 = arith.constant 0 : i32
    %dma_wait3A_253 = tpu.memref_slice %arg10[%dma_wait3A_236, %dma_wait3A_251, %dma_wait3A_252] : memref<8x8x128xf32, #tpu.memory_space<vmem>> -> memref<1x8x128xf32, #tpu.memory_space<vmem>>
    %dma_wait3A_254 = tpu.memref_squeeze %dma_wait3A_253 : memref<1x8x128xf32, #tpu.memory_space<vmem>> -> memref<8x128xf32, #tpu.memory_space<vmem>>
    tpu.wait_dma2 semaphore(%arg14 : memref<!tpu.dma_semaphore, #tpu.memory_space<semaphore_mem>>) src(%dma_wait3A_254 : memref<8x128xf32, #tpu.memory_space<vmem>>) dst(%dma_wait3A_250 : memref<8x128xf32, #tpu.memory_space<hbm>>)
    %dma_wait3A_255 = arith.constant 5 : i32
    %dma_wait3A_256 = arith.constant 199 : i32
    %dma_wait3A_257 = arith.constant 5 : i32
    %dma_wait3A_258 = arith.constant 0 : i32
    %dma_wait3A_259 = arith.constant 0 : i32
    %dma_wait3A_260 = tpu.memref_slice %arg10[%dma_wait3A_255, %dma_wait3A_258, %dma_wait3A_259] : memref<8x8x128xf32, #tpu.memory_space<vmem>> -> memref<1x8x128xf32, #tpu.memory_space<vmem>>
    %dma_wait3A_261 = tpu.memref_squeeze %dma_wait3A_260 : memref<1x8x128xf32, #tpu.memory_space<vmem>> -> memref<8x128xf32, #tpu.memory_space<vmem>>
    %dma_wait3A_262 = arith.constant 0 : i32
    %dma_wait3A_263 = arith.constant 0 : i32
    %dma_wait3A_264 = tpu.memref_slice %arg4[%dma_wait3A_256, %dma_wait3A_257, %add3A, %dma_wait3A_262, %dma_wait3A_263] : memref<200x8x32x8x128xf32, #tpu.memory_space<hbm>> -> memref<1x1x1x8x128xf32, #tpu.memory_space<hbm>>
    %dma_wait3A_265 = tpu.memref_squeeze %dma_wait3A_264 : memref<1x1x1x8x128xf32, #tpu.memory_space<hbm>> -> memref<8x128xf32, #tpu.memory_space<hbm>>
    %dma_wait3A_266 = arith.constant 0 : i32
    %dma_wait3A_267 = arith.constant 0 : i32
    %dma_wait3A_268 = tpu.memref_slice %arg4[%dma_wait3A_256, %dma_wait3A_257, %add3A, %dma_wait3A_266, %dma_wait3A_267] : memref<200x8x32x8x128xf32, #tpu.memory_space<hbm>> -> memref<1x1x1x8x128xf32, #tpu.memory_space<hbm>>
    %dma_wait3A_269 = tpu.memref_squeeze %dma_wait3A_268 : memref<1x1x1x8x128xf32, #tpu.memory_space<hbm>> -> memref<8x128xf32, #tpu.memory_space<hbm>>
    %dma_wait3A_270 = arith.constant 0 : i32
    %dma_wait3A_271 = arith.constant 0 : i32
    %dma_wait3A_272 = tpu.memref_slice %arg10[%dma_wait3A_255, %dma_wait3A_270, %dma_wait3A_271] : memref<8x8x128xf32, #tpu.memory_space<vmem>> -> memref<1x8x128xf32, #tpu.memory_space<vmem>>
    %dma_wait3A_273 = tpu.memref_squeeze %dma_wait3A_272 : memref<1x8x128xf32, #tpu.memory_space<vmem>> -> memref<8x128xf32, #tpu.memory_space<vmem>>
    tpu.wait_dma2 semaphore(%arg14 : memref<!tpu.dma_semaphore, #tpu.memory_space<semaphore_mem>>) src(%dma_wait3A_273 : memref<8x128xf32, #tpu.memory_space<vmem>>) dst(%dma_wait3A_269 : memref<8x128xf32, #tpu.memory_space<hbm>>)
    %dma_wait3A_274 = arith.constant 6 : i32
    %dma_wait3A_275 = arith.constant 199 : i32
    %dma_wait3A_276 = arith.constant 6 : i32
    %dma_wait3A_277 = arith.constant 0 : i32
    %dma_wait3A_278 = arith.constant 0 : i32
    %dma_wait3A_279 = tpu.memref_slice %arg10[%dma_wait3A_274, %dma_wait3A_277, %dma_wait3A_278] : memref<8x8x128xf32, #tpu.memory_space<vmem>> -> memref<1x8x128xf32, #tpu.memory_space<vmem>>
    %dma_wait3A_280 = tpu.memref_squeeze %dma_wait3A_279 : memref<1x8x128xf32, #tpu.memory_space<vmem>> -> memref<8x128xf32, #tpu.memory_space<vmem>>
    %dma_wait3A_281 = arith.constant 0 : i32
    %dma_wait3A_282 = arith.constant 0 : i32
    %dma_wait3A_283 = tpu.memref_slice %arg4[%dma_wait3A_275, %dma_wait3A_276, %add3A, %dma_wait3A_281, %dma_wait3A_282] : memref<200x8x32x8x128xf32, #tpu.memory_space<hbm>> -> memref<1x1x1x8x128xf32, #tpu.memory_space<hbm>>
    %dma_wait3A_284 = tpu.memref_squeeze %dma_wait3A_283 : memref<1x1x1x8x128xf32, #tpu.memory_space<hbm>> -> memref<8x128xf32, #tpu.memory_space<hbm>>
    %dma_wait3A_285 = arith.constant 0 : i32
    %dma_wait3A_286 = arith.constant 0 : i32
    %dma_wait3A_287 = tpu.memref_slice %arg4[%dma_wait3A_275, %dma_wait3A_276, %add3A, %dma_wait3A_285, %dma_wait3A_286] : memref<200x8x32x8x128xf32, #tpu.memory_space<hbm>> -> memref<1x1x1x8x128xf32, #tpu.memory_space<hbm>>
    %dma_wait3A_288 = tpu.memref_squeeze %dma_wait3A_287 : memref<1x1x1x8x128xf32, #tpu.memory_space<hbm>> -> memref<8x128xf32, #tpu.memory_space<hbm>>
    %dma_wait3A_289 = arith.constant 0 : i32
    %dma_wait3A_290 = arith.constant 0 : i32
    %dma_wait3A_291 = tpu.memref_slice %arg10[%dma_wait3A_274, %dma_wait3A_289, %dma_wait3A_290] : memref<8x8x128xf32, #tpu.memory_space<vmem>> -> memref<1x8x128xf32, #tpu.memory_space<vmem>>
    %dma_wait3A_292 = tpu.memref_squeeze %dma_wait3A_291 : memref<1x8x128xf32, #tpu.memory_space<vmem>> -> memref<8x128xf32, #tpu.memory_space<vmem>>
    tpu.wait_dma2 semaphore(%arg14 : memref<!tpu.dma_semaphore, #tpu.memory_space<semaphore_mem>>) src(%dma_wait3A_292 : memref<8x128xf32, #tpu.memory_space<vmem>>) dst(%dma_wait3A_288 : memref<8x128xf32, #tpu.memory_space<hbm>>)
    %dma_wait3A_293 = arith.constant 7 : i32
    %dma_wait3A_294 = arith.constant 199 : i32
    %dma_wait3A_295 = arith.constant 7 : i32
    %dma_wait3A_296 = arith.constant 0 : i32
    %dma_wait3A_297 = arith.constant 0 : i32
    %dma_wait3A_298 = tpu.memref_slice %arg10[%dma_wait3A_293, %dma_wait3A_296, %dma_wait3A_297] : memref<8x8x128xf32, #tpu.memory_space<vmem>> -> memref<1x8x128xf32, #tpu.memory_space<vmem>>
    %dma_wait3A_299 = tpu.memref_squeeze %dma_wait3A_298 : memref<1x8x128xf32, #tpu.memory_space<vmem>> -> memref<8x128xf32, #tpu.memory_space<vmem>>
    %dma_wait3A_300 = arith.constant 0 : i32
    %dma_wait3A_301 = arith.constant 0 : i32
    %dma_wait3A_302 = tpu.memref_slice %arg4[%dma_wait3A_294, %dma_wait3A_295, %add3A, %dma_wait3A_300, %dma_wait3A_301] : memref<200x8x32x8x128xf32, #tpu.memory_space<hbm>> -> memref<1x1x1x8x128xf32, #tpu.memory_space<hbm>>
    %dma_wait3A_303 = tpu.memref_squeeze %dma_wait3A_302 : memref<1x1x1x8x128xf32, #tpu.memory_space<hbm>> -> memref<8x128xf32, #tpu.memory_space<hbm>>
    %dma_wait3A_304 = arith.constant 0 : i32
    %dma_wait3A_305 = arith.constant 0 : i32
    %dma_wait3A_306 = tpu.memref_slice %arg4[%dma_wait3A_294, %dma_wait3A_295, %add3A, %dma_wait3A_304, %dma_wait3A_305] : memref<200x8x32x8x128xf32, #tpu.memory_space<hbm>> -> memref<1x1x1x8x128xf32, #tpu.memory_space<hbm>>
    %dma_wait3A_307 = tpu.memref_squeeze %dma_wait3A_306 : memref<1x1x1x8x128xf32, #tpu.memory_space<hbm>> -> memref<8x128xf32, #tpu.memory_space<hbm>>
    %dma_wait3A_308 = arith.constant 0 : i32
    %dma_wait3A_309 = arith.constant 0 : i32
    %dma_wait3A_310 = tpu.memref_slice %arg10[%dma_wait3A_293, %dma_wait3A_308, %dma_wait3A_309] : memref<8x8x128xf32, #tpu.memory_space<vmem>> -> memref<1x8x128xf32, #tpu.memory_space<vmem>>
    %dma_wait3A_311 = tpu.memref_squeeze %dma_wait3A_310 : memref<1x8x128xf32, #tpu.memory_space<vmem>> -> memref<8x128xf32, #tpu.memory_space<vmem>>
    tpu.wait_dma2 semaphore(%arg14 : memref<!tpu.dma_semaphore, #tpu.memory_space<semaphore_mem>>) src(%dma_wait3A_311 : memref<8x128xf32, #tpu.memory_space<vmem>>) dst(%dma_wait3A_307 : memref<8x128xf32, #tpu.memory_space<hbm>>)
    return
  }
}

</mosaic_0001>

<sc_bundles>
// kernel: kernel.3.cloned.1.call-start
scs
__scs_entry_jumppad:
0x0: {  	(pc) =	sbr.rel $0x88, $3  }
0x1: {  	(tag) =	ssettag $0x0;
	lr =	simm.s32 $0x1  }
0x2: {  	[smem:$0x3F9F] =	sst lr;
	_ =	strace $0xD0000000  }
0x3: {  	_ = 	snop  }
0x4: {  	_ = 	snop  }
0x5: {  	_ = 	snop  }
0x6: {  	_ = 	snop  }
0x7: {  	_ = 	snop  }
__scs_overlays_trampoline_lowered:
0x8: {  	[smem:$0x3FAE] =	sst s0  }
0x9: {  	[smem:$0x3FAF] =	sst s1  }
0xa: {  	[smem:$0x3FB0] =	sst s2  }
0xb: {  	[smem:$0x3FB1] =	sst s3  }
0xc: {  	[smem:$0x3FB2] =	sst s4  }
0xd: {  	[smem:$0x3FB3] =	sst s5  }
0xe: {  	[smem:$0x3FB4] =	sst s6  }
0xf: {  	[smem:$0x3FB5] =	sst s7  }
0x10: {  	[smem:$0x3FB6] =	sst s8  }
0x11: {  	[smem:$0x3FB7] =	sst s9;
	s0 =	simm.s32 @!p0 $0x0  }
0x12: {  	s1 =	sld [smem:$0x3F9D];
	s0 =	simm.s32 @p0 $0x1  }
0x13: {  	[smem:$0x3FB8] =	sst s0;
	s0 =	simm.s32 @!p1 $0x0  }
0x14: {  	s2 =	sld [smem:$0x3F9C];
	s0 =	simm.s32 @p1 $0x1  }
0x15: {  	[smem:$0x3FB9] =	sst s0;
	s0 =	simm.s32 @!p2 $0x0  }
0x16: {  	s3 =	sld [smem:$0x3FDB];
	s0 =	simm.s32 @p2 $0x1  }
0x17: {  	s4 =	simm.s32 $0x1BF5;
	[smem:$0x3FBB] =	sst s0  }
0x18: {  	s0 =	sld [smem:$0x3F9E];
	_ =	swait.ge [sflag:s4], $0x0  }
0x19: {  	s7 =	sld [smem:$0x3F9F]  }
0x1a: {  	s8 =	sadd.s32 $0xFFFFE003, lr  }
0x1b: {  	s9 =	sadd.s32 $0xFFFFFEF7, lr;
	s5 =	simm.s32 $0xFFFFFFFF;
	p2 =	slt.u32 s8, $0xFFFFF086  }
0x1c: {  	p1 =	slt.u32 s9, $0xF7A;
	s5 =	simm.s32 @!p2 $0x0  }
0x1d: {  	s5 =	simm.s32 @p1 $0x1;
	p0 =	seq.s32 s7, s2  }
0x1e: {  	s7 =	smul.u32 @!p0 $0xF7A, s2;
	p2 =	seq.s32 @!p0 s5, $0x0  }
0x1f: {  	s9 =	smul.u32 $0xF7A, s1;
	s8 =	simm.s32 @!p0 $0x1BF5;
	p2 =	por !p2, p0  }
0x20: {  	[sflag:s8] =	ssyncset.s32 @!p0 $0xFFFFF086;
	s6 =	sadd.s32 @!p0 s3, s7;
	s7 =	simm.s32 @!p0 $0x108  }
0x21: {  	s3 =	sadd.s32 s3, s9;
	s6 =	sadd.s32 @!p0 $0x88, s6;
	s7 =	simm.s32 @p2 $0x1082  }
0x22: {  	[simem:s7], [sflag:s8] =	dma.local @!p0 [hbm:s6], $0xF7A  }
0x23: {  	s9 =	sor.u32 $0xD0000000, s2;
	s6 =	simm.s32 $0x108;
	_ =	swait.ge @!p0 [sflag:s8], $0x0  }
0x24: {  	s3 =	sadd.s32 $0x88, s3;
	s6 =	simm.s32 @!p1 $0x1082;
	[sflag:s4] =	ssyncset.s32 $0xFFFFF086  }
0x25: {  	[simem:s6], [sflag:s4] =	dma.local [hbm:s3], $0xF7A  }
0x26: {  	[smem:$0x3F9F] =	sst s1;
	(tag) =	ssettag s2;
	_ =	strace s9  }
0x27: {  	s1 =	sld [smem:$0x3FAF]  }
0x28: {  	s2 =	sld [smem:$0x3FB0]  }
0x29: {  	s4 =	sld [smem:$0x3FB2]  }
0x2a: {  	p0 =	seq.s32 s5, $0x0;
	s5 =	sld [smem:$0x3FB3]  }
0x2b: {  	s6 =	sld [smem:$0x3FB4]  }
0x2c: {  	s7 =	sld [smem:$0x3FB5]  }
0x2d: {  	s3 =	simm.s32 $0x108;
	s8 =	sld [smem:$0x3FB6]  }
0x2e: {  	s3 =	simm.s32 @!p0 $0x1082;
	s9 =	sld [smem:$0x3FB7]  }
0x2f: {  	lr =	sadd.s32 s0, s3;
	s0 =	sld [smem:$0x3FAE]  }
0x30: {  	s3 =	sld [smem:$0x3FB1]  }
0x31: {  	[smem:$0x3FBA] =	sst s10  }
0x32: {  	s10 =	sld [smem:$0x3FB8];
	_ =	sdelay $0x3  }
0x33: {  	p0 =	seq.s32 s10, $0x1;
	s10 =	sld [smem:$0x3FBA];
	_ =	sdelay $0x3  }
0x34: {  	[smem:$0x3FBA] =	sst s10  }
0x35: {  	s10 =	sld [smem:$0x3FB9];
	_ =	sdelay $0x3  }
0x36: {  	p1 =	seq.s32 s10, $0x1;
	s10 =	sld [smem:$0x3FBA];
	_ =	sdelay $0x3  }
0x37: {  	[smem:$0x3FBA] =	sst s10  }
0x38: {  	s10 =	sld [smem:$0x3FBB]  }
0x39: {  	_ = 	snop;
	(pc) =	sbr.ind lr, $3  }
0x3a: {  	_ = 	snop  }
0x3b: {  	_ = 	snop  }
0x3c: {  	p2 =	seq.s32 s10, $0x1;
	s10 =	sld [smem:$0x3FBA]  }
0x3d: {  	_ =	shalt  }
0x3e: {  	_ =	shalt  }
0x3f: {  	_ =	shalt  }
0x40: {  	_ =	shalt  }
0x41: {  	_ =	shalt  }
0x42: {  	_ =	shalt  }
0x43: {  	_ =	shalt  }
0x44: {  	_ =	shalt  }
0x45: {  	_ =	shalt  }
0x46: {  	_ =	shalt  }
0x47: {  	_ =	shalt  }
0x48: {  	_ =	shalt  }
0x49: {  	_ =	shalt  }
0x4a: {  	_ =	shalt  }
0x4b: {  	_ =	shalt  }
0x4c: {  	_ =	shalt  }
0x4d: {  	_ =	shalt  }
0x4e: {  	_ =	shalt  }
0x4f: {  	_ =	shalt  }
0x50: {  	_ =	shalt  }
0x51: {  	_ =	shalt  }
0x52: {  	_ =	shalt  }
0x53: {  	_ =	shalt  }
0x54: {  	_ =	shalt  }
0x55: {  	_ =	shalt  }
0x56: {  	_ =	shalt  }
0x57: {  	_ =	shalt  }
0x58: {  	_ =	shalt  }
0x59: {  	_ =	shalt  }
0x5a: {  	_ =	shalt  }
0x5b: {  	_ =	shalt  }
0x5c: {  	_ =	shalt  }
0x5d: {  	_ =	shalt  }
0x5e: {  	_ =	shalt  }
0x5f: {  	_ =	shalt  }
0x60: {  	_ =	shalt  }
0x61: {  	_ =	shalt  }
0x62: {  	_ =	shalt  }
0x63: {  	_ =	shalt  }
0x64: {  	_ =	shalt  }
0x65: {  	_ =	shalt  }
0x66: {  	_ =	shalt  }
0x67: {  	_ =	shalt  }
0x68: {  	_ =	shalt  }
0x69: {  	_ =	shalt  }
0x6a: {  	_ =	shalt  }
0x6b: {  	_ =	shalt  }
0x6c: {  	_ =	shalt  }
0x6d: {  	_ =	shalt  }
0x6e: {  	_ =	shalt  }
0x6f: {  	_ =	shalt  }
0x70: {  	_ =	shalt  }
0x71: {  	_ =	shalt  }
0x72: {  	_ =	shalt  }
0x73: {  	_ =	shalt  }
0x74: {  	_ =	shalt  }
0x75: {  	_ =	shalt  }
0x76: {  	_ =	shalt  }
0x77: {  	_ =	shalt  }
0x78: {  	_ =	shalt  }
0x79: {  	_ =	shalt  }
0x7a: {  	_ =	shalt  }
0x7b: {  	_ =	shalt  }
0x7c: {  	_ =	shalt  }
0x7d: {  	_ =	shalt  }
0x7e: {  	_ =	shalt  }
0x7f: {  	_ =	shalt  }
0x80: {  	_ =	shalt  }
0x81: {  	_ =	shalt  }
0x82: {  	_ =	shalt  }
0x83: {  	_ =	shalt  }
0x84: {  	_ =	shalt  }
0x85: {  	_ =	shalt  }
0x86: {  	_ =	shalt  }
0x87: {  	_ =	shalt  }
.Lfunc_end0:
.L_simem_size_0:
called_computation_lowered:
.L_overlay_start_0:
0x88: {  	s2 =	sld [smem:$0x3FD9]  }
0x89: {  	s3 =	sld [smem:$0x3FFE];
	_ =	sdelay $0x1  }
0x8a: {  	s1 =	srdreg.scid  }
0x8b: {  	s0 =	sand.u32 $0x1, s1  }
0x8c: {  	s17 =	sshll.u32 s0, $0xA;
	s2 =	sadd.s32 s3, s2  }
0x8d: {  	s2 =	sadd.s32 s2, s17  }
0x8e: {  	[smem:$0x3FC6] =	sst s2  }
0x8f: {  	_ = 	snop  }
0x90: {  	s2 =	sld [smem:$0x3FD0];
	(tm) =	ssettm $0x1  }
0x91: {  	s18 =	sld [smem:$0x3FFB];
	_ =	sdelay $0x3  }
0x92: {  	_ =	strace s18  }
0x93: {  	s3 =	sld [smem:$0x3FFC];
	_ =	sdelay $0x3  }
0x94: {  	_ =	strace s3  }
0x95: {  	s3 =	sld [smem:$0x3FFD];
	_ =	sdelay $0x3  }
0x96: {  	_ =	strace s3  }
0x97: {  	_ =	strace $0x8FFFFFFF  }
0x98: {  	s19 =	sld [smem:$0x3FDB];
	_ =	sdelay $0x1  }
0x99: {  	s4 =	simm.s32 $_scs_section_size  }
0x9a: {  	s5 =	simm.s32 $_size__tile_overlayer_lowered;
	s6 =	simm.s32 $_tile_overlayer_lowered  }
0x9b: {  	s22 =	simm.s32 $0x1BFF;
	s21 =	sshll.u32 s6, $0x1;
	s3 =	sadd.s32 s4, s19  }
0x9c: {  	s7 =	simm.s32 $0x0;
	s20 =	sshll.u32 s5, $0x1;
	s5 =	sadd.s32 s21, s3  }
0x9d: {  	[timem:s7], [sflag:s22] =	dma.local [hbm:s5], s20  }
0x9e: {  	_ =	swait.ge [sflag:s22], s20  }
0x9f: {  	s4 =	ssub.s32 $0x0, s20;
	[sflag:s22] =	ssyncset.done $0x0  }
0xa0: {  	[sflag:s22] =	ssyncadd.s32 s4;
	_ =	sdelay $0x1  }
0xa1: {  	s23 =	simm.s32 $0x1B8B  }
0xa2: {  	_ =	swait.ge [sflag:s23], $0x1  }
0xa3: {  	[sflag:s23] =	ssyncset.done $0x0  }
0xa4: {  	s25 =	simm.s32 $0x1B8E;
	s24 =	sld [smem:$0x3FFE];
	[sflag:s23] =	ssyncadd.s32 $0xFFFFFFFF  }
0xa5: {  	s26 =	simm.s32 $execute0_lowered;
	[smem:$0x3FD2] =	sst s25  }
0xa6: {  	s5 =	sshll.u32 s26, $0x1;
	_ =	strace $0x80000046;
	[dreg:$0x1] =	wrdreg $0xFFFFFFFF  }
0xa7: {  	s28 =	simm.s32 $_size_execute0_lowered;
	s3 =	sadd.s32 s3, s5;
	[dreg:$0x0] =	wrdreg $0x0  }
0xa8: {  	s5 =	sshll.u32 s28, $0x1;
	[dreg:$0x2] =	wrdreg s3  }
0xa9: {  	[dreg:$0x3] =	wrdreg s5  }
0xaa: {  	[dreg:$0x4] =	wrdreg $0xC0  }
0xab: {  	_ =	task [dreg:s7], $0x5FFFF  }
0xac: {  	[dreg:$0x1] =	wrdreg $0xFFFFFFFF  }
0xad: {  	[dreg:$0x0] =	wrdreg $0x60  }
0xae: {  	[dreg:$0x2] =	wrdreg s24  }
0xaf: {  	[dreg:$0x3] =	wrdreg s2  }
0xb0: {  	[dreg:$0x4] =	wrdreg $0x9  }
0xb1: {  	_ =	task.clear_ibuf [dreg:s7], $0x5FFFF;
	_ =	strace $0x90000046  }
0xb2: {  	s29 =	simm.s32 $0x9;
	_ =	strace $0x80000048  }
0xb3: {  	_ =	swait.ge [sflag:s29], $0x1  }
0xb4: {  	[sflag:s29] =	ssyncadd.s32 $0xFFFFFFFF  }
0xb5: {  	_ =	strace $0x90000048  }
0xb6: {  	_ =	sfence  }
0xb7: {  	s30 =	sld [smem:$0x0];
	_ =	sdelay $0x2  }
0xb8: {  	s31 =	sshll.u32 s1, $0xD;
	s1 =	sshrl.u32 s1, $0x2  }
0xb9: {  	s3 =	sand.u32 $0x4000, s31;
	s1 =	sadd.s32 s1, s30  }
0xba: {  	s0 =	sor.u32 s3, s0;
	s1 =	sshll.u32 s1, $0x11  }
0xbb: {  	s0 =	sor.u32 s1, s0  }
0xbc: {  	s0 =	sadd.s32 $0x8F2B, s0  }
0xbd: {  	[sflag:s0] =	ssyncadd.remote.s32 $0x1  }
0xbe: {  	_ =	sfence.sel $0xFFFF  }
0xbf: {  	[dreg:$0x0] =	wrdreg $0xFFFFFFFF;
	(pc) =	sbr.abs _section_cstart, $3  }
0xc0: {  	[dreg:$0x1] =	wrdreg $0xFFFFFFFF  }
0xc1: {  	_ =	task.clear_ibuf [dreg:s7], $0x2FFFF;
	_ =	strace $0x9FFFFFFF  }
0xc2: {  	(tm) =	ssettm $0x7FFFFFFF  }
0xc3: {  	_ =	shalt  }
tec
execute0_lowered:
.L_overlay_start_1:
0x0: {  	(tag) =	ssettag $0x1  }
0x1: {  	v3 =	vlaneseq.u32  }
0x2: {  	v1 =	vmul.u32 $0x40, v3;
	_ =	sdelay $0x1  }
0x3: {  	v0 =	vor.u32 $0x400, v1  }
0x4: {  	[tilespmem:$0x1FC10] =	vst v0;
	v0 =	vor.u32 $0x10, v3  }
0x5: {  	s0 =	rddreg [dreg:$0x0];
	s2 =	simm.s32 $0x0;
	[tilespmem:$0x1FC20] =	vst v0;
	v0 =	vor.u32 $0x800, v1  }
0x6: {  	[smem:$0x7FF] =	sst s2;
	[tilespmem:$0x1FC30] =	vst v0;
	v0 =	vor.u32 $0x810, v3  }
0x7: {  	s1 =	rddreg [dreg:$0x1];
	v6 =	vor.u32 $0x1840, v3;
	_ =	strace $0x80000047;
	[tilespmem:$0x1FC40] =	vst v0  }
0x8: {  	v5 =	vor.u32 $0x1850, v3;
	[tilespmem:$0x1FD50] =	vst v6  }
0x9: {  	v57 =	vor.u32 $0x1860, v3;
	[tilespmem:$0x1FD60] =	vst v5  }
0xa: {  	v55 =	vor.u32 $0x30, v3;
	[tilespmem:$0x1FD70] =	vst v57  }
0xb: {  	v56 =	vor.u32 $0x1000, v1;
	[tilespmem:$0x1FD90] =	vst v55  }
0xc: {  	v40 =	vor.u32 $0x40, v3;
	[tilespmem:$0x1FDA0] =	vst v56  }
0xd: {  	v59 =	vor.u32 $0x1400, v1;
	[tilespmem:$0x1FDB0] =	vst v40  }
0xe: {  	v48 =	vor.u32 $0x50, v3;
	[tilespmem:$0x1FDC0] =	vst v59  }
0xf: {  	v60 =	vor.u32 $0x60, v3;
	[tilespmem:$0x1FDD0] =	vst v48  }
0x10: {  	v61 =	vor.u32 $0x1C00, v1;
	[tilespmem:$0x1FDE0] =	vst v60  }
0x11: {  	v30 =	vor.u32 $0x70, v3;
	[tilespmem:$0x1FDF0] =	vst v61  }
0x12: {  	v43 =	vmov v1;
	[tilespmem:$0x1FE00] =	vst v30  }
0x13: {  	v20 =	vor.u32 $0x10, v1;
	[tilespmem:$0x1FE10] =	vst v43  }
0x14: {  	v19 =	vor.u32 $0x800, v3;
	[tilespmem:$0x1FE20] =	vst v20  }
0x15: {  	v2 =	vor.u32 $0xC10, v1;
	[tilespmem:$0x1FE30] =	vst v19  }
0x16: {  	v39 =	vor.u32 $0x1410, v1;
	[tilespmem:$0x1FE40] =	vst v2  }
0x17: {  	v53 =	vor.u32 $0x20, v3;
	[tilespmem:$0x1FE50] =	vst v39  }
0x18: {  	v7 =	vor.u32 $0x810, v1;
	[tilespmem:$0x1FE60] =	vst v53  }
0x19: {  	v54 =	vor.u32 $0xC00, v1;
	[tilespmem:$0x1FE70] =	vst v7  }
0x1a: {  	v22 =	vor.u32 $0x410, v1;
	[tilespmem:$0x1FE80] =	vst v54  }
0x1b: {  	v51 =	vor.u32 $0xC20, v1;
	[tilespmem:$0x1FE90] =	vst v22  }
0x1c: {  	v58 =	vor.u32 $0x1070, v3;
	[tilespmem:$0x1FEA0] =	vst v51  }
0x1d: {  	v37 =	vor.u32 $0x1820, v3;
	[tilespmem:$0x1FEB0] =	vst v58  }
0x1e: {  	v41 =	vor.u32 $0x1810, v3;
	[tilespmem:$0x1FEC0] =	vst v37  }
0x1f: {  	v11 =	vor.u32 $0x1800, v3;
	[tilespmem:$0x1FED0] =	vst v41  }
0x20: {  	v29 =	vor.u32 $0x1800, v1;
	[tilespmem:$0x1FEE0] =	vst v11  }
0x21: {  	v35 =	vor.u32 $0x1830, v3;
	[tilespmem:$0x1FEF0] =	vst v29  }
0x22: {  	v32 =	vor.u32 $0x1030, v1;
	[tilespmem:$0x1FF00] =	vst v35  }
0x23: {  	v34 =	vor.u32 $0x830, v3;
	[tilespmem:$0x1FF10] =	vst v32  }
0x24: {  	v25 =	vor.u32 $0x1C30, v1;
	[tilespmem:$0x1FF20] =	vst v34  }
0x25: {  	v26 =	vor.u32 $0x1430, v1;
	[tilespmem:$0x1FF30] =	vst v25  }
0x26: {  	v28 =	vor.u32 $0x1830, v1;
	[tilespmem:$0x1FF40] =	vst v26  }
0x27: {  	v36 =	vor.u32 $0x430, v1;
	[tilespmem:$0x1FF50] =	vst v28  }
0x28: {  	v47 =	vor.u32 $0x30, v1;
	[tilespmem:$0x1FF60] =	vst v36  }
0x29: {  	v33 =	vor.u32 $0x830, v1;
	[tilespmem:$0x1FF70] =	vst v47  }
0x2a: {  	v31 =	vor.u32 $0xC30, v1;
	[tilespmem:$0x1FF80] =	vst v33  }
0x2b: {  	v62 =	vor.u32 $0x840, v3;
	[tilespmem:$0x1FF90] =	vst v31  }
0x2c: {  	v52 =	vor.u32 $0x1810, v1;
	[tilespmem:$0x1FFA0] =	vst v62  }
0x2d: {  	v49 =	vor.u32 $0x1C10, v1;
	[tilespmem:$0x1FFB0] =	vst v52  }
0x2e: {  	v8 =	vor.u32 $0x1010, v1;
	[tilespmem:$0x1FFC0] =	vst v49  }
0x2f: {  	v9 =	vor.u32 $0x850, v3;
	[tilespmem:$0x1FFD0] =	vst v8  }
0x30: {  	v50 =	vor.u32 $0x860, v3;
	[tilespmem:$0x1FFE0] =	vst v9  }
0x31: {  	v0 =	vor.u32 $0x820, v3;
	[tilespmem:$0x1FFF0] =	vst v50  }
0x32: {  	[tilespmem:$0x1FC50] =	vst v0;
	v0 =	vor.u32 $0x870, v3  }
0x33: {  	[tilespmem:$0x1FC60] =	vst v0;
	v0 =	vor.u32 $0x20, v1  }
0x34: {  	[tilespmem:$0x1FC70] =	vst v0;
	v0 =	vor.u32 $0x1000, v3  }
0x35: {  	s3 =	srdreg.scid;
	[tilespmem:$0x1FC80] =	vst v0;
	v0 =	vor.u32 $0x420, v1  }
0x36: {  	s5 =	stileid.u32;
	s18 =	simm.s32 $0x5;
	s19 =	simm.s32 $0x80;
	[tilespmem:$0x1FC90] =	vst v0;
	v0 =	vor.u32 $0x1010, v3  }
0x37: {  	s20 =	simm.s32 $0x100;
	s21 =	simm.s32 $0x2100;
	s22 =	simm.s32 $0x1;
	[tilespmem:$0x1FCA0] =	vst v0;
	v0 =	vor.u32 $0x820, v1  }
0x38: {  	s23 =	simm.s32 $0x4100;
	s25 =	simm.s32 $0x7100;
	s26 =	simm.s32 $0x7500;
	[tilespmem:$0x1FCB0] =	vst v0;
	v0 =	vor.u32 $0x1020, v3  }
0x39: {  	s28 =	simm.s32 $0x7900;
	s29 =	simm.s32 $0x7D00;
	s17 =	simm.s32 $0x0;
	[tilespmem:$0x1FCC0] =	vst v0;
	v0 =	vor.u32 $0x1030, v3  }
0x3a: {  	s3 =	sand.u32 $0x1, s3;
	s4 =	sadd.s32 $0x600, s0;
	s7 =	sshll.u32 s5, $0x1;
	[tilespmem:$0x1FCD0] =	vst v0;
	v0 =	vor.u32 $0x1020, v1  }
0x3b: {  	s5 =	sadd.s32 $0xF42A00, s0;
	s10 =	sadd.s32 $0x1000, s1;
	s11 =	sadd.s32 $0x2000, s1;
	[tilespmem:$0x1FCE0] =	vst v0;
	v0 =	vor.u32 $0x1040, v3  }
0x3c: {  	s12 =	sadd.s32 $0x3000, s1;
	s13 =	sadd.s32 $0x4000, s1;
	s14 =	sadd.s32 $0x5000, s1;
	[tilespmem:$0x1FCF0] =	vst v0;
	v0 =	vor.u32 $0x1420, v1  }
0x3d: {  	s15 =	sadd.s32 $0x6000, s1;
	s6 =	ssub.s32 $0x2, s3;
	s3 =	sor.u32 s3, s7;
	[tilespmem:$0x1FD00] =	vst v0;
	v0 =	vor.u32 $0x1050, v3  }
0x3e: {  	s16 =	sadd.s32 $0x7000, s1;
	s30 =	sshrl.u32 s6, $0x1;
	s7 =	sshll.u32 s3, $0x4;
	[tilespmem:$0x1FD10] =	vst v0;
	v0 =	vor.u32 $0x1820, v1  }
0x3f: {  	s0 =	ssub.s32 s6, s30;
	s6 =	sshll.u32 s3, $0x7;
	s7 =	sadd.s32 s4, s7;
	[tilespmem:$0x1FD20] =	vst v0;
	v0 =	vor.u32 $0x1060, v3  }
0x40: {  	s9 =	sshll.u32 s3, $0xA;
	s31 =	sor.u32 $0x2000, s6;
	[dreg:$0x3] =	wrdreg s7;
	[tilespmem:$0x1FD30] =	vst v0;
	v0 =	vor.u32 $0x1C20, v1  }
0x41: {  	s3 =	simm.s32 $0x4;
	s0 =	smax.u32 s0, $0x1;
	[dreg:$0x4] =	wrdreg s31;
	v1 =	vor.u32 $0x1870, v3;
	[tilespmem:$0x1FD40] =	vst v0  }
0x42: {  	[dreg:$0x5] =	wrdreg s0;
	s0 =	simm.s32 $0x2;
	s7 =	simm.s32 $0x6100;
	[tilespmem:$0x1FD80] =	vst v1  }
.LBB2_1:
0x43: {  	[dreg:$0x6] =	wrdreg s17  }
0x44: {  	s8 =	rddreg [dreg:$0x3]  }
0x45: {  	[tilespmem:s2], [sflag:$0x5] =	stream.linear.gather [hbm4b:s8+s2], $0x80, $0x38;
	[tilespmem:$0x8100] =	vst v63  }
0x46: {  	_ =	swait.ge [sflag:s18], $0x80  }
0x47: {  	[sflag:s18] =	ssyncset.done $0x0  }
0x48: {  	s30 =	simm.s32 $0x0;
	[sflag:s18] =	ssyncadd.s32 $0xFFFFFF80  }
0x49: {  	v27 =	vmov v2;
	[tilespmem:s20], [sflag:$0x1] =	stream.indirect.gather [hbm4b:s5+s19], $0x40, s2, s19, $0xb8;
	[tilespmem:$0x8100] =	vst v63  }
.LBB2_2:
0x4a: {  	s31 =	sshllo.u32 s30, $0x1  }
0x4b: {  	s8 =	sshll.u32 s31, $0xC  }
0x4c: {  	s8 =	sor.u32 s6, s8  }
0x4d: {  	s8 =	sshrl.u32 s8, $0x3  }
0x4e: {  	s8 =	sadd.s32 s4, s8  }
0x4f: {  	[tilespmem:s19], [sflag:$0x5] =	stream.linear.gather [hbm4b:s8+s2], $0x80, $0x38;
	[tilespmem:$0x8100] =	vst v63  }
0x50: {  	_ =	swait.ge [sflag:s18], $0x80  }
0x51: {  	[sflag:s18] =	ssyncset.done $0x0  }
0x52: {  	[sflag:s18] =	ssyncadd.s32 $0xFFFFFF80  }
0x53: {  	[tilespmem:s21], [sflag:$0x2] =	stream.indirect.gather [hbm4b:s5+s19], $0x40, s19, s19, $0xb8;
	[tilespmem:$0x8100] =	vst v63  }
0x54: {  	_ =	swait.ge [sflag:s22], $0x2000  }
0x55: {  	p0 =	seq.s32 s30, $0x0;
	[sflag:s22] =	ssyncset.done $0x0  }
0x56: {  	s8 =	simm.s32 @!p0 $0x3;
	[sflag:s22] =	ssyncadd.s32 $0xFFFFE000  }
0x57: {  	_ =	swait.ge @!p0 [sflag:s8], $0x400  }
0x58: {  	[sflag:s8] =	ssyncset.done @!p0 $0x0  }
0x59: {  	[sflag:s8] =	ssyncadd.s32 @!p0 $0xFFFFFC00  }
0x5a: {  	_ =	swait.ge @!p0 [sflag:s8], $0x400  }
0x5b: {  	[sflag:s8] =	ssyncset.done @!p0 $0x0  }
0x5c: {  	[sflag:s8] =	ssyncadd.s32 @!p0 $0xFFFFFC00  }
0x5d: {  	_ =	swait.ge @!p0 [sflag:s8], $0x400  }
0x5e: {  	[sflag:s8] =	ssyncset.done @!p0 $0x0  }
0x5f: {  	[sflag:s8] =	ssyncadd.s32 @!p0 $0xFFFFFC00  }
0x60: {  	_ =	swait.ge @!p0 [sflag:s8], $0x400  }
0x61: {  	[sflag:s8] =	ssyncset.done @!p0 $0x0  }
0x62: {  	[sflag:s8] =	ssyncadd.s32 @!p0 $0xFFFFFC00  }
0x63: {  	_ =	swait.ge @!p0 [sflag:s8], $0x400  }
0x64: {  	[sflag:s8] =	ssyncset.done @!p0 $0x0  }
0x65: {  	[sflag:s8] =	ssyncadd.s32 @!p0 $0xFFFFFC00  }
0x66: {  	_ =	swait.ge @!p0 [sflag:s8], $0x400  }
0x67: {  	s17 =	simm.s32 $0x0;
	v42 =	vlaneseq.u32;
	[sflag:s8] =	ssyncset.done @!p0 $0x0  }
0x68: {  	s24 =	simm.s32 $0x3;
	v0 =	vadd.s32 s17, v42;
	[sflag:s8] =	ssyncadd.s32 @!p0 $0xFFFFFC00  }
0x69: {  	v1 =	vadd.s32 s24, v42;
	s24 =	simm.s32 $0x2;
	v18 =	vand.u32 $0xF, v0;
	_ =	swait.ge @!p0 [sflag:s8], $0x400  }
0x6a: {  	v6 =	vand.u32 $0xF, v1;
	v3 =	vadd.s32 s24, v42;
	v2 =	vor.u32 v43, v18;
	[sflag:s8] =	ssyncset.done @!p0 $0x0  }
0x6b: {  	v1 =	vor.u32 v43, v6;
	v4 =	vand.u32 $0xF, v3;
	[sflag:s8] =	ssyncadd.s32 @!p0 $0xFFFFFC00  }
0x6c: {  	v21 =	vmov v7;
	v7 =	vor.u32 v43, v4;
	_ =	swait.ge @!p0 [sflag:s8], $0x400  }
0x6d: {  	[sflag:s8] =	ssyncset.done @!p0 $0x0  }
0x6e: {  	v24 =	vld [tilespmem:$0x1FC10];
	[sflag:s8] =	ssyncadd.s32 @!p0 $0xFFFFFC00  }
0x6f: {  	v37 =	vmov v9;
	s24 =	simm.s32 $0x1;
	v0 =	vshll.u32 v0, $0x7;
	v9 =	vld.idx.msk [tilespmem:v2+s20+$0x0], $0xffff  }
0x70: {  	v5 =	vadd.s32 s24, v42;
	v3 =	vand.u32 $0x780, v0;
	v10 =	vld.idx.msk [tilespmem:v1+s20+$0x0], $0xffff  }
0x71: {  	v63 =	vshll.u32 v6, $0x7;
	v5 =	vand.u32 $0xF, v5;
	v11 =	vor.u32 v42, v3;
	v7 =	vld.idx.msk [tilespmem:v7+s20+$0x0], $0xffff  }
0x72: {  	v35 =	vmovc v8;
	v13 =	vor.u32 v42, v63;
	v8 =	vor.u32 v43, v5;
	v2 =	vshll.u32 v4, $0x7  }
0x73: {  	v15 =	vor.u32 v42, v2  }
0x74: {  	v9 =	vmul.f32 $8.000000000e+00, v9  }
0x75: {  	v10 =	vmul.f32 $8.000000000e+00, v10  }
0x76: {  	v12 =	vor.u32 v24, v18;
	v7 =	vmul.f32 $8.000000000e+00, v7;
	[tilespmem:v11+s23+$0x0] =	vst.idx.msk $0xffff, v9  }
0x77: {  	v8 =	vld.idx.msk [tilespmem:v8+s20+$0x0], $0xffff;
	v14 =	vor.u32 v24, v6;
	[tilespmem:v13+s23+$0x0] =	vst.idx.msk $0xffff, v10  }
0x78: {  	v44 =	vld [tilespmem:$0x1FC20];
	[tilespmem:v15+s23+$0x0] =	vst.idx.msk $0xffff, v7  }
0x79: {  	v1 =	vshll.u32 v5, $0x7;
	v23 =	vld [tilespmem:$0x1FC30]  }
0x7a: {  	v16 =	vor.u32 v42, v1;
	v17 =	vor.u32 v24, v4  }
0x7b: {  	v9 =	vor.u32 v24, v5;
	v11 =	vld.idx.msk [tilespmem:v12+s20+$0x0], $0xffff  }
0x7c: {  	v10 =	vld.idx.msk [tilespmem:v14+s20+$0x0], $0xffff  }
0x7d: {  	v8 =	vmul.f32 $8.000000000e+00, v8;
	v12 =	vor.u32 v44, v3  }
0x7e: {  	v13 =	vor.u32 v44, v63;
	v7 =	vor.u32 v23, v18  }
0x7f: {  	[tilespmem:v16+s23+$0x0] =	vst.idx.msk $0xffff, v8;
	v8 =	vld.idx.msk [tilespmem:v17+s20+$0x0], $0xffff;
	v14 =	vor.u32 v23, v6  }
0x80: {  	v9 =	vld.idx.msk [tilespmem:v9+s20+$0x0], $0xffff;
	v11 =	vmul.f32 $8.000000000e+00, v11  }
0x81: {  	v15 =	vor.u32 v44, v2;
	v10 =	vmul.f32 $8.000000000e+00, v10  }
0x82: {  	v16 =	vor.u32 v44, v1;
	v17 =	vor.u32 v23, v4;
	[tilespmem:v12+s23+$0x0] =	vst.idx.msk $0xffff, v11  }
0x83: {  	v11 =	vor.u32 v23, v5;
	[tilespmem:v13+s23+$0x0] =	vst.idx.msk $0xffff, v10;
	v7 =	vld.idx.msk [tilespmem:v7+s20+$0x0], $0xffff  }
0x84: {  	v8 =	vmul.f32 $8.000000000e+00, v8;
	v10 =	vld.idx.msk [tilespmem:v14+s20+$0x0], $0xffff  }
0x85: {  	v9 =	vmul.f32 $8.000000000e+00, v9;
	v12 =	vor.u32 v53, v3  }
0x86: {  	[tilespmem:v15+s23+$0x0] =	vst.idx.msk $0xffff, v8;
	v8 =	vor.u32 v54, v18;
	v13 =	vor.u32 v53, v63  }
0x87: {  	[tilespmem:v16+s23+$0x0] =	vst.idx.msk $0xffff, v9;
	v9 =	vld.idx.msk [tilespmem:v17+s20+$0x0], $0xffff;
	v14 =	vor.u32 v54, v6  }
0x88: {  	v11 =	vld.idx.msk [tilespmem:v11+s20+$0x0], $0xffff;
	v7 =	vmul.f32 $8.000000000e+00, v7  }
0x89: {  	v15 =	vor.u32 v53, v2;
	v10 =	vmul.f32 $8.000000000e+00, v10  }
0x8a: {  	v16 =	vor.u32 v53, v1;
	v17 =	vor.u32 v54, v4;
	[tilespmem:v12+s23+$0x0] =	vst.idx.msk $0xffff, v7  }
0x8b: {  	v7 =	vor.u32 v54, v5;
	[tilespmem:v13+s23+$0x0] =	vst.idx.msk $0xffff, v10;
	v8 =	vld.idx.msk [tilespmem:v8+s20+$0x0], $0xffff  }
0x8c: {  	v9 =	vmul.f32 $8.000000000e+00, v9;
	v10 =	vld.idx.msk [tilespmem:v14+s20+$0x0], $0xffff  }
0x8d: {  	v12 =	vor.u32 v55, v3;
	v11 =	vmul.f32 $8.000000000e+00, v11  }
0x8e: {  	[tilespmem:v15+s23+$0x0] =	vst.idx.msk $0xffff, v9;
	v9 =	vor.u32 v56, v18;
	v13 =	vor.u32 v55, v63  }
0x8f: {  	v14 =	vor.u32 v56, v6;
	[tilespmem:v16+s23+$0x0] =	vst.idx.msk $0xffff, v11;
	v11 =	vld.idx.msk [tilespmem:v17+s20+$0x0], $0xffff  }
0x90: {  	v7 =	vld.idx.msk [tilespmem:v7+s20+$0x0], $0xffff;
	v8 =	vmul.f32 $8.000000000e+00, v8  }
0x91: {  	v15 =	vor.u32 v55, v2;
	v10 =	vmul.f32 $8.000000000e+00, v10  }
0x92: {  	v16 =	vor.u32 v55, v1;
	v17 =	vor.u32 v56, v4;
	[tilespmem:v12+s23+$0x0] =	vst.idx.msk $0xffff, v8  }
0x93: {  	v8 =	vor.u32 v56, v5;
	[tilespmem:v13+s23+$0x0] =	vst.idx.msk $0xffff, v10;
	v9 =	vld.idx.msk [tilespmem:v9+s20+$0x0], $0xffff  }
0x94: {  	v10 =	vmul.f32 $8.000000000e+00, v11;
	v11 =	vld.idx.msk [tilespmem:v14+s20+$0x0], $0xffff  }
0x95: {  	v12 =	vor.u32 v40, v3;
	v7 =	vmul.f32 $8.000000000e+00, v7  }
0x96: {  	v13 =	vor.u32 v40, v63;
	[tilespmem:v15+s23+$0x0] =	vst.idx.msk $0xffff, v10;
	v10 =	vor.u32 v59, v18  }
0x97: {  	v14 =	vor.u32 v59, v6;
	[tilespmem:v16+s23+$0x0] =	vst.idx.msk $0xffff, v7;
	v7 =	vld.idx.msk [tilespmem:v17+s20+$0x0], $0xffff  }
0x98: {  	v8 =	vld.idx.msk [tilespmem:v8+s20+$0x0], $0xffff;
	v9 =	vmul.f32 $8.000000000e+00, v9  }
0x99: {  	v15 =	vor.u32 v40, v2;
	v11 =	vmul.f32 $8.000000000e+00, v11  }
0x9a: {  	v16 =	vor.u32 v40, v1;
	v17 =	vor.u32 v59, v4;
	[tilespmem:v12+s23+$0x0] =	vst.idx.msk $0xffff, v9  }
0x9b: {  	v9 =	vor.u32 v59, v5;
	[tilespmem:v13+s23+$0x0] =	vst.idx.msk $0xffff, v11;
	v10 =	vld.idx.msk [tilespmem:v10+s20+$0x0], $0xffff  }
0x9c: {  	v7 =	vmul.f32 $8.000000000e+00, v7;
	v11 =	vld.idx.msk [tilespmem:v14+s20+$0x0], $0xffff  }
0x9d: {  	v12 =	vor.u32 v48, v3;
	v8 =	vmul.f32 $8.000000000e+00, v8  }
0x9e: {  	v13 =	vor.u32 v48, v63;
	[tilespmem:v15+s23+$0x0] =	vst.idx.msk $0xffff, v7;
	v7 =	vor.u32 v29, v18  }
0x9f: {  	v14 =	vor.u32 v29, v6;
	[tilespmem:v16+s23+$0x0] =	vst.idx.msk $0xffff, v8;
	v8 =	vld.idx.msk [tilespmem:v17+s20+$0x0], $0xffff  }
0xa0: {  	v9 =	vld.idx.msk [tilespmem:v9+s20+$0x0], $0xffff;
	v10 =	vmul.f32 $8.000000000e+00, v10  }
0xa1: {  	v15 =	vor.u32 v48, v2;
	v11 =	vmul.f32 $8.000000000e+00, v11  }
0xa2: {  	v16 =	vor.u32 v48, v1;
	v17 =	vor.u32 v29, v4;
	[tilespmem:v12+s23+$0x0] =	vst.idx.msk $0xffff, v10  }
0xa3: {  	[tilespmem:v13+s23+$0x0] =	vst.idx.msk $0xffff, v11;
	v7 =	vld.idx.msk [tilespmem:v7+s20+$0x0], $0xffff  }
0xa4: {  	v8 =	vmul.f32 $8.000000000e+00, v8;
	v11 =	vld.idx.msk [tilespmem:v14+s20+$0x0], $0xffff  }
0xa5: {  	v10 =	vor.u32 v29, v5;
	v12 =	vor.u32 v60, v3;
	v9 =	vmul.f32 $8.000000000e+00, v9  }
0xa6: {  	v13 =	vor.u32 v60, v63;
	[tilespmem:v15+s23+$0x0] =	vst.idx.msk $0xffff, v8;
	v8 =	vor.u32 v61, v18  }
0xa7: {  	v14 =	vor.u32 v61, v6;
	[tilespmem:v16+s23+$0x0] =	vst.idx.msk $0xffff, v9;
	v9 =	vld.idx.msk [tilespmem:v17+s20+$0x0], $0xffff  }
0xa8: {  	v7 =	vmul.f32 $8.000000000e+00, v7  }
0xa9: {  	v15 =	vor.u32 v60, v2;
	v11 =	vmul.f32 $8.000000000e+00, v11  }
0xaa: {  	v10 =	vld.idx.msk [tilespmem:v10+s20+$0x0], $0xffff;
	[tilespmem:v12+s23+$0x0] =	vst.idx.msk $0xffff, v7  }
0xab: {  	[tilespmem:v13+s23+$0x0] =	vst.idx.msk $0xffff, v11;
	v8 =	vld.idx.msk [tilespmem:v8+s20+$0x0], $0xffff  }
0xac: {  	v16 =	vor.u32 v60, v1;
	v17 =	vor.u32 v61, v4;
	v9 =	vmul.f32 $8.000000000e+00, v9;
	v11 =	vld.idx.msk [tilespmem:v14+s20+$0x0], $0xffff  }
0xad: {  	v7 =	vor.u32 v61, v5;
	v12 =	vor.u32 v30, v3  }
0xae: {  	v13 =	vor.u32 v30, v63;
	[tilespmem:v15+s23+$0x0] =	vst.idx.msk $0xffff, v9;
	v9 =	vor.u32 v20, v18  }
0xaf: {  	v14 =	vor.u32 v20, v6;
	v10 =	vmul.f32 $8.000000000e+00, v10  }
0xb0: {  	v8 =	vmul.f32 $8.000000000e+00, v8  }
0xb1: {  	[tilespmem:v16+s23+$0x0] =	vst.idx.msk $0xffff, v10;
	v10 =	vld.idx.msk [tilespmem:v17+s20+$0x0], $0xffff;
	v11 =	vmul.f32 $8.000000000e+00, v11  }
0xb2: {  	v7 =	vld.idx.msk [tilespmem:v7+s20+$0x0], $0xffff;
	[tilespmem:v12+s23+$0x0] =	vst.idx.msk $0xffff, v8  }
0xb3: {  	v15 =	vor.u32 v30, v2;
	[tilespmem:v13+s23+$0x0] =	vst.idx.msk $0xffff, v11;
	v9 =	vld.idx.msk [tilespmem:v9+s20+$0x0], $0xffff  }
0xb4: {  	v16 =	vor.u32 v30, v1;
	v11 =	vld.idx.msk [tilespmem:v14+s20+$0x0], $0xffff  }
0xb5: {  	v12 =	vor.u32 v19, v3  }
0xb6: {  	v13 =	vor.u32 v19, v63;
	v10 =	vmul.f32 $8.000000000e+00, v10  }
0xb7: {  	v7 =	vmul.f32 $8.000000000e+00, v7  }
0xb8: {  	v17 =	vor.u32 v20, v4;
	[tilespmem:v15+s23+$0x0] =	vst.idx.msk $0xffff, v10;
	v9 =	vmul.f32 $8.000000000e+00, v9  }
0xb9: {  	v8 =	vor.u32 v20, v5;
	[tilespmem:v16+s23+$0x0] =	vst.idx.msk $0xffff, v7;
	v11 =	vmul.f32 $8.000000000e+00, v11  }
0xba: {  	v10 =	vor.u32 v22, v18;
	[tilespmem:v12+s23+$0x0] =	vst.idx.msk $0xffff, v9  }
0xbb: {  	v14 =	vor.u32 v22, v6;
	[tilespmem:v13+s23+$0x0] =	vst.idx.msk $0xffff, v11  }
0xbc: {  	v15 =	vor.u32 v19, v2;
	v16 =	vor.u32 v19, v1;
	v19 =	vld [tilespmem:$0x1FC40]  }
0xbd: {  	v7 =	vld.idx.msk [tilespmem:v17+s20+$0x0], $0xffff  }
0xbe: {  	v8 =	vld.idx.msk [tilespmem:v8+s20+$0x0], $0xffff  }
0xbf: {  	v10 =	vld.idx.msk [tilespmem:v10+s20+$0x0], $0xffff  }
0xc0: {  	v11 =	vld.idx.msk [tilespmem:v14+s20+$0x0], $0xffff  }
0xc1: {  	v17 =	vor.u32 v22, v4;
	v12 =	vor.u32 v19, v3  }
0xc2: {  	v9 =	vor.u32 v22, v5;
	v7 =	vmul.f32 $8.000000000e+00, v7;
	v13 =	vor.u32 v19, v63  }
0xc3: {  	v8 =	vmul.f32 $8.000000000e+00, v8  }
0xc4: {  	[tilespmem:v15+s23+$0x0] =	vst.idx.msk $0xffff, v7;
	v10 =	vmul.f32 $8.000000000e+00, v10  }
0xc5: {  	[tilespmem:v16+s23+$0x0] =	vst.idx.msk $0xffff, v8;
	v11 =	vmul.f32 $8.000000000e+00, v11  }
0xc6: {  	v7 =	vor.u32 v21, v18;
	v14 =	vld.idx.msk [tilespmem:v17+s20+$0x0], $0xffff;
	[tilespmem:v12+s23+$0x0] =	vst.idx.msk $0xffff, v10  }
0xc7: {  	v15 =	vor.u32 v21, v6;
	v9 =	vld.idx.msk [tilespmem:v9+s20+$0x0], $0xffff;
	[tilespmem:v13+s23+$0x0] =	vst.idx.msk $0xffff, v11  }
0xc8: {  	s24 =	simm.s32 $0x4;
	v17 =	vor.u32 v19, v2;
	v22 =	vld [tilespmem:$0x1FC50]  }
0xc9: {  	v0 =	vmovc v20;
	v20 =	vor.u32 v21, v4;
	v16 =	vadd.s32 s24, v42;
	v19 =	vor.u32 v19, v1  }
0xca: {  	v8 =	vand.u32 $0xF, v16;
	v10 =	vor.u32 v21, v5  }
0xcb: {  	v12 =	vor.u32 v43, v8;
	v21 =	vld.idx.msk [tilespmem:v7+s20+$0x0], $0xffff;
	v7 =	vmul.f32 $8.000000000e+00, v14  }
0xcc: {  	v9 =	vmul.f32 $8.000000000e+00, v9;
	v11 =	vld.idx.msk [tilespmem:v15+s20+$0x0], $0xffff  }
0xcd: {  	[tilespmem:v17+s23+$0x0] =	vst.idx.msk $0xffff, v7;
	v13 =	vor.u32 v22, v3  }
0xce: {  	v14 =	vor.u32 v27, v18;
	[tilespmem:v19+s23+$0x0] =	vst.idx.msk $0xffff, v9;
	v9 =	vld.idx.msk [tilespmem:v20+s20+$0x0], $0xffff;
	v15 =	vor.u32 v22, v63  }
0xcf: {  	v7 =	vshll.u32 v16, $0x7;
	v16 =	vor.u32 v27, v6;
	v10 =	vld.idx.msk [tilespmem:v10+s20+$0x0], $0xffff  }
0xd0: {  	v7 =	vand.u32 $0x780, v7;
	v12 =	vld.idx.msk [tilespmem:v12+s20+$0x0], $0xffff;
	v17 =	vmul.f32 $8.000000000e+00, v21;
	v19 =	vor.u32 v22, v2  }
0xd1: {  	v11 =	vmul.f32 $8.000000000e+00, v11;
	v20 =	vor.u32 v22, v1;
	v21 =	vor.u32 v27, v4  }
0xd2: {  	v22 =	vor.u32 v42, v7;
	[tilespmem:v13+s23+$0x0] =	vst.idx.msk $0xffff, v17;
	v13 =	vor.u32 v27, v5  }
0xd3: {  	v9 =	vmul.f32 $8.000000000e+00, v9;
	v17 =	vor.u32 v24, v8;
	[tilespmem:v15+s23+$0x0] =	vst.idx.msk $0xffff, v11;
	v14 =	vld.idx.msk [tilespmem:v14+s20+$0x0], $0xffff  }
0xd4: {  	v10 =	vmul.f32 $8.000000000e+00, v10;
	v11 =	vld.idx.msk [tilespmem:v16+s20+$0x0], $0xffff  }
0xd5: {  	v12 =	vmul.f32 $8.000000000e+00, v12;
	v15 =	vor.u32 v34, v3;
	[tilespmem:v19+s23+$0x0] =	vst.idx.msk $0xffff, v9  }
0xd6: {  	v9 =	vor.u32 v35, v18;
	v16 =	vor.u32 v34, v63;
	[tilespmem:v20+s23+$0x0] =	vst.idx.msk $0xffff, v10;
	v10 =	vld.idx.msk [tilespmem:v21+s20+$0x0], $0xffff  }
0xd7: {  	[tilespmem:v22+s23+$0x0] =	vst.idx.msk $0xffff, v12;
	v12 =	vor.u32 v35, v6;
	v13 =	vld.idx.msk [tilespmem:v13+s20+$0x0], $0xffff  }
0xd8: {  	v19 =	vor.u32 v34, v2;
	v17 =	vld.idx.msk [tilespmem:v17+s20+$0x0], $0xffff;
	v14 =	vmul.f32 $8.000000000e+00, v14  }
0xd9: {  	v20 =	vor.u32 v34, v1;
	v21 =	vor.u32 v35, v4;
	v11 =	vmul.f32 $8.000000000e+00, v11  }
0xda: {  	[tilespmem:v15+s23+$0x0] =	vst.idx.msk $0xffff, v14;
	v14 =	vor.u32 v44, v7;
	v15 =	vor.u32 v35, v5  }
0xdb: {  	v22 =	vor.u32 v23, v8;
	v10 =	vmul.f32 $8.000000000e+00, v10;
	[tilespmem:v16+s23+$0x0] =	vst.idx.msk $0xffff, v11;
	v9 =	vld.idx.msk [tilespmem:v9+s20+$0x0], $0xffff  }
0xdc: {  	v11 =	vld.idx.msk [tilespmem:v12+s20+$0x0], $0xffff;
	v12 =	vmul.f32 $8.000000000e+00, v13  }
0xdd: {  	v16 =	vor.u32 v62, v3;
	[tilespmem:v19+s23+$0x0] =	vst.idx.msk $0xffff, v10;
	v13 =	vmul.f32 $8.000000000e+00, v17  }
0xde: {  	v10 =	vor.u32 v39, v18;
	v17 =	vor.u32 v62, v63;
	[tilespmem:v20+s23+$0x0] =	vst.idx.msk $0xffff, v12;
	v12 =	vld.idx.msk [tilespmem:v21+s20+$0x0], $0xffff  }
0xdf: {  	[tilespmem:v14+s23+$0x0] =	vst.idx.msk $0xffff, v13;
	v13 =	vld.idx.msk [tilespmem:v15+s20+$0x0], $0xffff;
	v14 =	vor.u32 v39, v6  }
0xe0: {  	v19 =	vor.u32 v62, v2;
	v9 =	vmul.f32 $8.000000000e+00, v9;
	v15 =	vld.idx.msk [tilespmem:v22+s20+$0x0], $0xffff  }
0xe1: {  	v20 =	vor.u32 v62, v1;
	v11 =	vmul.f32 $8.000000000e+00, v11  }
0xe2: {  	v21 =	vor.u32 v39, v4;
	[tilespmem:v16+s23+$0x0] =	vst.idx.msk $0xffff, v9;
	v9 =	vor.u32 v53, v7  }
0xe3: {  	[tilespmem:v17+s23+$0x0] =	vst.idx.msk $0xffff, v11;
	v10 =	vld.idx.msk [tilespmem:v10+s20+$0x0], $0xffff;
	v12 =	vmul.f32 $8.000000000e+00, v12  }
0xe4: {  	v16 =	vor.u32 v39, v5;
	v14 =	vld.idx.msk [tilespmem:v14+s20+$0x0], $0xffff;
	v13 =	vmul.f32 $8.000000000e+00, v13  }
0xe5: {  	v11 =	vor.u32 v54, v8;
	v17 =	vor.u32 v37, v3;
	v15 =	vmul.f32 $8.000000000e+00, v15;
	[tilespmem:v19+s23+$0x0] =	vst.idx.msk $0xffff, v12  }
0xe6: {  	v12 =	vor.u32 v52, v18;
	v19 =	vor.u32 v37, v63;
	[tilespmem:v20+s23+$0x0] =	vst.idx.msk $0xffff, v13  }
0xe7: {  	v13 =	vld.idx.msk [tilespmem:v21+s20+$0x0], $0xffff;
	[tilespmem:v9+s23+$0x0] =	vst.idx.msk $0xffff, v15;
	v15 =	vor.u32 v52, v6  }
0xe8: {  	v10 =	vmul.f32 $8.000000000e+00, v10  }
0xe9: {  	v9 =	vld.idx.msk [tilespmem:v16+s20+$0x0], $0xffff;
	v16 =	vor.u32 v37, v2;
	v14 =	vmul.f32 $8.000000000e+00, v14  }
0xea: {  	v11 =	vld.idx.msk [tilespmem:v11+s20+$0x0], $0xffff;
	[tilespmem:v17+s23+$0x0] =	vst.idx.msk $0xffff, v10  }
0xeb: {  	v20 =	vor.u32 v37, v1;
	v12 =	vld.idx.msk [tilespmem:v12+s20+$0x0], $0xffff;
	[tilespmem:v19+s23+$0x0] =	vst.idx.msk $0xffff, v14  }
0xec: {  	v21 =	vor.u32 v52, v4;
	v10 =	vor.u32 v55, v7;
	v13 =	vmul.f32 $8.000000000e+00, v13;
	v15 =	vld.idx.msk [tilespmem:v15+s20+$0x0], $0xffff  }
0xed: {  	v19 =	vor.u32 v50, v3  }
0xee: {  	v17 =	vor.u32 v52, v5;
	v9 =	vmul.f32 $8.000000000e+00, v9;
	[tilespmem:v16+s23+$0x0] =	vst.idx.msk $0xffff, v13;
	v16 =	vor.u32 v50, v63  }
0xef: {  	v11 =	vmul.f32 $8.000000000e+00, v11  }
0xf0: {  	[tilespmem:v20+s23+$0x0] =	vst.idx.msk $0xffff, v9;
	v12 =	vmul.f32 $8.000000000e+00, v12  }
0xf1: {  	v14 =	vor.u32 v56, v8;
	v9 =	vld.idx.msk [tilespmem:v21+s20+$0x0], $0xffff;
	[tilespmem:v10+s23+$0x0] =	vst.idx.msk $0xffff, v11;
	v15 =	vmul.f32 $8.000000000e+00, v15  }
0xf2: {  	v13 =	vor.u32 v49, v18;
	[tilespmem:v19+s23+$0x0] =	vst.idx.msk $0xffff, v12  }
0xf3: {  	v10 =	vld.idx.msk [tilespmem:v17+s20+$0x0], $0xffff;
	v11 =	vor.u32 v49, v6;
	v17 =	vor.u32 v50, v2;
	[tilespmem:v16+s23+$0x0] =	vst.idx.msk $0xffff, v15  }
0xf4: {  	v22 =	vld [tilespmem:$0x1FC60];
	_ =	sdelay $0x1  }
0xf5: {  	v14 =	vld.idx.msk [tilespmem:v14+s20+$0x0], $0xffff;
	v9 =	vmul.f32 $8.000000000e+00, v9  }
0xf6: {  	v20 =	vor.u32 v50, v1;
	v13 =	vld.idx.msk [tilespmem:v13+s20+$0x0], $0xffff  }
0xf7: {  	v21 =	vor.u32 v49, v4;
	v12 =	vor.u32 v40, v7;
	v11 =	vld.idx.msk [tilespmem:v11+s20+$0x0], $0xffff;
	[tilespmem:v17+s23+$0x0] =	vst.idx.msk $0xffff, v9  }
0xf8: {  	v23 =	vld [tilespmem:$0x1FC70];
	v16 =	vor.u32 v22, v3  }
0xf9: {  	v19 =	vor.u32 v49, v5;
	v10 =	vmul.f32 $8.000000000e+00, v10;
	v17 =	vor.u32 v22, v63  }
0xfa: {  	v14 =	vmul.f32 $8.000000000e+00, v14  }
0xfb: {  	[tilespmem:v20+s23+$0x0] =	vst.idx.msk $0xffff, v10;
	v13 =	vmul.f32 $8.000000000e+00, v13  }
0xfc: {  	v15 =	vor.u32 v59, v8;
	v10 =	vld.idx.msk [tilespmem:v21+s20+$0x0], $0xffff;
	[tilespmem:v12+s23+$0x0] =	vst.idx.msk $0xffff, v14;
	v11 =	vmul.f32 $8.000000000e+00, v11  }
0xfd: {  	v9 =	vor.u32 v23, v18;
	[tilespmem:v16+s23+$0x0] =	vst.idx.msk $0xffff, v13  }
0xfe: {  	v12 =	vld.idx.msk [tilespmem:v19+s20+$0x0], $0xffff;
	v19 =	vor.u32 v22, v2;
	v14 =	vor.u32 v23, v6;
	[tilespmem:v17+s23+$0x0] =	vst.idx.msk $0xffff, v11  }
0xff: {  	v20 =	vor.u32 v22, v1;
	v22 =	vld [tilespmem:$0x1FC80];
	_ =	sdelay $0x1  }
0x100: {  	v15 =	vld.idx.msk [tilespmem:v15+s20+$0x0], $0xffff;
	v10 =	vmul.f32 $8.000000000e+00, v10  }
0x101: {  	v9 =	vld.idx.msk [tilespmem:v9+s20+$0x0], $0xffff  }
0x102: {  	v13 =	vor.u32 v48, v7;
	[tilespmem:v19+s23+$0x0] =	vst.idx.msk $0xffff, v10;
	v14 =	vld.idx.msk [tilespmem:v14+s20+$0x0], $0xffff  }
0x103: {  	v21 =	vor.u32 v23, v4;
	v16 =	vor.u32 v23, v5;
	v23 =	vld [tilespmem:$0x1FC90];
	v17 =	vor.u32 v22, v3  }
0x104: {  	v12 =	vmul.f32 $8.000000000e+00, v12;
	v19 =	vor.u32 v22, v63  }
0x105: {  	v15 =	vmul.f32 $8.000000000e+00, v15  }
0x106: {  	v11 =	vor.u32 v29, v8;
	[tilespmem:v20+s23+$0x0] =	vst.idx.msk $0xffff, v12;
	v9 =	vmul.f32 $8.000000000e+00, v9  }
0x107: {  	[tilespmem:v13+s23+$0x0] =	vst.idx.msk $0xffff, v15;
	v14 =	vmul.f32 $8.000000000e+00, v14  }
0x108: {  	v12 =	vld.idx.msk [tilespmem:v21+s20+$0x0], $0xffff;
	v10 =	vor.u32 v23, v18;
	[tilespmem:v17+s23+$0x0] =	vst.idx.msk $0xffff, v9  }
0x109: {  	v13 =	vld.idx.msk [tilespmem:v16+s20+$0x0], $0xffff;
	v15 =	vor.u32 v23, v6;
	[tilespmem:v19+s23+$0x0] =	vst.idx.msk $0xffff, v14  }
0x10a: {  	v9 =	vld [tilespmem:$0x1FCA0]  }
0x10b: {  	v11 =	vld.idx.msk [tilespmem:v11+s20+$0x0], $0xffff;
	v16 =	vor.u32 v22, v2;
	_ =	sdelay $0x1  }
0x10c: {  	v21 =	vor.u32 v60, v7;
	v20 =	vor.u32 v22, v1;
	v10 =	vld.idx.msk [tilespmem:v10+s20+$0x0], $0xffff  }
0x10d: {  	v12 =	vmul.f32 $8.000000000e+00, v12;
	v17 =	vor.u32 v23, v4;
	v19 =	vld.idx.msk [tilespmem:v15+s20+$0x0], $0xffff;
	v15 =	vor.u32 v25, v18  }
0x10e: {  	v22 =	vor.u32 v23, v5;
	[tilespmem:$0x1FBF0] =	vst v15;
	v23 =	vor.u32 v9, v3  }
0x10f: {  	v13 =	vmul.f32 $8.000000000e+00, v13;
	v15 =	vmul.f32 $8.000000000e+00, v11;
	v11 =	vor.u32 v28, v18;
	[tilespmem:v16+s23+$0x0] =	vst.idx.msk $0xffff, v12  }
0x110: {  	[tilespmem:$0x1FC00] =	vst v11;
	v25 =	vor.u32 v9, v63  }
0x111: {  	v60 =	vld [tilespmem:$0x1FCB0];
	[tilespmem:v20+s23+$0x0] =	vst.idx.msk $0xffff, v13;
	v10 =	vmul.f32 $8.000000000e+00, v10  }
0x112: {  	v20 =	vld.idx.msk [tilespmem:v17+s20+$0x0], $0xffff;
	[tilespmem:v21+s23+$0x0] =	vst.idx.msk $0xffff, v15  }
0x113: {  	v14 =	vor.u32 v61, v8;
	v21 =	vld.idx.msk [tilespmem:v22+s20+$0x0], $0xffff;
	[tilespmem:v23+s23+$0x0] =	vst.idx.msk $0xffff, v10;
	v10 =	vmul.f32 $8.000000000e+00, v19  }
0x114: {  	v27 =	vor.u32 v9, v2  }
0x115: {  	v23 =	vor.u32 v9, v1;
	[tilespmem:v25+s23+$0x0] =	vst.idx.msk $0xffff, v10  }
0x116: {  	v9 =	vld [tilespmem:$0x1FD40]  }
0x117: {  	v20 =	vmul.f32 $8.000000000e+00, v20  }
0x118: {  	v12 =	vor.u32 v26, v18;
	v26 =	vld.idx.msk [tilespmem:v14+s20+$0x0], $0xffff;
	v21 =	vmul.f32 $8.000000000e+00, v21  }
0x119: {  	v62 =	vld [tilespmem:$0x1FCC0];
	[tilespmem:v27+s23+$0x0] =	vst.idx.msk $0xffff, v20  }
0x11a: {  	v25 =	vor.u32 v30, v7;
	[tilespmem:v23+s23+$0x0] =	vst.idx.msk $0xffff, v21  }
0x11b: {  	v19 =	vor.u32 v9, v18;
	v9 =	vld [tilespmem:$0x1FD20];
	_ =	sdelay $0x1  }
0x11c: {  	v24 =	vor.u32 v60, v18;
	v27 =	vmul.f32 $8.000000000e+00, v26;
	_ =	sdelay $0x1  }
0x11d: {  	v22 =	vor.u32 v60, v6;
	[tilespmem:v25+s23+$0x0] =	vst.idx.msk $0xffff, v27  }
0x11e: {  	v26 =	vor.u32 v9, v18;
	v9 =	vld [tilespmem:$0x1FCE0];
	_ =	sdelay $0x1  }
0x11f: {  	v28 =	vor.u32 v60, v4;
	v24 =	vld.idx.msk [tilespmem:v24+s20+$0x0], $0xffff  }
0x120: {  	v29 =	vor.u32 v60, v5  }
0x121: {  	v61 =	vor.u32 v0, v8;
	v14 =	vor.u32 v31, v18;
	v31 =	vld.idx.msk [tilespmem:v22+s20+$0x0], $0xffff;
	v30 =	vor.u32 v62, v3  }
0x122: {  	s17 =	simm.s32 $0x7;
	v0 =	vor.u32 v51, v18;
	v16 =	vor.u32 v36, v18;
	v23 =	vor.u32 v9, v18;
	v9 =	vld [tilespmem:$0x1FD00]  }
0x123: {  	v15 =	vor.u32 v33, v18;
	v13 =	vor.u32 v32, v18;
	v10 =	vadd.s32 s17, v42  }
0x124: {  	v44 =	vmovc v7;
	v17 =	vor.u32 v47, v18;
	v10 =	vand.u32 $0xF, v10;
	v21 =	vld.idx.msk [tilespmem:v28+s20+$0x0], $0xffff;
	v28 =	vmul.f32 $8.000000000e+00, v24  }
0x125: {  	s24 =	simm.s32 $0x6;
	v33 =	vor.u32 v43, v10;
	v20 =	vld.idx.msk [tilespmem:v29+s20+$0x0], $0xffff;
	v22 =	vor.u32 v62, v63;
	v24 =	vor.u32 v51, v6  }
0x126: {  	v29 =	vor.u32 v62, v2;
	v31 =	vmul.f32 $8.000000000e+00, v31;
	v25 =	vadd.s32 s24, v42;
	v32 =	vld.idx.msk [tilespmem:v61+s20+$0x0], $0xffff;
	[tilespmem:v30+s23+$0x0] =	vst.idx.msk $0xffff, v28  }
0x127: {  	s8 =	simm.s32 $0x5;
	s17 =	simm.s32 $0x8;
	v28 =	vor.u32 v62, v1;
	v30 =	vor.u32 v51, v4;
	v27 =	vor.u32 v9, v18;
	v18 =	vld.idx.msk [tilespmem:v0+s20+$0x0], $0xffff  }
.LBB2_3:
0x128: {  	v9 =	vld [tilespmem:$0x1FC30]  }
0x129: {  	v11 =	vld [tilespmem:$0x1FC10]  }
0x12a: {  	v46 =	vld [tilespmem:$0x1FC20]  }
0x12b: {  	v33 =	vld.idx.msk [tilespmem:v33+s20+$0x0], $0xffff  }
0x12c: {  	v0 =	vld [tilespmem:$0x1FEA0]  }
0x12d: {  	v42 =	vld [tilespmem:$0x1FCD0]  }
0x12e: {  	v47 =	vld [tilespmem:$0x1FCF0]  }
0x12f: {  	v54 =	vld [tilespmem:$0x1FE30]  }
0x130: {  	v45 =	vld [tilespmem:$0x1FC10]  }
0x131: {  	v40 =	vlaneseq.u32;
	v60 =	vld [tilespmem:$0x1FC10]  }
0x132: {  	[tilespmem:$0x1FBD0] =	vst v12;
	v25 =	vand.u32 $0xF, v25;
	v12 =	vld [tilespmem:$0x1FE90];
	v34 =	vadd.s32 s8, v40  }
0x133: {  	v7 =	vld [tilespmem:$0x1FD00];
	[tilespmem:v22+s23+$0x0] =	vst.idx.msk $0xffff, v31;
	v31 =	vor.u32 v43, v25;
	v22 =	vand.u32 $0xF, v34  }
0x134: {  	v24 =	vld.idx.msk [tilespmem:v24+s20+$0x0], $0xffff;
	v21 =	vmul.f32 $8.000000000e+00, v21;
	v35 =	vor.u32 v0, v5;
	v0 =	vor.u32 v39, v8  }
0x135: {  	v34 =	vor.u32 v43, v22;
	v36 =	vor.u32 v42, v3;
	[tilespmem:$0x1FBE0] =	vst v0;
	v0 =	vld [tilespmem:$0x1FCE0]  }
0x136: {  	v37 =	vmul.f32 $8.000000000e+00, v20;
	v20 =	vld [tilespmem:$0x1FE60];
	[tilespmem:v29+s23+$0x0] =	vst.idx.msk $0xffff, v21;
	v29 =	vor.u32 v54, v44;
	v21 =	vshll.u32 v10, $0x7  }
0x137: {  	v53 =	vor.u32 v11, v10;
	v11 =	vld [tilespmem:$0x1FD10];
	v52 =	vor.u32 v40, v21  }
0x138: {  	v18 =	vmul.f32 $8.000000000e+00, v18;
	[tilespmem:v28+s23+$0x0] =	vst.idx.msk $0xffff, v37;
	v28 =	vld.idx.msk [tilespmem:v30+s20+$0x0], $0xffff  }
0x139: {  	v55 =	vor.u32 v42, v63;
	v33 =	vmul.f32 $8.000000000e+00, v33;
	v30 =	vmul.f32 $8.000000000e+00, v32;
	v31 =	vld.idx.msk [tilespmem:v31+s20+$0x0], $0xffff  }
0x13a: {  	v48 =	vlaneseq.u32;
	v34 =	vld.idx.msk [tilespmem:v34+s20+$0x0], $0xffff;
	[tilespmem:v36+s23+$0x0] =	vst.idx.msk $0xffff, v18;
	v18 =	vor.u32 v42, v2;
	v56 =	vor.u32 v0, v6  }
0x13b: {  	v57 =	vmul.f32 $8.000000000e+00, v24;
	v24 =	vshll.u32 v25, $0x7;
	v41 =	vld.idx.msk [tilespmem:v23+s20+$0x0], $0xffff;
	v58 =	vor.u32 v0, v4;
	[tilespmem:v29+s23+$0x0] =	vst.idx.msk $0xffff, v30  }
0x13c: {  	v35 =	vld.idx.msk [tilespmem:v35+s20+$0x0], $0xffff;
	v29 =	vor.u32 v48, v24;
	[tilespmem:v52+s23+$0x0] =	vst.idx.msk $0xffff, v33  }
0x13d: {  	v45 =	vor.u32 v45, v25;
	v28 =	vmul.f32 $8.000000000e+00, v28;
	v33 =	vld.idx.msk [tilespmem:v53+s20+$0x0], $0xffff  }
0x13e: {  	v42 =	vor.u32 v42, v1;
	[tilespmem:v55+s23+$0x0] =	vst.idx.msk $0xffff, v57;
	v57 =	vor.u32 v9, v10;
	v9 =	vld [tilespmem:$0x1FE80]  }
0x13f: {  	v23 =	vshll.u32 v22, $0x7;
	v30 =	vor.u32 v0, v5;
	v31 =	vmul.f32 $8.000000000e+00, v31;
	[tilespmem:v18+s23+$0x0] =	vst.idx.msk $0xffff, v28;
	v18 =	vld.idx.msk [tilespmem:v56+s20+$0x0], $0xffff  }
0x140: {  	v38 =	vor.u32 v47, v3;
	v59 =	vor.u32 v48, v23;
	v62 =	vld.idx.msk [tilespmem:v58+s20+$0x0], $0xffff  }
0x141: {  	v51 =	vor.u32 v46, v24;
	v35 =	vmul.f32 $8.000000000e+00, v35;
	[tilespmem:v29+s23+$0x0] =	vst.idx.msk $0xffff, v31;
	v29 =	vor.u32 v46, v21;
	v46 =	vld [tilespmem:$0x1FDB0]  }
0x142: {  	v32 =	vor.u32 v60, v22;
	v56 =	vld.idx.msk [tilespmem:v45+s20+$0x0], $0xffff  }
0x143: {  	v61 =	vor.u32 v12, v8;
	v34 =	vmul.f32 $8.000000000e+00, v34;
	[tilespmem:v42+s23+$0x0] =	vst.idx.msk $0xffff, v35;
	v45 =	vld [tilespmem:$0x1FE10]  }
0x144: {  	v49 =	vor.u32 v47, v1;
	v50 =	vor.u32 v7, v4;
	v31 =	vmul.f32 $8.000000000e+00, v41;
	v30 =	vld.idx.msk [tilespmem:v30+s20+$0x0], $0xffff  }
0x145: {  	v52 =	vor.u32 v7, v5;
	[tilespmem:v59+s23+$0x0] =	vst.idx.msk $0xffff, v34;
	v59 =	vor.u32 v7, v6;
	v7 =	vld [tilespmem:$0x1FD20]  }
0x146: {  	v58 =	vor.u32 v47, v63;
	[tilespmem:v38+s23+$0x0] =	vst.idx.msk $0xffff, v31;
	v31 =	vor.u32 v47, v2;
	v47 =	vld [tilespmem:$0x1FDA0]  }
0x147: {  	v32 =	vld.idx.msk [tilespmem:v32+s20+$0x0], $0xffff  }
0x148: {  	v53 =	vmul.f32 $8.000000000e+00, v18;
	v18 =	vld [tilespmem:$0x1FC20]  }
0x149: {  	v33 =	vmul.f32 $8.000000000e+00, v33;
	v27 =	vld.idx.msk [tilespmem:v27+s20+$0x0], $0xffff  }
0x14a: {  	v36 =	vld.idx.msk [tilespmem:v61+s20+$0x0], $0xffff  }
0x14b: {  	v61 =	vld [tilespmem:$0x1FC30];
	[tilespmem:v29+s23+$0x0] =	vst.idx.msk $0xffff, v33  }
0x14c: {  	v29 =	vmul.f32 $8.000000000e+00, v62;
	v62 =	vld.idx.msk [tilespmem:v57+s20+$0x0], $0xffff  }
0x14d: {  	v37 =	vor.u32 v11, v3;
	v30 =	vmul.f32 $8.000000000e+00, v30;
	[tilespmem:v58+s23+$0x0] =	vst.idx.msk $0xffff, v53;
	v55 =	vor.u32 v18, v23;
	v18 =	vld [tilespmem:$0x1FC30]  }
0x14e: {  	v34 =	vmul.f32 $8.000000000e+00, v56;
	[tilespmem:v31+s23+$0x0] =	vst.idx.msk $0xffff, v29;
	v58 =	vld [tilespmem:$0x1FD30]  }
0x14f: {  	v56 =	vor.u32 v11, v1;
	v29 =	vld.idx.msk [tilespmem:v59+s20+$0x0], $0xffff;
	[tilespmem:v49+s23+$0x0] =	vst.idx.msk $0xffff, v30;
	v49 =	vor.u32 v20, v21  }
0x150: {  	v27 =	vmul.f32 $8.000000000e+00, v27;
	v30 =	vld.idx.msk [tilespmem:v50+s20+$0x0], $0xffff;
	[tilespmem:v51+s23+$0x0] =	vst.idx.msk $0xffff, v34;
	v51 =	vor.u32 v9, v10  }
0x151: {  	v53 =	vor.u32 v11, v63;
	v33 =	vor.u32 v61, v22;
	v31 =	vmul.f32 $8.000000000e+00, v32;
	v50 =	vld.idx.msk [tilespmem:v52+s20+$0x0], $0xffff  }
0x152: {  	[tilespmem:v37+s23+$0x0] =	vst.idx.msk $0xffff, v27;
	v27 =	vor.u32 v11, v2;
	v11 =	vld [tilespmem:$0x1FC40];
	v35 =	vmul.f32 $8.000000000e+00, v62;
	v60 =	vor.u32 v18, v25  }
0x153: {  	v26 =	vld.idx.msk [tilespmem:v26+s20+$0x0], $0xffff;
	[tilespmem:v55+s23+$0x0] =	vst.idx.msk $0xffff, v31;
	v55 =	vor.u32 v7, v6  }
0x154: {  	v28 =	vadd.s32 s17, v48;
	[tilespmem:v49+s23+$0x0] =	vst.idx.msk $0xffff, v35;
	v49 =	vld [tilespmem:$0x1FEB0]  }
0x155: {  	v29 =	vmul.f32 $8.000000000e+00, v29;
	v18 =	vand.u32 $0xF, v28;
	v35 =	vld.idx.msk [tilespmem:v51+s20+$0x0], $0xffff  }
0x156: {  	v30 =	vmul.f32 $8.000000000e+00, v30;
	v39 =	vor.u32 v45, v18;
	v33 =	vld.idx.msk [tilespmem:v33+s20+$0x0], $0xffff  }
0x157: {  	v57 =	vor.u32 v7, v4;
	[tilespmem:v53+s23+$0x0] =	vst.idx.msk $0xffff, v29;
	v31 =	vld.idx.msk [tilespmem:v60+s20+$0x0], $0xffff  }
0x158: {  	v32 =	vor.u32 v58, v3;
	[tilespmem:v27+s23+$0x0] =	vst.idx.msk $0xffff, v30;
	v27 =	vld.idx.msk [tilespmem:v55+s20+$0x0], $0xffff  }
0x159: {  	v61 =	vor.u32 v20, v23;
	v60 =	vor.u32 v7, v5;
	v55 =	vld [tilespmem:$0x1FD90]  }
0x15a: {  	v59 =	vor.u32 v20, v24;
	v38 =	vmul.f32 $8.000000000e+00, v50;
	v7 =	vld [tilespmem:$0x1FD40]  }
0x15b: {  	v52 =	vor.u32 v9, v22;
	v62 =	vor.u32 v9, v25;
	v26 =	vmul.f32 $8.000000000e+00, v26;
	v39 =	vld.idx.msk [tilespmem:v39+s20+$0x0], $0xffff  }
0x15c: {  	v0 =	vmov v44;
	v50 =	vor.u32 v58, v1;
	[tilespmem:v56+s23+$0x0] =	vst.idx.msk $0xffff, v38;
	v33 =	vmul.f32 $8.000000000e+00, v33;
	v53 =	vld.idx.msk [tilespmem:v57+s20+$0x0], $0xffff  }
0x15d: {  	v57 =	vor.u32 v58, v63;
	[tilespmem:v32+s23+$0x0] =	vst.idx.msk $0xffff, v26;
	v26 =	vor.u32 v58, v2;
	v58 =	vld [tilespmem:$0x1FEE0];
	v29 =	vmul.f32 $8.000000000e+00, v31  }
0x15e: {  	v30 =	vor.u32 v11, v0;
	v38 =	vld.idx.msk [tilespmem:v60+s20+$0x0], $0xffff;
	[tilespmem:v61+s23+$0x0] =	vst.idx.msk $0xffff, v33  }
0x15f: {  	v19 =	vld.idx.msk [tilespmem:v19+s20+$0x0], $0xffff;
	[tilespmem:v59+s23+$0x0] =	vst.idx.msk $0xffff, v29;
	v29 =	vor.u32 v55, v21  }
0x160: {  	v56 =	vor.u32 v47, v10;
	v34 =	vld.idx.msk [tilespmem:v52+s20+$0x0], $0xffff  }
0x161: {  	v36 =	vmul.f32 $8.000000000e+00, v36;
	v60 =	vor.u32 v7, v5;
	v33 =	vld.idx.msk [tilespmem:v62+s20+$0x0], $0xffff  }
0x162: {  	v35 =	vmul.f32 $8.000000000e+00, v35;
	v51 =	vor.u32 v7, v4;
	v52 =	vld [tilespmem:$0x1FDC0];
	v59 =	vor.u32 v7, v6  }
0x163: {  	[tilespmem:v30+s23+$0x0] =	vst.idx.msk $0xffff, v36;
	v30 =	vor.u32 v55, v24;
	v44 =	vor.u32 v55, v23;
	v55 =	vld [tilespmem:$0x1FE70];
	v38 =	vmul.f32 $8.000000000e+00, v38  }
0x164: {  	v27 =	vmul.f32 $8.000000000e+00, v27;
	v61 =	vor.u32 v47, v25;
	v7 =	vld [tilespmem:$0x1FF70];
	[tilespmem:v29+s23+$0x0] =	vst.idx.msk $0xffff, v35  }
0x165: {  	v31 =	vor.u32 v49, v3;
	v29 =	vmul.f32 $8.000000000e+00, v53;
	[tilespmem:v50+s23+$0x0] =	vst.idx.msk $0xffff, v38;
	v40 =	vld.idx.msk [tilespmem:v56+s20+$0x0], $0xffff  }
0x166: {  	v62 =	vor.u32 v47, v22;
	[tilespmem:v57+s23+$0x0] =	vst.idx.msk $0xffff, v27;
	v33 =	vmul.f32 $8.000000000e+00, v33;
	v57 =	vld.idx.msk [tilespmem:v60+s20+$0x0], $0xffff  }
0x167: {  	[tilespmem:v26+s23+$0x0] =	vst.idx.msk $0xffff, v29;
	v26 =	vld.idx.msk [tilespmem:v59+s20+$0x0], $0xffff;
	v29 =	vmul.f32 $8.000000000e+00, v34  }
0x168: {  	v19 =	vmul.f32 $8.000000000e+00, v19;
	v56 =	vld.idx.msk [tilespmem:v51+s20+$0x0], $0xffff;
	[tilespmem:v30+s23+$0x0] =	vst.idx.msk $0xffff, v33;
	v51 =	vor.u32 v49, v1  }
0x169: {  	v30 =	vor.u32 v46, v21;
	[tilespmem:v44+s23+$0x0] =	vst.idx.msk $0xffff, v29;
	v29 =	vld.idx.msk [tilespmem:v61+s20+$0x0], $0xffff;
	v61 =	vor.u32 v7, v5  }
0x16a: {  	[tilespmem:v31+s23+$0x0] =	vst.idx.msk $0xffff, v19;
	v19 =	vor.u32 v49, v2;
	v50 =	vor.u32 v49, v63;
	v49 =	vld [tilespmem:$0x1FF60]  }
0x16b: {  	v59 =	vor.u32 v52, v10;
	v35 =	vld.idx.msk [tilespmem:v62+s20+$0x0], $0xffff;
	v33 =	vmul.f32 $8.000000000e+00, v57  }
0x16c: {  	v32 =	vor.u32 v58, v3;
	v31 =	vor.u32 v7, v6;
	v37 =	vmul.f32 $8.000000000e+00, v40;
	v40 =	vld.idx.msk [tilespmem:v17+s20+$0x0], $0xffff  }
0x16d: {  	v28 =	vshll.u32 v28, $0x7;
	v53 =	vor.u32 v7, v4;
	v27 =	vor.u32 v55, v8;
	[tilespmem:v51+s23+$0x0] =	vst.idx.msk $0xffff, v33;
	v51 =	vld [tilespmem:$0x1FDD0]  }
0x16e: {  	v60 =	vor.u32 v46, v24;
	v17 =	vmul.f32 $8.000000000e+00, v26;
	[tilespmem:v30+s23+$0x0] =	vst.idx.msk $0xffff, v37;
	v30 =	vmul.f32 $8.000000000e+00, v56;
	v56 =	vld.idx.msk [tilespmem:v61+s20+$0x0], $0xffff  }
0x16f: {  	v34 =	vor.u32 v52, v22;
	v62 =	vor.u32 v52, v25;
	v26 =	vor.u32 v46, v23;
	v61 =	vld [tilespmem:$0x1FEF0]  }
0x170: {  	v57 =	vor.u32 v58, v63;
	v36 =	vld.idx.msk [tilespmem:v59+s20+$0x0], $0xffff;
	[tilespmem:v50+s23+$0x0] =	vst.idx.msk $0xffff, v17;
	v17 =	vand.u32 $0x780, v28  }
0x171: {  	v28 =	vmul.f32 $8.000000000e+00, v29;
	[tilespmem:v19+s23+$0x0] =	vst.idx.msk $0xffff, v30;
	v19 =	vld.idx.msk [tilespmem:v31+s20+$0x0], $0xffff;
	v30 =	vor.u32 v48, v17  }
0x172: {  	v31 =	vmul.f32 $8.000000000e+00, v35;
	v33 =	vld.idx.msk [tilespmem:v53+s20+$0x0], $0xffff;
	v53 =	vmul.f32 $8.000000000e+00, v40;
	v40 =	vor.u32 v58, v1  }
0x173: {  	v27 =	vld.idx.msk [tilespmem:v27+s20+$0x0], $0xffff;
	v45 =	vor.u32 v49, v6;
	[tilespmem:v60+s23+$0x0] =	vst.idx.msk $0xffff, v28;
	v28 =	vor.u32 v51, v21  }
0x174: {  	v35 =	vmul.f32 $8.000000000e+00, v39;
	[tilespmem:v26+s23+$0x0] =	vst.idx.msk $0xffff, v31;
	v26 =	vld.idx.msk [tilespmem:v62+s20+$0x0], $0xffff;
	v31 =	vor.u32 v61, v10  }
0x175: {  	v34 =	vld.idx.msk [tilespmem:v34+s20+$0x0], $0xffff;
	[tilespmem:v32+s23+$0x0] =	vst.idx.msk $0xffff, v53;
	v53 =	vor.u32 v58, v2;
	v50 =	vmul.f32 $8.000000000e+00, v56  }
0x176: {  	v36 =	vmul.f32 $8.000000000e+00, v36;
	v16 =	vld.idx.msk [tilespmem:v16+s20+$0x0], $0xffff;
	[tilespmem:v30+s23+$0x0] =	vst.idx.msk $0xffff, v35  }
0x177: {  	v59 =	vld [tilespmem:$0x1FED0];
	v48 =	vor.u32 v49, v4;
	v30 =	vor.u32 v51, v24;
	v19 =	vmul.f32 $8.000000000e+00, v19;
	[tilespmem:v40+s23+$0x0] =	vst.idx.msk $0xffff, v50  }
0x178: {  	v42 =	vor.u32 v51, v23;
	v35 =	vor.u32 v49, v5;
	v50 =	vld [tilespmem:$0x1FDE0];
	[tilespmem:v28+s23+$0x0] =	vst.idx.msk $0xffff, v36;
	v28 =	vmul.f32 $8.000000000e+00, v33  }
0x179: {  	v62 =	vor.u32 v61, v22;
	v31 =	vld.idx.msk [tilespmem:v31+s20+$0x0], $0xffff;
	[tilespmem:v57+s23+$0x0] =	vst.idx.msk $0xffff, v19  }
0x17a: {  	v19 =	vmul.f32 $8.000000000e+00, v26;
	[tilespmem:v53+s23+$0x0] =	vst.idx.msk $0xffff, v28;
	v28 =	vld.idx.msk [tilespmem:v45+s20+$0x0], $0xffff  }
0x17b: {  	v34 =	vmul.f32 $8.000000000e+00, v34;
	v45 =	vld [tilespmem:$0x1FC50]  }
0x17c: {  	v36 =	vld.idx.msk [tilespmem:v48+s20+$0x0], $0xffff;
	[tilespmem:v30+s23+$0x0] =	vst.idx.msk $0xffff, v19  }
0x17d: {  	v30 =	vld.idx.msk [tilespmem:v35+s20+$0x0], $0xffff;
	[tilespmem:v42+s23+$0x0] =	vst.idx.msk $0xffff, v34  }
0x17e: {  	v29 =	vor.u32 v59, v3;
	v60 =	vor.u32 v61, v25;
	v33 =	vld.idx.msk [tilespmem:v62+s20+$0x0], $0xffff  }
0x17f: {  	v62 =	vld [tilespmem:$0x1FF80]  }
0x180: {  	v53 =	vor.u32 v45, v0  }
0x181: {  	v16 =	vmul.f32 $8.000000000e+00, v16;
	v57 =	vld [tilespmem:$0x1FDF0];
	v19 =	vor.u32 v50, v21;
	_ =	sdelay $0x1  }
0x182: {  	v27 =	vmul.f32 $8.000000000e+00, v27;
	[tilespmem:v29+s23+$0x0] =	vst.idx.msk $0xffff, v16;
	v16 =	vor.u32 v59, v2;
	v34 =	vld.idx.msk [tilespmem:v60+s20+$0x0], $0xffff  }
0x183: {  	v38 =	vor.u32 v59, v1;
	v31 =	vmul.f32 $8.000000000e+00, v31;
	v39 =	vor.u32 v62, v4  }
0x184: {  	v15 =	vld.idx.msk [tilespmem:v15+s20+$0x0], $0xffff;
	v32 =	vor.u32 v62, v5;
	[tilespmem:v53+s23+$0x0] =	vst.idx.msk $0xffff, v27;
	v27 =	vor.u32 v50, v24  }
0x185: {  	v43 =	vld [tilespmem:$0x1FF90];
	v60 =	vor.u32 v50, v23;
	[tilespmem:v19+s23+$0x0] =	vst.idx.msk $0xffff, v31;
	v19 =	vmul.f32 $8.000000000e+00, v36;
	v53 =	vor.u32 v57, v25  }
0x186: {  	v58 =	vld [tilespmem:$0x1FEC0];
	v30 =	vmul.f32 $8.000000000e+00, v30  }
0x187: {  	v7 =	vld [tilespmem:$0x1FE00];
	v56 =	vor.u32 v59, v63;
	v34 =	vmul.f32 $8.000000000e+00, v34;
	[tilespmem:v16+s23+$0x0] =	vst.idx.msk $0xffff, v19  }
0x188: {  	v35 =	vor.u32 v57, v10;
	v19 =	vmul.f32 $8.000000000e+00, v33;
	[tilespmem:v38+s23+$0x0] =	vst.idx.msk $0xffff, v30;
	v30 =	vld.idx.msk [tilespmem:v39+s20+$0x0], $0xffff  }
0x189: {  	v29 =	vor.u32 v62, v6;
	v32 =	vld.idx.msk [tilespmem:v32+s20+$0x0], $0xffff;
	[tilespmem:v27+s23+$0x0] =	vst.idx.msk $0xffff, v34  }
0x18a: {  	[tilespmem:v60+s23+$0x0] =	vst.idx.msk $0xffff, v19;
	v19 =	vld.idx.msk [tilespmem:v53+s20+$0x0], $0xffff  }
0x18b: {  	v26 =	vor.u32 v58, v3;
	v28 =	vmul.f32 $8.000000000e+00, v28;
	v53 =	vld [tilespmem:$0x1FE20]  }
0x18c: {  	v31 =	vor.u32 v57, v22  }
0x18d: {  	v35 =	vld.idx.msk [tilespmem:v35+s20+$0x0], $0xffff;
	[tilespmem:v56+s23+$0x0] =	vst.idx.msk $0xffff, v28  }
0x18e: {  	v36 =	vor.u32 v58, v1;
	v15 =	vmul.f32 $8.000000000e+00, v15;
	v16 =	vld.idx.msk [tilespmem:v29+s20+$0x0], $0xffff  }
0x18f: {  	v37 =	vor.u32 v43, v4;
	v59 =	vld [tilespmem:$0x1FF00];
	v39 =	vor.u32 v43, v5;
	v27 =	vor.u32 v7, v21  }
0x190: {  	v56 =	vld [tilespmem:$0x1FE40];
	[tilespmem:v26+s23+$0x0] =	vst.idx.msk $0xffff, v15;
	v60 =	vor.u32 v58, v63;
	v33 =	vor.u32 v53, v10  }
0x191: {  	v15 =	vor.u32 v58, v2;
	v26 =	vor.u32 v43, v6;
	v31 =	vld.idx.msk [tilespmem:v31+s20+$0x0], $0xffff;
	v32 =	vmul.f32 $8.000000000e+00, v32  }
0x192: {  	v44 =	vld [tilespmem:$0x1FC10];
	v40 =	vor.u32 v7, v23;
	v38 =	vor.u32 v7, v24;
	v35 =	vmul.f32 $8.000000000e+00, v35  }
0x193: {  	v14 =	vld.idx.msk [tilespmem:v14+s20+$0x0], $0xffff;
	v16 =	vmul.f32 $8.000000000e+00, v16;
	[tilespmem:v36+s23+$0x0] =	vst.idx.msk $0xffff, v32;
	v58 =	vor.u32 v53, v25  }
0x194: {  	[tilespmem:v27+s23+$0x0] =	vst.idx.msk $0xffff, v35;
	v27 =	vmul.f32 $8.000000000e+00, v30;
	v32 =	vld.idx.msk [tilespmem:v39+s20+$0x0], $0xffff  }
0x195: {  	v29 =	vor.u32 v59, v3;
	v19 =	vmul.f32 $8.000000000e+00, v19;
	v33 =	vld.idx.msk [tilespmem:v33+s20+$0x0], $0xffff;
	[tilespmem:v60+s23+$0x0] =	vst.idx.msk $0xffff, v16  }
0x196: {  	v28 =	vor.u32 v56, v8;
	[tilespmem:v15+s23+$0x0] =	vst.idx.msk $0xffff, v27;
	v15 =	vld.idx.msk [tilespmem:v26+s20+$0x0], $0xffff;
	v26 =	vmul.f32 $8.000000000e+00, v31  }
0x197: {  	v31 =	vld.idx.msk [tilespmem:v37+s20+$0x0], $0xffff;
	[tilespmem:v38+s23+$0x0] =	vst.idx.msk $0xffff, v19  }
0x198: {  	[tilespmem:v40+s23+$0x0] =	vst.idx.msk $0xffff, v26;
	v26 =	vld.idx.msk [tilespmem:v58+s20+$0x0], $0xffff  }
0x199: {  	v14 =	vmul.f32 $8.000000000e+00, v14;
	v30 =	vor.u32 v53, v22;
	v58 =	vld [tilespmem:$0x1FF10]  }
0x19a: {  	v19 =	vor.u32 v54, v21  }
0x19b: {  	v34 =	vor.u32 v12, v10;
	v28 =	vld.idx.msk [tilespmem:v28+s20+$0x0], $0xffff;
	[tilespmem:v29+s23+$0x0] =	vst.idx.msk $0xffff, v14;
	v14 =	vor.u32 v59, v2  }
0x19c: {  	v36 =	vor.u32 v59, v1;
	v13 =	vld.idx.msk [tilespmem:v13+s20+$0x0], $0xffff;
	v16 =	vor.u32 v44, v18;
	v44 =	vor.u32 v59, v63  }
0x19d: {  	v60 =	vld [tilespmem:$0x1FD50];
	v38 =	vor.u32 v54, v24;
	v40 =	vor.u32 v54, v23;
	v33 =	vmul.f32 $8.000000000e+00, v33  }
0x19e: {  	v54 =	vor.u32 v12, v25;
	v30 =	vld.idx.msk [tilespmem:v30+s20+$0x0], $0xffff;
	v15 =	vmul.f32 $8.000000000e+00, v15;
	v29 =	vor.u32 v58, v6  }
0x19f: {  	[tilespmem:v19+s23+$0x0] =	vst.idx.msk $0xffff, v33;
	v19 =	vmul.f32 $8.000000000e+00, v31;
	v31 =	vor.u32 v12, v22;
	v12 =	vld [tilespmem:$0x1FBD0];
	v39 =	vor.u32 v58, v5  }
0x1a0: {  	v32 =	vmul.f32 $8.000000000e+00, v32;
	v33 =	vld.idx.msk [tilespmem:v34+s20+$0x0], $0xffff  }
0x1a1: {  	[tilespmem:v44+s23+$0x0] =	vst.idx.msk $0xffff, v15;
	v44 =	vld [tilespmem:$0x1FF20]  }
0x1a2: {  	v59 =	vld [tilespmem:$0x1FD60];
	[tilespmem:v36+s23+$0x0] =	vst.idx.msk $0xffff, v32;
	v37 =	vor.u32 v58, v4  }
0x1a3: {  	v27 =	vor.u32 v60, v3;
	[tilespmem:v14+s23+$0x0] =	vst.idx.msk $0xffff, v19;
	v14 =	vld.idx.msk [tilespmem:v29+s20+$0x0], $0xffff;
	v29 =	vmul.f32 $8.000000000e+00, v30  }
0x1a4: {  	v32 =	vld.idx.msk [tilespmem:v39+s20+$0x0], $0xffff  }
0x1a5: {  	v15 =	vmul.f32 $8.000000000e+00, v26;
	[tilespmem:v40+s23+$0x0] =	vst.idx.msk $0xffff, v29;
	v40 =	vld [tilespmem:$0x1FF40]  }
0x1a6: {  	v13 =	vmul.f32 $8.000000000e+00, v13;
	v16 =	vld.idx.msk [tilespmem:v16+s20+$0x0], $0xffff;
	v19 =	vor.u32 v44, v0  }
0x1a7: {  	v30 =	vld.idx.msk [tilespmem:v37+s20+$0x0], $0xffff;
	[tilespmem:v38+s23+$0x0] =	vst.idx.msk $0xffff, v15;
	v15 =	vor.u32 v11, v21  }
0x1a8: {  	v35 =	vor.u32 v60, v63;
	v34 =	vor.u32 v55, v10;
	[tilespmem:v27+s23+$0x0] =	vst.idx.msk $0xffff, v13;
	v29 =	vld.idx.msk [tilespmem:v54+s20+$0x0], $0xffff  }
0x1a9: {  	v28 =	vmul.f32 $8.000000000e+00, v28;
	v13 =	vor.u32 v60, v2;
	v12 =	vld.idx.msk [tilespmem:v12+s20+$0x0], $0xffff  }
0x1aa: {  	v36 =	vor.u32 v60, v1;
	v33 =	vmul.f32 $8.000000000e+00, v33;
	v31 =	vld.idx.msk [tilespmem:v31+s20+$0x0], $0xffff;
	v27 =	vor.u32 v40, v6  }
0x1ab: {  	v41 =	vld [tilespmem:$0x1FF50];
	[tilespmem:v19+s23+$0x0] =	vst.idx.msk $0xffff, v28;
	v19 =	vor.u32 v11, v24;
	v14 =	vmul.f32 $8.000000000e+00, v14;
	v37 =	vor.u32 v40, v4  }
0x1ac: {  	v9 =	vld [tilespmem:$0x1FC20];
	v26 =	vor.u32 v59, v3;
	[tilespmem:v15+s23+$0x0] =	vst.idx.msk $0xffff, v33;
	v15 =	vmul.f32 $8.000000000e+00, v30;
	v28 =	vor.u32 v40, v5  }
0x1ad: {  	v38 =	vor.u32 v11, v23;
	v32 =	vmul.f32 $8.000000000e+00, v32;
	v33 =	vld.idx.msk [tilespmem:v34+s20+$0x0], $0xffff;
	[tilespmem:v35+s23+$0x0] =	vst.idx.msk $0xffff, v14  }
0x1ae: {  	v30 =	vor.u32 v55, v22;
	v11 =	vld [tilespmem:$0x1FC00];
	v29 =	vmul.f32 $8.000000000e+00, v29;
	[tilespmem:v13+s23+$0x0] =	vst.idx.msk $0xffff, v15  }
0x1af: {  	v54 =	vor.u32 v55, v25;
	[tilespmem:v36+s23+$0x0] =	vst.idx.msk $0xffff, v32;
	v12 =	vmul.f32 $8.000000000e+00, v12;
	v13 =	vld.idx.msk [tilespmem:v27+s20+$0x0], $0xffff  }
0x1b0: {  	v27 =	vmul.f32 $8.000000000e+00, v31;
	v31 =	vld.idx.msk [tilespmem:v37+s20+$0x0], $0xffff;
	[tilespmem:v19+s23+$0x0] =	vst.idx.msk $0xffff, v29;
	v19 =	vor.u32 v45, v21  }
0x1b1: {  	v32 =	vor.u32 v59, v63;
	[tilespmem:v26+s23+$0x0] =	vst.idx.msk $0xffff, v12;
	v28 =	vld.idx.msk [tilespmem:v28+s20+$0x0], $0xffff;
	v29 =	vor.u32 v56, v10  }
0x1b2: {  	v60 =	vld [tilespmem:$0x1FFD0];
	v12 =	vor.u32 v59, v2;
	[tilespmem:v38+s23+$0x0] =	vst.idx.msk $0xffff, v27  }
0x1b3: {  	v34 =	vor.u32 v59, v1;
	v26 =	vor.u32 v41, v6;
	v33 =	vmul.f32 $8.000000000e+00, v33;
	v30 =	vld.idx.msk [tilespmem:v30+s20+$0x0], $0xffff  }
0x1b4: {  	v59 =	vld [tilespmem:$0x1FD70];
	v37 =	vor.u32 v41, v5;
	v13 =	vmul.f32 $8.000000000e+00, v13  }
0x1b5: {  	v27 =	vld.idx.msk [tilespmem:v54+s20+$0x0], $0xffff;
	v54 =	vor.u32 v45, v23;
	[tilespmem:v19+s23+$0x0] =	vst.idx.msk $0xffff, v33;
	v19 =	vmul.f32 $8.000000000e+00, v31  }
0x1b6: {  	v28 =	vmul.f32 $8.000000000e+00, v28;
	v29 =	vld.idx.msk [tilespmem:v29+s20+$0x0], $0xffff;
	[tilespmem:v32+s23+$0x0] =	vst.idx.msk $0xffff, v13  }
0x1b7: {  	v14 =	vor.u32 v60, v8;
	v35 =	vor.u32 v41, v4;
	v11 =	vld.idx.msk [tilespmem:v11+s20+$0x0], $0xffff;
	[tilespmem:v12+s23+$0x0] =	vst.idx.msk $0xffff, v19  }
0x1b8: {  	v36 =	vor.u32 v45, v24;
	[tilespmem:v34+s23+$0x0] =	vst.idx.msk $0xffff, v28;
	v12 =	vld.idx.msk [tilespmem:v26+s20+$0x0], $0xffff;
	v26 =	vmul.f32 $8.000000000e+00, v30  }
0x1b9: {  	v30 =	vld.idx.msk [tilespmem:v37+s20+$0x0], $0xffff  }
0x1ba: {  	v15 =	vor.u32 v9, v17;
	v31 =	vor.u32 v56, v22;
	[tilespmem:v54+s23+$0x0] =	vst.idx.msk $0xffff, v26;
	v54 =	vld [tilespmem:$0x1FF30]  }
0x1bb: {  	v20 =	vld [tilespmem:$0x1FC30];
	v13 =	vmul.f32 $8.000000000e+00, v27;
	v27 =	vor.u32 v59, v3  }
0x1bc: {  	v16 =	vmul.f32 $8.000000000e+00, v16;
	v14 =	vld.idx.msk [tilespmem:v14+s20+$0x0], $0xffff  }
0x1bd: {  	v55 =	vor.u32 v56, v25;
	v28 =	vld.idx.msk [tilespmem:v35+s20+$0x0], $0xffff;
	[tilespmem:v36+s23+$0x0] =	vst.idx.msk $0xffff, v13;
	v13 =	vor.u32 v44, v21  }
0x1be: {  	v38 =	vor.u32 v59, v63;
	v56 =	vld [tilespmem:$0x1FFA0];
	v11 =	vmul.f32 $8.000000000e+00, v11;
	v37 =	vor.u32 v60, v10  }
0x1bf: {  	[tilespmem:v15+s23+$0x0] =	vst.idx.msk $0xffff, v16;
	v16 =	vor.u32 v59, v2;
	v15 =	vld.idx.msk [tilespmem:v31+s20+$0x0], $0xffff;
	v6 =	vor.u32 v54, v6  }
0x1c0: {  	v29 =	vmul.f32 $8.000000000e+00, v29;
	[tilespmem:v27+s23+$0x0] =	vst.idx.msk $0xffff, v11;
	v11 =	vor.u32 v59, v1;
	v59 =	vld [tilespmem:$0x1FD80]  }
0x1c1: {  	v19 =	vor.u32 v20, v18;
	v20 =	vmul.f32 $8.000000000e+00, v12;
	v27 =	vor.u32 v54, v4;
	v4 =	vld [tilespmem:$0x1FBF0]  }
0x1c2: {  	v26 =	vld.idx.msk [tilespmem:v55+s20+$0x0], $0xffff;
	[tilespmem:v13+s23+$0x0] =	vst.idx.msk $0xffff, v29;
	v13 =	vmul.f32 $8.000000000e+00, v28  }
0x1c3: {  	v28 =	vor.u32 v60, v22;
	v29 =	vld.idx.msk [tilespmem:v37+s20+$0x0], $0xffff;
	[tilespmem:v38+s23+$0x0] =	vst.idx.msk $0xffff, v20  }
0x1c4: {  	v55 =	vor.u32 v54, v5;
	v5 =	vmov v22;
	[tilespmem:v16+s23+$0x0] =	vst.idx.msk $0xffff, v13;
	v13 =	vld.idx.msk [tilespmem:v6+s20+$0x0], $0xffff  }
0x1c5: {  	v22 =	vor.u32 v56, v0;
	v6 =	vmovc v10;
	v10 =	vmul.f32 $8.000000000e+00, v15;
	v15 =	vor.u32 v59, v3;
	v3 =	vmovc v0;
	v0 =	vld [tilespmem:$0x1FBE0]  }
0x1c6: {  	v31 =	vor.u32 v44, v24;
	_ =	sdelay $0x1  }
0x1c7: {  	v39 =	vld [tilespmem:$0x1FE50];
	v30 =	vmul.f32 $8.000000000e+00, v30  }
0x1c8: {  	v14 =	vmul.f32 $8.000000000e+00, v14;
	v26 =	vmul.f32 $8.000000000e+00, v26;
	v9 =	vld.idx.msk [tilespmem:v4+s20+$0x0], $0xffff;
	v4 =	vmov v25  }
0x1c9: {  	v12 =	vor.u32 v44, v23;
	v19 =	vld.idx.msk [tilespmem:v19+s20+$0x0], $0xffff;
	[tilespmem:v11+s23+$0x0] =	vst.idx.msk $0xffff, v30;
	v25 =	vor.u32 v60, v4  }
0x1ca: {  	v11 =	vld.idx.msk [tilespmem:v27+s20+$0x0], $0xffff;
	[tilespmem:v31+s23+$0x0] =	vst.idx.msk $0xffff, v26  }
0x1cb: {  	v26 =	vld.idx.msk [tilespmem:v55+s20+$0x0], $0xffff;
	[tilespmem:v22+s23+$0x0] =	vst.idx.msk $0xffff, v14  }
0x1cc: {  	v16 =	vor.u32 v56, v21;
	v20 =	vld.idx.msk [tilespmem:v0+s20+$0x0], $0xffff  }
0x1cd: {  	v0 =	vld [tilespmem:$0x1FE60]  }
0x1ce: {  	[tilespmem:v12+s23+$0x0] =	vst.idx.msk $0xffff, v10;
	v10 =	vld.idx.msk [tilespmem:v25+s20+$0x0], $0xffff;
	v25 =	vor.u32 v59, v2  }
0x1cf: {  	v14 =	vmul.f32 $8.000000000e+00, v29;
	v22 =	vor.u32 v59, v1  }
0x1d0: {  	v44 =	vmov v17;
	v12 =	vor.u32 v59, v63;
	v9 =	vmul.f32 $8.000000000e+00, v9  }
0x1d1: {  	v63 =	vmov v21;
	v21 =	vor.u32 v39, v6;
	v17 =	vld.idx.msk [tilespmem:v28+s20+$0x0], $0xffff;
	[tilespmem:v16+s23+$0x0] =	vst.idx.msk $0xffff, v14;
	v11 =	vmul.f32 $8.000000000e+00, v11  }
0x1d2: {  	v2 =	vmov v24;
	v24 =	vmul.f32 $8.000000000e+00, v26;
	[tilespmem:v15+s23+$0x0] =	vst.idx.msk $0xffff, v9;
	v14 =	vor.u32 v0, v44;
	v0 =	vld [tilespmem:$0x1FE80]  }
0x1d3: {  	v1 =	vmov v23;
	v23 =	vor.u32 v56, v2;
	[tilespmem:v25+s23+$0x0] =	vst.idx.msk $0xffff, v11;
	v25 =	vld [tilespmem:$0x1FFE0]  }
0x1d4: {  	v9 =	vmul.f32 $8.000000000e+00, v13;
	[tilespmem:v22+s23+$0x0] =	vst.idx.msk $0xffff, v24;
	v22 =	vld [tilespmem:$0x1FFB0]  }
0x1d5: {  	v13 =	vor.u32 v56, v1;
	v15 =	vor.u32 v39, v4  }
0x1d6: {  	v16 =	vor.u32 v39, v5;
	[tilespmem:v12+s23+$0x0] =	vst.idx.msk $0xffff, v9;
	v10 =	vmul.f32 $8.000000000e+00, v10  }
0x1d7: {  	v12 =	vld.idx.msk [tilespmem:v21+s20+$0x0], $0xffff;
	v9 =	vor.u32 v0, v18  }
0x1d8: {  	v17 =	vmul.f32 $8.000000000e+00, v17;
	[tilespmem:v23+s23+$0x0] =	vst.idx.msk $0xffff, v10;
	v23 =	vld [tilespmem:$0x1FFF0];
	v11 =	vor.u32 v25, v3  }
0x1d9: {  	v19 =	vmul.f32 $8.000000000e+00, v19;
	v21 =	vor.u32 v22, v8;
	v0 =	vld [tilespmem:$0x1FD90]  }
0x1da: {  	[tilespmem:v13+s23+$0x0] =	vst.idx.msk $0xffff, v17;
	v10 =	vld.idx.msk [tilespmem:v15+s20+$0x0], $0xffff;
	v13 =	vor.u32 v25, v63  }
0x1db: {  	v15 =	vld.idx.msk [tilespmem:v16+s20+$0x0], $0xffff;
	v16 =	vor.u32 v22, v6;
	[tilespmem:v14+s23+$0x0] =	vst.idx.msk $0xffff, v19;
	v14 =	vmul.f32 $8.000000000e+00, v20  }
0x1dc: {  	v9 =	vld.idx.msk [tilespmem:v9+s20+$0x0], $0xffff  }
0x1dd: {  	v24 =	vld [tilespmem:$0x1FFC0];
	v12 =	vmul.f32 $8.000000000e+00, v12;
	[tilespmem:v11+s23+$0x0] =	vst.idx.msk $0xffff, v14;
	v11 =	vor.u32 v25, v2  }
0x1de: {  	v19 =	vor.u32 v22, v4;
	v20 =	vor.u32 v0, v44;
	v14 =	vld.idx.msk [tilespmem:v21+s20+$0x0], $0xffff  }
0x1df: {  	v17 =	vor.u32 v25, v1;
	[tilespmem:v13+s23+$0x0] =	vst.idx.msk $0xffff, v12;
	v12 =	vor.u32 v47, v18  }
0x1e0: {  	v10 =	vmul.f32 $8.000000000e+00, v10;
	v13 =	vld.idx.msk [tilespmem:v16+s20+$0x0], $0xffff;
	v16 =	vor.u32 v23, v3  }
0x1e1: {  	v21 =	vor.u32 v22, v5;
	v9 =	vmul.f32 $8.000000000e+00, v9  }
0x1e2: {  	v15 =	vmul.f32 $8.000000000e+00, v15;
	[tilespmem:v11+s23+$0x0] =	vst.idx.msk $0xffff, v10  }
0x1e3: {  	v22 =	vor.u32 v24, v8;
	v10 =	vld.idx.msk [tilespmem:v19+s20+$0x0], $0xffff;
	[tilespmem:v20+s23+$0x0] =	vst.idx.msk $0xffff, v9;
	v9 =	vmul.f32 $8.000000000e+00, v14  }
0x1e4: {  	[tilespmem:v17+s23+$0x0] =	vst.idx.msk $0xffff, v15;
	v15 =	vor.u32 v24, v6;
	v11 =	vor.u32 v23, v63;
	v12 =	vld.idx.msk [tilespmem:v12+s20+$0x0], $0xffff  }
0x1e5: {  	v17 =	vor.u32 v23, v1;
	[tilespmem:v16+s23+$0x0] =	vst.idx.msk $0xffff, v9;
	v9 =	vor.u32 v23, v2;
	v23 =	vld [tilespmem:$0x1FC60]  }
0x1e6: {  	v14 =	vld.idx.msk [tilespmem:v21+s20+$0x0], $0xffff  }
0x1e7: {  	v13 =	vmul.f32 $8.000000000e+00, v13;
	v19 =	vor.u32 v24, v4;
	v21 =	vor.u32 v24, v5;
	v24 =	vld [tilespmem:$0x1FC70]  }
0x1e8: {  	v20 =	vor.u32 v46, v44;
	v16 =	vld.idx.msk [tilespmem:v22+s20+$0x0], $0xffff  }
0x1e9: {  	[tilespmem:v11+s23+$0x0] =	vst.idx.msk $0xffff, v13;
	v11 =	vor.u32 v52, v18  }
0x1ea: {  	v10 =	vmul.f32 $8.000000000e+00, v10;
	v13 =	vld.idx.msk [tilespmem:v15+s20+$0x0], $0xffff;
	v15 =	vor.u32 v23, v3  }
0x1eb: {  	v12 =	vmul.f32 $8.000000000e+00, v12  }
0x1ec: {  	v14 =	vmul.f32 $8.000000000e+00, v14;
	[tilespmem:v9+s23+$0x0] =	vst.idx.msk $0xffff, v10  }
0x1ed: {  	v22 =	vor.u32 v24, v8;
	v9 =	vld.idx.msk [tilespmem:v19+s20+$0x0], $0xffff;
	[tilespmem:v20+s23+$0x0] =	vst.idx.msk $0xffff, v12;
	v12 =	vmul.f32 $8.000000000e+00, v16  }
0x1ee: {  	[tilespmem:v17+s23+$0x0] =	vst.idx.msk $0xffff, v14;
	v10 =	vor.u32 v23, v63;
	v17 =	vor.u32 v23, v1;
	v11 =	vld.idx.msk [tilespmem:v11+s20+$0x0], $0xffff  }
0x1ef: {  	v16 =	vor.u32 v24, v6;
	[tilespmem:v15+s23+$0x0] =	vst.idx.msk $0xffff, v12;
	v12 =	vor.u32 v23, v2;
	v23 =	vld [tilespmem:$0x1FC80];
	_ =	sdelay $0x1  }
0x1f0: {  	v14 =	vld.idx.msk [tilespmem:v21+s20+$0x0], $0xffff;
	v19 =	vor.u32 v24, v4;
	v13 =	vmul.f32 $8.000000000e+00, v13  }
0x1f1: {  	v20 =	vor.u32 v51, v44;
	v15 =	vld.idx.msk [tilespmem:v22+s20+$0x0], $0xffff  }
0x1f2: {  	v21 =	vor.u32 v24, v5;
	v24 =	vld [tilespmem:$0x1FC90];
	[tilespmem:v10+s23+$0x0] =	vst.idx.msk $0xffff, v13;
	v9 =	vmul.f32 $8.000000000e+00, v9  }
0x1f3: {  	v10 =	vor.u32 v61, v18;
	v13 =	vld.idx.msk [tilespmem:v16+s20+$0x0], $0xffff;
	v16 =	vor.u32 v23, v3  }
0x1f4: {  	v11 =	vmul.f32 $8.000000000e+00, v11;
	[tilespmem:v12+s23+$0x0] =	vst.idx.msk $0xffff, v9  }
0x1f5: {  	v14 =	vmul.f32 $8.000000000e+00, v14;
	v12 =	vor.u32 v23, v63;
	v9 =	vld.idx.msk [tilespmem:v19+s20+$0x0], $0xffff  }
0x1f6: {  	[tilespmem:v20+s23+$0x0] =	vst.idx.msk $0xffff, v11;
	v11 =	vmul.f32 $8.000000000e+00, v15  }
0x1f7: {  	[tilespmem:v17+s23+$0x0] =	vst.idx.msk $0xffff, v14  }
0x1f8: {  	v22 =	vor.u32 v24, v8;
	v10 =	vld.idx.msk [tilespmem:v10+s20+$0x0], $0xffff;
	[tilespmem:v16+s23+$0x0] =	vst.idx.msk $0xffff, v11;
	v11 =	vmul.f32 $8.000000000e+00, v13  }
0x1f9: {  	v14 =	vld.idx.msk [tilespmem:v21+s20+$0x0], $0xffff  }
0x1fa: {  	v15 =	vor.u32 v24, v6;
	[tilespmem:v12+s23+$0x0] =	vst.idx.msk $0xffff, v11;
	v12 =	vmul.f32 $8.000000000e+00, v9;
	v9 =	vld [tilespmem:$0x1FCA0]  }
0x1fb: {  	v17 =	vor.u32 v23, v1  }
0x1fc: {  	v0 =	vld [tilespmem:$0x1FF70];
	v20 =	vor.u32 v50, v44  }
0x1fd: {  	v16 =	vor.u32 v23, v2;
	v13 =	vld.idx.msk [tilespmem:v22+s20+$0x0], $0xffff  }
0x1fe: {  	v29 =	vld [tilespmem:$0x1FCB0];
	v21 =	vor.u32 v24, v5;
	v19 =	vor.u32 v24, v4;
	v14 =	vmul.f32 $8.000000000e+00, v14  }
0x1ff: {  	v10 =	vmul.f32 $8.000000000e+00, v10;
	v22 =	vor.u32 v57, v18;
	v23 =	vld.idx.msk [tilespmem:v15+s20+$0x0], $0xffff;
	v24 =	vor.u32 v9, v3  }
0x200: {  	[tilespmem:v17+s23+$0x0] =	vst.idx.msk $0xffff, v14  }
0x201: {  	[tilespmem:v20+s23+$0x0] =	vst.idx.msk $0xffff, v10;
	v27 =	vor.u32 v9, v63  }
0x202: {  	v17 =	vor.u32 v0, v8;
	v0 =	vld [tilespmem:$0x1FD40];
	[tilespmem:v16+s23+$0x0] =	vst.idx.msk $0xffff, v12;
	v10 =	vmul.f32 $8.000000000e+00, v13  }
0x203: {  	v26 =	vld.idx.msk [tilespmem:v19+s20+$0x0], $0xffff  }
0x204: {  	v25 =	vor.u32 v29, v8;
	v22 =	vld.idx.msk [tilespmem:v22+s20+$0x0], $0xffff;
	[tilespmem:v24+s23+$0x0] =	vst.idx.msk $0xffff, v10;
	v10 =	vmul.f32 $8.000000000e+00, v23;
	_ =	sdelay $0x1  }
0x205: {  	v24 =	vor.u32 v9, v2;
	[tilespmem:v27+s23+$0x0] =	vst.idx.msk $0xffff, v10;
	v27 =	vor.u32 v7, v44;
	v7 =	vld [tilespmem:$0x1FD20]  }
0x206: {  	v20 =	vld.idx.msk [tilespmem:v21+s20+$0x0], $0xffff  }
0x207: {  	v19 =	vor.u32 v0, v8;
	v0 =	vld [tilespmem:$0x1FEA0]  }
0x208: {  	v26 =	vmul.f32 $8.000000000e+00, v26;
	v23 =	vld.idx.msk [tilespmem:v25+s20+$0x0], $0xffff  }
0x209: {  	v21 =	vor.u32 v29, v6;
	v25 =	vor.u32 v9, v1;
	v9 =	vld [tilespmem:$0x1FCC0]  }
0x20a: {  	[tilespmem:v24+s23+$0x0] =	vst.idx.msk $0xffff, v26;
	v26 =	vor.u32 v7, v8;
	v7 =	vld [tilespmem:$0x1FCE0]  }
0x20b: {  	v42 =	vlaneseq.u32;
	v30 =	vor.u32 v53, v18;
	v28 =	vor.u32 v29, v4  }
0x20c: {  	v48 =	vld [tilespmem:$0x1FE10];
	v14 =	vor.u32 v43, v8;
	v11 =	vor.u32 v54, v8;
	v29 =	vor.u32 v29, v5  }
0x20d: {  	[tilespmem:$0x1FBF0] =	vst v11;
	v11 =	vor.u32 v41, v8;
	v15 =	vor.u32 v62, v8;
	v20 =	vmul.f32 $8.000000000e+00, v20  }
0x20e: {  	s24 =	sadd.s32 $0x3, s17;
	v12 =	vor.u32 v40, v8;
	v62 =	vor.u32 v0, v8;
	v31 =	vld.idx.msk [tilespmem:v21+s20+$0x0], $0xffff;
	v60 =	vor.u32 v9, v3  }
0x20f: {  	p1 =	slt.u32 s17, $0xC;
	v10 =	vadd.s32 s24, v42;
	[tilespmem:v25+s23+$0x0] =	vst.idx.msk $0xffff, v20;
	v25 =	vmul.f32 $8.000000000e+00, v23;
	v23 =	vor.u32 v7, v8;
	v7 =	vld [tilespmem:$0x1FD00]  }
.Ltmp0:
0x210: {  	[tilespmem:$0x1FC00] =	vst v11;
	v16 =	vor.u32 v49, v8;
	v61 =	vmul.f32 $8.000000000e+00, v22;
	v10 =	vand.u32 $0xF, v10;
	(pc) =	sbr.rel @p1 .LBB2_3-.Ltmp0, $4  }
0x211: {  	v13 =	vor.u32 v58, v8;
	v33 =	vor.u32 v48, v10;
	v24 =	vor.u32 v0, v6;
	v21 =	vld.idx.msk [tilespmem:v28+s20+$0x0], $0xffff  }
0x212: {  	v22 =	vor.u32 v9, v63;
	v28 =	vor.u32 v9, v1;
	v20 =	vld.idx.msk [tilespmem:v29+s20+$0x0], $0xffff;
	[tilespmem:v27+s23+$0x0] =	vst.idx.msk $0xffff, v61  }
0x213: {  	v43 =	vmov v48;
	s24 =	sadd.s32 $0x2, s17;
	v29 =	vor.u32 v9, v2;
	v32 =	vld.idx.msk [tilespmem:v30+s20+$0x0], $0xffff;
	v31 =	vmul.f32 $8.000000000e+00, v31;
	[tilespmem:v60+s23+$0x0] =	vst.idx.msk $0xffff, v25  }
0x214: {  	s8 =	sadd.s32 $0x1, s17;
	s17 =	sadd.s32 $0x4, s17;
	v30 =	vor.u32 v0, v4;
	v25 =	vadd.s32 s24, v42;
	v27 =	vor.u32 v7, v8;
	v8 =	vmovc v18;
	v18 =	vld.idx.msk [tilespmem:v62+s20+$0x0], $0xffff  }
0x215: {  	_ =	sdelay $0x1  }
0x216: {  	v45 =	vand.u32 $0xF, v25  }
0x217: {  	v25 =	vor.u32 v43, v45  }
0x218: {  	v33 =	vld.idx.msk [tilespmem:v33+s20+$0x0], $0xffff  }
0x219: {  	v11 =	vlaneseq.u32;
	v48 =	vshll.u32 v10, $0x7;
	v9 =	vld [tilespmem:$0x1FC10]  }
0x21a: {  	v35 =	vor.u32 v11, v48  }
0x21b: {  	v34 =	vadd.s32 s8, v11  }
0x21c: {  	v46 =	vand.u32 $0xF, v34;
	v25 =	vld.idx.msk [tilespmem:v25+s20+$0x0], $0xffff  }
0x21d: {  	v47 =	vshll.u32 v45, $0x7;
	v34 =	vor.u32 v43, v46;
	v33 =	vmul.f32 $8.000000000e+00, v33  }
0x21e: {  	v37 =	vor.u32 v11, v47;
	v36 =	vor.u32 v9, v10  }
0x21f: {  	[tilespmem:v35+s23+$0x0] =	vst.idx.msk $0xffff, v33  }
0x220: {  	v53 =	vld [tilespmem:$0x1FC20]  }
0x221: {  	v25 =	vmul.f32 $8.000000000e+00, v25  }
0x222: {  	v39 =	vor.u32 v9, v45;
	v34 =	vld.idx.msk [tilespmem:v34+s20+$0x0], $0xffff  }
0x223: {  	v61 =	vshll.u32 v46, $0x7;
	v35 =	vld.idx.msk [tilespmem:v36+s20+$0x0], $0xffff;
	[tilespmem:v37+s23+$0x0] =	vst.idx.msk $0xffff, v25  }
0x224: {  	v38 =	vor.u32 v11, v61;
	v55 =	vld [tilespmem:$0x1FC30]  }
0x225: {  	v54 =	vor.u32 v53, v48;
	_ =	sdelay $0x1  }
0x226: {  	v34 =	vmul.f32 $8.000000000e+00, v34;
	v56 =	vld.idx.msk [tilespmem:v39+s20+$0x0], $0xffff  }
0x227: {  	v52 =	vor.u32 v9, v46;
	v35 =	vmul.f32 $8.000000000e+00, v35  }
0x228: {  	v57 =	vor.u32 v53, v47;
	[tilespmem:v38+s23+$0x0] =	vst.idx.msk $0xffff, v34;
	v25 =	vor.u32 v55, v10  }
0x229: {  	[tilespmem:v54+s23+$0x0] =	vst.idx.msk $0xffff, v35  }
0x22a: {  	v7 =	vld [tilespmem:$0x1FE60]  }
0x22b: {  	v34 =	vmul.f32 $8.000000000e+00, v56  }
0x22c: {  	v33 =	vld.idx.msk [tilespmem:v52+s20+$0x0], $0xffff;
	v59 =	vor.u32 v55, v45  }
0x22d: {  	[tilespmem:v57+s23+$0x0] =	vst.idx.msk $0xffff, v34;
	v25 =	vld.idx.msk [tilespmem:v25+s20+$0x0], $0xffff  }
0x22e: {  	v58 =	vor.u32 v53, v61;
	v0 =	vld [tilespmem:$0x1FE80]  }
0x22f: {  	v62 =	vor.u32 v7, v48;
	_ =	sdelay $0x1  }
0x230: {  	v33 =	vmul.f32 $8.000000000e+00, v33;
	v11 =	vld.idx.msk [tilespmem:v59+s20+$0x0], $0xffff  }
0x231: {  	v60 =	vor.u32 v55, v46;
	v25 =	vmul.f32 $8.000000000e+00, v25  }
0x232: {  	[tilespmem:v58+s23+$0x0] =	vst.idx.msk $0xffff, v33;
	v42 =	vor.u32 v7, v47;
	v9 =	vor.u32 v0, v10  }
0x233: {  	[tilespmem:v62+s23+$0x0] =	vst.idx.msk $0xffff, v25  }
0x234: {  	v51 =	vld [tilespmem:$0x1FD90]  }
0x235: {  	v33 =	vmul.f32 $8.000000000e+00, v11  }
0x236: {  	v35 =	vld.idx.msk [tilespmem:v60+s20+$0x0], $0xffff;
	v50 =	vor.u32 v0, v45  }
0x237: {  	v34 =	vld.idx.msk [tilespmem:v9+s20+$0x0], $0xffff;
	[tilespmem:v42+s23+$0x0] =	vst.idx.msk $0xffff, v33  }
0x238: {  	v49 =	vor.u32 v7, v61;
	v53 =	vld [tilespmem:$0x1FDA0]  }
0x239: {  	v25 =	vor.u32 v0, v46;
	v52 =	vor.u32 v51, v48;
	_ =	sdelay $0x1  }
0x23a: {  	v35 =	vmul.f32 $8.000000000e+00, v35;
	v55 =	vld.idx.msk [tilespmem:v50+s20+$0x0], $0xffff  }
0x23b: {  	v34 =	vmul.f32 $8.000000000e+00, v34  }
0x23c: {  	[tilespmem:v49+s23+$0x0] =	vst.idx.msk $0xffff, v35;
	v56 =	vor.u32 v51, v47;
	v54 =	vor.u32 v53, v10  }
0x23d: {  	v25 =	vld.idx.msk [tilespmem:v25+s20+$0x0], $0xffff;
	[tilespmem:v52+s23+$0x0] =	vst.idx.msk $0xffff, v34  }
0x23e: {  	v60 =	vld [tilespmem:$0x1FDB0]  }
0x23f: {  	v35 =	vmul.f32 $8.000000000e+00, v55  }
0x240: {  	v57 =	vor.u32 v51, v61;
	v58 =	vor.u32 v53, v45  }
0x241: {  	v33 =	vld.idx.msk [tilespmem:v54+s20+$0x0], $0xffff;
	[tilespmem:v56+s23+$0x0] =	vst.idx.msk $0xffff, v35  }
0x242: {  	v9 =	vld [tilespmem:$0x1FDC0]  }
0x243: {  	v25 =	vmul.f32 $8.000000000e+00, v25;
	v62 =	vor.u32 v60, v48;
	_ =	sdelay $0x1  }
0x244: {  	[tilespmem:v57+s23+$0x0] =	vst.idx.msk $0xffff, v25;
	v25 =	vld.idx.msk [tilespmem:v58+s20+$0x0], $0xffff  }
0x245: {  	v59 =	vor.u32 v53, v46;
	v33 =	vmul.f32 $8.000000000e+00, v33  }
0x246: {  	v42 =	vor.u32 v60, v47;
	v11 =	vor.u32 v9, v10  }
0x247: {  	[tilespmem:v62+s23+$0x0] =	vst.idx.msk $0xffff, v33  }
0x248: {  	v52 =	vld [tilespmem:$0x1FDD0]  }
0x249: {  	v25 =	vmul.f32 $8.000000000e+00, v25  }
0x24a: {  	v34 =	vld.idx.msk [tilespmem:v59+s20+$0x0], $0xffff;
	v50 =	vor.u32 v9, v45  }
0x24b: {  	v35 =	vld.idx.msk [tilespmem:v11+s20+$0x0], $0xffff;
	[tilespmem:v42+s23+$0x0] =	vst.idx.msk $0xffff, v25  }
0x24c: {  	v49 =	vor.u32 v60, v61;
	v54 =	vld [tilespmem:$0x1FEF0]  }
0x24d: {  	v53 =	vor.u32 v52, v48;
	_ =	sdelay $0x1  }
0x24e: {  	v34 =	vmul.f32 $8.000000000e+00, v34;
	v55 =	vld.idx.msk [tilespmem:v50+s20+$0x0], $0xffff  }
0x24f: {  	v51 =	vor.u32 v9, v46;
	v35 =	vmul.f32 $8.000000000e+00, v35  }
0x250: {  	[tilespmem:v49+s23+$0x0] =	vst.idx.msk $0xffff, v34;
	v56 =	vor.u32 v52, v47;
	v25 =	vor.u32 v54, v10  }
0x251: {  	[tilespmem:v53+s23+$0x0] =	vst.idx.msk $0xffff, v35  }
0x252: {  	v60 =	vld [tilespmem:$0x1FDE0]  }
0x253: {  	v34 =	vmul.f32 $8.000000000e+00, v55  }
0x254: {  	v33 =	vld.idx.msk [tilespmem:v51+s20+$0x0], $0xffff  }
0x255: {  	v58 =	vor.u32 v54, v45;
	v25 =	vld.idx.msk [tilespmem:v25+s20+$0x0], $0xffff;
	[tilespmem:v56+s23+$0x0] =	vst.idx.msk $0xffff, v34  }
0x256: {  	v57 =	vor.u32 v52, v61;
	v0 =	vld [tilespmem:$0x1FDF0]  }
0x257: {  	v62 =	vor.u32 v60, v48;
	_ =	sdelay $0x1  }
0x258: {  	v33 =	vmul.f32 $8.000000000e+00, v33  }
0x259: {  	v59 =	vor.u32 v54, v46;
	v42 =	vld.idx.msk [tilespmem:v58+s20+$0x0], $0xffff;
	v25 =	vmul.f32 $8.000000000e+00, v25  }
0x25a: {  	[tilespmem:v57+s23+$0x0] =	vst.idx.msk $0xffff, v33;
	v11 =	vor.u32 v0, v10  }
0x25b: {  	v49 =	vor.u32 v60, v47;
	[tilespmem:v62+s23+$0x0] =	vst.idx.msk $0xffff, v25  }
0x25c: {  	v52 =	vld [tilespmem:$0x1FE00];
	_ =	sdelay $0x1  }
0x25d: {  	v35 =	vld.idx.msk [tilespmem:v59+s20+$0x0], $0xffff;
	v33 =	vmul.f32 $8.000000000e+00, v42  }
0x25e: {  	v34 =	vld.idx.msk [tilespmem:v11+s20+$0x0], $0xffff  }
0x25f: {  	v50 =	vor.u32 v60, v61;
	[tilespmem:v49+s23+$0x0] =	vst.idx.msk $0xffff, v33  }
0x260: {  	v54 =	vld [tilespmem:$0x1FE20];
	v53 =	vor.u32 v52, v48;
	_ =	sdelay $0x1  }
0x261: {  	v51 =	vor.u32 v0, v45;
	v35 =	vmul.f32 $8.000000000e+00, v35  }
0x262: {  	v25 =	vor.u32 v0, v46;
	v34 =	vmul.f32 $8.000000000e+00, v34  }
0x263: {  	[tilespmem:v50+s23+$0x0] =	vst.idx.msk $0xffff, v35  }
0x264: {  	v55 =	vor.u32 v54, v10;
	[tilespmem:v53+s23+$0x0] =	vst.idx.msk $0xffff, v34  }
0x265: {  	v62 =	vld [tilespmem:$0x1FE30]  }
0x266: {  	v56 =	vld.idx.msk [tilespmem:v51+s20+$0x0], $0xffff  }
0x267: {  	v25 =	vld.idx.msk [tilespmem:v25+s20+$0x0], $0xffff  }
0x268: {  	v57 =	vor.u32 v52, v47  }
0x269: {  	v58 =	vor.u32 v52, v61;
	v33 =	vld.idx.msk [tilespmem:v55+s20+$0x0], $0xffff  }
0x26a: {  	v7 =	vld [tilespmem:$0x1FE90];
	v0 =	vor.u32 v62, v44  }
0x26b: {  	v35 =	vmul.f32 $8.000000000e+00, v56;
	v41 =	vor.u32 v62, v48  }
0x26c: {  	v25 =	vmul.f32 $8.000000000e+00, v25  }
0x26d: {  	v32 =	vmul.f32 $8.000000000e+00, v32;
	v59 =	vor.u32 v54, v45;
	[tilespmem:v57+s23+$0x0] =	vst.idx.msk $0xffff, v35  }
0x26e: {  	v60 =	vor.u32 v54, v46;
	[tilespmem:v58+s23+$0x0] =	vst.idx.msk $0xffff, v25;
	v33 =	vmul.f32 $8.000000000e+00, v33  }
0x26f: {  	v40 =	vor.u32 v7, v8;
	[tilespmem:v0+s23+$0x0] =	vst.idx.msk $0xffff, v32  }
0x270: {  	v49 =	vor.u32 v7, v10;
	[tilespmem:v41+s23+$0x0] =	vst.idx.msk $0xffff, v33  }
0x271: {  	v54 =	vld [tilespmem:$0x1FC40]  }
0x272: {  	v25 =	vld.idx.msk [tilespmem:v59+s20+$0x0], $0xffff  }
0x273: {  	v34 =	vld.idx.msk [tilespmem:v60+s20+$0x0], $0xffff  }
0x274: {  	v50 =	vor.u32 v62, v47;
	v36 =	vld.idx.msk [tilespmem:v40+s20+$0x0], $0xffff  }
0x275: {  	v51 =	vor.u32 v62, v61;
	v35 =	vld.idx.msk [tilespmem:v49+s20+$0x0], $0xffff  }
0x276: {  	v56 =	vld [tilespmem:$0x1FE70];
	v55 =	vor.u32 v54, v44  }
0x277: {  	v52 =	vor.u32 v7, v45;
	v25 =	vmul.f32 $8.000000000e+00, v25;
	v58 =	vor.u32 v54, v48  }
0x278: {  	v34 =	vmul.f32 $8.000000000e+00, v34  }
0x279: {  	[tilespmem:v50+s23+$0x0] =	vst.idx.msk $0xffff, v25;
	v59 =	vmul.f32 $8.000000000e+00, v36  }
0x27a: {  	v53 =	vor.u32 v7, v46;
	[tilespmem:v51+s23+$0x0] =	vst.idx.msk $0xffff, v34;
	v35 =	vmul.f32 $8.000000000e+00, v35  }
0x27b: {  	v57 =	vor.u32 v56, v8;
	[tilespmem:v55+s23+$0x0] =	vst.idx.msk $0xffff, v59  }
0x27c: {  	v60 =	vld.idx.msk [tilespmem:v52+s20+$0x0], $0xffff;
	v25 =	vor.u32 v56, v10;
	[tilespmem:v58+s23+$0x0] =	vst.idx.msk $0xffff, v35  }
0x27d: {  	v52 =	vld [tilespmem:$0x1FC50];
	_ =	sdelay $0x1  }
0x27e: {  	v33 =	vld.idx.msk [tilespmem:v53+s20+$0x0], $0xffff  }
0x27f: {  	v62 =	vor.u32 v54, v47;
	v7 =	vld.idx.msk [tilespmem:v57+s20+$0x0], $0xffff  }
0x280: {  	v49 =	vor.u32 v54, v61;
	v25 =	vld.idx.msk [tilespmem:v25+s20+$0x0], $0xffff  }
0x281: {  	v50 =	vor.u32 v56, v45;
	v54 =	vld [tilespmem:$0x1FE40];
	v53 =	vor.u32 v52, v44  }
0x282: {  	v51 =	vor.u32 v56, v46;
	v34 =	vmul.f32 $8.000000000e+00, v60;
	v56 =	vor.u32 v52, v48  }
0x283: {  	v33 =	vmul.f32 $8.000000000e+00, v33  }
0x284: {  	[tilespmem:v62+s23+$0x0] =	vst.idx.msk $0xffff, v34;
	v58 =	vmul.f32 $8.000000000e+00, v7  }
0x285: {  	[tilespmem:v49+s23+$0x0] =	vst.idx.msk $0xffff, v33;
	v25 =	vmul.f32 $8.000000000e+00, v25  }
0x286: {  	v55 =	vor.u32 v54, v8;
	[tilespmem:v53+s23+$0x0] =	vst.idx.msk $0xffff, v58  }
0x287: {  	v57 =	vor.u32 v54, v10;
	[tilespmem:v56+s23+$0x0] =	vst.idx.msk $0xffff, v25  }
0x288: {  	v49 =	vld [tilespmem:$0x1FF20]  }
0x289: {  	v59 =	vld.idx.msk [tilespmem:v50+s20+$0x0], $0xffff  }
0x28a: {  	v35 =	vld.idx.msk [tilespmem:v51+s20+$0x0], $0xffff  }
0x28b: {  	v60 =	vor.u32 v52, v47;
	v62 =	vld.idx.msk [tilespmem:v55+s20+$0x0], $0xffff  }
0x28c: {  	v0 =	vor.u32 v52, v61;
	v7 =	vor.u32 v54, v45;
	v32 =	vld.idx.msk [tilespmem:v57+s20+$0x0], $0xffff  }
0x28d: {  	v25 =	vor.u32 v54, v46;
	v11 =	vor.u32 v49, v44  }
0x28e: {  	v33 =	vmul.f32 $8.000000000e+00, v59;
	v53 =	vor.u32 v49, v48  }
0x28f: {  	v35 =	vmul.f32 $8.000000000e+00, v35  }
0x290: {  	v50 =	vld [tilespmem:$0x1FFD0];
	[tilespmem:v60+s23+$0x0] =	vst.idx.msk $0xffff, v33;
	v55 =	vmul.f32 $8.000000000e+00, v62  }
0x291: {  	[tilespmem:v0+s23+$0x0] =	vst.idx.msk $0xffff, v35;
	v56 =	vld.idx.msk [tilespmem:v7+s20+$0x0], $0xffff;
	v32 =	vmul.f32 $8.000000000e+00, v32  }
0x292: {  	v25 =	vld.idx.msk [tilespmem:v25+s20+$0x0], $0xffff;
	[tilespmem:v11+s23+$0x0] =	vst.idx.msk $0xffff, v55  }
0x293: {  	v57 =	vor.u32 v49, v47;
	v39 =	vld [tilespmem:$0x1FE50];
	[tilespmem:v53+s23+$0x0] =	vst.idx.msk $0xffff, v32  }
0x294: {  	v59 =	vor.u32 v49, v61;
	[tilespmem:v22+s23+$0x0] =	vst.idx.msk $0xffff, v31  }
0x295: {  	v21 =	vmul.f32 $8.000000000e+00, v21;
	v51 =	vld [tilespmem:$0x1FFA0]  }
0x296: {  	v52 =	vor.u32 v50, v8;
	v35 =	vmul.f32 $8.000000000e+00, v56  }
0x297: {  	v54 =	vor.u32 v50, v10;
	v25 =	vmul.f32 $8.000000000e+00, v25;
	v11 =	vld [tilespmem:$0x1FEA0];
	[tilespmem:v29+s23+$0x0] =	vst.idx.msk $0xffff, v21  }
0x298: {  	[tilespmem:v57+s23+$0x0] =	vst.idx.msk $0xffff, v35  }
0x299: {  	[tilespmem:v59+s23+$0x0] =	vst.idx.msk $0xffff, v25  }
0x29a: {  	v7 =	vmov v44;
	v0 =	vor.u32 v51, v44;
	v44 =	vld [tilespmem:$0x1FCD0]  }
0x29b: {  	v58 =	vld.idx.msk [tilespmem:v52+s20+$0x0], $0xffff  }
0x29c: {  	v31 =	vld.idx.msk [tilespmem:v54+s20+$0x0], $0xffff;
	_ =	sdelay $0x1  }
0x29d: {  	v29 =	vor.u32 v51, v48  }
0x29e: {  	v20 =	vmul.f32 $8.000000000e+00, v20;
	v25 =	vor.u32 v44, v3  }
0x29f: {  	v37 =	vmul.f32 $8.000000000e+00, v58  }
0x2a0: {  	v60 =	vor.u32 v50, v45;
	[tilespmem:v28+s23+$0x0] =	vst.idx.msk $0xffff, v20;
	v28 =	vmul.f32 $8.000000000e+00, v31  }
0x2a1: {  	v18 =	vmul.f32 $8.000000000e+00, v18;
	v22 =	vor.u32 v50, v46;
	[tilespmem:v0+s23+$0x0] =	vst.idx.msk $0xffff, v37  }
0x2a2: {  	v24 =	vld.idx.msk [tilespmem:v24+s20+$0x0], $0xffff;
	v21 =	vor.u32 v39, v8;
	[tilespmem:v29+s23+$0x0] =	vst.idx.msk $0xffff, v28  }
0x2a3: {  	v9 =	vor.u32 v39, v10;
	v53 =	vld [tilespmem:$0x1FCE0];
	[tilespmem:v25+s23+$0x0] =	vst.idx.msk $0xffff, v18  }
0x2a4: {  	v52 =	vld [tilespmem:$0x1FFE0]  }
0x2a5: {  	v32 =	vld.idx.msk [tilespmem:v60+s20+$0x0], $0xffff;
	v62 =	vor.u32 v11, v5;
	v20 =	vor.u32 v44, v63  }
0x2a6: {  	v22 =	vld.idx.msk [tilespmem:v22+s20+$0x0], $0xffff  }
0x2a7: {  	v40 =	vor.u32 v51, v47;
	v21 =	vld.idx.msk [tilespmem:v21+s20+$0x0], $0xffff  }
0x2a8: {  	v41 =	vor.u32 v51, v61;
	v24 =	vmul.f32 $8.000000000e+00, v24;
	v34 =	vld.idx.msk [tilespmem:v9+s20+$0x0], $0xffff  }
0x2a9: {  	v30 =	vld.idx.msk [tilespmem:v30+s20+$0x0], $0xffff;
	v55 =	vor.u32 v52, v7  }
0x2aa: {  	v31 =	vld.idx.msk [tilespmem:v62+s20+$0x0], $0xffff;
	v25 =	vmul.f32 $8.000000000e+00, v32;
	[tilespmem:v20+s23+$0x0] =	vst.idx.msk $0xffff, v24;
	v24 =	vor.u32 v52, v48  }
0x2ab: {  	v18 =	vor.u32 v44, v2;
	v20 =	vmul.f32 $8.000000000e+00, v22;
	v59 =	vld [tilespmem:$0x1FFB0]  }
0x2ac: {  	v42 =	vor.u32 v39, v45;
	v56 =	vor.u32 v44, v1;
	v21 =	vmul.f32 $8.000000000e+00, v21;
	[tilespmem:v40+s23+$0x0] =	vst.idx.msk $0xffff, v25  }
0x2ad: {  	v34 =	vmul.f32 $8.000000000e+00, v34;
	[tilespmem:v41+s23+$0x0] =	vst.idx.msk $0xffff, v20  }
0x2ae: {  	v29 =	vor.u32 v39, v46;
	v0 =	vld [tilespmem:$0x1FCF0];
	[tilespmem:v55+s23+$0x0] =	vst.idx.msk $0xffff, v21;
	v21 =	vmul.f32 $8.000000000e+00, v30  }
0x2af: {  	v28 =	vor.u32 v53, v6;
	v30 =	vmul.f32 $8.000000000e+00, v31;
	[tilespmem:v24+s23+$0x0] =	vst.idx.msk $0xffff, v34  }
0x2b0: {  	v23 =	vld.idx.msk [tilespmem:v23+s20+$0x0], $0xffff;
	v22 =	vor.u32 v59, v8;
	[tilespmem:v18+s23+$0x0] =	vst.idx.msk $0xffff, v21  }
0x2b1: {  	v20 =	vld.idx.msk [tilespmem:v42+s20+$0x0], $0xffff;
	v25 =	vor.u32 v59, v10;
	[tilespmem:v56+s23+$0x0] =	vst.idx.msk $0xffff, v30  }
0x2b2: {  	v57 =	vor.u32 v53, v4;
	v62 =	vld [tilespmem:$0x1FFF0]  }
0x2b3: {  	v29 =	vld.idx.msk [tilespmem:v29+s20+$0x0], $0xffff;
	v58 =	vor.u32 v0, v3  }
0x2b4: {  	v28 =	vld.idx.msk [tilespmem:v28+s20+$0x0], $0xffff;
	v31 =	vor.u32 v52, v47  }
0x2b5: {  	v38 =	vor.u32 v59, v45;
	v24 =	vor.u32 v52, v61;
	v22 =	vld.idx.msk [tilespmem:v22+s20+$0x0], $0xffff  }
0x2b6: {  	v18 =	vmul.f32 $8.000000000e+00, v23;
	v21 =	vor.u32 v59, v46;
	v23 =	vld.idx.msk [tilespmem:v25+s20+$0x0], $0xffff  }
0x2b7: {  	v20 =	vmul.f32 $8.000000000e+00, v20;
	v25 =	vld.idx.msk [tilespmem:v57+s20+$0x0], $0xffff;
	v30 =	vor.u32 v62, v7  }
0x2b8: {  	v42 =	vor.u32 v0, v63;
	[tilespmem:v58+s23+$0x0] =	vst.idx.msk $0xffff, v18;
	v18 =	vmul.f32 $8.000000000e+00, v29  }
0x2b9: {  	v60 =	vld [tilespmem:$0x1FFC0];
	[tilespmem:v31+s23+$0x0] =	vst.idx.msk $0xffff, v20;
	v31 =	vor.u32 v0, v2  }
0x2ba: {  	[tilespmem:v24+s23+$0x0] =	vst.idx.msk $0xffff, v18;
	v18 =	vld.idx.msk [tilespmem:v38+s20+$0x0], $0xffff;
	v22 =	vmul.f32 $8.000000000e+00, v22;
	v40 =	vor.u32 v62, v48  }
0x2bb: {  	v28 =	vmul.f32 $8.000000000e+00, v28;
	v21 =	vld.idx.msk [tilespmem:v21+s20+$0x0], $0xffff  }
0x2bc: {  	v54 =	vld [tilespmem:$0x1FD00];
	v25 =	vmul.f32 $8.000000000e+00, v25;
	[tilespmem:v30+s23+$0x0] =	vst.idx.msk $0xffff, v22;
	v22 =	vor.u32 v62, v47  }
0x2bd: {  	v9 =	vor.u32 v53, v5;
	v23 =	vmul.f32 $8.000000000e+00, v23;
	[tilespmem:v42+s23+$0x0] =	vst.idx.msk $0xffff, v28;
	v30 =	vor.u32 v62, v61  }
0x2be: {  	[tilespmem:v31+s23+$0x0] =	vst.idx.msk $0xffff, v25  }
0x2bf: {  	v29 =	vor.u32 v60, v8;
	v18 =	vmul.f32 $8.000000000e+00, v18;
	[tilespmem:v40+s23+$0x0] =	vst.idx.msk $0xffff, v23  }
0x2c0: {  	v20 =	vor.u32 v60, v10;
	v21 =	vmul.f32 $8.000000000e+00, v21;
	v58 =	vld [tilespmem:$0x1FC60]  }
0x2c1: {  	v37 =	vld [tilespmem:$0x1FC70];
	[tilespmem:v22+s23+$0x0] =	vst.idx.msk $0xffff, v18  }
0x2c2: {  	v41 =	vld.idx.msk [tilespmem:v9+s20+$0x0], $0xffff;
	[tilespmem:v30+s23+$0x0] =	vst.idx.msk $0xffff, v21  }
0x2c3: {  	v24 =	vor.u32 v54, v6;
	v42 =	vld [tilespmem:$0x1FD10]  }
0x2c4: {  	v36 =	vor.u32 v60, v45;
	v29 =	vld.idx.msk [tilespmem:v29+s20+$0x0], $0xffff  }
0x2c5: {  	v28 =	vor.u32 v60, v46;
	v23 =	vor.u32 v0, v1;
	v20 =	vld.idx.msk [tilespmem:v20+s20+$0x0], $0xffff  }
0x2c6: {  	v27 =	vld.idx.msk [tilespmem:v27+s20+$0x0], $0xffff;
	v25 =	vor.u32 v58, v7  }
0x2c7: {  	v31 =	vor.u32 v37, v8;
	v55 =	vor.u32 v58, v48  }
0x2c8: {  	v56 =	vor.u32 v54, v4;
	v24 =	vld.idx.msk [tilespmem:v24+s20+$0x0], $0xffff;
	v18 =	vmul.f32 $8.000000000e+00, v41;
	v21 =	vor.u32 v42, v3  }
0x2c9: {  	v30 =	vld.idx.msk [tilespmem:v36+s20+$0x0], $0xffff;
	v29 =	vmul.f32 $8.000000000e+00, v29  }
0x2ca: {  	[tilespmem:v23+s23+$0x0] =	vst.idx.msk $0xffff, v18;
	v23 =	vld.idx.msk [tilespmem:v28+s20+$0x0], $0xffff;
	v20 =	vmul.f32 $8.000000000e+00, v20;
	v18 =	vor.u32 v42, v63  }
0x2cb: {  	v27 =	vmul.f32 $8.000000000e+00, v27;
	[tilespmem:v25+s23+$0x0] =	vst.idx.msk $0xffff, v29;
	v25 =	vor.u32 v58, v47  }
0x2cc: {  	v57 =	vor.u32 v54, v5;
	[tilespmem:v55+s23+$0x0] =	vst.idx.msk $0xffff, v20;
	v29 =	vld.idx.msk [tilespmem:v31+s20+$0x0], $0xffff;
	v31 =	vor.u32 v58, v61  }
0x2cd: {  	v22 =	vld.idx.msk [tilespmem:v56+s20+$0x0], $0xffff;
	v24 =	vmul.f32 $8.000000000e+00, v24;
	[tilespmem:v21+s23+$0x0] =	vst.idx.msk $0xffff, v27  }
0x2ce: {  	v27 =	vmul.f32 $8.000000000e+00, v30;
	v55 =	vld [tilespmem:$0x1FD20]  }
0x2cf: {  	v56 =	vor.u32 v37, v10;
	v38 =	vld [tilespmem:$0x1FC80];
	[tilespmem:v18+s23+$0x0] =	vst.idx.msk $0xffff, v24;
	v18 =	vmul.f32 $8.000000000e+00, v23  }
0x2d0: {  	v40 =	vld [tilespmem:$0x1FC90];
	[tilespmem:v25+s23+$0x0] =	vst.idx.msk $0xffff, v27  }
0x2d1: {  	v28 =	vld.idx.msk [tilespmem:v57+s20+$0x0], $0xffff;
	[tilespmem:v31+s23+$0x0] =	vst.idx.msk $0xffff, v18  }
0x2d2: {  	v9 =	vld [tilespmem:$0x1FD30]  }
0x2d3: {  	v20 =	vor.u32 v42, v2  }
0x2d4: {  	v57 =	vor.u32 v37, v45;
	v36 =	vor.u32 v42, v1;
	v32 =	vld.idx.msk [tilespmem:v56+s20+$0x0], $0xffff  }
0x2d5: {  	v26 =	vld.idx.msk [tilespmem:v26+s20+$0x0], $0xffff;
	v30 =	vor.u32 v38, v7  }
0x2d6: {  	v22 =	vmul.f32 $8.000000000e+00, v22;
	v58 =	vor.u32 v37, v46;
	v24 =	vor.u32 v38, v48  }
0x2d7: {  	v28 =	vmul.f32 $8.000000000e+00, v28;
	v31 =	vor.u32 v9, v3  }
0x2d8: {  	v29 =	vmul.f32 $8.000000000e+00, v29;
	[tilespmem:v20+s23+$0x0] =	vst.idx.msk $0xffff, v22  }
0x2d9: {  	v32 =	vmul.f32 $8.000000000e+00, v32;
	v18 =	vld.idx.msk [tilespmem:v57+s20+$0x0], $0xffff;
	[tilespmem:v36+s23+$0x0] =	vst.idx.msk $0xffff, v28;
	v21 =	vor.u32 v55, v6  }
0x2da: {  	v20 =	vmul.f32 $8.000000000e+00, v26;
	v23 =	vor.u32 v40, v8;
	[tilespmem:v30+s23+$0x0] =	vst.idx.msk $0xffff, v29  }
0x2db: {  	v34 =	vld.idx.msk [tilespmem:v58+s20+$0x0], $0xffff;
	v25 =	vor.u32 v40, v10;
	v29 =	vor.u32 v38, v47;
	[tilespmem:v24+s23+$0x0] =	vst.idx.msk $0xffff, v32  }
0x2dc: {  	v27 =	vor.u32 v55, v4;
	v56 =	vld [tilespmem:$0x1FCA0];
	[tilespmem:v31+s23+$0x0] =	vst.idx.msk $0xffff, v20  }
0x2dd: {  	v36 =	vld [tilespmem:$0x1FCB0]  }
0x2de: {  	v18 =	vmul.f32 $8.000000000e+00, v18;
	v21 =	vld.idx.msk [tilespmem:v21+s20+$0x0], $0xffff;
	v24 =	vor.u32 v38, v61;
	v30 =	vor.u32 v40, v45  }
0x2df: {  	v23 =	vld.idx.msk [tilespmem:v23+s20+$0x0], $0xffff  }
0x2e0: {  	v22 =	vor.u32 v40, v46;
	v25 =	vld.idx.msk [tilespmem:v25+s20+$0x0], $0xffff;
	[tilespmem:v29+s23+$0x0] =	vst.idx.msk $0xffff, v18;
	v29 =	vor.u32 v9, v63  }
0x2e1: {  	v41 =	vor.u32 v55, v5;
	v26 =	vld.idx.msk [tilespmem:v27+s20+$0x0], $0xffff;
	v20 =	vmul.f32 $8.000000000e+00, v34;
	v27 =	vor.u32 v56, v7  }
0x2e2: {  	v31 =	vor.u32 v56, v48;
	v28 =	vor.u32 v36, v8  }
0x2e3: {  	[tilespmem:v24+s23+$0x0] =	vst.idx.msk $0xffff, v20;
	v21 =	vmul.f32 $8.000000000e+00, v21;
	v20 =	vld.idx.msk [tilespmem:v30+s20+$0x0], $0xffff  }
0x2e4: {  	v23 =	vmul.f32 $8.000000000e+00, v23;
	v57 =	vld [tilespmem:$0x1FD40]  }
0x2e5: {  	v24 =	vor.u32 v9, v2;
	v22 =	vld.idx.msk [tilespmem:v22+s20+$0x0], $0xffff;
	v25 =	vmul.f32 $8.000000000e+00, v25;
	[tilespmem:v29+s23+$0x0] =	vst.idx.msk $0xffff, v21  }
0x2e6: {  	v32 =	vld.idx.msk [tilespmem:v41+s20+$0x0], $0xffff;
	[tilespmem:v27+s23+$0x0] =	vst.idx.msk $0xffff, v23;
	v23 =	vor.u32 v56, v47  }
0x2e7: {  	v18 =	vor.u32 v36, v10;
	[tilespmem:v31+s23+$0x0] =	vst.idx.msk $0xffff, v25;
	v27 =	vld.idx.msk [tilespmem:v28+s20+$0x0], $0xffff;
	v28 =	vor.u32 v56, v61  }
0x2e8: {  	v26 =	vmul.f32 $8.000000000e+00, v26;
	v41 =	vld [tilespmem:$0x1FCC0]  }
0x2e9: {  	v30 =	vor.u32 v57, v6;
	v20 =	vmul.f32 $8.000000000e+00, v20  }
0x2ea: {  	v58 =	vor.u32 v36, v45;
	v22 =	vmul.f32 $8.000000000e+00, v22;
	[tilespmem:v24+s23+$0x0] =	vst.idx.msk $0xffff, v26  }
0x2eb: {  	v19 =	vld.idx.msk [tilespmem:v19+s20+$0x0], $0xffff;
	[tilespmem:v23+s23+$0x0] =	vst.idx.msk $0xffff, v20  }
0x2ec: {  	v25 =	vor.u32 v9, v1;
	v31 =	vor.u32 v36, v46;
	v18 =	vld.idx.msk [tilespmem:v18+s20+$0x0], $0xffff;
	[tilespmem:v28+s23+$0x0] =	vst.idx.msk $0xffff, v22  }
0x2ed: {  	v29 =	vor.u32 v41, v7;
	v34 =	vld [tilespmem:$0x1FEB0]  }
0x2ee: {  	v24 =	vor.u32 v11, v8;
	v23 =	vld.idx.msk [tilespmem:v30+s20+$0x0], $0xffff;
	v26 =	vor.u32 v41, v48  }
0x2ef: {  	v20 =	vmul.f32 $8.000000000e+00, v32;
	v30 =	vor.u32 v11, v10;
	v28 =	vld.idx.msk [tilespmem:v58+s20+$0x0], $0xffff  }
0x2f0: {  	v27 =	vmul.f32 $8.000000000e+00, v27  }
0x2f1: {  	v18 =	vmul.f32 $8.000000000e+00, v18;
	[tilespmem:v25+s23+$0x0] =	vst.idx.msk $0xffff, v20;
	v20 =	vld.idx.msk [tilespmem:v31+s20+$0x0], $0xffff;
	v25 =	vor.u32 v41, v47  }
0x2f2: {  	[tilespmem:v29+s23+$0x0] =	vst.idx.msk $0xffff, v27;
	v58 =	vor.u32 v34, v3  }
0x2f3: {  	v21 =	vor.u32 v57, v4;
	v27 =	vor.u32 v41, v61;
	[tilespmem:v26+s23+$0x0] =	vst.idx.msk $0xffff, v18;
	v24 =	vld.idx.msk [tilespmem:v24+s20+$0x0], $0xffff  }
0x2f4: {  	v18 =	vmul.f32 $8.000000000e+00, v19;
	v30 =	vld.idx.msk [tilespmem:v30+s20+$0x0], $0xffff;
	v28 =	vmul.f32 $8.000000000e+00, v28;
	v19 =	vor.u32 v34, v63  }
0x2f5: {  	v22 =	vor.u32 v57, v5;
	v31 =	vor.u32 v44, v7;
	v29 =	vor.u32 v11, v45  }
0x2f6: {  	v26 =	vor.u32 v11, v46;
	v11 =	vor.u32 v44, v48;
	v20 =	vmul.f32 $8.000000000e+00, v20;
	[tilespmem:v25+s23+$0x0] =	vst.idx.msk $0xffff, v28  }
0x2f7: {  	v23 =	vmul.f32 $8.000000000e+00, v23;
	[tilespmem:v58+s23+$0x0] =	vst.idx.msk $0xffff, v18  }
0x2f8: {  	v24 =	vmul.f32 $8.000000000e+00, v24;
	v35 =	vld [tilespmem:$0x1FF70];
	[tilespmem:v27+s23+$0x0] =	vst.idx.msk $0xffff, v20  }
0x2f9: {  	v21 =	vld.idx.msk [tilespmem:v21+s20+$0x0], $0xffff;
	[tilespmem:v19+s23+$0x0] =	vst.idx.msk $0xffff, v23;
	v23 =	vmul.f32 $8.000000000e+00, v30  }
0x2fa: {  	v22 =	vld.idx.msk [tilespmem:v22+s20+$0x0], $0xffff;
	[tilespmem:v31+s23+$0x0] =	vst.idx.msk $0xffff, v24  }
0x2fb: {  	v20 =	vld.idx.msk [tilespmem:v29+s20+$0x0], $0xffff;
	[tilespmem:v11+s23+$0x0] =	vst.idx.msk $0xffff, v23  }
0x2fc: {  	v18 =	vor.u32 v34, v2;
	v11 =	vld [tilespmem:$0x1FEE0]  }
0x2fd: {  	v28 =	vor.u32 v53, v8;
	v29 =	vor.u32 v34, v1;
	v19 =	vld.idx.msk [tilespmem:v26+s20+$0x0], $0xffff  }
0x2fe: {  	v27 =	vor.u32 v53, v10;
	v24 =	vor.u32 v44, v47  }
0x2ff: {  	v21 =	vmul.f32 $8.000000000e+00, v21;
	v17 =	vld.idx.msk [tilespmem:v17+s20+$0x0], $0xffff;
	v30 =	vor.u32 v44, v61;
	v31 =	vor.u32 v53, v45  }
0x300: {  	v22 =	vmul.f32 $8.000000000e+00, v22;
	v25 =	vor.u32 v35, v6  }
0x301: {  	v44 =	vor.u32 v53, v46;
	[tilespmem:v18+s23+$0x0] =	vst.idx.msk $0xffff, v21;
	v20 =	vmul.f32 $8.000000000e+00, v20;
	v23 =	vor.u32 v11, v3  }
0x302: {  	v28 =	vld.idx.msk [tilespmem:v28+s20+$0x0], $0xffff;
	[tilespmem:v29+s23+$0x0] =	vst.idx.msk $0xffff, v22;
	v19 =	vmul.f32 $8.000000000e+00, v19  }
0x303: {  	v26 =	vor.u32 v35, v4;
	v18 =	vor.u32 v35, v5;
	v21 =	vld.idx.msk [tilespmem:v27+s20+$0x0], $0xffff;
	[tilespmem:v24+s23+$0x0] =	vst.idx.msk $0xffff, v20  }
0x304: {  	v22 =	vor.u32 v0, v7;
	v17 =	vmul.f32 $8.000000000e+00, v17;
	[tilespmem:v30+s23+$0x0] =	vst.idx.msk $0xffff, v19;
	v19 =	vld.idx.msk [tilespmem:v31+s20+$0x0], $0xffff  }
0x305: {  	v27 =	vor.u32 v54, v8;
	v20 =	vor.u32 v0, v48;
	v25 =	vld.idx.msk [tilespmem:v25+s20+$0x0], $0xffff  }
0x306: {  	v31 =	vld.idx.msk [tilespmem:v44+s20+$0x0], $0xffff;
	[tilespmem:v23+s23+$0x0] =	vst.idx.msk $0xffff, v17  }
0x307: {  	v28 =	vmul.f32 $8.000000000e+00, v28;
	v24 =	vor.u32 v54, v10;
	v29 =	vor.u32 v11, v63;
	v44 =	vld [tilespmem:$0x1FF60]  }
0x308: {  	v26 =	vld.idx.msk [tilespmem:v26+s20+$0x0], $0xffff;
	v21 =	vmul.f32 $8.000000000e+00, v21;
	v23 =	vor.u32 v0, v47  }
0x309: {  	v30 =	vor.u32 v11, v2;
	v18 =	vld.idx.msk [tilespmem:v18+s20+$0x0], $0xffff;
	[tilespmem:v22+s23+$0x0] =	vst.idx.msk $0xffff, v28;
	v22 =	vor.u32 v0, v61  }
0x30a: {  	v28 =	vor.u32 v54, v45;
	[tilespmem:v20+s23+$0x0] =	vst.idx.msk $0xffff, v21;
	v25 =	vmul.f32 $8.000000000e+00, v25;
	v27 =	vld.idx.msk [tilespmem:v27+s20+$0x0], $0xffff  }
0x30b: {  	v19 =	vmul.f32 $8.000000000e+00, v19;
	v54 =	vor.u32 v54, v46;
	v33 =	vld [tilespmem:$0x1FED0]  }
0x30c: {  	v24 =	vld.idx.msk [tilespmem:v24+s20+$0x0], $0xffff;
	[tilespmem:v29+s23+$0x0] =	vst.idx.msk $0xffff, v25;
	v29 =	vmul.f32 $8.000000000e+00, v31;
	v53 =	vor.u32 v44, v6  }
0x30d: {  	v25 =	vmul.f32 $8.000000000e+00, v26;
	v26 =	vor.u32 v42, v7;
	[tilespmem:v23+s23+$0x0] =	vst.idx.msk $0xffff, v19;
	v21 =	vor.u32 v44, v4  }
0x30e: {  	v16 =	vld.idx.msk [tilespmem:v16+s20+$0x0], $0xffff;
	v19 =	vor.u32 v55, v8;
	v23 =	vor.u32 v42, v48;
	[tilespmem:v22+s23+$0x0] =	vst.idx.msk $0xffff, v29  }
0x30f: {  	v22 =	vor.u32 v11, v1;
	v28 =	vld.idx.msk [tilespmem:v28+s20+$0x0], $0xffff;
	v29 =	vor.u32 v55, v10;
	[tilespmem:v30+s23+$0x0] =	vst.idx.msk $0xffff, v25  }
0x310: {  	v25 =	vor.u32 v44, v5;
	v20 =	vor.u32 v33, v3;
	v27 =	vmul.f32 $8.000000000e+00, v27;
	v30 =	vld.idx.msk [tilespmem:v54+s20+$0x0], $0xffff  }
0x311: {  	v31 =	vor.u32 v42, v47;
	v24 =	vmul.f32 $8.000000000e+00, v24;
	v17 =	vld.idx.msk [tilespmem:v53+s20+$0x0], $0xffff  }
0x312: {  	v18 =	vmul.f32 $8.000000000e+00, v18;
	[tilespmem:v26+s23+$0x0] =	vst.idx.msk $0xffff, v27;
	v26 =	vor.u32 v42, v61;
	v21 =	vld.idx.msk [tilespmem:v21+s20+$0x0], $0xffff  }
0x313: {  	v16 =	vmul.f32 $8.000000000e+00, v16;
	[tilespmem:v23+s23+$0x0] =	vst.idx.msk $0xffff, v24;
	v23 =	vor.u32 v33, v63;
	v19 =	vld.idx.msk [tilespmem:v19+s20+$0x0], $0xffff  }
0x314: {  	[tilespmem:v22+s23+$0x0] =	vst.idx.msk $0xffff, v18;
	v18 =	vor.u32 v33, v2;
	v22 =	vmul.f32 $8.000000000e+00, v28;
	v28 =	vld.idx.msk [tilespmem:v29+s20+$0x0], $0xffff  }
0x315: {  	[tilespmem:v20+s23+$0x0] =	vst.idx.msk $0xffff, v16;
	v58 =	vld.idx.msk [tilespmem:v25+s20+$0x0], $0xffff;
	v20 =	vor.u32 v9, v7;
	v25 =	vmul.f32 $8.000000000e+00, v30  }
0x316: {  	v29 =	vor.u32 v9, v48;
	[tilespmem:v31+s23+$0x0] =	vst.idx.msk $0xffff, v22;
	v17 =	vmul.f32 $8.000000000e+00, v17  }
0x317: {  	[tilespmem:v26+s23+$0x0] =	vst.idx.msk $0xffff, v25;
	v21 =	vmul.f32 $8.000000000e+00, v21  }
0x318: {  	v27 =	vor.u32 v55, v45;
	v19 =	vmul.f32 $8.000000000e+00, v19;
	[tilespmem:v23+s23+$0x0] =	vst.idx.msk $0xffff, v17  }
0x319: {  	v24 =	vor.u32 v55, v46;
	v30 =	vld [tilespmem:$0x1FF80];
	[tilespmem:v18+s23+$0x0] =	vst.idx.msk $0xffff, v21;
	v21 =	vmul.f32 $8.000000000e+00, v28  }
0x31a: {  	[tilespmem:v20+s23+$0x0] =	vst.idx.msk $0xffff, v19  }
0x31b: {  	v22 =	vor.u32 v57, v8;
	[tilespmem:v29+s23+$0x0] =	vst.idx.msk $0xffff, v21  }
0x31c: {  	v18 =	vor.u32 v9, v47;
	v19 =	vor.u32 v9, v61;
	v9 =	vld [tilespmem:$0x1FEC0]  }
0x31d: {  	v25 =	vld.idx.msk [tilespmem:v27+s20+$0x0], $0xffff;
	v26 =	vor.u32 v57, v10  }
0x31e: {  	v23 =	vld.idx.msk [tilespmem:v24+s20+$0x0], $0xffff;
	v24 =	vor.u32 v30, v6  }
0x31f: {  	v15 =	vld.idx.msk [tilespmem:v15+s20+$0x0], $0xffff;
	v27 =	vor.u32 v30, v4  }
0x320: {  	v20 =	vld.idx.msk [tilespmem:v22+s20+$0x0], $0xffff;
	v22 =	vor.u32 v57, v45  }
0x321: {  	v28 =	vor.u32 v57, v46;
	v21 =	vor.u32 v9, v3  }
0x322: {  	v0 =	vor.u32 v33, v1;
	v25 =	vmul.f32 $8.000000000e+00, v25;
	v26 =	vld.idx.msk [tilespmem:v26+s20+$0x0], $0xffff  }
0x323: {  	v42 =	vor.u32 v34, v7;
	v23 =	vmul.f32 $8.000000000e+00, v23;
	v24 =	vld.idx.msk [tilespmem:v24+s20+$0x0], $0xffff  }
0x324: {  	v15 =	vmul.f32 $8.000000000e+00, v15;
	[tilespmem:v18+s23+$0x0] =	vst.idx.msk $0xffff, v25;
	v18 =	vor.u32 v34, v48;
	v25 =	vld.idx.msk [tilespmem:v27+s20+$0x0], $0xffff  }
0x325: {  	v16 =	vmul.f32 $8.000000000e+00, v58;
	[tilespmem:v19+s23+$0x0] =	vst.idx.msk $0xffff, v23;
	v22 =	vld.idx.msk [tilespmem:v22+s20+$0x0], $0xffff;
	v19 =	vor.u32 v9, v63  }
0x326: {  	v20 =	vmul.f32 $8.000000000e+00, v20;
	v53 =	vor.u32 v9, v2;
	[tilespmem:v21+s23+$0x0] =	vst.idx.msk $0xffff, v15;
	v21 =	vld.idx.msk [tilespmem:v28+s20+$0x0], $0xffff  }
0x327: {  	v54 =	vor.u32 v34, v47;
	[tilespmem:v0+s23+$0x0] =	vst.idx.msk $0xffff, v16;
	v32 =	vor.u32 v30, v5;
	v26 =	vmul.f32 $8.000000000e+00, v26  }
0x328: {  	[tilespmem:v42+s23+$0x0] =	vst.idx.msk $0xffff, v20;
	v27 =	vor.u32 v35, v8;
	v20 =	vmul.f32 $8.000000000e+00, v24;
	v24 =	vor.u32 v34, v61  }
0x329: {  	[tilespmem:v18+s23+$0x0] =	vst.idx.msk $0xffff, v26;
	v25 =	vmul.f32 $8.000000000e+00, v25  }
0x32a: {  	v23 =	vor.u32 v35, v10;
	v0 =	vld [tilespmem:$0x1FF90];
	[tilespmem:v19+s23+$0x0] =	vst.idx.msk $0xffff, v20;
	v20 =	vmul.f32 $8.000000000e+00, v22  }
0x32b: {  	[tilespmem:v53+s23+$0x0] =	vst.idx.msk $0xffff, v25;
	v21 =	vmul.f32 $8.000000000e+00, v21  }
0x32c: {  	v16 =	vld.idx.msk [tilespmem:v32+s20+$0x0], $0xffff;
	[tilespmem:v54+s23+$0x0] =	vst.idx.msk $0xffff, v20  }
0x32d: {  	v28 =	vor.u32 v35, v45;
	v27 =	vld.idx.msk [tilespmem:v27+s20+$0x0], $0xffff;
	[tilespmem:v24+s23+$0x0] =	vst.idx.msk $0xffff, v21  }
0x32e: {  	v31 =	vld [tilespmem:$0x1FF00]  }
0x32f: {  	v26 =	vor.u32 v9, v1;
	v19 =	vor.u32 v35, v46;
	v22 =	vld.idx.msk [tilespmem:v23+s20+$0x0], $0xffff  }
0x330: {  	v55 =	vor.u32 v11, v7;
	v18 =	vor.u32 v0, v6  }
0x331: {  	v57 =	vor.u32 v11, v48;
	v14 =	vld.idx.msk [tilespmem:v14+s20+$0x0], $0xffff;
	v25 =	vor.u32 v44, v8  }
0x332: {  	v16 =	vmul.f32 $8.000000000e+00, v16;
	v20 =	vld.idx.msk [tilespmem:v28+s20+$0x0], $0xffff;
	v21 =	vor.u32 v44, v10  }
0x333: {  	v27 =	vmul.f32 $8.000000000e+00, v27;
	v24 =	vor.u32 v31, v3  }
0x334: {  	[tilespmem:v26+s23+$0x0] =	vst.idx.msk $0xffff, v16;
	v58 =	vld.idx.msk [tilespmem:v19+s20+$0x0], $0xffff;
	v19 =	vor.u32 v11, v47;
	v22 =	vmul.f32 $8.000000000e+00, v22  }
0x335: {  	v23 =	vor.u32 v0, v4;
	[tilespmem:v55+s23+$0x0] =	vst.idx.msk $0xffff, v27;
	v18 =	vld.idx.msk [tilespmem:v18+s20+$0x0], $0xffff  }
0x336: {  	v14 =	vmul.f32 $8.000000000e+00, v14;
	v26 =	vor.u32 v11, v61;
	v25 =	vld.idx.msk [tilespmem:v25+s20+$0x0], $0xffff;
	[tilespmem:v57+s23+$0x0] =	vst.idx.msk $0xffff, v22  }
0x337: {  	v28 =	vor.u32 v0, v5;
	v20 =	vmul.f32 $8.000000000e+00, v20;
	v21 =	vld.idx.msk [tilespmem:v21+s20+$0x0], $0xffff;
	v34 =	vor.u32 v31, v63  }
0x338: {  	v32 =	vor.u32 v44, v45;
	v35 =	vor.u32 v33, v7;
	[tilespmem:v24+s23+$0x0] =	vst.idx.msk $0xffff, v14  }
0x339: {  	v22 =	vor.u32 v44, v46;
	v16 =	vmul.f32 $8.000000000e+00, v58;
	v11 =	vld [tilespmem:$0x1FF10];
	[tilespmem:v19+s23+$0x0] =	vst.idx.msk $0xffff, v20;
	v19 =	vor.u32 v33, v48  }
0x33a: {  	v18 =	vmul.f32 $8.000000000e+00, v18  }
0x33b: {  	v23 =	vld.idx.msk [tilespmem:v23+s20+$0x0], $0xffff;
	v25 =	vmul.f32 $8.000000000e+00, v25;
	[tilespmem:v26+s23+$0x0] =	vst.idx.msk $0xffff, v16  }
0x33c: {  	v27 =	vld.idx.msk [tilespmem:v28+s20+$0x0], $0xffff;
	v21 =	vmul.f32 $8.000000000e+00, v21;
	[tilespmem:v34+s23+$0x0] =	vst.idx.msk $0xffff, v18  }
0x33d: {  	v28 =	vor.u32 v30, v8;
	[tilespmem:v35+s23+$0x0] =	vst.idx.msk $0xffff, v25;
	v15 =	vld.idx.msk [tilespmem:v32+s20+$0x0], $0xffff  }
0x33e: {  	v53 =	vld.idx.msk [tilespmem:v22+s20+$0x0], $0xffff;
	[tilespmem:v19+s23+$0x0] =	vst.idx.msk $0xffff, v21  }
0x33f: {  	v26 =	vor.u32 v30, v10;
	v18 =	vor.u32 v33, v47;
	v29 =	vld [tilespmem:$0x1FD50]  }
0x340: {  	v54 =	vor.u32 v30, v45;
	v20 =	vor.u32 v31, v2  }
0x341: {  	v13 =	vld.idx.msk [tilespmem:v13+s20+$0x0], $0xffff;
	v25 =	vor.u32 v33, v61;
	v24 =	vor.u32 v11, v6  }
0x342: {  	v22 =	vor.u32 v31, v1;
	v21 =	vld.idx.msk [tilespmem:v28+s20+$0x0], $0xffff;
	v28 =	vor.u32 v30, v46;
	v15 =	vmul.f32 $8.000000000e+00, v15  }
0x343: {  	v23 =	vmul.f32 $8.000000000e+00, v23;
	v42 =	vor.u32 v11, v4  }
0x344: {  	v26 =	vld.idx.msk [tilespmem:v26+s20+$0x0], $0xffff;
	v17 =	vmul.f32 $8.000000000e+00, v53;
	[tilespmem:v18+s23+$0x0] =	vst.idx.msk $0xffff, v15;
	v19 =	vor.u32 v29, v3  }
0x345: {  	[tilespmem:v20+s23+$0x0] =	vst.idx.msk $0xffff, v23;
	v23 =	vmul.f32 $8.000000000e+00, v27;
	v27 =	vor.u32 v9, v7;
	v14 =	vld.idx.msk [tilespmem:v54+s20+$0x0], $0xffff  }
0x346: {  	v55 =	vor.u32 v9, v48;
	[tilespmem:v25+s23+$0x0] =	vst.idx.msk $0xffff, v17;
	v24 =	vld.idx.msk [tilespmem:v24+s20+$0x0], $0xffff  }
0x347: {  	v13 =	vmul.f32 $8.000000000e+00, v13;
	[tilespmem:v22+s23+$0x0] =	vst.idx.msk $0xffff, v23;
	v23 =	vor.u32 v9, v47;
	v57 =	vmul.f32 $8.000000000e+00, v21;
	v21 =	vld.idx.msk [tilespmem:v28+s20+$0x0], $0xffff  }
0x348: {  	v16 =	vld.idx.msk [tilespmem:v42+s20+$0x0], $0xffff;
	v18 =	vor.u32 v29, v63  }
0x349: {  	v33 =	vor.u32 v9, v61;
	v20 =	vor.u32 v11, v5;
	v26 =	vmul.f32 $8.000000000e+00, v26;
	[tilespmem:v19+s23+$0x0] =	vst.idx.msk $0xffff, v13  }
0x34a: {  	v22 =	vor.u32 v0, v8;
	v58 =	vor.u32 v29, v2;
	v14 =	vmul.f32 $8.000000000e+00, v14;
	v34 =	vld [tilespmem:$0x1FF40];
	[tilespmem:v27+s23+$0x0] =	vst.idx.msk $0xffff, v57  }
0x34b: {  	v24 =	vmul.f32 $8.000000000e+00, v24;
	[tilespmem:v55+s23+$0x0] =	vst.idx.msk $0xffff, v26  }
0x34c: {  	v25 =	vor.u32 v0, v10;
	v21 =	vmul.f32 $8.000000000e+00, v21;
	[tilespmem:v23+s23+$0x0] =	vst.idx.msk $0xffff, v14  }
0x34d: {  	v16 =	vmul.f32 $8.000000000e+00, v16;
	v19 =	vor.u32 v0, v45;
	[tilespmem:v18+s23+$0x0] =	vst.idx.msk $0xffff, v24  }
0x34e: {  	v20 =	vld.idx.msk [tilespmem:v20+s20+$0x0], $0xffff;
	[tilespmem:v33+s23+$0x0] =	vst.idx.msk $0xffff, v21  }
0x34f: {  	v27 =	vor.u32 v0, v46;
	[tilespmem:v58+s23+$0x0] =	vst.idx.msk $0xffff, v16;
	v22 =	vld.idx.msk [tilespmem:v22+s20+$0x0], $0xffff  }
0x350: {  	v9 =	vld [tilespmem:$0x1FD60];
	v28 =	vor.u32 v34, v6  }
0x351: {  	v18 =	vor.u32 v31, v7;
	v23 =	vld.idx.msk [tilespmem:v25+s20+$0x0], $0xffff  }
0x352: {  	v35 =	vor.u32 v29, v1;
	v24 =	vor.u32 v11, v8;
	v19 =	vld.idx.msk [tilespmem:v19+s20+$0x0], $0xffff  }
0x353: {  	v53 =	vor.u32 v31, v48;
	v12 =	vld.idx.msk [tilespmem:v12+s20+$0x0], $0xffff;
	v26 =	vor.u32 v34, v4  }
0x354: {  	v55 =	vor.u32 v31, v47;
	v21 =	vor.u32 v11, v10;
	v54 =	vld.idx.msk [tilespmem:v27+s20+$0x0], $0xffff;
	v22 =	vmul.f32 $8.000000000e+00, v22  }
0x355: {  	v20 =	vmul.f32 $8.000000000e+00, v20;
	v25 =	vor.u32 v9, v3;
	v27 =	vld.idx.msk [tilespmem:v28+s20+$0x0], $0xffff;
	v28 =	vor.u32 v11, v45  }
0x356: {  	v23 =	vmul.f32 $8.000000000e+00, v23;
	[tilespmem:v18+s23+$0x0] =	vst.idx.msk $0xffff, v22  }
0x357: {  	[tilespmem:v35+s23+$0x0] =	vst.idx.msk $0xffff, v20;
	v19 =	vmul.f32 $8.000000000e+00, v19;
	v22 =	vld.idx.msk [tilespmem:v24+s20+$0x0], $0xffff  }
0x358: {  	v20 =	vor.u32 v31, v61;
	v12 =	vmul.f32 $8.000000000e+00, v12;
	[tilespmem:v53+s23+$0x0] =	vst.idx.msk $0xffff, v23;
	v57 =	vld.idx.msk [tilespmem:v26+s20+$0x0], $0xffff  }
0x359: {  	v42 =	vor.u32 v34, v5;
	v58 =	vor.u32 v9, v63;
	[tilespmem:v55+s23+$0x0] =	vst.idx.msk $0xffff, v19;
	v19 =	vld.idx.msk [tilespmem:v21+s20+$0x0], $0xffff  }
0x35a: {  	v0 =	vor.u32 v9, v2;
	[tilespmem:v25+s23+$0x0] =	vst.idx.msk $0xffff, v12;
	v21 =	vld.idx.msk [tilespmem:v28+s20+$0x0], $0xffff  }
0x35b: {  	v32 =	vor.u32 v29, v7;
	v13 =	vmul.f32 $8.000000000e+00, v54;
	v28 =	vld [tilespmem:$0x1FF50]  }
0x35c: {  	v33 =	vor.u32 v29, v48;
	v18 =	vor.u32 v11, v46;
	v24 =	vmul.f32 $8.000000000e+00, v27  }
0x35d: {  	[tilespmem:v20+s23+$0x0] =	vst.idx.msk $0xffff, v13;
	v15 =	vmul.f32 $8.000000000e+00, v57  }
0x35e: {  	v14 =	vld.idx.msk [tilespmem:v42+s20+$0x0], $0xffff;
	v42 =	vmul.f32 $8.000000000e+00, v22;
	v22 =	vor.u32 v34, v10;
	[tilespmem:v58+s23+$0x0] =	vst.idx.msk $0xffff, v24  }
0x35f: {  	v20 =	vor.u32 v34, v8;
	v19 =	vmul.f32 $8.000000000e+00, v19;
	v35 =	vld [tilespmem:$0x1FC00];
	[tilespmem:v0+s23+$0x0] =	vst.idx.msk $0xffff, v15  }
0x360: {  	[tilespmem:v32+s23+$0x0] =	vst.idx.msk $0xffff, v42;
	v23 =	vor.u32 v28, v6  }
0x361: {  	v18 =	vld.idx.msk [tilespmem:v18+s20+$0x0], $0xffff;
	[tilespmem:v33+s23+$0x0] =	vst.idx.msk $0xffff, v19  }
0x362: {  	v25 =	vor.u32 v29, v47;
	v26 =	vld [tilespmem:$0x1FD70]  }
0x363: {  	v54 =	vor.u32 v34, v45;
	v22 =	vld.idx.msk [tilespmem:v22+s20+$0x0], $0xffff  }
0x364: {  	v55 =	vor.u32 v9, v1;
	v20 =	vld.idx.msk [tilespmem:v20+s20+$0x0], $0xffff  }
0x365: {  	v53 =	vor.u32 v29, v61;
	v21 =	vmul.f32 $8.000000000e+00, v21;
	v19 =	vld.idx.msk [tilespmem:v23+s20+$0x0], $0xffff  }
0x366: {  	v57 =	vor.u32 v34, v46;
	v33 =	vor.u32 v9, v48  }
0x367: {  	v14 =	vmul.f32 $8.000000000e+00, v14;
	v0 =	vor.u32 v9, v7;
	[tilespmem:v25+s23+$0x0] =	vst.idx.msk $0xffff, v21;
	v11 =	vld.idx.msk [tilespmem:v35+s20+$0x0], $0xffff  }
0x368: {  	v58 =	vor.u32 v28, v4;
	v18 =	vmul.f32 $8.000000000e+00, v18;
	v16 =	vld.idx.msk [tilespmem:v54+s20+$0x0], $0xffff;
	v24 =	vor.u32 v26, v63  }
0x369: {  	[tilespmem:v55+s23+$0x0] =	vst.idx.msk $0xffff, v14;
	v21 =	vor.u32 v28, v5;
	v22 =	vmul.f32 $8.000000000e+00, v22;
	v23 =	vor.u32 v26, v3  }
0x36a: {  	[tilespmem:v53+s23+$0x0] =	vst.idx.msk $0xffff, v18;
	v42 =	vmul.f32 $8.000000000e+00, v20;
	v35 =	vmul.f32 $8.000000000e+00, v19;
	v19 =	vor.u32 v9, v47  }
0x36b: {  	[tilespmem:v33+s23+$0x0] =	vst.idx.msk $0xffff, v22  }
0x36c: {  	[tilespmem:v0+s23+$0x0] =	vst.idx.msk $0xffff, v42;
	v11 =	vmul.f32 $8.000000000e+00, v11  }
0x36d: {  	v18 =	vor.u32 v28, v8;
	v32 =	vld.idx.msk [tilespmem:v57+s20+$0x0], $0xffff;
	v16 =	vmul.f32 $8.000000000e+00, v16;
	[tilespmem:v24+s23+$0x0] =	vst.idx.msk $0xffff, v35  }
0x36e: {  	v13 =	vld.idx.msk [tilespmem:v58+s20+$0x0], $0xffff;
	v20 =	vor.u32 v28, v10;
	[tilespmem:v23+s23+$0x0] =	vst.idx.msk $0xffff, v11  }
0x36f: {  	v53 =	vld.idx.msk [tilespmem:v21+s20+$0x0], $0xffff;
	v21 =	vor.u32 v28, v45;
	v23 =	vor.u32 v9, v61;
	[tilespmem:v19+s23+$0x0] =	vst.idx.msk $0xffff, v16  }
0x370: {  	v55 =	vor.u32 v28, v46;
	v54 =	vor.u32 v26, v2;
	v25 =	vld [tilespmem:$0x1FF30]  }
0x371: {  	v57 =	vor.u32 v26, v1  }
0x372: {  	v0 =	vld.idx.msk [tilespmem:v18+s20+$0x0], $0xffff;
	v12 =	vmul.f32 $8.000000000e+00, v32  }
0x373: {  	v9 =	vmul.f32 $8.000000000e+00, v13;
	v13 =	vld.idx.msk [tilespmem:v20+s20+$0x0], $0xffff  }
0x374: {  	v17 =	vmul.f32 $8.000000000e+00, v53;
	v19 =	vld.idx.msk [tilespmem:v21+s20+$0x0], $0xffff;
	[tilespmem:v23+s23+$0x0] =	vst.idx.msk $0xffff, v12  }
0x375: {  	[tilespmem:v54+s23+$0x0] =	vst.idx.msk $0xffff, v9;
	v11 =	vld.idx.msk [tilespmem:v55+s20+$0x0], $0xffff;
	v58 =	vor.u32 v25, v6  }
0x376: {  	v18 =	vor.u32 v26, v7;
	v35 =	vld [tilespmem:$0x1FBF0];
	[tilespmem:v57+s23+$0x0] =	vst.idx.msk $0xffff, v17;
	v4 =	vor.u32 v25, v4  }
0x377: {  	v21 =	vld [tilespmem:$0x1FD80];
	v32 =	vor.u32 v25, v5  }
0x378: {  	v33 =	vor.u32 v26, v48;
	v8 =	vor.u32 v25, v8  }
0x379: {  	v54 =	vmul.f32 $8.000000000e+00, v0;
	v55 =	vor.u32 v26, v61  }
0x37a: {  	v42 =	vor.u32 v26, v47;
	v20 =	vor.u32 v25, v46;
	v6 =	vld.idx.msk [tilespmem:v58+s20+$0x0], $0xffff  }
0x37b: {  	v13 =	vmul.f32 $8.000000000e+00, v13;
	[tilespmem:v18+s23+$0x0] =	vst.idx.msk $0xffff, v54;
	v53 =	vor.u32 v25, v10;
	v4 =	vld.idx.msk [tilespmem:v4+s20+$0x0], $0xffff  }
0x37c: {  	v57 =	vor.u32 v25, v45;
	v11 =	vmul.f32 $8.000000000e+00, v11;
	v63 =	vor.u32 v21, v63;
	v5 =	vld.idx.msk [tilespmem:v32+s20+$0x0], $0xffff  }
0x37d: {  	[tilespmem:v33+s23+$0x0] =	vst.idx.msk $0xffff, v13;
	v33 =	vor.u32 v21, v2;
	v8 =	vld.idx.msk [tilespmem:v8+s20+$0x0], $0xffff  }
0x37e: {  	v32 =	vmul.f32 $8.000000000e+00, v19;
	[tilespmem:v55+s23+$0x0] =	vst.idx.msk $0xffff, v11;
	v9 =	vld.idx.msk [tilespmem:v35+s20+$0x0], $0xffff;
	v35 =	vor.u32 v21, v1  }
0x37f: {  	v7 =	vor.u32 v21, v7;
	v46 =	vld.idx.msk [tilespmem:v20+s20+$0x0], $0xffff;
	v6 =	vmul.f32 $8.000000000e+00, v6  }
0x380: {  	v58 =	vor.u32 v21, v3;
	v10 =	vld.idx.msk [tilespmem:v53+s20+$0x0], $0xffff;
	[tilespmem:v42+s23+$0x0] =	vst.idx.msk $0xffff, v32;
	v45 =	vmul.f32 $8.000000000e+00, v4  }
0x381: {  	v42 =	vld.idx.msk [tilespmem:v57+s20+$0x0], $0xffff;
	v57 =	vor.u32 v21, v61;
	v53 =	vmul.f32 $8.000000000e+00, v5;
	[tilespmem:v63+s23+$0x0] =	vst.idx.msk $0xffff, v6  }
0x382: {  	v48 =	vor.u32 v21, v48;
	v55 =	vmul.f32 $8.000000000e+00, v8;
	[tilespmem:v33+s23+$0x0] =	vst.idx.msk $0xffff, v45  }
0x383: {  	v54 =	vor.u32 v21, v47;
	v9 =	vmul.f32 $8.000000000e+00, v9;
	[tilespmem:v35+s23+$0x0] =	vst.idx.msk $0xffff, v53  }
0x384: {  	[tilespmem:v7+s23+$0x0] =	vst.idx.msk $0xffff, v55;
	v63 =	vmul.f32 $8.000000000e+00, v46  }
0x385: {  	s17 =	sshll.u32 s30, $0x13;
	[tilespmem:v58+s23+$0x0] =	vst.idx.msk $0xffff, v9;
	v58 =	vmul.f32 $8.000000000e+00, v10  }
0x386: {  	s8 =	sor.u32 s9, s17;
	v61 =	vmul.f32 $8.000000000e+00, v42;
	[tilespmem:v57+s23+$0x0] =	vst.idx.msk $0xffff, v63  }
0x387: {  	s8 =	sshrl.u32 s8, $0x3;
	[tilespmem:v48+s23+$0x0] =	vst.idx.msk $0xffff, v58  }
0x388: {  	s17 =	sadd.s32 s1, s8;
	[tilespmem:v54+s23+$0x0] =	vst.idx.msk $0xffff, v61  }
0x389: {  	[hbm4b:s17+s2] =	stream.linear.scatter [tilespmem:s23], [sflag:$0x3], $0x400, $0x38;
	[tilespmem:$0x8100] =	vst v63  }
0x38a: {  	s24 =	simm.s32 $0x4500;
	s17 =	sadd.s32 s8, s10  }
0x38b: {  	[hbm4b:s17+s2] =	stream.linear.scatter [tilespmem:s24], [sflag:$0x3], $0x400, $0x38;
	[tilespmem:$0x8100] =	vst v63  }
0x38c: {  	s17 =	sadd.s32 s8, s11;
	s24 =	simm.s32 $0x4900  }
0x38d: {  	[hbm4b:s17+s2] =	stream.linear.scatter [tilespmem:s24], [sflag:$0x3], $0x400, $0x38;
	[tilespmem:$0x8100] =	vst v63  }
0x38e: {  	s17 =	sadd.s32 s8, s12;
	s24 =	simm.s32 $0x4D00  }
0x38f: {  	[hbm4b:s17+s2] =	stream.linear.scatter [tilespmem:s24], [sflag:$0x3], $0x400, $0x38;
	[tilespmem:$0x8100] =	vst v63  }
0x390: {  	s17 =	sadd.s32 s8, s13;
	s24 =	simm.s32 $0x5100  }
0x391: {  	[hbm4b:s17+s2] =	stream.linear.scatter [tilespmem:s24], [sflag:$0x3], $0x400, $0x38;
	[tilespmem:$0x8100] =	vst v63  }
0x392: {  	p1 =	sne.s32 s30, $0x63;
	s17 =	sadd.s32 s8, s14;
	s24 =	simm.s32 $0x5500  }
0x393: {  	[hbm4b:s17+s2] =	stream.linear.scatter [tilespmem:s24], [sflag:$0x3], $0x400, $0x38;
	[tilespmem:$0x8100] =	vst v63  }
.Ltmp1:
0x394: {  	_ = 	snop;
	(pc) =	sbr.rel @p1 .LBB2_6-.Ltmp1, $4  }
0x395: {  	s17 =	sadd.s32 s8, s15;
	s24 =	simm.s32 $0x5900  }
0x396: {  	v48 =	vld [tilespmem:$0x1FEF0];
	[hbm4b:s17+s2] =	stream.linear.scatter [tilespmem:s24], [sflag:$0x3], $0x400, $0x38  }
0x397: {  	v31 =	vmov v49;
	v49 =	vmov v59;
	v29 =	vmov v50;
	v20 =	vld [tilespmem:$0x1FC40];
	s8 =	sadd.s32 s8, s16;
	s24 =	simm.s32 $0x5D00  }
0x398: {  	v50 =	vmovc v60;
	v26 =	vmovc v34;
	v32 =	vmov v56;
	v33 =	vmov v36;
	v35 =	vmov v44;
	v22 =	vld [tilespmem:$0x1FC50];
	[hbm4b:s8+s2] =	stream.linear.scatter [tilespmem:s24], [sflag:$0x3], $0x400, $0x38  }
.Ltmp2:
0x399: {  	(pc) =	sbr.rel .LBB2_7-.Ltmp2, $4  }
0x39a: {  	_ = 	snop  }
0x39b: {  	_ =	swait.ge [sflag:s0], $0x2000  }
0x39c: {  	[sflag:s0] =	ssyncset.done $0x0  }
0x39d: {  	[sflag:s0] =	ssyncadd.s32 $0xFFFFE000  }
.LBB2_6:
0x39e: {  	s8 =	sshll.u32 s30, $0xD;
	s17 =	rddreg [dreg:$0x4]  }
0x39f: {  	s8 =	sadd.s32 s17, s8  }
0x3a0: {  	s8 =	sshrl.u32 s8, $0x3  }
0x3a1: {  	s8 =	sadd.s32 s4, s8  }
0x3a2: {  	[tilespmem:s2], [sflag:$0x5] =	stream.linear.gather [hbm4b:s8+s2], $0x80, $0x38;
	[tilespmem:$0x8100] =	vst v63  }
0x3a3: {  	_ =	swait.ge [sflag:s18], $0x80  }
0x3a4: {  	[sflag:s18] =	ssyncset.done $0x0  }
.Ltmp3:
0x3a5: {  	[sflag:s18] =	ssyncadd.s32 $0xFFFFFF80;
	(pc) =	sbr.rel @p0 .LBB2_8-.Ltmp3, $4  }
0x3a6: {  	[tilespmem:s20], [sflag:$0x1] =	stream.indirect.gather [hbm4b:s5+s19], $0x40, s2, s19, $0xb8;
	[tilespmem:$0x8100] =	vst v63  }
0x3a7: {  	_ =	swait.ge [sflag:s0], $0x2000  }
0x3a8: {  	[sflag:s0] =	ssyncset.done $0x0  }
0x3a9: {  	[sflag:s0] =	ssyncadd.s32 $0xFFFFE000  }
.LBB2_7:
0x3aa: {  	_ =	swait.ge [sflag:s3], $0x400  }
0x3ab: {  	[sflag:s3] =	ssyncset.done $0x0  }
0x3ac: {  	[sflag:s3] =	ssyncadd.s32 $0xFFFFFC00  }
0x3ad: {  	_ =	swait.ge [sflag:s3], $0x400  }
0x3ae: {  	[sflag:s3] =	ssyncset.done $0x0  }
0x3af: {  	[sflag:s3] =	ssyncadd.s32 $0xFFFFFC00  }
0x3b0: {  	_ =	swait.ge [sflag:s3], $0x400  }
0x3b1: {  	[sflag:s3] =	ssyncset.done $0x0  }
0x3b2: {  	[sflag:s3] =	ssyncadd.s32 $0xFFFFFC00  }
0x3b3: {  	_ =	swait.ge [sflag:s3], $0x400  }
0x3b4: {  	[sflag:s3] =	ssyncset.done $0x0  }
0x3b5: {  	[sflag:s3] =	ssyncadd.s32 $0xFFFFFC00  }
0x3b6: {  	_ =	swait.ge [sflag:s3], $0x400  }
0x3b7: {  	[sflag:s3] =	ssyncset.done $0x0  }
0x3b8: {  	[sflag:s3] =	ssyncadd.s32 $0xFFFFFC00  }
0x3b9: {  	_ =	swait.ge [sflag:s3], $0x400  }
0x3ba: {  	[sflag:s3] =	ssyncset.done $0x0  }
0x3bb: {  	[sflag:s3] =	ssyncadd.s32 $0xFFFFFC00  }
0x3bc: {  	_ =	swait.ge [sflag:s3], $0x400  }
0x3bd: {  	[sflag:s3] =	ssyncset.done $0x0  }
0x3be: {  	[sflag:s3] =	ssyncadd.s32 $0xFFFFFC00  }
0x3bf: {  	_ =	swait.ge [sflag:s3], $0x400  }
0x3c0: {  	[sflag:s3] =	ssyncset.done $0x0  }
0x3c1: {  	[sflag:s3] =	ssyncadd.s32 $0xFFFFFC00  }
.LBB2_8:
0x3c2: {  	s8 =	simm.s32 $0x0;
	v42 =	vlaneseq.u32  }
0x3c3: {  	s17 =	simm.s32 $0x3;
	v0 =	vadd.s32 s8, v42  }
0x3c4: {  	v1 =	vadd.s32 s17, v42;
	v18 =	vand.u32 $0xF, v0  }
0x3c5: {  	v6 =	vand.u32 $0xF, v1;
	v2 =	vor.u32 v43, v18  }
0x3c6: {  	v1 =	vor.u32 v43, v6;
	_ =	sdelay $0x1  }
0x3c7: {  	s24 =	simm.s32 $0x2  }
0x3c8: {  	v3 =	vadd.s32 s24, v42  }
0x3c9: {  	v4 =	vand.u32 $0xF, v3;
	v0 =	vshll.u32 v0, $0x7;
	v9 =	vld.idx.msk [tilespmem:v2+s21+$0x0], $0xffff  }
0x3ca: {  	v7 =	vor.u32 v43, v4;
	v3 =	vand.u32 $0x780, v0;
	v10 =	vld.idx.msk [tilespmem:v1+s21+$0x0], $0xffff  }
0x3cb: {  	v34 =	vld [tilespmem:$0x1FC10];
	v61 =	vshll.u32 v6, $0x7;
	v11 =	vor.u32 v42, v3  }
0x3cc: {  	s17 =	simm.s32 $0x1;
	v13 =	vor.u32 v42, v61  }
0x3cd: {  	v5 =	vadd.s32 s17, v42  }
0x3ce: {  	v5 =	vand.u32 $0xF, v5;
	v9 =	vmul.f32 $8.000000000e+00, v9  }
0x3cf: {  	v8 =	vor.u32 v43, v5;
	v7 =	vld.idx.msk [tilespmem:v7+s21+$0x0], $0xffff;
	v10 =	vmul.f32 $8.000000000e+00, v10  }
0x3d0: {  	v12 =	vor.u32 v34, v18;
	v2 =	vshll.u32 v4, $0x7;
	[tilespmem:v11+s7+$0x0] =	vst.idx.msk $0xffff, v9  }
0x3d1: {  	v14 =	vor.u32 v34, v6;
	v15 =	vor.u32 v42, v2;
	[tilespmem:v13+s7+$0x0] =	vst.idx.msk $0xffff, v10  }
0x3d2: {  	v54 =	vld [tilespmem:$0x1FC20];
	_ =	sdelay $0x1  }
0x3d3: {  	v8 =	vld.idx.msk [tilespmem:v8+s21+$0x0], $0xffff;
	v7 =	vmul.f32 $8.000000000e+00, v7  }
0x3d4: {  	v1 =	vshll.u32 v5, $0x7;
	v11 =	vld.idx.msk [tilespmem:v12+s21+$0x0], $0xffff  }
0x3d5: {  	v17 =	vor.u32 v34, v4;
	v16 =	vor.u32 v42, v1;
	v10 =	vld.idx.msk [tilespmem:v14+s21+$0x0], $0xffff;
	[tilespmem:v15+s7+$0x0] =	vst.idx.msk $0xffff, v7  }
0x3d6: {  	v27 =	vld [tilespmem:$0x1FC30];
	v12 =	vor.u32 v54, v3  }
0x3d7: {  	v13 =	vor.u32 v54, v61  }
0x3d8: {  	v8 =	vmul.f32 $8.000000000e+00, v8  }
0x3d9: {  	v11 =	vmul.f32 $8.000000000e+00, v11  }
0x3da: {  	v9 =	vor.u32 v34, v5;
	[tilespmem:v16+s7+$0x0] =	vst.idx.msk $0xffff, v8;
	v8 =	vld.idx.msk [tilespmem:v17+s21+$0x0], $0xffff;
	v10 =	vmul.f32 $8.000000000e+00, v10  }
0x3db: {  	v7 =	vor.u32 v27, v18;
	[tilespmem:v12+s7+$0x0] =	vst.idx.msk $0xffff, v11  }
0x3dc: {  	v15 =	vor.u32 v54, v2;
	v14 =	vor.u32 v27, v6;
	[tilespmem:v13+s7+$0x0] =	vst.idx.msk $0xffff, v10  }
0x3dd: {  	v47 =	vld [tilespmem:$0x1FE60];
	_ =	sdelay $0x1  }
0x3de: {  	v9 =	vld.idx.msk [tilespmem:v9+s21+$0x0], $0xffff;
	v8 =	vmul.f32 $8.000000000e+00, v8  }
0x3df: {  	v7 =	vld.idx.msk [tilespmem:v7+s21+$0x0], $0xffff  }
0x3e0: {  	v16 =	vor.u32 v54, v1;
	v17 =	vor.u32 v27, v4;
	v10 =	vld.idx.msk [tilespmem:v14+s21+$0x0], $0xffff;
	[tilespmem:v15+s7+$0x0] =	vst.idx.msk $0xffff, v8  }
0x3e1: {  	v56 =	vld [tilespmem:$0x1FE80];
	v12 =	vor.u32 v47, v3  }
0x3e2: {  	v13 =	vor.u32 v47, v61  }
0x3e3: {  	v9 =	vmul.f32 $8.000000000e+00, v9  }
0x3e4: {  	v7 =	vmul.f32 $8.000000000e+00, v7  }
0x3e5: {  	v11 =	vor.u32 v27, v5;
	[tilespmem:v16+s7+$0x0] =	vst.idx.msk $0xffff, v9;
	v9 =	vld.idx.msk [tilespmem:v17+s21+$0x0], $0xffff;
	v10 =	vmul.f32 $8.000000000e+00, v10  }
0x3e6: {  	v8 =	vor.u32 v56, v18;
	[tilespmem:v12+s7+$0x0] =	vst.idx.msk $0xffff, v7  }
0x3e7: {  	v15 =	vor.u32 v47, v2;
	v14 =	vor.u32 v56, v6;
	[tilespmem:v13+s7+$0x0] =	vst.idx.msk $0xffff, v10  }
0x3e8: {  	v45 =	vld [tilespmem:$0x1FD90];
	_ =	sdelay $0x1  }
0x3e9: {  	v11 =	vld.idx.msk [tilespmem:v11+s21+$0x0], $0xffff;
	v9 =	vmul.f32 $8.000000000e+00, v9  }
0x3ea: {  	v8 =	vld.idx.msk [tilespmem:v8+s21+$0x0], $0xffff  }
0x3eb: {  	v16 =	vor.u32 v47, v1;
	v17 =	vor.u32 v56, v4;
	v10 =	vld.idx.msk [tilespmem:v14+s21+$0x0], $0xffff;
	[tilespmem:v15+s7+$0x0] =	vst.idx.msk $0xffff, v9  }
0x3ec: {  	v60 =	vld [tilespmem:$0x1FDA0];
	v12 =	vor.u32 v45, v3  }
0x3ed: {  	v13 =	vor.u32 v45, v61  }
0x3ee: {  	v11 =	vmul.f32 $8.000000000e+00, v11  }
0x3ef: {  	v8 =	vmul.f32 $8.000000000e+00, v8  }
0x3f0: {  	v7 =	vor.u32 v56, v5;
	[tilespmem:v16+s7+$0x0] =	vst.idx.msk $0xffff, v11;
	v11 =	vld.idx.msk [tilespmem:v17+s21+$0x0], $0xffff;
	v10 =	vmul.f32 $8.000000000e+00, v10  }
0x3f1: {  	v9 =	vor.u32 v60, v18;
	[tilespmem:v12+s7+$0x0] =	vst.idx.msk $0xffff, v8  }
0x3f2: {  	v15 =	vor.u32 v45, v2;
	v14 =	vor.u32 v60, v6;
	[tilespmem:v13+s7+$0x0] =	vst.idx.msk $0xffff, v10  }
0x3f3: {  	v59 =	vld [tilespmem:$0x1FDB0];
	_ =	sdelay $0x1  }
0x3f4: {  	v7 =	vld.idx.msk [tilespmem:v7+s21+$0x0], $0xffff;
	v10 =	vmul.f32 $8.000000000e+00, v11  }
0x3f5: {  	v9 =	vld.idx.msk [tilespmem:v9+s21+$0x0], $0xffff  }
0x3f6: {  	v16 =	vor.u32 v45, v1;
	v11 =	vld.idx.msk [tilespmem:v14+s21+$0x0], $0xffff;
	[tilespmem:v15+s7+$0x0] =	vst.idx.msk $0xffff, v10  }
0x3f7: {  	v57 =	vld [tilespmem:$0x1FDC0];
	v12 =	vor.u32 v59, v3  }
0x3f8: {  	v17 =	vor.u32 v60, v4;
	v13 =	vor.u32 v59, v61  }
0x3f9: {  	v7 =	vmul.f32 $8.000000000e+00, v7  }
0x3fa: {  	v8 =	vor.u32 v60, v5;
	v9 =	vmul.f32 $8.000000000e+00, v9  }
0x3fb: {  	[tilespmem:v16+s7+$0x0] =	vst.idx.msk $0xffff, v7;
	v11 =	vmul.f32 $8.000000000e+00, v11  }
0x3fc: {  	v10 =	vor.u32 v57, v18;
	[tilespmem:v12+s7+$0x0] =	vst.idx.msk $0xffff, v9  }
0x3fd: {  	v7 =	vld.idx.msk [tilespmem:v17+s21+$0x0], $0xffff;
	v14 =	vor.u32 v57, v6;
	[tilespmem:v13+s7+$0x0] =	vst.idx.msk $0xffff, v11  }
0x3fe: {  	v23 =	vld [tilespmem:$0x1FDD0]  }
0x3ff: {  	v8 =	vld.idx.msk [tilespmem:v8+s21+$0x0], $0xffff  }
0x400: {  	v15 =	vor.u32 v59, v2  }
0x401: {  	v16 =	vor.u32 v59, v1;
	v17 =	vor.u32 v57, v4;
	v10 =	vld.idx.msk [tilespmem:v10+s21+$0x0], $0xffff  }
0x402: {  	v11 =	vld.idx.msk [tilespmem:v14+s21+$0x0], $0xffff  }
0x403: {  	v7 =	vmul.f32 $8.000000000e+00, v7;
	v12 =	vor.u32 v23, v3  }
0x404: {  	v8 =	vmul.f32 $8.000000000e+00, v8;
	v13 =	vor.u32 v23, v61  }
0x405: {  	[tilespmem:v15+s7+$0x0] =	vst.idx.msk $0xffff, v7  }
0x406: {  	v9 =	vor.u32 v57, v5;
	[tilespmem:v16+s7+$0x0] =	vst.idx.msk $0xffff, v8;
	v8 =	vld.idx.msk [tilespmem:v17+s21+$0x0], $0xffff;
	v10 =	vmul.f32 $8.000000000e+00, v10  }
0x407: {  	v7 =	vor.u32 v48, v18;
	v11 =	vmul.f32 $8.000000000e+00, v11  }
0x408: {  	v14 =	vor.u32 v48, v6;
	v15 =	vor.u32 v23, v2;
	[tilespmem:v12+s7+$0x0] =	vst.idx.msk $0xffff, v10  }
0x409: {  	[tilespmem:v13+s7+$0x0] =	vst.idx.msk $0xffff, v11  }
0x40a: {  	v44 =	vld [tilespmem:$0x1FDE0]  }
0x40b: {  	v9 =	vld.idx.msk [tilespmem:v9+s21+$0x0], $0xffff;
	v8 =	vmul.f32 $8.000000000e+00, v8  }
0x40c: {  	v7 =	vld.idx.msk [tilespmem:v7+s21+$0x0], $0xffff  }
0x40d: {  	v17 =	vor.u32 v48, v4;
	v16 =	vor.u32 v23, v1;
	v11 =	vld.idx.msk [tilespmem:v14+s21+$0x0], $0xffff;
	[tilespmem:v15+s7+$0x0] =	vst.idx.msk $0xffff, v8  }
0x40e: {  	v55 =	vld [tilespmem:$0x1FDF0]  }
0x40f: {  	v12 =	vor.u32 v44, v3  }
0x410: {  	v9 =	vmul.f32 $8.000000000e+00, v9;
	v13 =	vor.u32 v44, v61;
	_ =	sdelay $0x1  }
0x411: {  	v10 =	vor.u32 v48, v5;
	[tilespmem:v16+s7+$0x0] =	vst.idx.msk $0xffff, v9;
	v9 =	vld.idx.msk [tilespmem:v17+s21+$0x0], $0xffff;
	v7 =	vmul.f32 $8.000000000e+00, v7  }
0x412: {  	v11 =	vmul.f32 $8.000000000e+00, v11;
	v8 =	vor.u32 v55, v18  }
0x413: {  	v15 =	vor.u32 v44, v2;
	v14 =	vor.u32 v55, v6;
	[tilespmem:v12+s7+$0x0] =	vst.idx.msk $0xffff, v7  }
0x414: {  	[tilespmem:v13+s7+$0x0] =	vst.idx.msk $0xffff, v11  }
0x415: {  	v46 =	vld [tilespmem:$0x1FE00]  }
0x416: {  	v10 =	vld.idx.msk [tilespmem:v10+s21+$0x0], $0xffff;
	v9 =	vmul.f32 $8.000000000e+00, v9  }
0x417: {  	v8 =	vld.idx.msk [tilespmem:v8+s21+$0x0], $0xffff  }
0x418: {  	v16 =	vor.u32 v44, v1;
	v17 =	vor.u32 v55, v4;
	v11 =	vld.idx.msk [tilespmem:v14+s21+$0x0], $0xffff;
	[tilespmem:v15+s7+$0x0] =	vst.idx.msk $0xffff, v9  }
0x419: {  	v53 =	vld [tilespmem:$0x1FE20]  }
0x41a: {  	v7 =	vor.u32 v55, v5;
	v12 =	vor.u32 v46, v3  }
0x41b: {  	v10 =	vmul.f32 $8.000000000e+00, v10;
	v13 =	vor.u32 v46, v61;
	_ =	sdelay $0x1  }
0x41c: {  	[tilespmem:v16+s7+$0x0] =	vst.idx.msk $0xffff, v10;
	v10 =	vld.idx.msk [tilespmem:v17+s21+$0x0], $0xffff;
	v8 =	vmul.f32 $8.000000000e+00, v8  }
0x41d: {  	v11 =	vmul.f32 $8.000000000e+00, v11;
	v9 =	vor.u32 v53, v18  }
0x41e: {  	v7 =	vld.idx.msk [tilespmem:v7+s21+$0x0], $0xffff;
	v15 =	vor.u32 v46, v2;
	v14 =	vor.u32 v53, v6;
	[tilespmem:v12+s7+$0x0] =	vst.idx.msk $0xffff, v8  }
0x41f: {  	[tilespmem:v13+s7+$0x0] =	vst.idx.msk $0xffff, v11  }
0x420: {  	v16 =	vor.u32 v46, v1;
	v17 =	vor.u32 v53, v4;
	v19 =	vld [tilespmem:$0x1FE30]  }
0x421: {  	v10 =	vmul.f32 $8.000000000e+00, v10  }
0x422: {  	v9 =	vld.idx.msk [tilespmem:v9+s21+$0x0], $0xffff  }
0x423: {  	v7 =	vmul.f32 $8.000000000e+00, v7;
	v11 =	vld.idx.msk [tilespmem:v14+s21+$0x0], $0xffff;
	[tilespmem:v15+s7+$0x0] =	vst.idx.msk $0xffff, v10  }
0x424: {  	v21 =	vld [tilespmem:$0x1FE90]  }
0x425: {  	[tilespmem:v16+s7+$0x0] =	vst.idx.msk $0xffff, v7;
	v7 =	vld.idx.msk [tilespmem:v17+s21+$0x0], $0xffff;
	v12 =	vor.u32 v19, v3  }
0x426: {  	v13 =	vor.u32 v19, v61  }
0x427: {  	v15 =	vor.u32 v19, v2  }
0x428: {  	v9 =	vmul.f32 $8.000000000e+00, v9  }
0x429: {  	v8 =	vor.u32 v53, v5;
	v11 =	vmul.f32 $8.000000000e+00, v11  }
0x42a: {  	v10 =	vor.u32 v21, v18;
	v7 =	vmul.f32 $8.000000000e+00, v7;
	[tilespmem:v12+s7+$0x0] =	vst.idx.msk $0xffff, v9  }
0x42b: {  	[tilespmem:v13+s7+$0x0] =	vst.idx.msk $0xffff, v11  }
0x42c: {  	v14 =	vor.u32 v21, v6;
	[tilespmem:v15+s7+$0x0] =	vst.idx.msk $0xffff, v7  }
0x42d: {  	v17 =	vor.u32 v21, v4;
	v9 =	vor.u32 v21, v5;
	v21 =	vld [tilespmem:$0x1FE70]  }
0x42e: {  	v8 =	vld.idx.msk [tilespmem:v8+s21+$0x0], $0xffff  }
0x42f: {  	v10 =	vld.idx.msk [tilespmem:v10+s21+$0x0], $0xffff  }
0x430: {  	v16 =	vor.u32 v19, v1  }
0x431: {  	v12 =	vor.u32 v20, v3;
	v11 =	vld.idx.msk [tilespmem:v14+s21+$0x0], $0xffff  }
0x432: {  	v14 =	vld.idx.msk [tilespmem:v17+s21+$0x0], $0xffff;
	v7 =	vor.u32 v21, v18  }
0x433: {  	v8 =	vmul.f32 $8.000000000e+00, v8;
	v13 =	vor.u32 v20, v61  }
0x434: {  	v17 =	vor.u32 v20, v2;
	v10 =	vmul.f32 $8.000000000e+00, v10  }
0x435: {  	[tilespmem:v16+s7+$0x0] =	vst.idx.msk $0xffff, v8  }
0x436: {  	v19 =	vor.u32 v20, v1;
	v15 =	vor.u32 v21, v6;
	v11 =	vmul.f32 $8.000000000e+00, v11;
	[tilespmem:v12+s7+$0x0] =	vst.idx.msk $0xffff, v10  }
0x437: {  	v20 =	vor.u32 v21, v4;
	v10 =	vor.u32 v21, v5;
	v21 =	vld.idx.msk [tilespmem:v7+s21+$0x0], $0xffff;
	v7 =	vmul.f32 $8.000000000e+00, v14  }
0x438: {  	v9 =	vld.idx.msk [tilespmem:v9+s21+$0x0], $0xffff;
	[tilespmem:v13+s7+$0x0] =	vst.idx.msk $0xffff, v11  }
0x439: {  	s24 =	simm.s32 $0x4;
	[tilespmem:v17+s7+$0x0] =	vst.idx.msk $0xffff, v7  }
0x43a: {  	v16 =	vadd.s32 s24, v42;
	v24 =	vld [tilespmem:$0x1FE40]  }
0x43b: {  	v8 =	vand.u32 $0xF, v16  }
0x43c: {  	v12 =	vor.u32 v43, v8  }
0x43d: {  	v9 =	vmul.f32 $8.000000000e+00, v9;
	v11 =	vld.idx.msk [tilespmem:v15+s21+$0x0], $0xffff  }
0x43e: {  	v13 =	vor.u32 v22, v3  }
0x43f: {  	v15 =	vor.u32 v22, v61;
	[tilespmem:v19+s7+$0x0] =	vst.idx.msk $0xffff, v9;
	v9 =	vld.idx.msk [tilespmem:v20+s21+$0x0], $0xffff;
	v14 =	vor.u32 v24, v18  }
0x440: {  	v7 =	vshll.u32 v16, $0x7;
	v10 =	vld.idx.msk [tilespmem:v10+s21+$0x0], $0xffff;
	v16 =	vor.u32 v24, v6  }
0x441: {  	v12 =	vld.idx.msk [tilespmem:v12+s21+$0x0], $0xffff;
	v63 =	vand.u32 $0x780, v7;
	v19 =	vor.u32 v22, v2;
	v17 =	vmul.f32 $8.000000000e+00, v21  }
0x442: {  	v20 =	vor.u32 v22, v1;
	v11 =	vmul.f32 $8.000000000e+00, v11;
	v21 =	vor.u32 v24, v4  }
0x443: {  	v22 =	vor.u32 v42, v63;
	[tilespmem:v13+s7+$0x0] =	vst.idx.msk $0xffff, v17;
	v13 =	vor.u32 v24, v5  }
0x444: {  	v17 =	vor.u32 v34, v8;
	[tilespmem:v15+s7+$0x0] =	vst.idx.msk $0xffff, v11;
	v9 =	vmul.f32 $8.000000000e+00, v9;
	v14 =	vld.idx.msk [tilespmem:v14+s21+$0x0], $0xffff  }
0x445: {  	v10 =	vmul.f32 $8.000000000e+00, v10;
	v11 =	vld.idx.msk [tilespmem:v16+s21+$0x0], $0xffff  }
0x446: {  	v12 =	vmul.f32 $8.000000000e+00, v12;
	v15 =	vor.u32 v31, v3;
	[tilespmem:v19+s7+$0x0] =	vst.idx.msk $0xffff, v9  }
0x447: {  	v9 =	vor.u32 v29, v18;
	[tilespmem:v20+s7+$0x0] =	vst.idx.msk $0xffff, v10;
	v16 =	vor.u32 v31, v61;
	v10 =	vld.idx.msk [tilespmem:v21+s21+$0x0], $0xffff  }
0x448: {  	[tilespmem:v22+s7+$0x0] =	vst.idx.msk $0xffff, v12;
	v12 =	vor.u32 v29, v6;
	v13 =	vld.idx.msk [tilespmem:v13+s21+$0x0], $0xffff  }
0x449: {  	v19 =	vor.u32 v31, v2;
	v17 =	vld.idx.msk [tilespmem:v17+s21+$0x0], $0xffff;
	v14 =	vmul.f32 $8.000000000e+00, v14  }
0x44a: {  	v20 =	vor.u32 v31, v1;
	v21 =	vor.u32 v29, v4;
	v11 =	vmul.f32 $8.000000000e+00, v11  }
0x44b: {  	[tilespmem:v15+s7+$0x0] =	vst.idx.msk $0xffff, v14;
	v14 =	vor.u32 v54, v63;
	v15 =	vor.u32 v29, v5  }
0x44c: {  	v22 =	vor.u32 v27, v8;
	v10 =	vmul.f32 $8.000000000e+00, v10;
	[tilespmem:v16+s7+$0x0] =	vst.idx.msk $0xffff, v11;
	v9 =	vld.idx.msk [tilespmem:v9+s21+$0x0], $0xffff  }
0x44d: {  	v11 =	vld.idx.msk [tilespmem:v12+s21+$0x0], $0xffff;
	v12 =	vmul.f32 $8.000000000e+00, v13  }
0x44e: {  	v16 =	vor.u32 v51, v3;
	[tilespmem:v19+s7+$0x0] =	vst.idx.msk $0xffff, v10;
	v13 =	vmul.f32 $8.000000000e+00, v17  }
0x44f: {  	v10 =	vor.u32 v39, v18;
	v17 =	vor.u32 v51, v61;
	[tilespmem:v20+s7+$0x0] =	vst.idx.msk $0xffff, v12;
	v12 =	vld.idx.msk [tilespmem:v21+s21+$0x0], $0xffff  }
0x450: {  	[tilespmem:v14+s7+$0x0] =	vst.idx.msk $0xffff, v13;
	v13 =	vld.idx.msk [tilespmem:v15+s21+$0x0], $0xffff;
	v14 =	vor.u32 v39, v6  }
0x451: {  	v19 =	vor.u32 v51, v2;
	v9 =	vmul.f32 $8.000000000e+00, v9;
	v15 =	vld.idx.msk [tilespmem:v22+s21+$0x0], $0xffff  }
0x452: {  	v20 =	vor.u32 v51, v1;
	v11 =	vmul.f32 $8.000000000e+00, v11  }
0x453: {  	v21 =	vor.u32 v39, v4;
	[tilespmem:v16+s7+$0x0] =	vst.idx.msk $0xffff, v9;
	v9 =	vor.u32 v47, v63  }
0x454: {  	[tilespmem:v17+s7+$0x0] =	vst.idx.msk $0xffff, v11;
	v12 =	vmul.f32 $8.000000000e+00, v12;
	v10 =	vld.idx.msk [tilespmem:v10+s21+$0x0], $0xffff  }
0x455: {  	v16 =	vor.u32 v39, v5;
	v14 =	vld.idx.msk [tilespmem:v14+s21+$0x0], $0xffff;
	v13 =	vmul.f32 $8.000000000e+00, v13  }
0x456: {  	v11 =	vor.u32 v56, v8;
	v17 =	vor.u32 v52, v3;
	[tilespmem:v19+s7+$0x0] =	vst.idx.msk $0xffff, v12;
	v15 =	vmul.f32 $8.000000000e+00, v15  }
0x457: {  	v12 =	vor.u32 v49, v18;
	v19 =	vor.u32 v52, v61;
	[tilespmem:v20+s7+$0x0] =	vst.idx.msk $0xffff, v13  }
0x458: {  	v13 =	vld.idx.msk [tilespmem:v21+s21+$0x0], $0xffff;
	[tilespmem:v9+s7+$0x0] =	vst.idx.msk $0xffff, v15;
	v15 =	vor.u32 v49, v6  }
0x459: {  	v10 =	vmul.f32 $8.000000000e+00, v10  }
0x45a: {  	v9 =	vld.idx.msk [tilespmem:v16+s21+$0x0], $0xffff;
	v16 =	vor.u32 v52, v2;
	v14 =	vmul.f32 $8.000000000e+00, v14  }
0x45b: {  	v11 =	vld.idx.msk [tilespmem:v11+s21+$0x0], $0xffff;
	[tilespmem:v17+s7+$0x0] =	vst.idx.msk $0xffff, v10  }
0x45c: {  	v20 =	vor.u32 v52, v1;
	v12 =	vld.idx.msk [tilespmem:v12+s21+$0x0], $0xffff;
	[tilespmem:v19+s7+$0x0] =	vst.idx.msk $0xffff, v14  }
0x45d: {  	v21 =	vor.u32 v49, v4;
	v10 =	vor.u32 v45, v63;
	v13 =	vmul.f32 $8.000000000e+00, v13;
	v15 =	vld.idx.msk [tilespmem:v15+s21+$0x0], $0xffff  }
0x45e: {  	v17 =	vor.u32 v49, v5;
	v19 =	vor.u32 v62, v3  }
0x45f: {  	v14 =	vor.u32 v60, v8;
	v9 =	vmul.f32 $8.000000000e+00, v9;
	[tilespmem:v16+s7+$0x0] =	vst.idx.msk $0xffff, v13;
	v16 =	vor.u32 v62, v61  }
0x460: {  	v11 =	vmul.f32 $8.000000000e+00, v11  }
0x461: {  	[tilespmem:v20+s7+$0x0] =	vst.idx.msk $0xffff, v9;
	v12 =	vmul.f32 $8.000000000e+00, v12  }
0x462: {  	v9 =	vld.idx.msk [tilespmem:v21+s21+$0x0], $0xffff;
	[tilespmem:v10+s7+$0x0] =	vst.idx.msk $0xffff, v11;
	v15 =	vmul.f32 $8.000000000e+00, v15  }
0x463: {  	v13 =	vor.u32 v50, v18;
	v10 =	vld.idx.msk [tilespmem:v17+s21+$0x0], $0xffff;
	[tilespmem:v19+s7+$0x0] =	vst.idx.msk $0xffff, v12  }
0x464: {  	v11 =	vor.u32 v50, v6;
	v14 =	vld.idx.msk [tilespmem:v14+s21+$0x0], $0xffff;
	[tilespmem:v16+s7+$0x0] =	vst.idx.msk $0xffff, v15  }
0x465: {  	v17 =	vor.u32 v62, v2;
	v12 =	vor.u32 v59, v63;
	v59 =	vld [tilespmem:$0x1FC60]  }
0x466: {  	v20 =	vor.u32 v62, v1;
	v21 =	vor.u32 v50, v4  }
0x467: {  	v19 =	vor.u32 v50, v5  }
0x468: {  	v13 =	vld.idx.msk [tilespmem:v13+s21+$0x0], $0xffff;
	v15 =	vor.u32 v57, v8;
	v9 =	vmul.f32 $8.000000000e+00, v9  }
0x469: {  	v11 =	vld.idx.msk [tilespmem:v11+s21+$0x0], $0xffff;
	v10 =	vmul.f32 $8.000000000e+00, v10  }
0x46a: {  	v14 =	vmul.f32 $8.000000000e+00, v14;
	[tilespmem:v17+s7+$0x0] =	vst.idx.msk $0xffff, v9;
	v16 =	vor.u32 v59, v3  }
0x46b: {  	v9 =	vor.u32 v37, v18;
	[tilespmem:v20+s7+$0x0] =	vst.idx.msk $0xffff, v10;
	v10 =	vld.idx.msk [tilespmem:v21+s21+$0x0], $0xffff;
	v17 =	vor.u32 v59, v61  }
0x46c: {  	[tilespmem:v12+s7+$0x0] =	vst.idx.msk $0xffff, v14;
	v12 =	vld.idx.msk [tilespmem:v19+s21+$0x0], $0xffff;
	v14 =	vor.u32 v37, v6  }
0x46d: {  	v13 =	vmul.f32 $8.000000000e+00, v13;
	v15 =	vld.idx.msk [tilespmem:v15+s21+$0x0], $0xffff;
	v19 =	vor.u32 v59, v2  }
0x46e: {  	v21 =	vor.u32 v37, v4;
	v11 =	vmul.f32 $8.000000000e+00, v11;
	v20 =	vor.u32 v59, v1  }
0x46f: {  	[tilespmem:v16+s7+$0x0] =	vst.idx.msk $0xffff, v13;
	v13 =	vor.u32 v23, v63;
	v16 =	vor.u32 v37, v5  }
0x470: {  	v10 =	vmul.f32 $8.000000000e+00, v10;
	[tilespmem:v17+s7+$0x0] =	vst.idx.msk $0xffff, v11;
	v11 =	vor.u32 v48, v8;
	v9 =	vld.idx.msk [tilespmem:v9+s21+$0x0], $0xffff  }
0x471: {  	v12 =	vmul.f32 $8.000000000e+00, v12;
	v14 =	vld.idx.msk [tilespmem:v14+s21+$0x0], $0xffff  }
0x472: {  	v15 =	vmul.f32 $8.000000000e+00, v15;
	v17 =	vor.u32 v38, v3;
	[tilespmem:v19+s7+$0x0] =	vst.idx.msk $0xffff, v10  }
0x473: {  	v10 =	vor.u32 v40, v18;
	[tilespmem:v20+s7+$0x0] =	vst.idx.msk $0xffff, v12;
	v19 =	vor.u32 v38, v61;
	v12 =	vld.idx.msk [tilespmem:v21+s21+$0x0], $0xffff  }
0x474: {  	[tilespmem:v13+s7+$0x0] =	vst.idx.msk $0xffff, v15;
	v13 =	vld.idx.msk [tilespmem:v16+s21+$0x0], $0xffff;
	v15 =	vor.u32 v40, v6  }
0x475: {  	v16 =	vor.u32 v38, v2;
	v9 =	vmul.f32 $8.000000000e+00, v9;
	v11 =	vld.idx.msk [tilespmem:v11+s21+$0x0], $0xffff  }
0x476: {  	v20 =	vor.u32 v38, v1;
	v14 =	vmul.f32 $8.000000000e+00, v14  }
0x477: {  	v21 =	vor.u32 v44, v63;
	[tilespmem:v17+s7+$0x0] =	vst.idx.msk $0xffff, v9  }
0x478: {  	v0 =	vor.u32 v25, v18;
	v12 =	vmul.f32 $8.000000000e+00, v12;
	[tilespmem:v19+s7+$0x0] =	vst.idx.msk $0xffff, v14;
	v10 =	vld.idx.msk [tilespmem:v10+s21+$0x0], $0xffff  }
0x479: {  	v19 =	vld.idx.msk [tilespmem:v15+s21+$0x0], $0xffff;
	v13 =	vmul.f32 $8.000000000e+00, v13;
	[tilespmem:$0x1FBC0] =	vst v0  }
0x47a: {  	v15 =	vmul.f32 $8.000000000e+00, v11;
	[tilespmem:v16+s7+$0x0] =	vst.idx.msk $0xffff, v12  }
0x47b: {  	[tilespmem:v20+s7+$0x0] =	vst.idx.msk $0xffff, v13  }
0x47c: {  	v23 =	vor.u32 v32, v3;
	[tilespmem:v21+s7+$0x0] =	vst.idx.msk $0xffff, v15  }
0x47d: {  	v7 =	vld [tilespmem:$0x1FF10]  }
0x47e: {  	v17 =	vor.u32 v40, v4  }
0x47f: {  	v22 =	vor.u32 v40, v5;
	v10 =	vmul.f32 $8.000000000e+00, v10  }
0x480: {  	v14 =	vor.u32 v55, v8  }
0x481: {  	v25 =	vor.u32 v32, v61;
	v0 =	vld [tilespmem:$0x1FF90];
	[tilespmem:v23+s7+$0x0] =	vst.idx.msk $0xffff, v10  }
0x482: {  	v13 =	vor.u32 v7, v18;
	v7 =	vld [tilespmem:$0x1FF70]  }
0x483: {  	v20 =	vld.idx.msk [tilespmem:v17+s21+$0x0], $0xffff  }
0x484: {  	v21 =	vld.idx.msk [tilespmem:v22+s21+$0x0], $0xffff;
	v10 =	vmul.f32 $8.000000000e+00, v19  }
0x485: {  	v24 =	vor.u32 v33, v18;
	v27 =	vor.u32 v32, v2;
	v57 =	vor.u32 v26, v18;
	v26 =	vld.idx.msk [tilespmem:v14+s21+$0x0], $0xffff  }
0x486: {  	v22 =	vor.u32 v33, v6;
	v23 =	vor.u32 v32, v1;
	[tilespmem:v25+s7+$0x0] =	vst.idx.msk $0xffff, v10  }
0x487: {  	v25 =	vor.u32 v46, v63;
	v17 =	vor.u32 v7, v18;
	v7 =	vld [tilespmem:$0x1FD40]  }
0x488: {  	v20 =	vmul.f32 $8.000000000e+00, v20  }
0x489: {  	v21 =	vmul.f32 $8.000000000e+00, v21;
	v14 =	vor.u32 v0, v18;
	v0 =	vld [tilespmem:$0x1FEA0]  }
0x48a: {  	v29 =	vor.u32 v33, v5;
	v24 =	vld.idx.msk [tilespmem:v24+s21+$0x0], $0xffff;
	[tilespmem:v27+s7+$0x0] =	vst.idx.msk $0xffff, v20;
	v27 =	vmul.f32 $8.000000000e+00, v26  }
0x48b: {  	v11 =	vor.u32 v28, v18;
	v28 =	vor.u32 v33, v4;
	v31 =	vld.idx.msk [tilespmem:v22+s21+$0x0], $0xffff;
	[tilespmem:v23+s7+$0x0] =	vst.idx.msk $0xffff, v21  }
0x48c: {  	s17 =	simm.s32 $0x7;
	v60 =	vor.u32 v41, v3;
	v19 =	vor.u32 v7, v18;
	v7 =	vld [tilespmem:$0x1FD20];
	[tilespmem:v25+s7+$0x0] =	vst.idx.msk $0xffff, v27  }
0x48d: {  	v15 =	vor.u32 v30, v18;
	v30 =	vor.u32 v53, v8;
	v10 =	vadd.s32 s17, v42;
	v12 =	vld [tilespmem:$0x1FCE0]  }
0x48e: {  	v10 =	vand.u32 $0xF, v10;
	v62 =	vor.u32 v0, v18;
	v9 =	vld [tilespmem:$0x1FD00]  }
0x48f: {  	v16 =	vor.u32 v35, v18;
	v33 =	vor.u32 v43, v10  }
0x490: {  	s24 =	simm.s32 $0x6;
	v22 =	vor.u32 v41, v61;
	v21 =	vld.idx.msk [tilespmem:v28+s21+$0x0], $0xffff;
	v28 =	vmul.f32 $8.000000000e+00, v24;
	v24 =	vor.u32 v0, v6  }
0x491: {  	v20 =	vld.idx.msk [tilespmem:v29+s21+$0x0], $0xffff;
	v29 =	vor.u32 v41, v2;
	v31 =	vmul.f32 $8.000000000e+00, v31;
	v25 =	vadd.s32 s24, v42  }
0x492: {  	v32 =	vld.idx.msk [tilespmem:v30+s21+$0x0], $0xffff;
	[tilespmem:v60+s7+$0x0] =	vst.idx.msk $0xffff, v28;
	v28 =	vor.u32 v41, v1;
	v30 =	vor.u32 v0, v4  }
0x493: {  	s8 =	simm.s32 $0x5;
	s17 =	simm.s32 $0x8;
	v26 =	vor.u32 v7, v18;
	v23 =	vor.u32 v12, v18;
	v27 =	vor.u32 v9, v18;
	v18 =	vld.idx.msk [tilespmem:v62+s21+$0x0], $0xffff  }
.LBB2_9:
0x494: {  	v33 =	vld.idx.msk [tilespmem:v33+s21+$0x0], $0xffff  }
0x495: {  	v7 =	vld [tilespmem:$0x1FEA0]  }
0x496: {  	v9 =	vld [tilespmem:$0x1FCD0]  }
0x497: {  	v54 =	vld [tilespmem:$0x1FE30]  }
0x498: {  	v58 =	vld [tilespmem:$0x1FC10]  }
0x499: {  	v45 =	vld [tilespmem:$0x1FC10]  }
0x49a: {  	v47 =	vld [tilespmem:$0x1FC10]  }
0x49b: {  	v0 =	vlaneseq.u32;
	v53 =	vld [tilespmem:$0x1FE90]  }
0x49c: {  	v25 =	vand.u32 $0xF, v25;
	v51 =	vld [tilespmem:$0x1FC30];
	v34 =	vadd.s32 s8, v0  }
0x49d: {  	v12 =	vld [tilespmem:$0x1FD00];
	[tilespmem:v22+s7+$0x0] =	vst.idx.msk $0xffff, v31;
	v31 =	vor.u32 v43, v25;
	v22 =	vand.u32 $0xF, v34  }
0x49e: {  	v24 =	vld.idx.msk [tilespmem:v24+s21+$0x0], $0xffff;
	v21 =	vmul.f32 $8.000000000e+00, v21;
	v35 =	vor.u32 v7, v5;
	v7 =	vor.u32 v39, v8  }
0x49f: {  	v34 =	vor.u32 v43, v22;
	v37 =	vmul.f32 $8.000000000e+00, v20;
	v20 =	vld [tilespmem:$0x1FE60];
	[tilespmem:$0x1FBB0] =	vst v7  }
0x4a0: {  	v7 =	vld [tilespmem:$0x1FCF0];
	[tilespmem:v29+s7+$0x0] =	vst.idx.msk $0xffff, v21;
	v21 =	vshll.u32 v10, $0x7  }
0x4a1: {  	v36 =	vor.u32 v9, v3;
	v56 =	vor.u32 v0, v21;
	v0 =	vld [tilespmem:$0x1FCE0]  }
0x4a2: {  	v29 =	vor.u32 v54, v63;
	[tilespmem:v28+s7+$0x0] =	vst.idx.msk $0xffff, v37;
	v28 =	vld.idx.msk [tilespmem:v30+s21+$0x0], $0xffff  }
0x4a3: {  	v48 =	vlaneseq.u32;
	v18 =	vmul.f32 $8.000000000e+00, v18;
	v31 =	vld.idx.msk [tilespmem:v31+s21+$0x0], $0xffff  }
0x4a4: {  	v59 =	vor.u32 v9, v61;
	v42 =	vor.u32 v9, v1;
	v37 =	vor.u32 v58, v10;
	v34 =	vld.idx.msk [tilespmem:v34+s21+$0x0], $0xffff  }
0x4a5: {  	v45 =	vor.u32 v45, v25;
	v55 =	vor.u32 v12, v6;
	v30 =	vmul.f32 $8.000000000e+00, v32;
	v35 =	vld.idx.msk [tilespmem:v35+s21+$0x0], $0xffff  }
0x4a6: {  	v33 =	vmul.f32 $8.000000000e+00, v33;
	[tilespmem:v36+s7+$0x0] =	vst.idx.msk $0xffff, v18;
	v18 =	vor.u32 v9, v2;
	v9 =	vld [tilespmem:$0x1FC20];
	v40 =	vor.u32 v0, v6  }
0x4a7: {  	v60 =	vmul.f32 $8.000000000e+00, v24;
	v24 =	vshll.u32 v25, $0x7;
	v41 =	vld.idx.msk [tilespmem:v23+s21+$0x0], $0xffff;
	[tilespmem:v29+s7+$0x0] =	vst.idx.msk $0xffff, v30;
	v62 =	vor.u32 v0, v4  }
0x4a8: {  	v29 =	vor.u32 v48, v24;
	v30 =	vor.u32 v0, v5;
	[tilespmem:v56+s7+$0x0] =	vst.idx.msk $0xffff, v33;
	v0 =	vld [tilespmem:$0x1FD10]  }
0x4a9: {  	v58 =	vor.u32 v12, v4;
	v23 =	vshll.u32 v22, $0x7;
	v28 =	vmul.f32 $8.000000000e+00, v28;
	v33 =	vld.idx.msk [tilespmem:v37+s21+$0x0], $0xffff  }
0x4aa: {  	v44 =	vor.u32 v48, v23;
	[tilespmem:v59+s7+$0x0] =	vst.idx.msk $0xffff, v60;
	v60 =	vor.u32 v12, v5;
	v12 =	vld [tilespmem:$0x1FE80];
	v35 =	vmul.f32 $8.000000000e+00, v35  }
0x4ab: {  	v38 =	vor.u32 v7, v3;
	v31 =	vmul.f32 $8.000000000e+00, v31;
	[tilespmem:v18+s7+$0x0] =	vst.idx.msk $0xffff, v28;
	v18 =	vld.idx.msk [tilespmem:v40+s21+$0x0], $0xffff  }
0x4ac: {  	v49 =	vor.u32 v53, v8;
	[tilespmem:v42+s7+$0x0] =	vst.idx.msk $0xffff, v35;
	v50 =	vld.idx.msk [tilespmem:v62+s21+$0x0], $0xffff  }
0x4ad: {  	v34 =	vmul.f32 $8.000000000e+00, v34;
	v59 =	vor.u32 v9, v24;
	[tilespmem:v29+s7+$0x0] =	vst.idx.msk $0xffff, v31;
	v29 =	vor.u32 v9, v21;
	v9 =	vld [tilespmem:$0x1FD20]  }
0x4ae: {  	v31 =	vmul.f32 $8.000000000e+00, v41;
	v30 =	vld.idx.msk [tilespmem:v30+s21+$0x0], $0xffff  }
0x4af: {  	v39 =	vor.u32 v51, v10;
	[tilespmem:v44+s7+$0x0] =	vst.idx.msk $0xffff, v34;
	v34 =	vld.idx.msk [tilespmem:v45+s21+$0x0], $0xffff  }
0x4b0: {  	v52 =	vor.u32 v7, v61;
	[tilespmem:v38+s7+$0x0] =	vst.idx.msk $0xffff, v31;
	v62 =	vmul.f32 $8.000000000e+00, v18;
	v18 =	vld [tilespmem:$0x1FC20]  }
0x4b1: {  	v32 =	vor.u32 v47, v22;
	v33 =	vmul.f32 $8.000000000e+00, v33;
	v31 =	vor.u32 v7, v2;
	v27 =	vld.idx.msk [tilespmem:v27+s21+$0x0], $0xffff  }
0x4b2: {  	v56 =	vor.u32 v7, v1;
	v36 =	vld.idx.msk [tilespmem:v49+s21+$0x0], $0xffff  }
0x4b3: {  	v49 =	vld [tilespmem:$0x1FC30];
	[tilespmem:v29+s7+$0x0] =	vst.idx.msk $0xffff, v33  }
0x4b4: {  	v29 =	vmul.f32 $8.000000000e+00, v50;
	v50 =	vld.idx.msk [tilespmem:v39+s21+$0x0], $0xffff  }
0x4b5: {  	v30 =	vmul.f32 $8.000000000e+00, v30;
	[tilespmem:v52+s7+$0x0] =	vst.idx.msk $0xffff, v62;
	v46 =	vor.u32 v18, v23;
	v18 =	vld [tilespmem:$0x1FC30]  }
0x4b6: {  	v37 =	vor.u32 v0, v3;
	v32 =	vld.idx.msk [tilespmem:v32+s21+$0x0], $0xffff;
	[tilespmem:v31+s7+$0x0] =	vst.idx.msk $0xffff, v29  }
0x4b7: {  	v52 =	vor.u32 v20, v21;
	v29 =	vld.idx.msk [tilespmem:v55+s21+$0x0], $0xffff;
	[tilespmem:v56+s7+$0x0] =	vst.idx.msk $0xffff, v30  }
0x4b8: {  	v38 =	vld.idx.msk [tilespmem:v60+s21+$0x0], $0xffff;
	v60 =	vor.u32 v12, v10  }
0x4b9: {  	v33 =	vor.u32 v49, v22;
	v30 =	vld.idx.msk [tilespmem:v58+s21+$0x0], $0xffff;
	v27 =	vmul.f32 $8.000000000e+00, v27  }
0x4ba: {  	v51 =	vld [tilespmem:$0x1FE10];
	v62 =	vor.u32 v0, v61;
	v35 =	vmul.f32 $8.000000000e+00, v50;
	v47 =	vor.u32 v18, v25  }
0x4bb: {  	v7 =	vld [tilespmem:$0x1FD30];
	v31 =	vmul.f32 $8.000000000e+00, v32;
	v55 =	vor.u32 v9, v6;
	[tilespmem:v37+s7+$0x0] =	vst.idx.msk $0xffff, v27;
	v27 =	vor.u32 v0, v2  }
0x4bc: {  	v34 =	vmul.f32 $8.000000000e+00, v34;
	v58 =	vor.u32 v9, v4;
	v26 =	vld.idx.msk [tilespmem:v26+s21+$0x0], $0xffff;
	[tilespmem:v52+s7+$0x0] =	vst.idx.msk $0xffff, v35  }
0x4bd: {  	v29 =	vmul.f32 $8.000000000e+00, v29;
	v35 =	vld.idx.msk [tilespmem:v60+s21+$0x0], $0xffff;
	[tilespmem:v46+s7+$0x0] =	vst.idx.msk $0xffff, v31  }
0x4be: {  	[tilespmem:v59+s7+$0x0] =	vst.idx.msk $0xffff, v34;
	v30 =	vmul.f32 $8.000000000e+00, v30;
	v33 =	vld.idx.msk [tilespmem:v33+s21+$0x0], $0xffff  }
0x4bf: {  	[tilespmem:v62+s7+$0x0] =	vst.idx.msk $0xffff, v29;
	v31 =	vld.idx.msk [tilespmem:v47+s21+$0x0], $0xffff  }
0x4c0: {  	[tilespmem:v27+s7+$0x0] =	vst.idx.msk $0xffff, v30;
	v27 =	vld.idx.msk [tilespmem:v55+s21+$0x0], $0xffff  }
0x4c1: {  	v28 =	vadd.s32 s17, v48;
	v56 =	vor.u32 v0, v1;
	v55 =	vld.idx.msk [tilespmem:v58+s21+$0x0], $0xffff  }
0x4c2: {  	v59 =	vor.u32 v20, v24;
	v49 =	vor.u32 v9, v5;
	v18 =	vand.u32 $0xF, v28;
	v58 =	vld [tilespmem:$0x1FD90]  }
0x4c3: {  	[tilespmem:$0x1FBA0] =	vst v11;
	v11 =	vmov v57;
	v57 =	vld [tilespmem:$0x1FEF0];
	v32 =	vor.u32 v7, v3;
	v39 =	vor.u32 v51, v18  }
0x4c4: {  	v45 =	vld [tilespmem:$0x1FF60];
	v50 =	vor.u32 v20, v23;
	v38 =	vmul.f32 $8.000000000e+00, v38  }
0x4c5: {  	v9 =	vld [tilespmem:$0x1FD40];
	v52 =	vor.u32 v12, v22;
	v29 =	vmul.f32 $8.000000000e+00, v31  }
0x4c6: {  	v62 =	vld [tilespmem:$0x1FC40];
	[tilespmem:v56+s7+$0x0] =	vst.idx.msk $0xffff, v38;
	v26 =	vmul.f32 $8.000000000e+00, v26  }
0x4c7: {  	v38 =	vld.idx.msk [tilespmem:v49+s21+$0x0], $0xffff;
	v33 =	vmul.f32 $8.000000000e+00, v33;
	[tilespmem:v59+s7+$0x0] =	vst.idx.msk $0xffff, v29;
	v29 =	vor.u32 v58, v21  }
0x4c8: {  	v39 =	vld.idx.msk [tilespmem:v39+s21+$0x0], $0xffff;
	[tilespmem:v32+s7+$0x0] =	vst.idx.msk $0xffff, v26  }
0x4c9: {  	v51 =	vor.u32 v12, v25;
	v26 =	vor.u32 v7, v2;
	[tilespmem:v50+s7+$0x0] =	vst.idx.msk $0xffff, v33;
	v50 =	vld [tilespmem:$0x1FDA0]  }
0x4ca: {  	v60 =	vor.u32 v9, v4;
	v35 =	vmul.f32 $8.000000000e+00, v35;
	v34 =	vld.idx.msk [tilespmem:v52+s21+$0x0], $0xffff  }
0x4cb: {  	v0 =	vld [tilespmem:$0x1FEB0];
	v30 =	vor.u32 v62, v63  }
0x4cc: {  	v46 =	vld [tilespmem:$0x1FEE0];
	v59 =	vor.u32 v7, v1;
	[tilespmem:v29+s7+$0x0] =	vst.idx.msk $0xffff, v35;
	v29 =	vmul.f32 $8.000000000e+00, v55  }
0x4cd: {  	v19 =	vld.idx.msk [tilespmem:v19+s21+$0x0], $0xffff  }
0x4ce: {  	v36 =	vmul.f32 $8.000000000e+00, v36;
	v33 =	vld.idx.msk [tilespmem:v51+s21+$0x0], $0xffff;
	v40 =	vor.u32 v50, v10;
	[tilespmem:v26+s7+$0x0] =	vst.idx.msk $0xffff, v29  }
0x4cf: {  	v41 =	vor.u32 v7, v61;
	v38 =	vmul.f32 $8.000000000e+00, v38;
	v29 =	vmul.f32 $8.000000000e+00, v34;
	v34 =	vld.idx.msk [tilespmem:v60+s21+$0x0], $0xffff  }
0x4d0: {  	v49 =	vor.u32 v9, v5;
	[tilespmem:v30+s7+$0x0] =	vst.idx.msk $0xffff, v36;
	v30 =	vor.u32 v58, v24;
	v60 =	vld [tilespmem:$0x1FDB0]  }
0x4d1: {  	v56 =	vor.u32 v9, v6;
	[tilespmem:v59+s7+$0x0] =	vst.idx.msk $0xffff, v38;
	v59 =	vld [tilespmem:$0x1FDC0]  }
0x4d2: {  	v31 =	vor.u32 v0, v3;
	v27 =	vmul.f32 $8.000000000e+00, v27;
	v7 =	vld [tilespmem:$0x1FE70]  }
0x4d3: {  	v51 =	vor.u32 v58, v23;
	v52 =	vor.u32 v50, v25;
	v40 =	vld.idx.msk [tilespmem:v40+s21+$0x0], $0xffff;
	v33 =	vmul.f32 $8.000000000e+00, v33  }
0x4d4: {  	v47 =	vld [tilespmem:$0x1FF70];
	v19 =	vmul.f32 $8.000000000e+00, v19;
	[tilespmem:v41+s7+$0x0] =	vst.idx.msk $0xffff, v27  }
0x4d5: {  	v55 =	vor.u32 v50, v22;
	[tilespmem:v30+s7+$0x0] =	vst.idx.msk $0xffff, v33;
	v33 =	vld.idx.msk [tilespmem:v49+s21+$0x0], $0xffff;
	v30 =	vor.u32 v60, v21  }
0x4d6: {  	v26 =	vld.idx.msk [tilespmem:v56+s21+$0x0], $0xffff;
	v49 =	vor.u32 v59, v10  }
0x4d7: {  	v12 =	vld [tilespmem:$0x1FED0];
	[tilespmem:v31+s7+$0x0] =	vst.idx.msk $0xffff, v19;
	v27 =	vor.u32 v7, v8;
	v41 =	vor.u32 v0, v1  }
0x4d8: {  	[tilespmem:v51+s7+$0x0] =	vst.idx.msk $0xffff, v29;
	v29 =	vld.idx.msk [tilespmem:v52+s21+$0x0], $0xffff;
	v51 =	vor.u32 v0, v61;
	v37 =	vmul.f32 $8.000000000e+00, v40  }
0x4d9: {  	v19 =	vor.u32 v0, v2;
	v56 =	vor.u32 v47, v5;
	v40 =	vld.idx.msk [tilespmem:v17+s21+$0x0], $0xffff  }
0x4da: {  	v28 =	vshll.u32 v28, $0x7;
	v31 =	vor.u32 v47, v6;
	v35 =	vld.idx.msk [tilespmem:v55+s21+$0x0], $0xffff;
	v33 =	vmul.f32 $8.000000000e+00, v33;
	[tilespmem:v30+s7+$0x0] =	vst.idx.msk $0xffff, v37  }
0x4db: {  	v32 =	vor.u32 v46, v3;
	v55 =	vor.u32 v47, v4;
	v17 =	vmul.f32 $8.000000000e+00, v26;
	v36 =	vld.idx.msk [tilespmem:v49+s21+$0x0], $0xffff  }
0x4dc: {  	v52 =	vor.u32 v59, v25;
	v43 =	vor.u32 v60, v24;
	[tilespmem:v41+s7+$0x0] =	vst.idx.msk $0xffff, v33;
	v30 =	vmul.f32 $8.000000000e+00, v34;
	v49 =	vld [tilespmem:$0x1FDD0]  }
0x4dd: {  	v27 =	vld.idx.msk [tilespmem:v27+s21+$0x0], $0xffff;
	v26 =	vor.u32 v60, v23;
	[tilespmem:v51+s7+$0x0] =	vst.idx.msk $0xffff, v17;
	v17 =	vand.u32 $0x780, v28  }
0x4de: {  	v51 =	vld.idx.msk [tilespmem:v56+s21+$0x0], $0xffff;
	[tilespmem:v19+s7+$0x0] =	vst.idx.msk $0xffff, v30;
	v30 =	vor.u32 v48, v17;
	v48 =	vmul.f32 $8.000000000e+00, v40  }
0x4df: {  	v34 =	vor.u32 v59, v22;
	v28 =	vmul.f32 $8.000000000e+00, v29;
	v19 =	vld.idx.msk [tilespmem:v31+s21+$0x0], $0xffff  }
0x4e0: {  	v31 =	vmul.f32 $8.000000000e+00, v35;
	v40 =	vor.u32 v46, v1;
	v33 =	vld.idx.msk [tilespmem:v55+s21+$0x0], $0xffff;
	[tilespmem:v32+s7+$0x0] =	vst.idx.msk $0xffff, v48  }
0x4e1: {  	v55 =	vmul.f32 $8.000000000e+00, v39;
	[tilespmem:v43+s7+$0x0] =	vst.idx.msk $0xffff, v28;
	v16 =	vld.idx.msk [tilespmem:v16+s21+$0x0], $0xffff;
	v28 =	vor.u32 v49, v21  }
0x4e2: {  	[tilespmem:v26+s7+$0x0] =	vst.idx.msk $0xffff, v31;
	v26 =	vld.idx.msk [tilespmem:v52+s21+$0x0], $0xffff;
	v31 =	vor.u32 v57, v10;
	v52 =	vor.u32 v46, v61  }
0x4e3: {  	v44 =	vld [tilespmem:$0x1FDE0];
	v29 =	vor.u32 v12, v3;
	v32 =	vor.u32 v46, v2;
	v46 =	vmul.f32 $8.000000000e+00, v51  }
0x4e4: {  	v41 =	vor.u32 v45, v4;
	v48 =	vld [tilespmem:$0x1FC50];
	v36 =	vmul.f32 $8.000000000e+00, v36;
	[tilespmem:v30+s7+$0x0] =	vst.idx.msk $0xffff, v55  }
0x4e5: {  	v56 =	vor.u32 v57, v25;
	v34 =	vld.idx.msk [tilespmem:v34+s21+$0x0], $0xffff;
	v19 =	vmul.f32 $8.000000000e+00, v19;
	[tilespmem:v40+s7+$0x0] =	vst.idx.msk $0xffff, v46  }
0x4e6: {  	v35 =	vor.u32 v45, v5;
	v51 =	vld [tilespmem:$0x1FEC0];
	v30 =	vor.u32 v49, v24;
	v16 =	vmul.f32 $8.000000000e+00, v16;
	[tilespmem:v28+s7+$0x0] =	vst.idx.msk $0xffff, v36  }
0x4e7: {  	v55 =	vor.u32 v49, v23;
	v28 =	vmul.f32 $8.000000000e+00, v33;
	v31 =	vld.idx.msk [tilespmem:v31+s21+$0x0], $0xffff;
	[tilespmem:v52+s7+$0x0] =	vst.idx.msk $0xffff, v19  }
0x4e8: {  	v42 =	vld [tilespmem:$0x1FF80];
	[tilespmem:v29+s7+$0x0] =	vst.idx.msk $0xffff, v16  }
0x4e9: {  	v37 =	vor.u32 v45, v6;
	v19 =	vmul.f32 $8.000000000e+00, v26;
	[tilespmem:v32+s7+$0x0] =	vst.idx.msk $0xffff, v28;
	v15 =	vld.idx.msk [tilespmem:v15+s21+$0x0], $0xffff  }
0x4ea: {  	v34 =	vmul.f32 $8.000000000e+00, v34;
	v33 =	vor.u32 v57, v22;
	v52 =	vor.u32 v48, v63;
	v36 =	vld.idx.msk [tilespmem:v41+s21+$0x0], $0xffff  }
0x4eb: {  	[tilespmem:v30+s7+$0x0] =	vst.idx.msk $0xffff, v19;
	v19 =	vor.u32 v44, v21;
	v30 =	vld.idx.msk [tilespmem:v35+s21+$0x0], $0xffff  }
0x4ec: {  	v26 =	vor.u32 v51, v3;
	[tilespmem:v55+s7+$0x0] =	vst.idx.msk $0xffff, v34;
	v34 =	vld.idx.msk [tilespmem:v56+s21+$0x0], $0xffff  }
0x4ed: {  	v27 =	vmul.f32 $8.000000000e+00, v27;
	v16 =	vor.u32 v12, v2;
	v56 =	vld [tilespmem:$0x1FDF0]  }
0x4ee: {  	v38 =	vor.u32 v12, v1;
	v46 =	vor.u32 v42, v4;
	v28 =	vld.idx.msk [tilespmem:v37+s21+$0x0], $0xffff;
	v31 =	vmul.f32 $8.000000000e+00, v31  }
0x4ef: {  	v33 =	vld.idx.msk [tilespmem:v33+s21+$0x0], $0xffff;
	[tilespmem:v52+s7+$0x0] =	vst.idx.msk $0xffff, v27;
	v15 =	vmul.f32 $8.000000000e+00, v15  }
0x4f0: {  	v0 =	vld [tilespmem:$0x1FE40];
	v32 =	vor.u32 v42, v5;
	v27 =	vor.u32 v44, v24;
	[tilespmem:v19+s7+$0x0] =	vst.idx.msk $0xffff, v31;
	v19 =	vmul.f32 $8.000000000e+00, v36  }
0x4f1: {  	v37 =	vor.u32 v12, v61;
	v12 =	vld [tilespmem:$0x1FF00];
	v52 =	vor.u32 v44, v23;
	v30 =	vmul.f32 $8.000000000e+00, v30;
	[tilespmem:v26+s7+$0x0] =	vst.idx.msk $0xffff, v15  }
0x4f2: {  	v55 =	vor.u32 v56, v25;
	[tilespmem:v16+s7+$0x0] =	vst.idx.msk $0xffff, v19;
	v14 =	vld.idx.msk [tilespmem:v14+s21+$0x0], $0xffff  }
0x4f3: {  	v34 =	vmul.f32 $8.000000000e+00, v34;
	[tilespmem:v38+s7+$0x0] =	vst.idx.msk $0xffff, v30;
	v30 =	vld.idx.msk [tilespmem:v46+s21+$0x0], $0xffff  }
0x4f4: {  	v19 =	vmul.f32 $8.000000000e+00, v33;
	v46 =	vld [tilespmem:$0x1FE00]  }
0x4f5: {  	v35 =	vor.u32 v56, v10;
	[tilespmem:v27+s7+$0x0] =	vst.idx.msk $0xffff, v34;
	v32 =	vld.idx.msk [tilespmem:v32+s21+$0x0], $0xffff  }
0x4f6: {  	v29 =	vor.u32 v42, v6;
	[tilespmem:v52+s7+$0x0] =	vst.idx.msk $0xffff, v19;
	v52 =	vld [tilespmem:$0x1FF90]  }
0x4f7: {  	v19 =	vld.idx.msk [tilespmem:v55+s21+$0x0], $0xffff  }
0x4f8: {  	v28 =	vmul.f32 $8.000000000e+00, v28;
	v55 =	vld [tilespmem:$0x1FE20]  }
0x4f9: {  	v9 =	vld [tilespmem:$0x1FC10];
	v31 =	vor.u32 v56, v22  }
0x4fa: {  	v36 =	vor.u32 v51, v1;
	v35 =	vld.idx.msk [tilespmem:v35+s21+$0x0], $0xffff;
	[tilespmem:v37+s7+$0x0] =	vst.idx.msk $0xffff, v28;
	v28 =	vor.u32 v0, v8  }
0x4fb: {  	v16 =	vld.idx.msk [tilespmem:v29+s21+$0x0], $0xffff;
	v29 =	vor.u32 v12, v3;
	v39 =	vor.u32 v52, v5  }
0x4fc: {  	v43 =	vld [tilespmem:$0x1FF10];
	v15 =	vor.u32 v51, v2;
	v34 =	vor.u32 v51, v61;
	v27 =	vor.u32 v46, v21  }
0x4fd: {  	v51 =	vld [tilespmem:$0x1FD50];
	v14 =	vmul.f32 $8.000000000e+00, v14;
	v32 =	vmul.f32 $8.000000000e+00, v32;
	v33 =	vor.u32 v55, v10  }
0x4fe: {  	v31 =	vld.idx.msk [tilespmem:v31+s21+$0x0], $0xffff;
	v38 =	vor.u32 v46, v24;
	v40 =	vor.u32 v46, v23;
	v26 =	vor.u32 v52, v6  }
0x4ff: {  	v37 =	vor.u32 v52, v4;
	[tilespmem:v36+s7+$0x0] =	vst.idx.msk $0xffff, v32;
	v35 =	vmul.f32 $8.000000000e+00, v35;
	v28 =	vld.idx.msk [tilespmem:v28+s21+$0x0], $0xffff  }
0x500: {  	v36 =	vor.u32 v12, v1;
	v16 =	vmul.f32 $8.000000000e+00, v16;
	[tilespmem:v29+s7+$0x0] =	vst.idx.msk $0xffff, v14;
	v32 =	vld.idx.msk [tilespmem:v39+s21+$0x0], $0xffff  }
0x501: {  	[tilespmem:v27+s7+$0x0] =	vst.idx.msk $0xffff, v35;
	v27 =	vmul.f32 $8.000000000e+00, v30;
	v30 =	vor.u32 v55, v22;
	v13 =	vld.idx.msk [tilespmem:v13+s21+$0x0], $0xffff  }
0x502: {  	v41 =	vor.u32 v55, v25;
	v19 =	vmul.f32 $8.000000000e+00, v19;
	v33 =	vld.idx.msk [tilespmem:v33+s21+$0x0], $0xffff;
	[tilespmem:v34+s7+$0x0] =	vst.idx.msk $0xffff, v16  }
0x503: {  	v39 =	vor.u32 v43, v5;
	[tilespmem:v15+s7+$0x0] =	vst.idx.msk $0xffff, v27;
	v15 =	vld.idx.msk [tilespmem:v26+s21+$0x0], $0xffff;
	v26 =	vmul.f32 $8.000000000e+00, v31  }
0x504: {  	v35 =	vor.u32 v12, v61;
	v31 =	vld.idx.msk [tilespmem:v37+s21+$0x0], $0xffff;
	[tilespmem:v38+s7+$0x0] =	vst.idx.msk $0xffff, v19;
	v19 =	vor.u32 v54, v21  }
0x505: {  	v16 =	vor.u32 v9, v18;
	v34 =	vor.u32 v53, v10;
	v9 =	vld [tilespmem:$0x1FD60];
	[tilespmem:v40+s7+$0x0] =	vst.idx.msk $0xffff, v26;
	v32 =	vmul.f32 $8.000000000e+00, v32  }
0x506: {  	v14 =	vor.u32 v12, v2;
	v29 =	vor.u32 v43, v6;
	v27 =	vor.u32 v51, v3;
	v30 =	vld.idx.msk [tilespmem:v30+s21+$0x0], $0xffff  }
0x507: {  	v37 =	vor.u32 v43, v4;
	v26 =	vld.idx.msk [tilespmem:v41+s21+$0x0], $0xffff;
	v33 =	vmul.f32 $8.000000000e+00, v33;
	[tilespmem:v36+s7+$0x0] =	vst.idx.msk $0xffff, v32  }
0x508: {  	v38 =	vor.u32 v54, v24;
	v40 =	vor.u32 v54, v23;
	v15 =	vmul.f32 $8.000000000e+00, v15;
	v32 =	vld.idx.msk [tilespmem:v39+s21+$0x0], $0xffff  }
0x509: {  	v41 =	vor.u32 v53, v25;
	[tilespmem:v19+s7+$0x0] =	vst.idx.msk $0xffff, v33;
	v19 =	vmul.f32 $8.000000000e+00, v31;
	v31 =	vor.u32 v53, v22;
	v53 =	vld [tilespmem:$0x1FF20]  }
0x50a: {  	v13 =	vmul.f32 $8.000000000e+00, v13;
	v33 =	vld.idx.msk [tilespmem:v34+s21+$0x0], $0xffff;
	[tilespmem:v35+s7+$0x0] =	vst.idx.msk $0xffff, v15  }
0x50b: {  	[tilespmem:v14+s7+$0x0] =	vst.idx.msk $0xffff, v19;
	v14 =	vld.idx.msk [tilespmem:v29+s21+$0x0], $0xffff;
	v29 =	vmul.f32 $8.000000000e+00, v30  }
0x50c: {  	v16 =	vld.idx.msk [tilespmem:v16+s21+$0x0], $0xffff;
	[tilespmem:v27+s7+$0x0] =	vst.idx.msk $0xffff, v13;
	v15 =	vmul.f32 $8.000000000e+00, v26  }
0x50d: {  	v36 =	vor.u32 v51, v1;
	[tilespmem:v40+s7+$0x0] =	vst.idx.msk $0xffff, v29;
	v40 =	vld [tilespmem:$0x1FF40]  }
0x50e: {  	v30 =	vld.idx.msk [tilespmem:v37+s21+$0x0], $0xffff;
	[tilespmem:v38+s7+$0x0] =	vst.idx.msk $0xffff, v15;
	v15 =	vor.u32 v62, v21  }
0x50f: {  	v54 =	vor.u32 v7, v25;
	v12 =	vld.idx.msk [tilespmem:v11+s21+$0x0], $0xffff;
	v19 =	vor.u32 v53, v63  }
0x510: {  	v20 =	vld [tilespmem:$0x1FC20];
	v34 =	vor.u32 v7, v10;
	v35 =	vor.u32 v51, v61;
	v32 =	vmul.f32 $8.000000000e+00, v32  }
0x511: {  	v13 =	vor.u32 v51, v2;
	v26 =	vor.u32 v9, v3;
	v29 =	vld.idx.msk [tilespmem:v41+s21+$0x0], $0xffff;
	v33 =	vmul.f32 $8.000000000e+00, v33  }
0x512: {  	v28 =	vmul.f32 $8.000000000e+00, v28;
	v31 =	vld.idx.msk [tilespmem:v31+s21+$0x0], $0xffff;
	[tilespmem:v36+s7+$0x0] =	vst.idx.msk $0xffff, v32;
	v14 =	vmul.f32 $8.000000000e+00, v14;
	v27 =	vor.u32 v40, v6  }
0x513: {  	[tilespmem:v15+s7+$0x0] =	vst.idx.msk $0xffff, v33;
	v15 =	vmul.f32 $8.000000000e+00, v30;
	v30 =	vor.u32 v7, v22;
	v7 =	vld [tilespmem:$0x1FBA0];
	v37 =	vor.u32 v40, v4  }
0x514: {  	v41 =	vld [tilespmem:$0x1FFD0];
	v12 =	vmul.f32 $8.000000000e+00, v12;
	[tilespmem:v19+s7+$0x0] =	vst.idx.msk $0xffff, v28;
	v19 =	vor.u32 v62, v24;
	v28 =	vor.u32 v40, v5  }
0x515: {  	v51 =	vor.u32 v62, v23;
	v32 =	vor.u32 v9, v61;
	v33 =	vld.idx.msk [tilespmem:v34+s21+$0x0], $0xffff;
	[tilespmem:v35+s7+$0x0] =	vst.idx.msk $0xffff, v14  }
0x516: {  	v34 =	vor.u32 v9, v1;
	[tilespmem:v26+s7+$0x0] =	vst.idx.msk $0xffff, v12;
	v12 =	vor.u32 v9, v2;
	v9 =	vld [tilespmem:$0x1FD70]  }
0x517: {  	v29 =	vmul.f32 $8.000000000e+00, v29;
	[tilespmem:v13+s7+$0x0] =	vst.idx.msk $0xffff, v15;
	v13 =	vld.idx.msk [tilespmem:v27+s21+$0x0], $0xffff  }
0x518: {  	v27 =	vmul.f32 $8.000000000e+00, v31;
	v31 =	vld.idx.msk [tilespmem:v37+s21+$0x0], $0xffff  }
0x519: {  	[tilespmem:v19+s7+$0x0] =	vst.idx.msk $0xffff, v29;
	v28 =	vld.idx.msk [tilespmem:v28+s21+$0x0], $0xffff  }
0x51a: {  	v19 =	vor.u32 v48, v21;
	[tilespmem:v51+s7+$0x0] =	vst.idx.msk $0xffff, v27;
	v27 =	vld.idx.msk [tilespmem:v54+s21+$0x0], $0xffff  }
0x51b: {  	v29 =	vor.u32 v0, v10;
	v11 =	vld.idx.msk [tilespmem:v7+s21+$0x0], $0xffff  }
0x51c: {  	v7 =	vld [tilespmem:$0x1FC30]  }
0x51d: {  	v62 =	vmov v0;
	v33 =	vmul.f32 $8.000000000e+00, v33;
	v0 =	vld [tilespmem:$0x1FF50]  }
0x51e: {  	v13 =	vmul.f32 $8.000000000e+00, v13  }
0x51f: {  	v14 =	vor.u32 v41, v8;
	v15 =	vor.u32 v20, v17;
	[tilespmem:v19+s7+$0x0] =	vst.idx.msk $0xffff, v33;
	v19 =	vmul.f32 $8.000000000e+00, v31  }
0x520: {  	v29 =	vld.idx.msk [tilespmem:v29+s21+$0x0], $0xffff;
	[tilespmem:v32+s7+$0x0] =	vst.idx.msk $0xffff, v13  }
0x521: {  	v13 =	vmul.f32 $8.000000000e+00, v27;
	v27 =	vor.u32 v9, v3;
	[tilespmem:v12+s7+$0x0] =	vst.idx.msk $0xffff, v19;
	v19 =	vor.u32 v7, v18;
	v7 =	vld [tilespmem:$0x1FF30]  }
0x522: {  	v16 =	vmul.f32 $8.000000000e+00, v16;
	v36 =	vor.u32 v48, v24;
	v35 =	vor.u32 v0, v4  }
0x523: {  	v30 =	vld.idx.msk [tilespmem:v30+s21+$0x0], $0xffff;
	v26 =	vor.u32 v0, v6;
	v28 =	vmul.f32 $8.000000000e+00, v28  }
0x524: {  	v14 =	vld.idx.msk [tilespmem:v14+s21+$0x0], $0xffff;
	[tilespmem:v15+s7+$0x0] =	vst.idx.msk $0xffff, v16;
	v37 =	vor.u32 v0, v5;
	v11 =	vmul.f32 $8.000000000e+00, v11  }
0x525: {  	v51 =	vor.u32 v48, v23;
	v54 =	vor.u32 v62, v25;
	[tilespmem:v34+s7+$0x0] =	vst.idx.msk $0xffff, v28  }
0x526: {  	[tilespmem:v27+s7+$0x0] =	vst.idx.msk $0xffff, v11;
	v27 =	vor.u32 v7, v4;
	v4 =	vld [tilespmem:$0x1FBC0]  }
0x527: {  	v31 =	vor.u32 v62, v22;
	v28 =	vld.idx.msk [tilespmem:v35+s21+$0x0], $0xffff;
	[tilespmem:v36+s7+$0x0] =	vst.idx.msk $0xffff, v13;
	v13 =	vor.u32 v53, v21  }
0x528: {  	v38 =	vor.u32 v41, v10;
	v12 =	vld.idx.msk [tilespmem:v26+s21+$0x0], $0xffff;
	v26 =	vmul.f32 $8.000000000e+00, v30  }
0x529: {  	v30 =	vld.idx.msk [tilespmem:v37+s21+$0x0], $0xffff  }
0x52a: {  	v48 =	vor.u32 v9, v61;
	v29 =	vmul.f32 $8.000000000e+00, v29;
	[tilespmem:v51+s7+$0x0] =	vst.idx.msk $0xffff, v26;
	v26 =	vld.idx.msk [tilespmem:v54+s21+$0x0], $0xffff  }
0x52b: {  	v54 =	vld [tilespmem:$0x1FFA0]  }
0x52c: {  	v16 =	vor.u32 v9, v2;
	v6 =	vor.u32 v7, v6;
	v15 =	vld.idx.msk [tilespmem:v31+s21+$0x0], $0xffff;
	[tilespmem:v13+s7+$0x0] =	vst.idx.msk $0xffff, v29  }
0x52d: {  	v11 =	vor.u32 v9, v1;
	v20 =	vmul.f32 $8.000000000e+00, v12;
	v29 =	vld.idx.msk [tilespmem:v38+s21+$0x0], $0xffff  }
0x52e: {  	v51 =	vor.u32 v7, v5;
	v31 =	vor.u32 v53, v24;
	v9 =	vld.idx.msk [tilespmem:v4+s21+$0x0], $0xffff;
	v4 =	vmov v25  }
0x52f: {  	v12 =	vor.u32 v53, v23;
	v13 =	vmul.f32 $8.000000000e+00, v28;
	[tilespmem:v48+s7+$0x0] =	vst.idx.msk $0xffff, v20;
	v20 =	vld [tilespmem:$0x1FD80];
	v25 =	vor.u32 v41, v4  }
0x530: {  	v5 =	vmovc v22;
	v19 =	vld.idx.msk [tilespmem:v19+s21+$0x0], $0xffff;
	v28 =	vor.u32 v41, v22;
	v30 =	vmul.f32 $8.000000000e+00, v30;
	v22 =	vor.u32 v54, v63  }
0x531: {  	v26 =	vmul.f32 $8.000000000e+00, v26;
	[tilespmem:v16+s7+$0x0] =	vst.idx.msk $0xffff, v13;
	v13 =	vld.idx.msk [tilespmem:v6+s21+$0x0], $0xffff  }
0x532: {  	[tilespmem:v11+s7+$0x0] =	vst.idx.msk $0xffff, v30;
	v6 =	vmov v10;
	v10 =	vmul.f32 $8.000000000e+00, v15;
	v11 =	vld.idx.msk [tilespmem:v27+s21+$0x0], $0xffff  }
0x533: {  	v14 =	vmul.f32 $8.000000000e+00, v14;
	[tilespmem:v31+s7+$0x0] =	vst.idx.msk $0xffff, v26;
	v26 =	vld.idx.msk [tilespmem:v51+s21+$0x0], $0xffff  }
0x534: {  	[tilespmem:v12+s7+$0x0] =	vst.idx.msk $0xffff, v10;
	v15 =	vor.u32 v20, v3;
	v12 =	vor.u32 v20, v61;
	v10 =	vld.idx.msk [tilespmem:v25+s21+$0x0], $0xffff  }
0x535: {  	[tilespmem:v22+s7+$0x0] =	vst.idx.msk $0xffff, v14;
	v22 =	vor.u32 v20, v1;
	v25 =	vor.u32 v20, v2;
	v20 =	vld [tilespmem:$0x1FBB0];
	_ =	sdelay $0x1  }
0x536: {  	v16 =	vor.u32 v54, v21;
	_ =	sdelay $0x2  }
0x537: {  	v14 =	vmul.f32 $8.000000000e+00, v29  }
0x538: {  	v39 =	vld [tilespmem:$0x1FE50];
	v9 =	vmul.f32 $8.000000000e+00, v9  }
0x539: {  	v11 =	vmul.f32 $8.000000000e+00, v11;
	[tilespmem:v16+s7+$0x0] =	vst.idx.msk $0xffff, v14;
	v14 =	vld [tilespmem:$0x1FE60]  }
0x53a: {  	v20 =	vld.idx.msk [tilespmem:v20+s21+$0x0], $0xffff;
	[tilespmem:v15+s7+$0x0] =	vst.idx.msk $0xffff, v9;
	v9 =	vmul.f32 $8.000000000e+00, v13  }
0x53b: {  	[tilespmem:v25+s7+$0x0] =	vst.idx.msk $0xffff, v11;
	v25 =	vld [tilespmem:$0x1FFE0]  }
0x53c: {  	v3 =	vmovc v63;
	v63 =	vmov v17;
	v2 =	vmov v24;
	v24 =	vmul.f32 $8.000000000e+00, v26;
	[tilespmem:v12+s7+$0x0] =	vst.idx.msk $0xffff, v9;
	v9 =	vld [tilespmem:$0x1FE80]  }
0x53d: {  	v61 =	vmovc v21;
	v17 =	vld.idx.msk [tilespmem:v28+s21+$0x0], $0xffff;
	v21 =	vor.u32 v39, v6;
	v1 =	vmov v23;
	v23 =	vor.u32 v54, v2  }
0x53e: {  	[tilespmem:v22+s7+$0x0] =	vst.idx.msk $0xffff, v24;
	v22 =	vld [tilespmem:$0x1FFB0];
	v14 =	vor.u32 v14, v63  }
0x53f: {  	v13 =	vor.u32 v54, v1;
	v15 =	vor.u32 v39, v4  }
0x540: {  	v16 =	vor.u32 v39, v5;
	v10 =	vmul.f32 $8.000000000e+00, v10  }
0x541: {  	v19 =	vmul.f32 $8.000000000e+00, v19;
	v11 =	vor.u32 v25, v3;
	v9 =	vor.u32 v9, v18  }
0x542: {  	v17 =	vmul.f32 $8.000000000e+00, v17;
	[tilespmem:v23+s7+$0x0] =	vst.idx.msk $0xffff, v10;
	v12 =	vld.idx.msk [tilespmem:v21+s21+$0x0], $0xffff  }
0x543: {  	v24 =	vld [tilespmem:$0x1FFF0];
	[tilespmem:v14+s7+$0x0] =	vst.idx.msk $0xffff, v19;
	v21 =	vor.u32 v22, v8  }
0x544: {  	[tilespmem:v13+s7+$0x0] =	vst.idx.msk $0xffff, v17;
	v10 =	vld.idx.msk [tilespmem:v15+s21+$0x0], $0xffff;
	v13 =	vor.u32 v25, v61;
	v14 =	vmul.f32 $8.000000000e+00, v20  }
0x545: {  	v15 =	vld.idx.msk [tilespmem:v16+s21+$0x0], $0xffff;
	v16 =	vor.u32 v22, v6  }
0x546: {  	v9 =	vld.idx.msk [tilespmem:v9+s21+$0x0], $0xffff;
	[tilespmem:v11+s7+$0x0] =	vst.idx.msk $0xffff, v14;
	v11 =	vor.u32 v25, v2  }
0x547: {  	v23 =	vld [tilespmem:$0x1FFC0];
	v19 =	vor.u32 v22, v4;
	v17 =	vor.u32 v25, v1;
	v12 =	vmul.f32 $8.000000000e+00, v12  }
0x548: {  	v20 =	vor.u32 v58, v63;
	v14 =	vld.idx.msk [tilespmem:v21+s21+$0x0], $0xffff;
	v21 =	vor.u32 v22, v5  }
0x549: {  	[tilespmem:v13+s7+$0x0] =	vst.idx.msk $0xffff, v12;
	v10 =	vmul.f32 $8.000000000e+00, v10  }
0x54a: {  	v12 =	vor.u32 v50, v18;
	v13 =	vld.idx.msk [tilespmem:v16+s21+$0x0], $0xffff;
	v16 =	vor.u32 v24, v3;
	v15 =	vmul.f32 $8.000000000e+00, v15  }
0x54b: {  	v9 =	vmul.f32 $8.000000000e+00, v9;
	[tilespmem:v11+s7+$0x0] =	vst.idx.msk $0xffff, v10  }
0x54c: {  	v22 =	vor.u32 v23, v8;
	[tilespmem:v17+s7+$0x0] =	vst.idx.msk $0xffff, v15;
	v10 =	vld.idx.msk [tilespmem:v19+s21+$0x0], $0xffff  }
0x54d: {  	v11 =	vor.u32 v24, v61;
	[tilespmem:v20+s7+$0x0] =	vst.idx.msk $0xffff, v9;
	v9 =	vmul.f32 $8.000000000e+00, v14;
	v14 =	vld.idx.msk [tilespmem:v21+s21+$0x0], $0xffff  }
0x54e: {  	v15 =	vor.u32 v23, v6;
	v19 =	vor.u32 v23, v4;
	v21 =	vor.u32 v23, v5;
	v23 =	vld [tilespmem:$0x1FC60]  }
0x54f: {  	v12 =	vld.idx.msk [tilespmem:v12+s21+$0x0], $0xffff;
	[tilespmem:v16+s7+$0x0] =	vst.idx.msk $0xffff, v9;
	v9 =	vor.u32 v24, v2  }
0x550: {  	v17 =	vor.u32 v24, v1;
	v13 =	vmul.f32 $8.000000000e+00, v13;
	v24 =	vld [tilespmem:$0x1FC70]  }
0x551: {  	v20 =	vor.u32 v60, v63;
	v16 =	vld.idx.msk [tilespmem:v22+s21+$0x0], $0xffff  }
0x552: {  	[tilespmem:v11+s7+$0x0] =	vst.idx.msk $0xffff, v13;
	v11 =	vor.u32 v59, v18;
	v10 =	vmul.f32 $8.000000000e+00, v10  }
0x553: {  	v13 =	vld.idx.msk [tilespmem:v15+s21+$0x0], $0xffff;
	v15 =	vor.u32 v23, v3;
	v14 =	vmul.f32 $8.000000000e+00, v14  }
0x554: {  	v12 =	vmul.f32 $8.000000000e+00, v12;
	[tilespmem:v9+s7+$0x0] =	vst.idx.msk $0xffff, v10  }
0x555: {  	[tilespmem:v17+s7+$0x0] =	vst.idx.msk $0xffff, v14;
	v9 =	vld.idx.msk [tilespmem:v19+s21+$0x0], $0xffff  }
0x556: {  	v22 =	vor.u32 v24, v8;
	[tilespmem:v20+s7+$0x0] =	vst.idx.msk $0xffff, v12;
	v12 =	vmul.f32 $8.000000000e+00, v16;
	v14 =	vld.idx.msk [tilespmem:v21+s21+$0x0], $0xffff  }
0x557: {  	v10 =	vor.u32 v23, v61;
	v17 =	vor.u32 v23, v1;
	v11 =	vld.idx.msk [tilespmem:v11+s21+$0x0], $0xffff  }
0x558: {  	v16 =	vor.u32 v24, v6;
	[tilespmem:v15+s7+$0x0] =	vst.idx.msk $0xffff, v12;
	v12 =	vor.u32 v23, v2;
	v23 =	vld [tilespmem:$0x1FC80]  }
0x559: {  	v19 =	vor.u32 v24, v4;
	v21 =	vor.u32 v24, v5;
	v24 =	vld [tilespmem:$0x1FC90]  }
0x55a: {  	v13 =	vmul.f32 $8.000000000e+00, v13  }
0x55b: {  	v20 =	vor.u32 v49, v63;
	v15 =	vld.idx.msk [tilespmem:v22+s21+$0x0], $0xffff  }
0x55c: {  	[tilespmem:v10+s7+$0x0] =	vst.idx.msk $0xffff, v13;
	v10 =	vor.u32 v57, v18  }
0x55d: {  	v9 =	vmul.f32 $8.000000000e+00, v9;
	v13 =	vld.idx.msk [tilespmem:v16+s21+$0x0], $0xffff;
	v16 =	vor.u32 v23, v3  }
0x55e: {  	v22 =	vor.u32 v24, v8;
	v11 =	vmul.f32 $8.000000000e+00, v11  }
0x55f: {  	[tilespmem:v12+s7+$0x0] =	vst.idx.msk $0xffff, v9;
	v12 =	vor.u32 v23, v61  }
0x560: {  	v28 =	vld [tilespmem:$0x1FCA0];
	[tilespmem:v20+s7+$0x0] =	vst.idx.msk $0xffff, v11;
	v11 =	vmul.f32 $8.000000000e+00, v15;
	v15 =	vor.u32 v24, v6  }
0x561: {  	v14 =	vmul.f32 $8.000000000e+00, v14;
	v10 =	vld.idx.msk [tilespmem:v10+s21+$0x0], $0xffff  }
0x562: {  	v9 =	vld.idx.msk [tilespmem:v19+s21+$0x0], $0xffff;
	[tilespmem:v16+s7+$0x0] =	vst.idx.msk $0xffff, v11;
	v11 =	vmul.f32 $8.000000000e+00, v13  }
0x563: {  	[tilespmem:v17+s7+$0x0] =	vst.idx.msk $0xffff, v14;
	v17 =	vor.u32 v23, v1;
	v20 =	vor.u32 v44, v63;
	v13 =	vld.idx.msk [tilespmem:v22+s21+$0x0], $0xffff  }
0x564: {  	v14 =	vld.idx.msk [tilespmem:v21+s21+$0x0], $0xffff;
	v19 =	vor.u32 v24, v4;
	v21 =	vor.u32 v24, v5;
	[tilespmem:v12+s7+$0x0] =	vst.idx.msk $0xffff, v11  }
0x565: {  	v24 =	vor.u32 v28, v3;
	v16 =	vor.u32 v23, v2;
	v22 =	vor.u32 v56, v18;
	v23 =	vld.idx.msk [tilespmem:v15+s21+$0x0], $0xffff  }
0x566: {  	v10 =	vmul.f32 $8.000000000e+00, v10  }
0x567: {  	v27 =	vor.u32 v28, v61  }
0x568: {  	v7 =	vor.u32 v7, v8;
	v29 =	vld [tilespmem:$0x1FCB0];
	[tilespmem:v20+s7+$0x0] =	vst.idx.msk $0xffff, v10;
	v10 =	vmul.f32 $8.000000000e+00, v13  }
0x569: {  	[tilespmem:$0x1FBC0] =	vst v7;
	v7 =	vld [tilespmem:$0x1FE10];
	v12 =	vmul.f32 $8.000000000e+00, v9  }
0x56a: {  	v22 =	vld.idx.msk [tilespmem:v22+s21+$0x0], $0xffff;
	[tilespmem:v24+s7+$0x0] =	vst.idx.msk $0xffff, v10;
	v10 =	vmul.f32 $8.000000000e+00, v23  }
0x56b: {  	s24 =	sadd.s32 $0x3, s17;
	v11 =	vor.u32 v0, v8;
	v0 =	vld [tilespmem:$0x1FD40];
	v9 =	vlaneseq.u32;
	[tilespmem:v16+s7+$0x0] =	vst.idx.msk $0xffff, v12  }
0x56c: {  	v26 =	vld.idx.msk [tilespmem:v19+s21+$0x0], $0xffff;
	[tilespmem:v27+s7+$0x0] =	vst.idx.msk $0xffff, v10;
	v10 =	vadd.s32 s24, v9  }
0x56d: {  	v25 =	vor.u32 v29, v8;
	v14 =	vmul.f32 $8.000000000e+00, v14;
	v10 =	vand.u32 $0xF, v10  }
0x56e: {  	v13 =	vor.u32 v43, v8;
	v43 =	vmovc v7;
	v24 =	vor.u32 v28, v2;
	v33 =	vor.u32 v7, v10;
	v7 =	vld [tilespmem:$0x1FD20]  }
0x56f: {  	v56 =	vld [tilespmem:$0x1FCC0];
	[tilespmem:v17+s7+$0x0] =	vst.idx.msk $0xffff, v14  }
0x570: {  	v20 =	vld.idx.msk [tilespmem:v21+s21+$0x0], $0xffff  }
0x571: {  	v19 =	vor.u32 v0, v8;
	v0 =	vld [tilespmem:$0x1FEA0];
	v26 =	vmul.f32 $8.000000000e+00, v26  }
0x572: {  	v21 =	vor.u32 v29, v6;
	v23 =	vld.idx.msk [tilespmem:v25+s21+$0x0], $0xffff  }
0x573: {  	v25 =	vor.u32 v28, v1;
	[tilespmem:v24+s7+$0x0] =	vst.idx.msk $0xffff, v26;
	v26 =	vor.u32 v7, v8;
	v7 =	vld [tilespmem:$0x1FCE0];
	_ =	sdelay $0x1  }
0x574: {  	v28 =	vor.u32 v29, v4  }
0x575: {  	v29 =	vor.u32 v29, v5;
	v20 =	vmul.f32 $8.000000000e+00, v20;
	v27 =	vor.u32 v46, v63  }
0x576: {  	v30 =	vor.u32 v55, v18;
	v57 =	vor.u32 v40, v8;
	v58 =	vor.u32 v56, v3;
	v31 =	vld.idx.msk [tilespmem:v21+s21+$0x0], $0xffff  }
0x577: {  	p0 =	slt.u32 s17, $0xC;
	v60 =	vor.u32 v0, v8;
	[tilespmem:v25+s7+$0x0] =	vst.idx.msk $0xffff, v20;
	v25 =	vmul.f32 $8.000000000e+00, v23;
	v23 =	vor.u32 v7, v8;
	v7 =	vld [tilespmem:$0x1FD00]  }
.Ltmp4:
0x578: {  	v15 =	vor.u32 v42, v8;
	v14 =	vor.u32 v52, v8;
	v59 =	vmul.f32 $8.000000000e+00, v22;
	(pc) =	sbr.rel @p0 .LBB2_9-.Ltmp4, $4  }
0x579: {  	v17 =	vor.u32 v47, v8;
	v16 =	vor.u32 v45, v8;
	v22 =	vor.u32 v56, v61;
	v21 =	vld.idx.msk [tilespmem:v28+s21+$0x0], $0xffff  }
0x57a: {  	v24 =	vor.u32 v0, v6;
	v28 =	vor.u32 v56, v1;
	v20 =	vld.idx.msk [tilespmem:v29+s21+$0x0], $0xffff;
	[tilespmem:v27+s7+$0x0] =	vst.idx.msk $0xffff, v59  }
0x57b: {  	s24 =	sadd.s32 $0x2, s17;
	v29 =	vor.u32 v56, v2;
	v32 =	vld.idx.msk [tilespmem:v30+s21+$0x0], $0xffff;
	[tilespmem:v58+s7+$0x0] =	vst.idx.msk $0xffff, v25;
	v31 =	vmul.f32 $8.000000000e+00, v31  }
0x57c: {  	s8 =	sadd.s32 $0x1, s17;
	s17 =	sadd.s32 $0x4, s17;
	v25 =	vadd.s32 s24, v9;
	v30 =	vor.u32 v0, v4;
	v27 =	vor.u32 v7, v8;
	v8 =	vmovc v18;
	v18 =	vld.idx.msk [tilespmem:v60+s21+$0x0], $0xffff  }
0x57d: {  	_ =	sdelay $0x1  }
0x57e: {  	v42 =	vand.u32 $0xF, v25  }
0x57f: {  	v25 =	vor.u32 v43, v42  }
0x580: {  	v33 =	vld.idx.msk [tilespmem:v33+s21+$0x0], $0xffff  }
0x581: {  	v0 =	vlaneseq.u32;
	v59 =	vshll.u32 v10, $0x7;
	v9 =	vld [tilespmem:$0x1FC10]  }
0x582: {  	v35 =	vor.u32 v0, v59  }
0x583: {  	v34 =	vadd.s32 s8, v0  }
0x584: {  	v44 =	vand.u32 $0xF, v34;
	v25 =	vld.idx.msk [tilespmem:v25+s21+$0x0], $0xffff  }
0x585: {  	v45 =	vshll.u32 v42, $0x7;
	v34 =	vor.u32 v43, v44;
	v33 =	vmul.f32 $8.000000000e+00, v33  }
0x586: {  	v37 =	vor.u32 v0, v45;
	v36 =	vor.u32 v9, v10  }
0x587: {  	[tilespmem:v35+s7+$0x0] =	vst.idx.msk $0xffff, v33  }
0x588: {  	v39 =	vor.u32 v9, v42;
	v58 =	vor.u32 v9, v44;
	v9 =	vld [tilespmem:$0x1FC20]  }
0x589: {  	v25 =	vmul.f32 $8.000000000e+00, v25  }
0x58a: {  	v34 =	vld.idx.msk [tilespmem:v34+s21+$0x0], $0xffff  }
0x58b: {  	v46 =	vshll.u32 v44, $0x7;
	v35 =	vld.idx.msk [tilespmem:v36+s21+$0x0], $0xffff;
	[tilespmem:v37+s7+$0x0] =	vst.idx.msk $0xffff, v25  }
0x58c: {  	v38 =	vor.u32 v0, v46;
	v40 =	vld [tilespmem:$0x1FC30]  }
0x58d: {  	v60 =	vor.u32 v9, v59;
	v0 =	vld.idx.msk [tilespmem:v39+s21+$0x0], $0xffff;
	_ =	sdelay $0x1  }
0x58e: {  	v34 =	vmul.f32 $8.000000000e+00, v34;
	v12 =	vor.u32 v9, v45  }
0x58f: {  	v35 =	vmul.f32 $8.000000000e+00, v35  }
0x590: {  	[tilespmem:v38+s7+$0x0] =	vst.idx.msk $0xffff, v34;
	v25 =	vor.u32 v40, v10  }
0x591: {  	[tilespmem:v60+s7+$0x0] =	vst.idx.msk $0xffff, v35;
	v34 =	vmul.f32 $8.000000000e+00, v0  }
0x592: {  	v53 =	vld [tilespmem:$0x1FE60]  }
0x593: {  	v33 =	vld.idx.msk [tilespmem:v58+s21+$0x0], $0xffff;
	v50 =	vor.u32 v40, v42;
	[tilespmem:v12+s7+$0x0] =	vst.idx.msk $0xffff, v34  }
0x594: {  	v54 =	vld [tilespmem:$0x1FE80]  }
0x595: {  	v47 =	vor.u32 v9, v46;
	v25 =	vld.idx.msk [tilespmem:v25+s21+$0x0], $0xffff;
	_ =	sdelay $0x1  }
0x596: {  	v58 =	vor.u32 v40, v44;
	v60 =	vor.u32 v53, v59  }
0x597: {  	v33 =	vmul.f32 $8.000000000e+00, v33;
	v12 =	vld.idx.msk [tilespmem:v50+s21+$0x0], $0xffff;
	_ =	sdelay $0x1  }
0x598: {  	[tilespmem:v47+s7+$0x0] =	vst.idx.msk $0xffff, v33;
	v47 =	vor.u32 v53, v45;
	v0 =	vor.u32 v54, v10;
	v25 =	vmul.f32 $8.000000000e+00, v25;
	_ =	sdelay $0x1  }
0x599: {  	v35 =	vld.idx.msk [tilespmem:v58+s21+$0x0], $0xffff;
	v51 =	vor.u32 v54, v42;
	[tilespmem:v60+s7+$0x0] =	vst.idx.msk $0xffff, v25  }
0x59a: {  	v33 =	vmul.f32 $8.000000000e+00, v12;
	v55 =	vld [tilespmem:$0x1FD90];
	_ =	sdelay $0x1  }
0x59b: {  	v50 =	vor.u32 v53, v46;
	v34 =	vld.idx.msk [tilespmem:v0+s21+$0x0], $0xffff;
	[tilespmem:v47+s7+$0x0] =	vst.idx.msk $0xffff, v33  }
0x59c: {  	v25 =	vor.u32 v54, v44;
	v56 =	vld [tilespmem:$0x1FDA0]  }
0x59d: {  	v12 =	vld.idx.msk [tilespmem:v51+s21+$0x0], $0xffff  }
0x59e: {  	v35 =	vmul.f32 $8.000000000e+00, v35;
	v60 =	vor.u32 v55, v59  }
0x59f: {  	v47 =	vor.u32 v55, v45  }
0x5a0: {  	[tilespmem:v50+s7+$0x0] =	vst.idx.msk $0xffff, v35  }
0x5a1: {  	v25 =	vld.idx.msk [tilespmem:v25+s21+$0x0], $0xffff;
	v34 =	vmul.f32 $8.000000000e+00, v34  }
0x5a2: {  	v0 =	vor.u32 v56, v10;
	v35 =	vmul.f32 $8.000000000e+00, v12  }
0x5a3: {  	v50 =	vor.u32 v55, v46;
	v51 =	vor.u32 v56, v42;
	[tilespmem:v60+s7+$0x0] =	vst.idx.msk $0xffff, v34  }
0x5a4: {  	v58 =	vld [tilespmem:$0x1FDB0];
	[tilespmem:v47+s7+$0x0] =	vst.idx.msk $0xffff, v35  }
0x5a5: {  	v7 =	vld [tilespmem:$0x1FDC0]  }
0x5a6: {  	v25 =	vmul.f32 $8.000000000e+00, v25  }
0x5a7: {  	v33 =	vld.idx.msk [tilespmem:v0+s21+$0x0], $0xffff  }
0x5a8: {  	[tilespmem:v50+s7+$0x0] =	vst.idx.msk $0xffff, v25;
	v25 =	vld.idx.msk [tilespmem:v51+s21+$0x0], $0xffff  }
0x5a9: {  	v52 =	vor.u32 v56, v44;
	v60 =	vor.u32 v58, v59  }
0x5aa: {  	v47 =	vor.u32 v58, v45;
	v12 =	vor.u32 v7, v10;
	_ =	sdelay $0x1  }
0x5ab: {  	v33 =	vmul.f32 $8.000000000e+00, v33  }
0x5ac: {  	v25 =	vmul.f32 $8.000000000e+00, v25  }
0x5ad: {  	v34 =	vld.idx.msk [tilespmem:v52+s21+$0x0], $0xffff;
	v51 =	vor.u32 v7, v42;
	[tilespmem:v60+s7+$0x0] =	vst.idx.msk $0xffff, v33  }
0x5ae: {  	[tilespmem:v47+s7+$0x0] =	vst.idx.msk $0xffff, v25;
	v35 =	vld.idx.msk [tilespmem:v12+s21+$0x0], $0xffff  }
0x5af: {  	v50 =	vor.u32 v58, v46;
	v60 =	vld [tilespmem:$0x1FEF0]  }
0x5b0: {  	v58 =	vor.u32 v49, v59;
	_ =	sdelay $0x1  }
0x5b1: {  	v34 =	vmul.f32 $8.000000000e+00, v34;
	v12 =	vld.idx.msk [tilespmem:v51+s21+$0x0], $0xffff  }
0x5b2: {  	v52 =	vor.u32 v7, v44;
	v35 =	vmul.f32 $8.000000000e+00, v35  }
0x5b3: {  	v47 =	vor.u32 v49, v45;
	[tilespmem:v50+s7+$0x0] =	vst.idx.msk $0xffff, v34;
	v25 =	vor.u32 v60, v10  }
0x5b4: {  	[tilespmem:v58+s7+$0x0] =	vst.idx.msk $0xffff, v35  }
0x5b5: {  	v58 =	vld [tilespmem:$0x1FDE0]  }
0x5b6: {  	v34 =	vmul.f32 $8.000000000e+00, v12  }
0x5b7: {  	v33 =	vld.idx.msk [tilespmem:v52+s21+$0x0], $0xffff  }
0x5b8: {  	v51 =	vor.u32 v60, v42;
	[tilespmem:v47+s7+$0x0] =	vst.idx.msk $0xffff, v34;
	v25 =	vld.idx.msk [tilespmem:v25+s21+$0x0], $0xffff  }
0x5b9: {  	v50 =	vor.u32 v49, v46;
	v7 =	vld [tilespmem:$0x1FDF0]  }
0x5ba: {  	v52 =	vor.u32 v60, v44;
	v60 =	vor.u32 v58, v59;
	_ =	sdelay $0x1  }
0x5bb: {  	v33 =	vmul.f32 $8.000000000e+00, v33  }
0x5bc: {  	v47 =	vld.idx.msk [tilespmem:v51+s21+$0x0], $0xffff;
	v25 =	vmul.f32 $8.000000000e+00, v25  }
0x5bd: {  	[tilespmem:v50+s7+$0x0] =	vst.idx.msk $0xffff, v33;
	v12 =	vor.u32 v7, v10  }
0x5be: {  	v48 =	vmov v49;
	v35 =	vld.idx.msk [tilespmem:v52+s21+$0x0], $0xffff;
	v49 =	vor.u32 v58, v45;
	[tilespmem:v60+s7+$0x0] =	vst.idx.msk $0xffff, v25  }
0x5bf: {  	v52 =	vld [tilespmem:$0x1FE00];
	_ =	sdelay $0x1  }
0x5c0: {  	v33 =	vmul.f32 $8.000000000e+00, v47  }
0x5c1: {  	v34 =	vld.idx.msk [tilespmem:v12+s21+$0x0], $0xffff  }
0x5c2: {  	v50 =	vor.u32 v58, v46;
	[tilespmem:v49+s7+$0x0] =	vst.idx.msk $0xffff, v33  }
0x5c3: {  	v51 =	vor.u32 v7, v42;
	v25 =	vor.u32 v7, v44;
	v7 =	vld [tilespmem:$0x1FE20];
	v58 =	vor.u32 v52, v59;
	_ =	sdelay $0x1  }
0x5c4: {  	v35 =	vmul.f32 $8.000000000e+00, v35  }
0x5c5: {  	v34 =	vmul.f32 $8.000000000e+00, v34  }
0x5c6: {  	[tilespmem:v50+s7+$0x0] =	vst.idx.msk $0xffff, v35  }
0x5c7: {  	v60 =	vor.u32 v7, v10;
	[tilespmem:v58+s7+$0x0] =	vst.idx.msk $0xffff, v34  }
0x5c8: {  	v47 =	vor.u32 v52, v45;
	v49 =	vor.u32 v52, v46;
	v52 =	vld [tilespmem:$0x1FE30]  }
0x5c9: {  	v12 =	vld.idx.msk [tilespmem:v51+s21+$0x0], $0xffff  }
0x5ca: {  	v25 =	vld.idx.msk [tilespmem:v25+s21+$0x0], $0xffff;
	_ =	sdelay $0x1  }
0x5cb: {  	v33 =	vld.idx.msk [tilespmem:v60+s21+$0x0], $0xffff  }
0x5cc: {  	v50 =	vor.u32 v7, v42;
	v51 =	vor.u32 v7, v44;
	v7 =	vld [tilespmem:$0x1FE90];
	v58 =	vor.u32 v52, v63  }
0x5cd: {  	v35 =	vmul.f32 $8.000000000e+00, v12;
	v41 =	vor.u32 v52, v59  }
0x5ce: {  	v25 =	vmul.f32 $8.000000000e+00, v25  }
0x5cf: {  	v32 =	vmul.f32 $8.000000000e+00, v32;
	[tilespmem:v47+s7+$0x0] =	vst.idx.msk $0xffff, v35  }
0x5d0: {  	[tilespmem:v49+s7+$0x0] =	vst.idx.msk $0xffff, v25;
	v33 =	vmul.f32 $8.000000000e+00, v33  }
0x5d1: {  	v60 =	vor.u32 v7, v8;
	[tilespmem:v58+s7+$0x0] =	vst.idx.msk $0xffff, v32  }
0x5d2: {  	v12 =	vor.u32 v7, v10;
	[tilespmem:v41+s7+$0x0] =	vst.idx.msk $0xffff, v33  }
0x5d3: {  	v47 =	vor.u32 v52, v45;
	v49 =	vor.u32 v52, v46;
	v52 =	vld [tilespmem:$0x1FC40]  }
0x5d4: {  	v25 =	vld.idx.msk [tilespmem:v50+s21+$0x0], $0xffff  }
0x5d5: {  	v34 =	vld.idx.msk [tilespmem:v51+s21+$0x0], $0xffff  }
0x5d6: {  	v36 =	vld.idx.msk [tilespmem:v60+s21+$0x0], $0xffff  }
0x5d7: {  	v35 =	vld.idx.msk [tilespmem:v12+s21+$0x0], $0xffff  }
0x5d8: {  	v50 =	vor.u32 v7, v42;
	v51 =	vor.u32 v7, v44;
	v7 =	vld [tilespmem:$0x1FE70];
	v58 =	vor.u32 v52, v63  }
0x5d9: {  	v25 =	vmul.f32 $8.000000000e+00, v25;
	v12 =	vor.u32 v52, v59  }
0x5da: {  	v34 =	vmul.f32 $8.000000000e+00, v34  }
0x5db: {  	[tilespmem:v47+s7+$0x0] =	vst.idx.msk $0xffff, v25;
	v47 =	vmul.f32 $8.000000000e+00, v36  }
0x5dc: {  	[tilespmem:v49+s7+$0x0] =	vst.idx.msk $0xffff, v34;
	v35 =	vmul.f32 $8.000000000e+00, v35  }
0x5dd: {  	v60 =	vor.u32 v7, v8;
	[tilespmem:v58+s7+$0x0] =	vst.idx.msk $0xffff, v47  }
0x5de: {  	v25 =	vor.u32 v7, v10;
	[tilespmem:v12+s7+$0x0] =	vst.idx.msk $0xffff, v35  }
0x5df: {  	v0 =	vld [tilespmem:$0x1FC50]  }
0x5e0: {  	v49 =	vld.idx.msk [tilespmem:v50+s21+$0x0], $0xffff  }
0x5e1: {  	v33 =	vld.idx.msk [tilespmem:v51+s21+$0x0], $0xffff  }
0x5e2: {  	v50 =	vor.u32 v52, v45;
	v51 =	vld.idx.msk [tilespmem:v60+s21+$0x0], $0xffff  }
0x5e3: {  	v52 =	vor.u32 v52, v46;
	v25 =	vld.idx.msk [tilespmem:v25+s21+$0x0], $0xffff  }
0x5e4: {  	v12 =	vor.u32 v0, v63  }
0x5e5: {  	v34 =	vmul.f32 $8.000000000e+00, v49;
	v58 =	vor.u32 v7, v42;
	v49 =	vor.u32 v0, v59  }
0x5e6: {  	v33 =	vmul.f32 $8.000000000e+00, v33  }
0x5e7: {  	v60 =	vor.u32 v7, v44;
	[tilespmem:v50+s7+$0x0] =	vst.idx.msk $0xffff, v34;
	v51 =	vmul.f32 $8.000000000e+00, v51  }
0x5e8: {  	[tilespmem:v52+s7+$0x0] =	vst.idx.msk $0xffff, v33;
	v25 =	vmul.f32 $8.000000000e+00, v25  }
0x5e9: {  	v47 =	vor.u32 v62, v8;
	[tilespmem:v12+s7+$0x0] =	vst.idx.msk $0xffff, v51  }
0x5ea: {  	v50 =	vor.u32 v62, v10;
	v52 =	vld.idx.msk [tilespmem:v58+s21+$0x0], $0xffff;
	[tilespmem:v49+s7+$0x0] =	vst.idx.msk $0xffff, v25  }
0x5eb: {  	v49 =	vld [tilespmem:$0x1FF20]  }
0x5ec: {  	v35 =	vld.idx.msk [tilespmem:v60+s21+$0x0], $0xffff  }
0x5ed: {  	v60 =	vor.u32 v0, v45;
	v7 =	vld [tilespmem:$0x1FFD0]  }
0x5ee: {  	v12 =	vor.u32 v0, v46;
	v58 =	vld.idx.msk [tilespmem:v47+s21+$0x0], $0xffff;
	v47 =	vor.u32 v62, v42  }
0x5ef: {  	v25 =	vor.u32 v62, v44;
	v32 =	vld.idx.msk [tilespmem:v50+s21+$0x0], $0xffff  }
0x5f0: {  	v33 =	vmul.f32 $8.000000000e+00, v52;
	v50 =	vor.u32 v49, v63  }
0x5f1: {  	v35 =	vmul.f32 $8.000000000e+00, v35;
	v52 =	vor.u32 v49, v59  }
0x5f2: {  	[tilespmem:v60+s7+$0x0] =	vst.idx.msk $0xffff, v33;
	v51 =	vor.u32 v7, v8  }
0x5f3: {  	[tilespmem:v12+s7+$0x0] =	vst.idx.msk $0xffff, v35;
	v62 =	vmul.f32 $8.000000000e+00, v58;
	v35 =	vld.idx.msk [tilespmem:v47+s21+$0x0], $0xffff  }
0x5f4: {  	v25 =	vld.idx.msk [tilespmem:v25+s21+$0x0], $0xffff;
	v32 =	vmul.f32 $8.000000000e+00, v32  }
0x5f5: {  	v12 =	vor.u32 v49, v45;
	[tilespmem:v50+s7+$0x0] =	vst.idx.msk $0xffff, v62  }
0x5f6: {  	v40 =	vor.u32 v49, v46;
	v39 =	vld [tilespmem:$0x1FE50];
	[tilespmem:v52+s7+$0x0] =	vst.idx.msk $0xffff, v32  }
0x5f7: {  	v21 =	vmul.f32 $8.000000000e+00, v21;
	v58 =	vld.idx.msk [tilespmem:v51+s21+$0x0], $0xffff;
	[tilespmem:v22+s7+$0x0] =	vst.idx.msk $0xffff, v31  }
0x5f8: {  	v35 =	vmul.f32 $8.000000000e+00, v35;
	v51 =	vld [tilespmem:$0x1FEA0]  }
0x5f9: {  	v60 =	vor.u32 v7, v10;
	v25 =	vmul.f32 $8.000000000e+00, v25;
	v62 =	vld [tilespmem:$0x1FFA0];
	[tilespmem:v29+s7+$0x0] =	vst.idx.msk $0xffff, v21  }
0x5fa: {  	[tilespmem:v12+s7+$0x0] =	vst.idx.msk $0xffff, v35  }
0x5fb: {  	[tilespmem:v40+s7+$0x0] =	vst.idx.msk $0xffff, v25  }
0x5fc: {  	v12 =	vld [tilespmem:$0x1FCD0];
	_ =	sdelay $0x1  }
0x5fd: {  	v31 =	vld.idx.msk [tilespmem:v60+s21+$0x0], $0xffff  }
0x5fe: {  	v50 =	vor.u32 v62, v63  }
0x5ff: {  	v29 =	vor.u32 v62, v59  }
0x600: {  	v20 =	vmul.f32 $8.000000000e+00, v20;
	v25 =	vor.u32 v12, v3  }
0x601: {  	v60 =	vmul.f32 $8.000000000e+00, v58  }
0x602: {  	v47 =	vor.u32 v7, v42;
	[tilespmem:v28+s7+$0x0] =	vst.idx.msk $0xffff, v20;
	v28 =	vmul.f32 $8.000000000e+00, v31  }
0x603: {  	v18 =	vmul.f32 $8.000000000e+00, v18;
	v22 =	vor.u32 v7, v44;
	v24 =	vld.idx.msk [tilespmem:v24+s21+$0x0], $0xffff;
	[tilespmem:v50+s7+$0x0] =	vst.idx.msk $0xffff, v60  }
0x604: {  	v30 =	vld.idx.msk [tilespmem:v30+s21+$0x0], $0xffff;
	v21 =	vor.u32 v39, v8;
	[tilespmem:v29+s7+$0x0] =	vst.idx.msk $0xffff, v28  }
0x605: {  	v52 =	vor.u32 v39, v10;
	v40 =	vld [tilespmem:$0x1FCE0];
	[tilespmem:v25+s7+$0x0] =	vst.idx.msk $0xffff, v18  }
0x606: {  	v49 =	vor.u32 v51, v5;
	v60 =	vld [tilespmem:$0x1FFE0]  }
0x607: {  	v32 =	vld.idx.msk [tilespmem:v47+s21+$0x0], $0xffff;
	v20 =	vor.u32 v12, v61  }
0x608: {  	v22 =	vld.idx.msk [tilespmem:v22+s21+$0x0], $0xffff  }
0x609: {  	v0 =	vor.u32 v62, v45;
	v21 =	vld.idx.msk [tilespmem:v21+s21+$0x0], $0xffff  }
0x60a: {  	v58 =	vor.u32 v62, v46;
	v24 =	vmul.f32 $8.000000000e+00, v24;
	v34 =	vld.idx.msk [tilespmem:v52+s21+$0x0], $0xffff  }
0x60b: {  	v31 =	vld.idx.msk [tilespmem:v49+s21+$0x0], $0xffff;
	v49 =	vor.u32 v60, v63  }
0x60c: {  	v25 =	vmul.f32 $8.000000000e+00, v32;
	[tilespmem:v20+s7+$0x0] =	vst.idx.msk $0xffff, v24;
	v24 =	vor.u32 v60, v59  }
0x60d: {  	v18 =	vor.u32 v12, v2;
	v20 =	vmul.f32 $8.000000000e+00, v22;
	v52 =	vld [tilespmem:$0x1FFB0]  }
0x60e: {  	v47 =	vor.u32 v39, v42;
	v50 =	vor.u32 v12, v1;
	[tilespmem:v0+s7+$0x0] =	vst.idx.msk $0xffff, v25;
	v21 =	vmul.f32 $8.000000000e+00, v21  }
0x60f: {  	[tilespmem:v58+s7+$0x0] =	vst.idx.msk $0xffff, v20;
	v34 =	vmul.f32 $8.000000000e+00, v34  }
0x610: {  	v29 =	vor.u32 v39, v44;
	v9 =	vld [tilespmem:$0x1FCF0];
	[tilespmem:v49+s7+$0x0] =	vst.idx.msk $0xffff, v21;
	v21 =	vmul.f32 $8.000000000e+00, v30  }
0x611: {  	v28 =	vor.u32 v40, v6;
	v30 =	vmul.f32 $8.000000000e+00, v31;
	[tilespmem:v24+s7+$0x0] =	vst.idx.msk $0xffff, v34  }
0x612: {  	v23 =	vld.idx.msk [tilespmem:v23+s21+$0x0], $0xffff;
	v22 =	vor.u32 v52, v8;
	[tilespmem:v18+s7+$0x0] =	vst.idx.msk $0xffff, v21  }
0x613: {  	v20 =	vld.idx.msk [tilespmem:v47+s21+$0x0], $0xffff;
	v25 =	vor.u32 v52, v10;
	[tilespmem:v50+s7+$0x0] =	vst.idx.msk $0xffff, v30  }
0x614: {  	v0 =	vor.u32 v40, v4;
	v50 =	vld [tilespmem:$0x1FFF0]  }
0x615: {  	v29 =	vld.idx.msk [tilespmem:v29+s21+$0x0], $0xffff;
	v47 =	vor.u32 v40, v5;
	v41 =	vor.u32 v9, v3  }
0x616: {  	v28 =	vld.idx.msk [tilespmem:v28+s21+$0x0], $0xffff;
	v31 =	vor.u32 v60, v45  }
0x617: {  	v58 =	vor.u32 v52, v42;
	v24 =	vor.u32 v60, v46;
	v22 =	vld.idx.msk [tilespmem:v22+s21+$0x0], $0xffff  }
0x618: {  	v18 =	vmul.f32 $8.000000000e+00, v23;
	v21 =	vor.u32 v52, v44;
	v23 =	vld.idx.msk [tilespmem:v25+s21+$0x0], $0xffff  }
0x619: {  	v20 =	vmul.f32 $8.000000000e+00, v20;
	v25 =	vld.idx.msk [tilespmem:v0+s21+$0x0], $0xffff;
	v30 =	vor.u32 v50, v63  }
0x61a: {  	v34 =	vld.idx.msk [tilespmem:v47+s21+$0x0], $0xffff;
	v47 =	vor.u32 v9, v61;
	[tilespmem:v41+s7+$0x0] =	vst.idx.msk $0xffff, v18;
	v18 =	vmul.f32 $8.000000000e+00, v29  }
0x61b: {  	v49 =	vld [tilespmem:$0x1FFC0];
	[tilespmem:v31+s7+$0x0] =	vst.idx.msk $0xffff, v20;
	v31 =	vor.u32 v9, v2  }
0x61c: {  	[tilespmem:v24+s7+$0x0] =	vst.idx.msk $0xffff, v18;
	v18 =	vld.idx.msk [tilespmem:v58+s21+$0x0], $0xffff;
	v22 =	vmul.f32 $8.000000000e+00, v22;
	v0 =	vor.u32 v50, v59  }
0x61d: {  	v28 =	vmul.f32 $8.000000000e+00, v28;
	v21 =	vld.idx.msk [tilespmem:v21+s21+$0x0], $0xffff  }
0x61e: {  	v41 =	vld [tilespmem:$0x1FD00];
	v25 =	vmul.f32 $8.000000000e+00, v25;
	[tilespmem:v30+s7+$0x0] =	vst.idx.msk $0xffff, v22;
	v22 =	vor.u32 v50, v45  }
0x61f: {  	v23 =	vmul.f32 $8.000000000e+00, v23;
	[tilespmem:v47+s7+$0x0] =	vst.idx.msk $0xffff, v28;
	v30 =	vor.u32 v50, v46  }
0x620: {  	[tilespmem:v31+s7+$0x0] =	vst.idx.msk $0xffff, v25  }
0x621: {  	v29 =	vor.u32 v49, v8;
	v18 =	vmul.f32 $8.000000000e+00, v18;
	[tilespmem:v0+s7+$0x0] =	vst.idx.msk $0xffff, v23  }
0x622: {  	v20 =	vor.u32 v49, v10;
	v21 =	vmul.f32 $8.000000000e+00, v21;
	v37 =	vld [tilespmem:$0x1FC60]  }
0x623: {  	v38 =	vld [tilespmem:$0x1FC70];
	[tilespmem:v22+s7+$0x0] =	vst.idx.msk $0xffff, v18  }
0x624: {  	[tilespmem:v30+s7+$0x0] =	vst.idx.msk $0xffff, v21  }
0x625: {  	v24 =	vor.u32 v41, v6;
	v7 =	vld [tilespmem:$0x1FD10]  }
0x626: {  	v36 =	vor.u32 v49, v42;
	v29 =	vld.idx.msk [tilespmem:v29+s21+$0x0], $0xffff  }
0x627: {  	v28 =	vor.u32 v49, v44;
	v23 =	vor.u32 v9, v1;
	v20 =	vld.idx.msk [tilespmem:v20+s21+$0x0], $0xffff  }
0x628: {  	v27 =	vld.idx.msk [tilespmem:v27+s21+$0x0], $0xffff;
	v0 =	vor.u32 v41, v5;
	v25 =	vor.u32 v37, v63  }
0x629: {  	v31 =	vor.u32 v38, v8;
	v47 =	vor.u32 v37, v59  }
0x62a: {  	v58 =	vor.u32 v41, v4;
	v24 =	vld.idx.msk [tilespmem:v24+s21+$0x0], $0xffff;
	v18 =	vmul.f32 $8.000000000e+00, v34;
	v21 =	vor.u32 v7, v3  }
0x62b: {  	v30 =	vld.idx.msk [tilespmem:v36+s21+$0x0], $0xffff;
	v29 =	vmul.f32 $8.000000000e+00, v29  }
0x62c: {  	[tilespmem:v23+s7+$0x0] =	vst.idx.msk $0xffff, v18;
	v23 =	vld.idx.msk [tilespmem:v28+s21+$0x0], $0xffff;
	v20 =	vmul.f32 $8.000000000e+00, v20;
	v18 =	vor.u32 v7, v61  }
0x62d: {  	v27 =	vmul.f32 $8.000000000e+00, v27;
	v28 =	vld.idx.msk [tilespmem:v0+s21+$0x0], $0xffff;
	[tilespmem:v25+s7+$0x0] =	vst.idx.msk $0xffff, v29;
	v25 =	vor.u32 v37, v45  }
0x62e: {  	v0 =	vor.u32 v38, v42;
	[tilespmem:v47+s7+$0x0] =	vst.idx.msk $0xffff, v20;
	v29 =	vld.idx.msk [tilespmem:v31+s21+$0x0], $0xffff;
	v31 =	vor.u32 v37, v46  }
0x62f: {  	v22 =	vld.idx.msk [tilespmem:v58+s21+$0x0], $0xffff;
	v24 =	vmul.f32 $8.000000000e+00, v24;
	[tilespmem:v21+s7+$0x0] =	vst.idx.msk $0xffff, v27  }
0x630: {  	v58 =	vor.u32 v38, v10;
	v34 =	vor.u32 v38, v44;
	v27 =	vmul.f32 $8.000000000e+00, v30;
	v38 =	vld [tilespmem:$0x1FD20]  }
0x631: {  	v36 =	vld [tilespmem:$0x1FC80];
	[tilespmem:v18+s7+$0x0] =	vst.idx.msk $0xffff, v24;
	v18 =	vmul.f32 $8.000000000e+00, v23  }
0x632: {  	v37 =	vld [tilespmem:$0x1FC90];
	[tilespmem:v25+s7+$0x0] =	vst.idx.msk $0xffff, v27  }
0x633: {  	[tilespmem:v31+s7+$0x0] =	vst.idx.msk $0xffff, v18;
	v18 =	vld.idx.msk [tilespmem:v0+s21+$0x0], $0xffff  }
0x634: {  	v0 =	vld [tilespmem:$0x1FD30]  }
0x635: {  	v20 =	vor.u32 v7, v2  }
0x636: {  	v47 =	vor.u32 v7, v1;
	v32 =	vld.idx.msk [tilespmem:v58+s21+$0x0], $0xffff  }
0x637: {  	v26 =	vld.idx.msk [tilespmem:v26+s21+$0x0], $0xffff;
	v30 =	vor.u32 v36, v63  }
0x638: {  	v22 =	vmul.f32 $8.000000000e+00, v22;
	v24 =	vor.u32 v36, v59  }
0x639: {  	v28 =	vmul.f32 $8.000000000e+00, v28;
	v31 =	vor.u32 v0, v3  }
0x63a: {  	v29 =	vmul.f32 $8.000000000e+00, v29;
	[tilespmem:v20+s7+$0x0] =	vst.idx.msk $0xffff, v22  }
0x63b: {  	v32 =	vmul.f32 $8.000000000e+00, v32;
	[tilespmem:v47+s7+$0x0] =	vst.idx.msk $0xffff, v28;
	v21 =	vor.u32 v38, v6  }
0x63c: {  	v20 =	vmul.f32 $8.000000000e+00, v26;
	v23 =	vor.u32 v37, v8;
	[tilespmem:v30+s7+$0x0] =	vst.idx.msk $0xffff, v29  }
0x63d: {  	v34 =	vld.idx.msk [tilespmem:v34+s21+$0x0], $0xffff;
	v25 =	vor.u32 v37, v10;
	v29 =	vor.u32 v36, v45;
	[tilespmem:v24+s7+$0x0] =	vst.idx.msk $0xffff, v32  }
0x63e: {  	v27 =	vor.u32 v38, v4;
	v24 =	vor.u32 v36, v46;
	v36 =	vld [tilespmem:$0x1FCA0];
	[tilespmem:v31+s7+$0x0] =	vst.idx.msk $0xffff, v20  }
0x63f: {  	v47 =	vld [tilespmem:$0x1FCB0]  }
0x640: {  	v18 =	vmul.f32 $8.000000000e+00, v18;
	v21 =	vld.idx.msk [tilespmem:v21+s21+$0x0], $0xffff;
	v30 =	vor.u32 v37, v42  }
0x641: {  	v23 =	vld.idx.msk [tilespmem:v23+s21+$0x0], $0xffff  }
0x642: {  	v22 =	vor.u32 v37, v44;
	v25 =	vld.idx.msk [tilespmem:v25+s21+$0x0], $0xffff;
	[tilespmem:v29+s7+$0x0] =	vst.idx.msk $0xffff, v18;
	v29 =	vor.u32 v0, v61  }
0x643: {  	v58 =	vor.u32 v38, v5;
	v26 =	vld.idx.msk [tilespmem:v27+s21+$0x0], $0xffff;
	v20 =	vmul.f32 $8.000000000e+00, v34;
	v27 =	vor.u32 v36, v63  }
0x644: {  	v31 =	vor.u32 v36, v59;
	v28 =	vor.u32 v47, v8  }
0x645: {  	[tilespmem:v24+s7+$0x0] =	vst.idx.msk $0xffff, v20;
	v21 =	vmul.f32 $8.000000000e+00, v21;
	v20 =	vld.idx.msk [tilespmem:v30+s21+$0x0], $0xffff  }
0x646: {  	v23 =	vmul.f32 $8.000000000e+00, v23;
	v35 =	vld [tilespmem:$0x1FD40]  }
0x647: {  	v24 =	vor.u32 v0, v2;
	v22 =	vld.idx.msk [tilespmem:v22+s21+$0x0], $0xffff;
	v25 =	vmul.f32 $8.000000000e+00, v25;
	[tilespmem:v29+s7+$0x0] =	vst.idx.msk $0xffff, v21  }
0x648: {  	v58 =	vld.idx.msk [tilespmem:v58+s21+$0x0], $0xffff;
	[tilespmem:v27+s7+$0x0] =	vst.idx.msk $0xffff, v23;
	v23 =	vor.u32 v36, v45  }
0x649: {  	v18 =	vor.u32 v47, v10;
	[tilespmem:v31+s7+$0x0] =	vst.idx.msk $0xffff, v25;
	v27 =	vld.idx.msk [tilespmem:v28+s21+$0x0], $0xffff;
	v28 =	vor.u32 v36, v46  }
0x64a: {  	v26 =	vmul.f32 $8.000000000e+00, v26;
	v37 =	vor.u32 v47, v42;
	v31 =	vor.u32 v47, v44;
	v47 =	vld [tilespmem:$0x1FCC0]  }
0x64b: {  	v30 =	vor.u32 v35, v6;
	v20 =	vmul.f32 $8.000000000e+00, v20  }
0x64c: {  	v22 =	vmul.f32 $8.000000000e+00, v22;
	[tilespmem:v24+s7+$0x0] =	vst.idx.msk $0xffff, v26  }
0x64d: {  	v19 =	vld.idx.msk [tilespmem:v19+s21+$0x0], $0xffff;
	[tilespmem:v23+s7+$0x0] =	vst.idx.msk $0xffff, v20  }
0x64e: {  	v25 =	vor.u32 v0, v1;
	v18 =	vld.idx.msk [tilespmem:v18+s21+$0x0], $0xffff;
	[tilespmem:v28+s7+$0x0] =	vst.idx.msk $0xffff, v22  }
0x64f: {  	v20 =	vmul.f32 $8.000000000e+00, v58;
	v29 =	vor.u32 v47, v63;
	v58 =	vld [tilespmem:$0x1FEB0]  }
0x650: {  	v24 =	vor.u32 v51, v8;
	v23 =	vld.idx.msk [tilespmem:v30+s21+$0x0], $0xffff;
	v26 =	vor.u32 v47, v59  }
0x651: {  	v30 =	vor.u32 v51, v10;
	v28 =	vld.idx.msk [tilespmem:v37+s21+$0x0], $0xffff  }
0x652: {  	v27 =	vmul.f32 $8.000000000e+00, v27  }
0x653: {  	v18 =	vmul.f32 $8.000000000e+00, v18;
	[tilespmem:v25+s7+$0x0] =	vst.idx.msk $0xffff, v20;
	v20 =	vld.idx.msk [tilespmem:v31+s21+$0x0], $0xffff;
	v25 =	vor.u32 v47, v45  }
0x654: {  	[tilespmem:v29+s7+$0x0] =	vst.idx.msk $0xffff, v27;
	v36 =	vor.u32 v58, v3  }
0x655: {  	v21 =	vor.u32 v35, v4;
	v27 =	vor.u32 v47, v46;
	[tilespmem:v26+s7+$0x0] =	vst.idx.msk $0xffff, v18;
	v24 =	vld.idx.msk [tilespmem:v24+s21+$0x0], $0xffff  }
0x656: {  	v18 =	vmul.f32 $8.000000000e+00, v19;
	v30 =	vld.idx.msk [tilespmem:v30+s21+$0x0], $0xffff;
	v28 =	vmul.f32 $8.000000000e+00, v28;
	v19 =	vor.u32 v58, v61  }
0x657: {  	v22 =	vor.u32 v35, v5;
	v31 =	vor.u32 v12, v63  }
0x658: {  	v37 =	vor.u32 v12, v59;
	v29 =	vor.u32 v51, v42;
	v20 =	vmul.f32 $8.000000000e+00, v20;
	[tilespmem:v25+s7+$0x0] =	vst.idx.msk $0xffff, v28  }
0x659: {  	v23 =	vmul.f32 $8.000000000e+00, v23;
	[tilespmem:v36+s7+$0x0] =	vst.idx.msk $0xffff, v18  }
0x65a: {  	v26 =	vor.u32 v51, v44;
	v24 =	vmul.f32 $8.000000000e+00, v24;
	v47 =	vld [tilespmem:$0x1FF70];
	[tilespmem:v27+s7+$0x0] =	vst.idx.msk $0xffff, v20  }
0x65b: {  	v21 =	vld.idx.msk [tilespmem:v21+s21+$0x0], $0xffff;
	[tilespmem:v19+s7+$0x0] =	vst.idx.msk $0xffff, v23;
	v23 =	vmul.f32 $8.000000000e+00, v30  }
0x65c: {  	v22 =	vld.idx.msk [tilespmem:v22+s21+$0x0], $0xffff;
	[tilespmem:v31+s7+$0x0] =	vst.idx.msk $0xffff, v24  }
0x65d: {  	v20 =	vld.idx.msk [tilespmem:v29+s21+$0x0], $0xffff;
	[tilespmem:v37+s7+$0x0] =	vst.idx.msk $0xffff, v23  }
0x65e: {  	v18 =	vor.u32 v58, v2;
	v34 =	vld [tilespmem:$0x1FEE0]  }
0x65f: {  	v28 =	vor.u32 v40, v8;
	v29 =	vor.u32 v58, v1;
	v19 =	vld.idx.msk [tilespmem:v26+s21+$0x0], $0xffff  }
0x660: {  	v27 =	vor.u32 v40, v10;
	v24 =	vor.u32 v12, v45  }
0x661: {  	v21 =	vmul.f32 $8.000000000e+00, v21;
	v17 =	vld.idx.msk [tilespmem:v17+s21+$0x0], $0xffff;
	v30 =	vor.u32 v12, v46;
	v31 =	vor.u32 v40, v42  }
0x662: {  	v22 =	vmul.f32 $8.000000000e+00, v22;
	v25 =	vor.u32 v47, v6  }
0x663: {  	v36 =	vor.u32 v40, v44;
	[tilespmem:v18+s7+$0x0] =	vst.idx.msk $0xffff, v21;
	v20 =	vmul.f32 $8.000000000e+00, v20;
	v23 =	vor.u32 v34, v3  }
0x664: {  	v28 =	vld.idx.msk [tilespmem:v28+s21+$0x0], $0xffff;
	[tilespmem:v29+s7+$0x0] =	vst.idx.msk $0xffff, v22;
	v19 =	vmul.f32 $8.000000000e+00, v19  }
0x665: {  	v26 =	vor.u32 v47, v4;
	v18 =	vor.u32 v47, v5;
	v21 =	vld.idx.msk [tilespmem:v27+s21+$0x0], $0xffff;
	[tilespmem:v24+s7+$0x0] =	vst.idx.msk $0xffff, v20  }
0x666: {  	v22 =	vor.u32 v9, v63;
	v17 =	vmul.f32 $8.000000000e+00, v17;
	[tilespmem:v30+s7+$0x0] =	vst.idx.msk $0xffff, v19;
	v19 =	vld.idx.msk [tilespmem:v31+s21+$0x0], $0xffff  }
0x667: {  	v27 =	vor.u32 v41, v8;
	v20 =	vor.u32 v9, v59;
	v25 =	vld.idx.msk [tilespmem:v25+s21+$0x0], $0xffff  }
0x668: {  	v31 =	vld.idx.msk [tilespmem:v36+s21+$0x0], $0xffff;
	[tilespmem:v23+s7+$0x0] =	vst.idx.msk $0xffff, v17  }
0x669: {  	v28 =	vmul.f32 $8.000000000e+00, v28;
	v24 =	vor.u32 v41, v10;
	v29 =	vor.u32 v34, v61;
	v36 =	vld [tilespmem:$0x1FF60]  }
0x66a: {  	v26 =	vld.idx.msk [tilespmem:v26+s21+$0x0], $0xffff;
	v21 =	vmul.f32 $8.000000000e+00, v21;
	v23 =	vor.u32 v9, v45  }
0x66b: {  	v30 =	vor.u32 v34, v2;
	v18 =	vld.idx.msk [tilespmem:v18+s21+$0x0], $0xffff;
	[tilespmem:v22+s7+$0x0] =	vst.idx.msk $0xffff, v28;
	v22 =	vor.u32 v9, v46  }
0x66c: {  	v28 =	vor.u32 v41, v42;
	[tilespmem:v20+s7+$0x0] =	vst.idx.msk $0xffff, v21;
	v25 =	vmul.f32 $8.000000000e+00, v25;
	v27 =	vld.idx.msk [tilespmem:v27+s21+$0x0], $0xffff  }
0x66d: {  	v37 =	vor.u32 v41, v44;
	v19 =	vmul.f32 $8.000000000e+00, v19;
	v41 =	vld [tilespmem:$0x1FED0]  }
0x66e: {  	v24 =	vld.idx.msk [tilespmem:v24+s21+$0x0], $0xffff;
	[tilespmem:v29+s7+$0x0] =	vst.idx.msk $0xffff, v25;
	v29 =	vmul.f32 $8.000000000e+00, v31;
	v17 =	vor.u32 v36, v6  }
0x66f: {  	v25 =	vmul.f32 $8.000000000e+00, v26;
	v26 =	vor.u32 v7, v63;
	[tilespmem:v23+s7+$0x0] =	vst.idx.msk $0xffff, v19;
	v21 =	vor.u32 v36, v4  }
0x670: {  	v16 =	vld.idx.msk [tilespmem:v16+s21+$0x0], $0xffff;
	v19 =	vor.u32 v38, v8;
	v23 =	vor.u32 v7, v59;
	[tilespmem:v22+s7+$0x0] =	vst.idx.msk $0xffff, v29  }
0x671: {  	v22 =	vor.u32 v34, v1;
	v28 =	vld.idx.msk [tilespmem:v28+s21+$0x0], $0xffff;
	v29 =	vor.u32 v38, v10;
	[tilespmem:v30+s7+$0x0] =	vst.idx.msk $0xffff, v25  }
0x672: {  	v25 =	vor.u32 v36, v5;
	v20 =	vor.u32 v41, v3;
	v27 =	vmul.f32 $8.000000000e+00, v27;
	v30 =	vld.idx.msk [tilespmem:v37+s21+$0x0], $0xffff  }
0x673: {  	v31 =	vor.u32 v7, v45;
	v24 =	vmul.f32 $8.000000000e+00, v24;
	v17 =	vld.idx.msk [tilespmem:v17+s21+$0x0], $0xffff  }
0x674: {  	v18 =	vmul.f32 $8.000000000e+00, v18;
	[tilespmem:v26+s7+$0x0] =	vst.idx.msk $0xffff, v27;
	v26 =	vor.u32 v7, v46;
	v21 =	vld.idx.msk [tilespmem:v21+s21+$0x0], $0xffff  }
0x675: {  	v16 =	vmul.f32 $8.000000000e+00, v16;
	[tilespmem:v23+s7+$0x0] =	vst.idx.msk $0xffff, v24;
	v23 =	vor.u32 v41, v61;
	v19 =	vld.idx.msk [tilespmem:v19+s21+$0x0], $0xffff  }
0x676: {  	[tilespmem:v22+s7+$0x0] =	vst.idx.msk $0xffff, v18;
	v18 =	vor.u32 v41, v2;
	v22 =	vmul.f32 $8.000000000e+00, v28;
	v28 =	vld.idx.msk [tilespmem:v29+s21+$0x0], $0xffff  }
0x677: {  	[tilespmem:v20+s7+$0x0] =	vst.idx.msk $0xffff, v16;
	v16 =	vld.idx.msk [tilespmem:v25+s21+$0x0], $0xffff;
	v20 =	vor.u32 v0, v63;
	v25 =	vmul.f32 $8.000000000e+00, v30  }
0x678: {  	v29 =	vor.u32 v0, v59;
	[tilespmem:v31+s7+$0x0] =	vst.idx.msk $0xffff, v22;
	v17 =	vmul.f32 $8.000000000e+00, v17  }
0x679: {  	[tilespmem:v26+s7+$0x0] =	vst.idx.msk $0xffff, v25;
	v21 =	vmul.f32 $8.000000000e+00, v21  }
0x67a: {  	v27 =	vor.u32 v38, v42;
	v19 =	vmul.f32 $8.000000000e+00, v19;
	[tilespmem:v23+s7+$0x0] =	vst.idx.msk $0xffff, v17  }
0x67b: {  	v24 =	vor.u32 v38, v44;
	v33 =	vld [tilespmem:$0x1FF80];
	[tilespmem:v18+s7+$0x0] =	vst.idx.msk $0xffff, v21;
	v21 =	vmul.f32 $8.000000000e+00, v28  }
0x67c: {  	[tilespmem:v20+s7+$0x0] =	vst.idx.msk $0xffff, v19  }
0x67d: {  	v22 =	vor.u32 v35, v8;
	[tilespmem:v29+s7+$0x0] =	vst.idx.msk $0xffff, v21  }
0x67e: {  	v37 =	vld [tilespmem:$0x1FEC0]  }
0x67f: {  	v25 =	vld.idx.msk [tilespmem:v27+s21+$0x0], $0xffff;
	v26 =	vor.u32 v35, v10;
	v17 =	vor.u32 v41, v1  }
0x680: {  	v23 =	vld.idx.msk [tilespmem:v24+s21+$0x0], $0xffff;
	v24 =	vor.u32 v33, v6  }
0x681: {  	v15 =	vld.idx.msk [tilespmem:v15+s21+$0x0], $0xffff;
	v18 =	vor.u32 v0, v45;
	v27 =	vor.u32 v33, v4  }
0x682: {  	v16 =	vmul.f32 $8.000000000e+00, v16;
	v19 =	vor.u32 v0, v46;
	v20 =	vld.idx.msk [tilespmem:v22+s21+$0x0], $0xffff;
	v22 =	vor.u32 v35, v42  }
0x683: {  	v28 =	vor.u32 v35, v44;
	v21 =	vor.u32 v37, v3  }
0x684: {  	v25 =	vmul.f32 $8.000000000e+00, v25;
	v26 =	vld.idx.msk [tilespmem:v26+s21+$0x0], $0xffff;
	[tilespmem:v17+s7+$0x0] =	vst.idx.msk $0xffff, v16;
	v17 =	vor.u32 v58, v63  }
0x685: {  	v23 =	vmul.f32 $8.000000000e+00, v23;
	v24 =	vld.idx.msk [tilespmem:v24+s21+$0x0], $0xffff  }
0x686: {  	v15 =	vmul.f32 $8.000000000e+00, v15;
	[tilespmem:v18+s7+$0x0] =	vst.idx.msk $0xffff, v25;
	v18 =	vor.u32 v58, v59;
	v25 =	vld.idx.msk [tilespmem:v27+s21+$0x0], $0xffff  }
0x687: {  	[tilespmem:v19+s7+$0x0] =	vst.idx.msk $0xffff, v23;
	v22 =	vld.idx.msk [tilespmem:v22+s21+$0x0], $0xffff;
	v20 =	vmul.f32 $8.000000000e+00, v20;
	v19 =	vor.u32 v37, v61  }
0x688: {  	v40 =	vor.u32 v37, v2;
	[tilespmem:v21+s7+$0x0] =	vst.idx.msk $0xffff, v15;
	v21 =	vld.idx.msk [tilespmem:v28+s21+$0x0], $0xffff  }
0x689: {  	v16 =	vor.u32 v33, v5;
	v26 =	vmul.f32 $8.000000000e+00, v26;
	[tilespmem:v17+s7+$0x0] =	vst.idx.msk $0xffff, v20;
	v17 =	vor.u32 v58, v45  }
0x68a: {  	v27 =	vor.u32 v47, v8;
	v20 =	vmul.f32 $8.000000000e+00, v24;
	v24 =	vor.u32 v58, v46  }
0x68b: {  	[tilespmem:v18+s7+$0x0] =	vst.idx.msk $0xffff, v26;
	v25 =	vmul.f32 $8.000000000e+00, v25  }
0x68c: {  	v23 =	vor.u32 v47, v10;
	v31 =	vld [tilespmem:$0x1FF90];
	[tilespmem:v19+s7+$0x0] =	vst.idx.msk $0xffff, v20;
	v20 =	vmul.f32 $8.000000000e+00, v22  }
0x68d: {  	[tilespmem:v40+s7+$0x0] =	vst.idx.msk $0xffff, v25;
	v21 =	vmul.f32 $8.000000000e+00, v21  }
0x68e: {  	v16 =	vld.idx.msk [tilespmem:v16+s21+$0x0], $0xffff;
	[tilespmem:v17+s7+$0x0] =	vst.idx.msk $0xffff, v20  }
0x68f: {  	v28 =	vor.u32 v47, v42;
	v27 =	vld.idx.msk [tilespmem:v27+s21+$0x0], $0xffff;
	[tilespmem:v24+s7+$0x0] =	vst.idx.msk $0xffff, v21  }
0x690: {  	v35 =	vld [tilespmem:$0x1FF00]  }
0x691: {  	v26 =	vor.u32 v37, v1;
	v19 =	vor.u32 v47, v44;
	v22 =	vld.idx.msk [tilespmem:v23+s21+$0x0], $0xffff  }
0x692: {  	v0 =	vor.u32 v34, v63;
	v18 =	vor.u32 v31, v6  }
0x693: {  	v14 =	vld.idx.msk [tilespmem:v14+s21+$0x0], $0xffff;
	v25 =	vor.u32 v36, v8;
	v17 =	vor.u32 v34, v59  }
0x694: {  	v16 =	vmul.f32 $8.000000000e+00, v16;
	v20 =	vld.idx.msk [tilespmem:v28+s21+$0x0], $0xffff;
	v21 =	vor.u32 v36, v10  }
0x695: {  	v27 =	vmul.f32 $8.000000000e+00, v27;
	v24 =	vor.u32 v35, v3  }
0x696: {  	[tilespmem:v26+s7+$0x0] =	vst.idx.msk $0xffff, v16;
	v16 =	vld.idx.msk [tilespmem:v19+s21+$0x0], $0xffff;
	v19 =	vor.u32 v34, v45;
	v22 =	vmul.f32 $8.000000000e+00, v22  }
0x697: {  	[tilespmem:v0+s7+$0x0] =	vst.idx.msk $0xffff, v27;
	v18 =	vld.idx.msk [tilespmem:v18+s21+$0x0], $0xffff  }
0x698: {  	v14 =	vmul.f32 $8.000000000e+00, v14;
	v26 =	vor.u32 v34, v46;
	v25 =	vld.idx.msk [tilespmem:v25+s21+$0x0], $0xffff;
	[tilespmem:v17+s7+$0x0] =	vst.idx.msk $0xffff, v22  }
0x699: {  	v23 =	vor.u32 v31, v4;
	v20 =	vmul.f32 $8.000000000e+00, v20;
	v21 =	vld.idx.msk [tilespmem:v21+s21+$0x0], $0xffff;
	v17 =	vor.u32 v35, v61  }
0x69a: {  	v40 =	vor.u32 v41, v63;
	v28 =	vor.u32 v31, v5;
	[tilespmem:v24+s7+$0x0] =	vst.idx.msk $0xffff, v14  }
0x69b: {  	v38 =	vor.u32 v36, v42;
	v16 =	vmul.f32 $8.000000000e+00, v16;
	v32 =	vld [tilespmem:$0x1FF10];
	[tilespmem:v19+s7+$0x0] =	vst.idx.msk $0xffff, v20;
	v19 =	vor.u32 v41, v59  }
0x69c: {  	v18 =	vmul.f32 $8.000000000e+00, v18  }
0x69d: {  	v22 =	vor.u32 v36, v44;
	v25 =	vmul.f32 $8.000000000e+00, v25;
	[tilespmem:v26+s7+$0x0] =	vst.idx.msk $0xffff, v16  }
0x69e: {  	v23 =	vld.idx.msk [tilespmem:v23+s21+$0x0], $0xffff;
	v21 =	vmul.f32 $8.000000000e+00, v21;
	[tilespmem:v17+s7+$0x0] =	vst.idx.msk $0xffff, v18  }
0x69f: {  	v27 =	vld.idx.msk [tilespmem:v28+s21+$0x0], $0xffff;
	[tilespmem:v40+s7+$0x0] =	vst.idx.msk $0xffff, v25  }
0x6a0: {  	v28 =	vor.u32 v33, v8;
	v15 =	vld.idx.msk [tilespmem:v38+s21+$0x0], $0xffff;
	[tilespmem:v19+s7+$0x0] =	vst.idx.msk $0xffff, v21  }
0x6a1: {  	v20 =	vor.u32 v35, v2;
	v30 =	vld [tilespmem:$0x1FD50]  }
0x6a2: {  	v26 =	vor.u32 v33, v10;
	v18 =	vor.u32 v41, v45;
	v17 =	vld.idx.msk [tilespmem:v22+s21+$0x0], $0xffff  }
0x6a3: {  	v58 =	vor.u32 v33, v42;
	v22 =	vor.u32 v35, v1  }
0x6a4: {  	v23 =	vmul.f32 $8.000000000e+00, v23;
	v13 =	vld.idx.msk [tilespmem:v13+s21+$0x0], $0xffff;
	v25 =	vor.u32 v41, v46;
	v24 =	vor.u32 v32, v6  }
0x6a5: {  	v21 =	vld.idx.msk [tilespmem:v28+s21+$0x0], $0xffff;
	v28 =	vor.u32 v33, v44;
	v15 =	vmul.f32 $8.000000000e+00, v15  }
0x6a6: {  	v16 =	vor.u32 v32, v4;
	[tilespmem:v20+s7+$0x0] =	vst.idx.msk $0xffff, v23;
	v23 =	vmul.f32 $8.000000000e+00, v27;
	v19 =	vor.u32 v30, v3  }
0x6a7: {  	v26 =	vld.idx.msk [tilespmem:v26+s21+$0x0], $0xffff;
	v27 =	vor.u32 v37, v63;
	v17 =	vmul.f32 $8.000000000e+00, v17;
	[tilespmem:v18+s7+$0x0] =	vst.idx.msk $0xffff, v15  }
0x6a8: {  	v0 =	vor.u32 v37, v59;
	[tilespmem:v22+s7+$0x0] =	vst.idx.msk $0xffff, v23;
	v14 =	vld.idx.msk [tilespmem:v58+s21+$0x0], $0xffff  }
0x6a9: {  	v13 =	vmul.f32 $8.000000000e+00, v13;
	v20 =	vor.u32 v32, v5;
	[tilespmem:v25+s7+$0x0] =	vst.idx.msk $0xffff, v17;
	v24 =	vld.idx.msk [tilespmem:v24+s21+$0x0], $0xffff  }
0x6aa: {  	v22 =	vor.u32 v31, v8;
	v23 =	vor.u32 v37, v45;
	v17 =	vmul.f32 $8.000000000e+00, v21;
	v21 =	vld.idx.msk [tilespmem:v28+s21+$0x0], $0xffff  }
0x6ab: {  	v25 =	vor.u32 v31, v10;
	v16 =	vld.idx.msk [tilespmem:v16+s21+$0x0], $0xffff;
	v18 =	vor.u32 v30, v61;
	[tilespmem:v19+s7+$0x0] =	vst.idx.msk $0xffff, v13  }
0x6ac: {  	v26 =	vmul.f32 $8.000000000e+00, v26;
	v19 =	vor.u32 v31, v42;
	v29 =	vld [tilespmem:$0x1FF40];
	[tilespmem:v27+s7+$0x0] =	vst.idx.msk $0xffff, v17;
	v17 =	vor.u32 v37, v46  }
0x6ad: {  	v34 =	vor.u32 v30, v2;
	v14 =	vmul.f32 $8.000000000e+00, v14;
	v27 =	vor.u32 v31, v44  }
0x6ae: {  	v20 =	vld.idx.msk [tilespmem:v20+s21+$0x0], $0xffff;
	v24 =	vmul.f32 $8.000000000e+00, v24;
	[tilespmem:v0+s7+$0x0] =	vst.idx.msk $0xffff, v26  }
0x6af: {  	v21 =	vmul.f32 $8.000000000e+00, v21;
	[tilespmem:v23+s7+$0x0] =	vst.idx.msk $0xffff, v14;
	v22 =	vld.idx.msk [tilespmem:v22+s21+$0x0], $0xffff  }
0x6b0: {  	v16 =	vmul.f32 $8.000000000e+00, v16;
	[tilespmem:v18+s7+$0x0] =	vst.idx.msk $0xffff, v24;
	v23 =	vld.idx.msk [tilespmem:v25+s21+$0x0], $0xffff  }
0x6b1: {  	v38 =	vor.u32 v30, v1;
	v19 =	vld.idx.msk [tilespmem:v19+s21+$0x0], $0xffff;
	[tilespmem:v17+s7+$0x0] =	vst.idx.msk $0xffff, v21  }
0x6b2: {  	v18 =	vor.u32 v35, v63;
	[tilespmem:v34+s7+$0x0] =	vst.idx.msk $0xffff, v16;
	v41 =	vld.idx.msk [tilespmem:v27+s21+$0x0], $0xffff  }
0x6b3: {  	v28 =	vor.u32 v29, v6;
	v27 =	vld [tilespmem:$0x1FD60]  }
0x6b4: {  	v20 =	vmul.f32 $8.000000000e+00, v20;
	v26 =	vor.u32 v29, v4;
	v17 =	vor.u32 v35, v59  }
0x6b5: {  	v16 =	vor.u32 v35, v45;
	v21 =	vor.u32 v32, v10;
	v22 =	vmul.f32 $8.000000000e+00, v22  }
0x6b6: {  	v37 =	vld.idx.msk [tilespmem:v57+s21+$0x0], $0xffff;
	v24 =	vor.u32 v32, v8;
	[tilespmem:v38+s7+$0x0] =	vst.idx.msk $0xffff, v20  }
0x6b7: {  	v23 =	vmul.f32 $8.000000000e+00, v23;
	[tilespmem:v18+s7+$0x0] =	vst.idx.msk $0xffff, v22  }
0x6b8: {  	v19 =	vmul.f32 $8.000000000e+00, v19;
	v57 =	vld.idx.msk [tilespmem:v28+s21+$0x0], $0xffff;
	v28 =	vor.u32 v32, v42;
	v25 =	vor.u32 v27, v3  }
0x6b9: {  	v20 =	vor.u32 v35, v46;
	v58 =	vld.idx.msk [tilespmem:v26+s21+$0x0], $0xffff;
	[tilespmem:v17+s7+$0x0] =	vst.idx.msk $0xffff, v23  }
0x6ba: {  	v17 =	vor.u32 v27, v61;
	[tilespmem:v16+s7+$0x0] =	vst.idx.msk $0xffff, v19;
	v19 =	vld.idx.msk [tilespmem:v21+s21+$0x0], $0xffff  }
0x6bb: {  	v12 =	vmul.f32 $8.000000000e+00, v37;
	v22 =	vld.idx.msk [tilespmem:v24+s21+$0x0], $0xffff;
	v16 =	vor.u32 v27, v2  }
0x6bc: {  	v35 =	vor.u32 v30, v59;
	v13 =	vmul.f32 $8.000000000e+00, v41  }
0x6bd: {  	v34 =	vor.u32 v30, v63;
	v21 =	vld.idx.msk [tilespmem:v28+s21+$0x0], $0xffff;
	v24 =	vmul.f32 $8.000000000e+00, v57;
	[tilespmem:v25+s7+$0x0] =	vst.idx.msk $0xffff, v12  }
0x6be: {  	v15 =	vmul.f32 $8.000000000e+00, v58;
	v28 =	vld [tilespmem:$0x1FF50];
	[tilespmem:v20+s7+$0x0] =	vst.idx.msk $0xffff, v13  }
0x6bf: {  	v18 =	vor.u32 v32, v44;
	v19 =	vmul.f32 $8.000000000e+00, v19;
	[tilespmem:v17+s7+$0x0] =	vst.idx.msk $0xffff, v24  }
0x6c0: {  	v40 =	vor.u32 v29, v5;
	v17 =	vmul.f32 $8.000000000e+00, v22;
	[tilespmem:v16+s7+$0x0] =	vst.idx.msk $0xffff, v15  }
0x6c1: {  	[tilespmem:v35+s7+$0x0] =	vst.idx.msk $0xffff, v19  }
0x6c2: {  	v20 =	vor.u32 v29, v8;
	[tilespmem:v34+s7+$0x0] =	vst.idx.msk $0xffff, v17  }
0x6c3: {  	v57 =	vld [tilespmem:$0x1FD70];
	v23 =	vor.u32 v28, v6  }
0x6c4: {  	v22 =	vor.u32 v29, v10;
	v18 =	vld.idx.msk [tilespmem:v18+s21+$0x0], $0xffff  }
0x6c5: {  	v14 =	vld.idx.msk [tilespmem:v40+s21+$0x0], $0xffff;
	v25 =	vor.u32 v30, v45  }
0x6c6: {  	v37 =	vor.u32 v30, v46;
	v11 =	vld.idx.msk [tilespmem:v11+s21+$0x0], $0xffff;
	v16 =	vor.u32 v29, v42  }
0x6c7: {  	v17 =	vor.u32 v29, v44;
	v20 =	vld.idx.msk [tilespmem:v20+s21+$0x0], $0xffff  }
0x6c8: {  	v21 =	vmul.f32 $8.000000000e+00, v21;
	v40 =	vor.u32 v28, v4;
	v19 =	vld.idx.msk [tilespmem:v23+s21+$0x0], $0xffff;
	v23 =	vor.u32 v57, v3  }
0x6c9: {  	v38 =	vor.u32 v27, v1;
	v22 =	vld.idx.msk [tilespmem:v22+s21+$0x0], $0xffff;
	v18 =	vmul.f32 $8.000000000e+00, v18  }
0x6ca: {  	v41 =	vor.u32 v27, v63;
	[tilespmem:v25+s7+$0x0] =	vst.idx.msk $0xffff, v21  }
0x6cb: {  	v0 =	vor.u32 v27, v59;
	v11 =	vmul.f32 $8.000000000e+00, v11;
	v16 =	vld.idx.msk [tilespmem:v16+s21+$0x0], $0xffff;
	[tilespmem:v37+s7+$0x0] =	vst.idx.msk $0xffff, v18  }
0x6cc: {  	v14 =	vmul.f32 $8.000000000e+00, v14;
	v21 =	vor.u32 v28, v5;
	v24 =	vor.u32 v57, v61;
	v58 =	vld.idx.msk [tilespmem:v17+s21+$0x0], $0xffff  }
0x6cd: {  	v13 =	vld.idx.msk [tilespmem:v40+s21+$0x0], $0xffff;
	v17 =	vmul.f32 $8.000000000e+00, v19;
	v19 =	vor.u32 v27, v45;
	[tilespmem:v23+s7+$0x0] =	vst.idx.msk $0xffff, v11;
	v11 =	vmul.f32 $8.000000000e+00, v20  }
0x6ce: {  	[tilespmem:v38+s7+$0x0] =	vst.idx.msk $0xffff, v14;
	v22 =	vmul.f32 $8.000000000e+00, v22;
	v23 =	vor.u32 v27, v46  }
0x6cf: {  	[tilespmem:v41+s7+$0x0] =	vst.idx.msk $0xffff, v11;
	v11 =	vor.u32 v57, v2  }
0x6d0: {  	v16 =	vmul.f32 $8.000000000e+00, v16;
	[tilespmem:v0+s7+$0x0] =	vst.idx.msk $0xffff, v22  }
0x6d1: {  	v12 =	vmul.f32 $8.000000000e+00, v58;
	[tilespmem:v24+s7+$0x0] =	vst.idx.msk $0xffff, v17  }
0x6d2: {  	v37 =	vmul.f32 $8.000000000e+00, v13;
	v17 =	vld.idx.msk [tilespmem:v21+s21+$0x0], $0xffff;
	[tilespmem:v19+s7+$0x0] =	vst.idx.msk $0xffff, v16  }
0x6d3: {  	v18 =	vor.u32 v28, v8;
	v25 =	vld [tilespmem:$0x1FF30];
	[tilespmem:v23+s7+$0x0] =	vst.idx.msk $0xffff, v12  }
0x6d4: {  	v20 =	vor.u32 v28, v10;
	[tilespmem:v11+s7+$0x0] =	vst.idx.msk $0xffff, v37  }
0x6d5: {  	v35 =	vor.u32 v57, v1;
	v21 =	vor.u32 v28, v42;
	v41 =	vld [tilespmem:$0x1FBC0];
	_ =	sdelay $0x1  }
0x6d6: {  	v34 =	vor.u32 v28, v44  }
0x6d7: {  	v16 =	vld.idx.msk [tilespmem:v18+s21+$0x0], $0xffff;
	v17 =	vmul.f32 $8.000000000e+00, v17  }
0x6d8: {  	v38 =	vld.idx.msk [tilespmem:v20+s21+$0x0], $0xffff;
	v6 =	vor.u32 v25, v6  }
0x6d9: {  	v19 =	vld.idx.msk [tilespmem:v21+s21+$0x0], $0xffff;
	[tilespmem:v35+s7+$0x0] =	vst.idx.msk $0xffff, v17;
	v4 =	vor.u32 v25, v4  }
0x6da: {  	v18 =	vor.u32 v57, v63;
	v21 =	vld [tilespmem:$0x1FD80];
	v5 =	vor.u32 v25, v5  }
0x6db: {  	v40 =	vor.u32 v57, v59;
	v11 =	vld.idx.msk [tilespmem:v34+s21+$0x0], $0xffff  }
0x6dc: {  	v58 =	vor.u32 v57, v45;
	v8 =	vor.u32 v25, v8;
	v9 =	vld.idx.msk [tilespmem:v41+s21+$0x0], $0xffff  }
0x6dd: {  	v34 =	vmul.f32 $8.000000000e+00, v16;
	v16 =	vor.u32 v57, v46;
	v17 =	vor.u32 v25, v42;
	v6 =	vld.idx.msk [tilespmem:v6+s21+$0x0], $0xffff  }
0x6de: {  	v13 =	vmul.f32 $8.000000000e+00, v38;
	v10 =	vor.u32 v25, v10;
	v20 =	vor.u32 v25, v44;
	v4 =	vld.idx.msk [tilespmem:v4+s21+$0x0], $0xffff  }
0x6df: {  	[tilespmem:v18+s7+$0x0] =	vst.idx.msk $0xffff, v34;
	v38 =	vmul.f32 $8.000000000e+00, v19;
	v35 =	vor.u32 v21, v3;
	v5 =	vld.idx.msk [tilespmem:v5+s21+$0x0], $0xffff  }
0x6e0: {  	[tilespmem:v40+s7+$0x0] =	vst.idx.msk $0xffff, v13;
	v11 =	vmul.f32 $8.000000000e+00, v11;
	v37 =	vor.u32 v21, v61  }
0x6e1: {  	[tilespmem:v58+s7+$0x0] =	vst.idx.msk $0xffff, v38;
	v40 =	vor.u32 v21, v2;
	v8 =	vld.idx.msk [tilespmem:v8+s21+$0x0], $0xffff  }
0x6e2: {  	[tilespmem:v16+s7+$0x0] =	vst.idx.msk $0xffff, v11;
	v41 =	vor.u32 v21, v1;
	v11 =	vld.idx.msk [tilespmem:v17+s21+$0x0], $0xffff;
	v9 =	vmul.f32 $8.000000000e+00, v9  }
0x6e3: {  	v7 =	vor.u32 v21, v63;
	v10 =	vld.idx.msk [tilespmem:v10+s21+$0x0], $0xffff;
	v6 =	vmul.f32 $8.000000000e+00, v6  }
0x6e4: {  	v42 =	vmul.f32 $8.000000000e+00, v4;
	v4 =	vld.idx.msk [tilespmem:v20+s21+$0x0], $0xffff;
	v44 =	vmul.f32 $8.000000000e+00, v5;
	v5 =	vor.u32 v21, v45;
	[tilespmem:v35+s7+$0x0] =	vst.idx.msk $0xffff, v9  }
0x6e5: {  	v9 =	vor.u32 v21, v59;
	[tilespmem:v37+s7+$0x0] =	vst.idx.msk $0xffff, v6  }
0x6e6: {  	v58 =	vor.u32 v21, v46;
	v57 =	vmul.f32 $8.000000000e+00, v8;
	[tilespmem:v40+s7+$0x0] =	vst.idx.msk $0xffff, v42  }
0x6e7: {  	v61 =	vmul.f32 $8.000000000e+00, v11;
	[tilespmem:v41+s7+$0x0] =	vst.idx.msk $0xffff, v44  }
0x6e8: {  	s24 =	sshll.u32 s31, $0x12;
	v59 =	vmul.f32 $8.000000000e+00, v10;
	[tilespmem:v7+s7+$0x0] =	vst.idx.msk $0xffff, v57  }
0x6e9: {  	s8 =	sor.u32 s9, s24;
	v63 =	vmul.f32 $8.000000000e+00, v4;
	[tilespmem:v5+s7+$0x0] =	vst.idx.msk $0xffff, v61  }
0x6ea: {  	s8 =	sshrl.u32 s8, $0x3;
	[tilespmem:v9+s7+$0x0] =	vst.idx.msk $0xffff, v59  }
0x6eb: {  	s17 =	sadd.s32 s1, s8;
	[tilespmem:v58+s7+$0x0] =	vst.idx.msk $0xffff, v63  }
0x6ec: {  	[hbm4b:s17+s2] =	stream.linear.scatter [tilespmem:s7], [sflag:$0x4], $0x400, $0x38;
	[tilespmem:$0x8100] =	vst v63  }
0x6ed: {  	s24 =	simm.s32 $0x6500;
	s31 =	sadd.s32 s8, s10  }
0x6ee: {  	[hbm4b:s31+s2] =	stream.linear.scatter [tilespmem:s24], [sflag:$0x4], $0x400, $0x38;
	[tilespmem:$0x8100] =	vst v63  }
0x6ef: {  	v40 =	vld [tilespmem:$0x1FDB0];
	s24 =	sadd.s32 s8, s11;
	s31 =	simm.s32 $0x6900  }
0x6f0: {  	v59 =	vld [tilespmem:$0x1FDC0];
	[hbm4b:s24+s2] =	stream.linear.scatter [tilespmem:s31], [sflag:$0x4], $0x400, $0x38  }
0x6f1: {  	v22 =	vld [tilespmem:$0x1FE90];
	s24 =	sadd.s32 s8, s12;
	s31 =	simm.s32 $0x6D00  }
0x6f2: {  	v7 =	vld [tilespmem:$0x1FE70];
	[hbm4b:s24+s2] =	stream.linear.scatter [tilespmem:s31], [sflag:$0x4], $0x400, $0x38  }
0x6f3: {  	s30 =	sadd.s32 $0x1, s30;
	v8 =	vld [tilespmem:$0x1FFD0];
	s31 =	sadd.s32 s8, s13  }
0x6f4: {  	v26 =	vmov v29;
	v29 =	vld [tilespmem:$0x1FEF0];
	[hbm4b:s31+s2] =	stream.linear.scatter [tilespmem:s25], [sflag:$0x4], $0x400, $0x38  }
0x6f5: {  	p0 =	sne.s32 s30, $0x64;
	v34 =	vld [tilespmem:$0x1FF20];
	s24 =	sadd.s32 s8, s14  }
0x6f6: {  	v27 =	vld [tilespmem:$0x1FE40];
	[hbm4b:s24+s2] =	stream.linear.scatter [tilespmem:s26], [sflag:$0x4], $0x400, $0x38  }
.Ltmp5:
0x6f7: {  	v9 =	vmov v60;
	v60 =	vld [tilespmem:$0x1FDE0];
	(pc) =	sbr.rel @p0 .LBB2_2-.Ltmp5, $4  }
0x6f8: {  	v61 =	vld [tilespmem:$0x1FDF0];
	s31 =	sadd.s32 s8, s15  }
0x6f9: {  	v30 =	vld [tilespmem:$0x1FE00];
	[hbm4b:s31+s2] =	stream.linear.scatter [tilespmem:s28], [sflag:$0x4], $0x400, $0x38  }
0x6fa: {  	v20 =	vld [tilespmem:$0x1FE20];
	s8 =	sadd.s32 s8, s16  }
0x6fb: {  	v19 =	vld [tilespmem:$0x1FE30];
	[hbm4b:s8+s2] =	stream.linear.scatter [tilespmem:s29], [sflag:$0x4], $0x400, $0x38  }
0x6fc: {  	s8 =	simm.s32 $0x3  }
0x6fd: {  	_ =	swait.ge [sflag:s8], $0x400  }
0x6fe: {  	[sflag:s8] =	ssyncset.done $0x0  }
0x6ff: {  	[sflag:s8] =	ssyncadd.s32 $0xFFFFFC00  }
0x700: {  	_ =	swait.ge [sflag:s8], $0x400  }
0x701: {  	[sflag:s8] =	ssyncset.done $0x0  }
0x702: {  	[sflag:s8] =	ssyncadd.s32 $0xFFFFFC00  }
0x703: {  	_ =	swait.ge [sflag:s8], $0x400  }
0x704: {  	[sflag:s8] =	ssyncset.done $0x0  }
0x705: {  	[sflag:s8] =	ssyncadd.s32 $0xFFFFFC00  }
0x706: {  	_ =	swait.ge [sflag:s8], $0x400  }
0x707: {  	[sflag:s8] =	ssyncset.done $0x0  }
0x708: {  	[sflag:s8] =	ssyncadd.s32 $0xFFFFFC00  }
0x709: {  	_ =	swait.ge [sflag:s8], $0x400  }
0x70a: {  	[sflag:s8] =	ssyncset.done $0x0  }
0x70b: {  	[sflag:s8] =	ssyncadd.s32 $0xFFFFFC00  }
0x70c: {  	_ =	swait.ge [sflag:s8], $0x400  }
0x70d: {  	[sflag:s8] =	ssyncset.done $0x0  }
0x70e: {  	[sflag:s8] =	ssyncadd.s32 $0xFFFFFC00  }
0x70f: {  	_ =	swait.ge [sflag:s8], $0x400  }
0x710: {  	[sflag:s8] =	ssyncset.done $0x0  }
0x711: {  	[sflag:s8] =	ssyncadd.s32 $0xFFFFFC00  }
0x712: {  	_ =	swait.ge [sflag:s8], $0x400  }
0x713: {  	[sflag:s8] =	ssyncset.done $0x0  }
0x714: {  	[sflag:s8] =	ssyncadd.s32 $0xFFFFFC00  }
0x715: {  	_ =	swait.ge [sflag:s3], $0x400  }
0x716: {  	[sflag:s3] =	ssyncset.done $0x0  }
0x717: {  	[sflag:s3] =	ssyncadd.s32 $0xFFFFFC00  }
0x718: {  	_ =	swait.ge [sflag:s3], $0x400  }
0x719: {  	[sflag:s3] =	ssyncset.done $0x0  }
0x71a: {  	[sflag:s3] =	ssyncadd.s32 $0xFFFFFC00  }
0x71b: {  	_ =	swait.ge [sflag:s3], $0x400  }
0x71c: {  	[sflag:s3] =	ssyncset.done $0x0  }
0x71d: {  	[sflag:s3] =	ssyncadd.s32 $0xFFFFFC00  }
0x71e: {  	_ =	swait.ge [sflag:s3], $0x400  }
0x71f: {  	[sflag:s3] =	ssyncset.done $0x0  }
0x720: {  	[sflag:s3] =	ssyncadd.s32 $0xFFFFFC00  }
0x721: {  	_ =	swait.ge [sflag:s3], $0x400  }
0x722: {  	[sflag:s3] =	ssyncset.done $0x0  }
0x723: {  	[sflag:s3] =	ssyncadd.s32 $0xFFFFFC00  }
0x724: {  	_ =	swait.ge [sflag:s3], $0x400  }
0x725: {  	[sflag:s3] =	ssyncset.done $0x0  }
0x726: {  	[sflag:s3] =	ssyncadd.s32 $0xFFFFFC00  }
0x727: {  	_ =	swait.ge [sflag:s3], $0x400  }
0x728: {  	[sflag:s3] =	ssyncset.done $0x0  }
0x729: {  	[sflag:s3] =	ssyncadd.s32 $0xFFFFFC00  }
0x72a: {  	_ =	swait.ge [sflag:s3], $0x400  }
0x72b: {  	s17 =	rddreg [dreg:$0x6]  }
0x72c: {  	s31 =	rddreg [dreg:$0x5];
	s17 =	sadd.s32 $0x1, s17  }
0x72d: {  	p0 =	sne.s32 s17, s31  }
.Ltmp6:
0x72e: {  	_ = 	snop;
	(pc) =	sbr.rel @p0 .LBB2_1-.Ltmp6, $3  }
0x72f: {  	_ =	sdelay $0x1  }
0x730: {  	[sflag:s3] =	ssyncset.done $0x0  }
0x731: {  	v2 =	vmov v27;
	[sflag:s3] =	ssyncadd.s32 $0xFFFFFC00  }
0x732: {  	_ =	sfence.sel $0x180000  }
0x733: {  	[bflag:$0x0] =	sbarrier.arrive $0xFFFF  }
0x734: {  	_ =	strace $0x90000047  }
0x735: {  	s0 =	stileid.u32;
	[bflag:$0x2] =	sbarrier.arrive $0xFFFF  }
0x736: {  	p0 =	sne.s32 s0, $0x0;
	s0 =	rddreg [dreg:$0x2]  }
0x737: {  	s0 =	sadd.s32 @!p0 $0x100000, s0  }
0x738: {  	[sflag:s0] =	ssyncadd.tile.s32 @!p0 $0x1;
	_ =	shalt  }
.Lfunc_end2:
_tile_overlayer_lowered:
.L_overlay_start_2:
0x739: {  	(tag) =	ssettag $0x2  }
0x73a: {  	s0 =	rddreg [dreg:$0x0];
	s2 =	stileid.u32  }
0x73b: {  	s1 =	rddreg [dreg:$0x1];
	p0 =	sne.s32 s2, $0x0  }
0x73c: {  	s3 =	rddreg [dreg:$0x2];
	[bflag:$0x3] =	sbarrier.arrive $0xFFFF;
	s2 =	simm.s32 @!p0 $0x1C05  }
0x73d: {  	[timem:s3], [sflag:s2] =	dma.local @!p0 [hbm:s0], s1  }
0x73e: {  	s0 =	simm.s32 @!p0 $0x5  }
0x73f: {  	_ =	swait.ge @!p0 [sflag:s0], s1  }
0x740: {  	s1 =	ssub.s32 @!p0 $0x0, s1;
	[sflag:s0] =	ssyncset.done @!p0 $0x0  }
0x741: {  	[sflag:s0] =	ssyncadd.s32 @!p0 s1  }
0x742: {  	[bflag:$0x3] =	sbarrier.arrive $0xFFFF  }
0x743: {  	_ =	shalt  }

</sc_bundles>
